<compile_context>
chip_gen: v7x
topology: tpu7x:2x2x1
jax: 0.10.2.dev20260603
libtpu: 0.0.44.dev20260713+nightly
codegen_flags: <defaults>
</compile_context>

<pallas_src>
import functools

import jax
import jax.numpy as jnp
from jax import lax
from jax.experimental import pallas as pl
from jax.experimental.pallas import tpu as pltpu
from jax.experimental.pallas import tpu_sc as plsc

_NC = 2
_NS = 16
_NW = _NC * _NS



def _sc_embed_gather(embed, ids_pad, nc, chunk):
    V, D = embed.shape
    nc0, nc1 = nc
    cap0 = _NS * nc0 * chunk
    n_out = cap0 + _NS * nc1 * chunk
    mesh = plsc.VectorSubcoreMesh(core_axis_name="c", subcore_axis_name="s")

    @functools.partial(
        pl.kernel,
        out_type=jax.ShapeDtypeStruct((n_out, D), jnp.float32),
        mesh=mesh,
        scratch_types=[
            pltpu.VMEM((nc0, chunk), jnp.int32),
            pltpu.VMEM((chunk, D), jnp.float32),
            pltpu.SemaphoreType.DMA,
        ],
    )
    def k(emb_hbm, ids_hbm, out_hbm, idx_v, buf_v, sem):
        cid = lax.axis_index("c")
        sid = lax.axis_index("s")
        wid = cid * _NS + sid
        pltpu.sync_copy(ids_hbm.at[wid], idx_v)
        base = lax.select(cid == 0, wid * nc0 * chunk,
                          cap0 + sid * nc1 * chunk)

        def body(j, carry):
            pltpu.async_copy(emb_hbm.at[idx_v.at[j]], buf_v, sem).wait()
            pltpu.sync_copy(
                buf_v, out_hbm.at[pl.ds(base + j * chunk, chunk)])
            return carry

        lax.fori_loop(0, lax.select(cid == 0, nc0, nc1), body, 0)

    return k(embed, ids_pad)


_NBUF = 1
_DBITS = 14


def _sc_edge_aggregate(table, pidx, zeros_rows, np_rows, ch, ck):
    TN, D = table.shape
    ch0, ch1 = ch
    rpt = np_rows // _NS
    mesh = plsc.VectorSubcoreMesh(core_axis_name="c", subcore_axis_name="s")

    @functools.partial(
        pl.kernel,
        out_type=jax.ShapeDtypeStruct((_NC, np_rows, D), jnp.float32),
        mesh=mesh,
        scratch_types=[
            pltpu.VMEM((ch0, ck), jnp.int32),
            pltpu.VMEM((ck,), jnp.int32),
            pltpu.VMEM((ck,), jnp.int32),
            pltpu.VMEM((ck, D), jnp.float32),
            pltpu.VMEM_SHARED((np_rows, D), jnp.float32),
            pltpu.SemaphoreType.DMA,
            pltpu.SemaphoreType.DMA,
        ],
    )
    def k(tab, pi, zr, out, pi_v, cidx, didx, buf, acc, sg, ss):
        cid = lax.axis_index("c")
        sid = lax.axis_index("s")
        wid = cid * _NS + sid
        pltpu.sync_copy(pi.at[wid], pi_v)
        pltpu.sync_copy(zr, acc.at[pl.ds(sid * rpt, rpt)])
        plsc.subcore_barrier()

        def body(j, carry):
            for i in range(ck // 16):
                v = pi_v[j, pl.ds(i * 16, 16)]
                cidx[pl.ds(i * 16, 16)] = lax.shift_right_logical(v, _DBITS)
            pltpu.async_copy(tab.at[cidx], buf, sg)
            for i in range(ck // 16):
                v = pi_v[j, pl.ds(i * 16, 16)]
                didx[pl.ds(i * 16, 16)] = lax.bitwise_and(
                    v, (1 << _DBITS) - 1)
            pltpu.make_async_copy(tab.at[cidx], buf, sg).wait()
            pltpu.async_copy(buf, acc.at[didx], ss, add=True)
            pltpu.make_async_copy(buf, acc.at[didx], ss).wait()
            return carry

        trip = lax.select(cid == 0, ch0, ch1)
        lax.fori_loop(0, trip, body, 0)

        plsc.subcore_barrier()
        pltpu.sync_copy(acc.at[pl.ds(sid * rpt, rpt)],
                        out.at[cid, pl.ds(sid * rpt, rpt)])

    return k(table, pidx, zeros_rows)


def _tc_prep(h, w0, ee, n_rows, bn):
    D = w0.shape[0]
    grid = n_rows // bn

    def body(h_ref, w_ref, ee_ref, out_ref):
        m = jnp.dot(h_ref[...], w_ref[...], preferred_element_type=jnp.float32)
        rm = jnp.mean(ee_ref[...], axis=1)
        out_ref[...] = rm[:, None, None] * m[None, :, :]

    return pl.pallas_call(
        body,
        grid=(grid,),
        in_specs=[
            pl.BlockSpec((bn, D), lambda i: (i, 0)),
            pl.BlockSpec((D, D), lambda i: (0, 0)),
            pl.BlockSpec((7, D), lambda i: (0, 0)),
        ],
        out_specs=pl.BlockSpec((7, bn, D), lambda i: (0, i, 0)),
        out_shape=jax.ShapeDtypeStruct((7, n_rows, D), jnp.float32),
    )(h, w0, ee)


def _gru_math(p_ref, h_ref, wih_ref, whh_ref, bih_ref, bhh_ref):
    D = h_ref.shape[-1]
    agg = p_ref[0] + p_ref[1]
    h = h_ref[...]
    gi = lax.dot_general(agg, wih_ref[...],
                         (((1,), (1,)), ((), ()))) + bih_ref[...]
    gh = lax.dot_general(h, whh_ref[...],
                         (((1,), (1,)), ((), ()))) + bhh_ref[...]
    r = jax.nn.sigmoid(gi[:, :D] + gh[:, :D])
    z = jax.nn.sigmoid(gi[:, D:2 * D] + gh[:, D:2 * D])
    n = jnp.tanh(gi[:, 2 * D:] + r * gh[:, 2 * D:])
    return (1.0 - z) * n + z * h


def _tc_gru_mid(p, h, wih, whh, bih, bhh, wnext, ee, n_rows, bn):
    D = h.shape[-1]
    grid = n_rows // bn
    np_rows = p.shape[1]

    def body(p_ref, h_ref, wih_ref, whh_ref, bih_ref, bhh_ref, wn_ref, ee_ref,
             hout_ref, mout_ref):
        hn = _gru_math(p_ref, h_ref, wih_ref, whh_ref, bih_ref, bhh_ref)
        hout_ref[...] = hn
        m = jnp.dot(hn, wn_ref[...], preferred_element_type=jnp.float32)
        rm = jnp.mean(ee_ref[...], axis=1)
        mout_ref[...] = rm[:, None, None] * m[None, :, :]

    return pl.pallas_call(
        body,
        grid=(grid,),
        in_specs=[
            pl.BlockSpec((2, bn, D), lambda i: (0, i, 0)),
            pl.BlockSpec((bn, D), lambda i: (i, 0)),
            pl.BlockSpec((3 * D, D), lambda i: (0, 0)),
            pl.BlockSpec((3 * D, D), lambda i: (0, 0)),
            pl.BlockSpec((1, 3 * D), lambda i: (0, 0)),
            pl.BlockSpec((1, 3 * D), lambda i: (0, 0)),
            pl.BlockSpec((D, D), lambda i: (0, 0)),
            pl.BlockSpec((7, D), lambda i: (0, 0)),
        ],
        out_specs=[
            pl.BlockSpec((bn, D), lambda i: (i, 0)),
            pl.BlockSpec((7, bn, D), lambda i: (0, i, 0)),
        ],
        out_shape=[
            jax.ShapeDtypeStruct((n_rows, D), jnp.float32),
            jax.ShapeDtypeStruct((7, n_rows, D), jnp.float32),
        ],
    )(p, h, wih, whh, bih, bhh, wnext, ee)


def _tc_gru_last(p, h, wih, whh, bih, bhh, n_rows, bn):
    D = h.shape[-1]
    grid = n_rows // bn

    def body(p_ref, h_ref, wih_ref, whh_ref, bih_ref, bhh_ref, hout_ref):
        hout_ref[...] = _gru_math(p_ref, h_ref, wih_ref, whh_ref, bih_ref,
                                  bhh_ref)

    return pl.pallas_call(
        body,
        grid=(grid,),
        in_specs=[
            pl.BlockSpec((2, bn, D), lambda i: (0, i, 0)),
            pl.BlockSpec((bn, D), lambda i: (i, 0)),
            pl.BlockSpec((3 * D, D), lambda i: (0, 0)),
            pl.BlockSpec((3 * D, D), lambda i: (0, 0)),
            pl.BlockSpec((1, 3 * D), lambda i: (0, 0)),
            pl.BlockSpec((1, 3 * D), lambda i: (0, 0)),
        ],
        out_specs=pl.BlockSpec((bn, D), lambda i: (i, 0)),
        out_shape=jax.ShapeDtypeStruct((n_rows, D), jnp.float32),
    )(p, h, wih, whh, bih, bhh)


def _tc_pool(h, wg, bg, wout, bout):
    n_rows, D = h.shape
    ncls = wout.shape[0]

    def body(bg_ref, h_ref, wg_ref, wout_ref, bout_ref, out_ref):
        h = h_ref[...]
        g = jnp.sum(h * wg_ref[...], axis=1, keepdims=True)
        g = jax.nn.sigmoid(g + bg_ref[0, 0])
        e = jnp.exp(g)
        s = jnp.sum(e)
        num = jnp.sum(e * h, axis=0, keepdims=True)
        hg = num / s
        out_ref[...] = lax.dot_general(
            hg, wout_ref[...], (((1,), (1,)), ((), ()))) + bout_ref[...]

    return pl.pallas_call(
        body,
        grid=(1,),
        in_specs=[
            pl.BlockSpec(memory_space=pltpu.SMEM),
            pl.BlockSpec((n_rows, D), lambda i: (0, 0)),
            pl.BlockSpec((1, D), lambda i: (0, 0)),
            pl.BlockSpec((ncls, D), lambda i: (0, 0)),
            pl.BlockSpec((1, ncls), lambda i: (0, 0)),
        ],
        out_specs=pl.BlockSpec((1, ncls), lambda i: (0, 0)),
        out_shape=jax.ShapeDtypeStruct((1, ncls), jnp.float32),
    )(bg, h, wg, wout, bout)


def kernel(node_ids, edges, edge_types, embed, edge_embed, W, W_ih, W_hh,
           b_ih, b_hh, W_gate, b_gate, W_out, b_out):
    V, D = embed.shape
    N = node_ids.shape[0]
    E = edges.shape[1]
    L = W.shape[0]

    t = ((edge_types.astype(jnp.int32) - 1) % 7)
    src = edges[0].astype(jnp.int32)
    dst = edges[1].astype(jnp.int32)

    ck = 128
    f0 = 0.60
    e0 = int(E * f0)
    ch0 = -(-(-(-e0 // _NS)) // ck)
    cap0 = _NS * ch0 * ck
    e1 = E - cap0
    ch1 = -(-(-(-e1 // _NS)) // ck)
    cap1 = _NS * ch1 * ck
    pad = cap1 - e1
    assert ch1 <= ch0 and cap0 + e1 == E
    pidx_flat = ((t * N + src) << _DBITS) | dst
    p0 = pidx_flat[:cap0].reshape(_NS, ch0, ck)
    p1 = jnp.concatenate(
        [pidx_flat[cap0:], jnp.full((pad,), N, jnp.int32)]
    ).reshape(_NS, ch1, ck)
    p1 = jnp.concatenate(
        [p1, jnp.full((_NS, ch0 - ch1, ck), N, jnp.int32)], axis=1)
    pidx = jnp.concatenate([p0, p1], axis=0)

    np_rows = -(-(N + 1) // (_NS * 8)) * (_NS * 8)
    rpt = np_rows // _NS
    zeros_rows = jnp.zeros((rpt, D), jnp.float32)

    emb_chunk = 64
    g0 = int(N * f0)
    nc0 = -(-(-(-g0 // _NS)) // emb_chunk)
    gcap0 = _NS * nc0 * emb_chunk
    g1 = N - gcap0
    nc1 = -(-(-(-g1 // _NS)) // emb_chunk)
    gcap1 = _NS * nc1 * emb_chunk
    assert nc1 <= nc0 and gcap0 + g1 == N
    ids32 = node_ids.astype(jnp.int32)
    i0 = ids32[:gcap0].reshape(_NS, nc0, emb_chunk)
    i1 = jnp.concatenate(
        [ids32[gcap0:], jnp.zeros((gcap1 - g1,), jnp.int32)]
    ).reshape(_NS, nc1, emb_chunk)
    i1 = jnp.concatenate(
        [i1, jnp.zeros((_NS, nc0 - nc1, emb_chunk), jnp.int32)], axis=1)
    ids_pad = jnp.concatenate([i0, i1], axis=0)

    bih2 = b_ih.reshape(1, -1)
    bhh2 = b_hh.reshape(1, -1)
    bg2 = b_gate.reshape(1, 1)
    bout2 = b_out.reshape(1, -1)

    bn = 2000

    x_pad = _sc_embed_gather(embed, ids_pad, (nc0, nc1), emb_chunk)
    h = x_pad[:N]
    table = _tc_prep(h, W[0], edge_embed, N, bn).reshape(7 * N, D)
    for i in range(L):
        partials = _sc_edge_aggregate(table, pidx, zeros_rows,
                                      np_rows, (ch0, ch1), ck)
        if i + 1 < L:
            h, table = _tc_gru_mid(partials, h, W_ih, W_hh, bih2, bhh2,
                                   W[i + 1], edge_embed, N, bn)
            table = table.reshape(7 * N, D)
        else:
            h = _tc_gru_last(partials, h, W_ih, W_hh, bih2, bhh2, N, bn)
    return _tc_pool(h, W_gate, bg2, W_out, bout2)

# --- scband reference (transcript-rebuilt; emitter-appended) ---
"""Pipeline reference for scband-ggnn-22557168239479 (READ-ONLY COPY).

The authoritative reference and input builder live on the scoring server;
editing this copy changes nothing except your own understanding.
"""

import jax, jax.numpy as jnp
import numpy as np

VOCAB = 100000
D = 128
L = 4
N = 10000
E = 320000
NCLS = 104

def setup_inputs(seed: int = 0) -> dict:
    key = jax.random.key(seed)
    ks = jax.random.split(key, 14)
    node_ids = jax.random.randint(ks[0], (N,), 0, VOCAB)
    edges = jax.random.randint(ks[1], (2, E), 0, N)
    edge_types = jax.random.randint(ks[2], (E,), 1, 8)  # values in [1,7], matching edge_attr-1 indexing into a 7-row table
    embed = jax.random.normal(ks[3], (VOCAB, D), jnp.float32)
    edge_embed = jax.random.normal(ks[4], (7, D), jnp.float32)
    W = jax.random.normal(ks[5], (L, D, D), jnp.float32) * 0.05
    W_ih = jax.random.normal(ks[6], (3 * D, D), jnp.float32) * 0.05
    W_hh = jax.random.normal(ks[7], (3 * D, D), jnp.float32) * 0.05
    b_ih = jax.random.normal(ks[8], (3 * D,), jnp.float32) * 0.05
    b_hh = jax.random.normal(ks[9], (3 * D,), jnp.float32) * 0.05
    W_gate = jax.random.normal(ks[10], (1, D), jnp.float32) * 0.05
    b_gate = jnp.zeros((1,), jnp.float32)
    W_out = jax.random.normal(ks[11], (NCLS, D), jnp.float32) * 0.05
    b_out = jnp.zeros((NCLS,), jnp.float32)
    return {"node_ids": node_ids, "edges": edges, "edge_types": edge_types,
            "embed": embed, "edge_embed": edge_embed, "W": W,
            "W_ih": W_ih, "W_hh": W_hh, "b_ih": b_ih, "b_hh": b_hh,
            "W_gate": W_gate, "b_gate": b_gate, "W_out": W_out, "b_out": b_out}

def _gru_cell(m, h, W_ih, W_hh, b_ih, b_hh):
    gi = m @ W_ih.T + b_ih
    gh = h @ W_hh.T + b_hh
    i_r, i_z, i_n = jnp.split(gi, 3, axis=-1)
    h_r, h_z, h_n = jnp.split(gh, 3, axis=-1)
    r = jax.nn.sigmoid(i_r + h_r)
    z = jax.nn.sigmoid(i_z + h_z)
    n = jnp.tanh(i_n + r * h_n)
    return (1.0 - z) * n + z * h

def reference(node_ids, edges, edge_types, embed, edge_embed, W, W_ih, W_hh, b_ih, b_hh, W_gate, b_gate, W_out, b_out):
    # embedding lookups (SparseCore gather)
    x = jnp.take(embed, node_ids, axis=0)                      # [N, D]
    ew = jnp.take(edge_embed, (edge_types - 1) % 7, axis=0).mean(axis=1)  # [E]
    src = edges[0]
    dst = edges[1]
    h = x
    # GatedGraphConv (PyG semantics): per-layer linear, edge-weighted scatter-add, GRU update
    for i in range(L):
        m = h @ W[i]                                           # [N, D]
        msg = jnp.take(m, src, axis=0) * ew[:, None]           # [E, D] gather
        agg = jnp.zeros_like(h).at[dst].add(msg)               # [N, D] scatter-add
        h = _gru_cell(agg, h, W_ih, W_hh, b_ih, b_hh)
    # GlobalAttention pooling with single batch segment
    gate = jax.nn.sigmoid(h @ W_gate.T + b_gate)               # [N, 1]
    a = jax.nn.softmax(gate, axis=0)                           # softmax over nodes
    hg = jnp.sum(a * h, axis=0)                                # [D]
    out = hg @ W_out.T + b_out                                 # [104]
    return out[None, :]

if __name__ == "__main__":
    import jax
    _d = setup_inputs()
    print(jax.jit(kernel)(*tuple(_d.values())))

</pallas_src>

<mosaic_0001>
#map = affine_map<(d0, d1) -> (0, 0)>
#map1 = affine_map<(d0, d1) -> (0, 0, 0)>
module attributes {stable_mosaic.version = 14 : i64} {
  func.func @k(%arg0: i32, %arg1: i32, %arg2: memref<70000x128xf32, #tpu.memory_space<hbm>>, %arg3: memref<32x94x128xi32, #tpu.memory_space<hbm>>, %arg4: memref<632x128xf32, #tpu.memory_space<hbm>>, %arg5: memref<2x10112x128xf32, #tpu.memory_space<hbm>>, %arg6: memref<94x128xi32, #tpu.memory_space<vmem>>, %arg7: memref<128xi32, #tpu.memory_space<vmem>>, %arg8: memref<128xi32, #tpu.memory_space<vmem>>, %arg9: memref<128x128xf32, #tpu.memory_space<vmem>>, %arg10: memref<10112x128xf32, #tpu.memory_space<vmem_shared>>, %arg11: memref<!tpu.dma_semaphore, #tpu.memory_space<semaphore_mem>>, %arg12: memref<!tpu.dma_semaphore, #tpu.memory_space<semaphore_mem>>) attributes {dimension_semantics = [#tpu.dimension_semantics<core_parallel>, #tpu.dimension_semantics<subcore_parallel>], iteration_bounds = array<i64: 2, 16>, scalar_prefetch = 0 : i64, scratch_operands = 7 : i64, tpu.core_type = #tpu.core_type<sc_vector_subcore>, window_params = [{transform_indices = #map}, {transform_indices = #map1}, {transform_indices = #map}, {transform_indices = #map1}]} {
    %mul3A = arith.constant 16 : i32
    %mul3A_0 = arith.muli %arg0, %mul3A : i32
    %add3A = arith.addi %mul3A_0, %arg1 : i32
    "tpu.region"() ({
      %run_scoped3A = tpu.sem_alloc : memref<!tpu.dma_semaphore, #tpu.memory_space<semaphore_mem>>
      %dma_start3A = arith.constant 0 : i32
      %dma_start3A_20 = arith.constant 0 : i32
      %dma_start3A_21 = tpu.memref_slice %arg3[%add3A, %dma_start3A, %dma_start3A_20] : memref<32x94x128xi32, #tpu.memory_space<hbm>> -> memref<1x94x128xi32, #tpu.memory_space<hbm>>
      %dma_start3A_22 = tpu.memref_squeeze %dma_start3A_21 : memref<1x94x128xi32, #tpu.memory_space<hbm>> -> memref<94x128xi32, #tpu.memory_space<hbm>>
      %dma_start3A_23 = arith.constant 0 : i32
      %dma_start3A_24 = arith.constant 0 : i32
      %dma_start3A_25 = tpu.memref_slice %arg3[%add3A, %dma_start3A_23, %dma_start3A_24] : memref<32x94x128xi32, #tpu.memory_space<hbm>> -> memref<1x94x128xi32, #tpu.memory_space<hbm>>
      %dma_start3A_26 = tpu.memref_squeeze %dma_start3A_25 : memref<1x94x128xi32, #tpu.memory_space<hbm>> -> memref<94x128xi32, #tpu.memory_space<hbm>>
      tpu.enqueue_dma source(%dma_start3A_26 : memref<94x128xi32, #tpu.memory_space<hbm>>) target(%arg6 : memref<94x128xi32, #tpu.memory_space<vmem>>) target_semaphore(%run_scoped3A : memref<!tpu.dma_semaphore, #tpu.memory_space<semaphore_mem>>)
      %dma_wait3A = arith.constant 0 : i32
      %dma_wait3A_27 = arith.constant 0 : i32
      %dma_wait3A_28 = tpu.memref_slice %arg3[%add3A, %dma_wait3A, %dma_wait3A_27] : memref<32x94x128xi32, #tpu.memory_space<hbm>> -> memref<1x94x128xi32, #tpu.memory_space<hbm>>
      %dma_wait3A_29 = tpu.memref_squeeze %dma_wait3A_28 : memref<1x94x128xi32, #tpu.memory_space<hbm>> -> memref<94x128xi32, #tpu.memory_space<hbm>>
      %dma_wait3A_30 = arith.constant 0 : i32
      %dma_wait3A_31 = arith.constant 0 : i32
      %dma_wait3A_32 = tpu.memref_slice %arg3[%add3A, %dma_wait3A_30, %dma_wait3A_31] : memref<32x94x128xi32, #tpu.memory_space<hbm>> -> memref<1x94x128xi32, #tpu.memory_space<hbm>>
      %dma_wait3A_33 = tpu.memref_squeeze %dma_wait3A_32 : memref<1x94x128xi32, #tpu.memory_space<hbm>> -> memref<94x128xi32, #tpu.memory_space<hbm>>
      tpu.wait_dma2 semaphore(%run_scoped3A : memref<!tpu.dma_semaphore, #tpu.memory_space<semaphore_mem>>) src(%dma_wait3A_33 : memref<94x128xi32, #tpu.memory_space<hbm>>) dst(%arg6 : memref<94x128xi32, #tpu.memory_space<vmem>>)
      tpu.yield
    }) : () -> ()
    %mul3A_1 = arith.constant 632 : i32
    %mul3A_2 = arith.muli %arg1, %mul3A_1 : i32
    "tpu.region"() ({
      %run_scoped3A = tpu.sem_alloc : memref<!tpu.dma_semaphore, #tpu.memory_space<semaphore_mem>>
      %dma_start3A = arith.constant 0 : i32
      %dma_start3A_20 = tpu.memref_slice %arg10[%mul3A_2, %dma_start3A] : memref<10112x128xf32, #tpu.memory_space<vmem_shared>> -> memref<632x128xf32, #tpu.memory_space<vmem_shared>>
      tpu.enqueue_dma source(%arg4 : memref<632x128xf32, #tpu.memory_space<hbm>>) target(%dma_start3A_20 : memref<632x128xf32, #tpu.memory_space<vmem_shared>>) target_semaphore(%run_scoped3A : memref<!tpu.dma_semaphore, #tpu.memory_space<semaphore_mem>>)
      %dma_wait3A = arith.constant 0 : i32
      %dma_wait3A_21 = tpu.memref_slice %arg10[%mul3A_2, %dma_wait3A] : memref<10112x128xf32, #tpu.memory_space<vmem_shared>> -> memref<632x128xf32, #tpu.memory_space<vmem_shared>>
      tpu.wait_dma2 semaphore(%run_scoped3A : memref<!tpu.dma_semaphore, #tpu.memory_space<semaphore_mem>>) src(%arg4 : memref<632x128xf32, #tpu.memory_space<hbm>>) dst(%dma_wait3A_21 : memref<632x128xf32, #tpu.memory_space<vmem_shared>>)
      tpu.yield
    }) : () -> ()
    %barrier3A = arith.constant 0 : index
    tpu.barrier barrier_id(%barrier3A)
    %eq3A = arith.constant 0 : i32
    %eq3A_3 = arith.cmpi eq, %arg0, %eq3A : i32
    %select_n3A = arith.constant 63 : i32
    %select_n3A_4 = arith.constant 94 : i32
    %select_n3A_5 = arith.select %eq3A_3, %select_n3A_4, %select_n3A : i32
    %while3A = arith.constant 0 : i32
    %while3A_6 = arith.constant 0 : i32
    %while3A_7 = arith.subi %select_n3A_5, %while3A_6 : i32
    %while3A_8 = arith.addi %while3A_6, %while3A_7 : i32
    %while3A_9 = arith.constant 1 : i32
    %while3A_10 = arith.divsi %while3A_7, %while3A_9 : i32
    %while3A_11 = arith.muli %while3A_10, %while3A_9 : i32
    %while3A_12 = arith.addi %while3A_6, %while3A_11 : i32
    %while3A_13 = arith.constant 1 : i32
    scf.for %while3A_20 = %while3A_6 to %while3A_12 step %while3A_13  : i32 {
      %get3A = arith.index_cast %while3A_20 : i32 to index
      %get3A_21 = arith.constant 0 : index
      %get3A_22 = tpu.vector_load %arg6[%get3A, %get3A_21] {strides = array<i32>} : memref<94x128xi32, #tpu.memory_space<vmem>>, vector<1x16xi32>,
      %get3A_23 = vector.shape_cast %get3A_22 : vector<1x16xi32> to vector<16xi32>
      %shift_right_logical3A = arith.constant 14 : i32
      %shift_right_logical3A_24 = vector.broadcast %shift_right_logical3A : i32 to vector<16xi32>
      %shift_right_logical3A_25 = arith.shrui %get3A_23, %shift_right_logical3A_24 : vector<16xi32>
      %swap3A = arith.constant 0 : index
      %swap3A_26 = tpu.vector_load %arg7[%swap3A] {strides = array<i32>} : memref<128xi32, #tpu.memory_space<vmem>>, vector<16xi32>,
      %swap3A_27 = vector.shape_cast %swap3A_26 : vector<16xi32> to vector<16xi32>
      %swap3A_28 = vector.shape_cast %shift_right_logical3A_25 : vector<16xi32> to vector<16xi32>
      tpu.vector_store %arg7[%swap3A], %swap3A_28 {strides = array<i32>} : memref<128xi32, #tpu.memory_space<vmem>>, vector<16xi32>,
      %get3A_29 = arith.index_cast %while3A_20 : i32 to index
      %get3A_30 = arith.constant 16 : index
      %get3A_31 = tpu.vector_load %arg6[%get3A_29, %get3A_30] {strides = array<i32>} : memref<94x128xi32, #tpu.memory_space<vmem>>, vector<1x16xi32>,
      %get3A_32 = vector.shape_cast %get3A_31 : vector<1x16xi32> to vector<16xi32>
      %shift_right_logical3A_33 = arith.constant 14 : i32
      %shift_right_logical3A_34 = vector.broadcast %shift_right_logical3A_33 : i32 to vector<16xi32>
      %shift_right_logical3A_35 = arith.shrui %get3A_32, %shift_right_logical3A_34 : vector<16xi32>
      %swap3A_36 = arith.constant 16 : index
      %swap3A_37 = tpu.vector_load %arg7[%swap3A_36] {strides = array<i32>} : memref<128xi32, #tpu.memory_space<vmem>>, vector<16xi32>,
      %swap3A_38 = vector.shape_cast %swap3A_37 : vector<16xi32> to vector<16xi32>
      %swap3A_39 = vector.shape_cast %shift_right_logical3A_35 : vector<16xi32> to vector<16xi32>
      tpu.vector_store %arg7[%swap3A_36], %swap3A_39 {strides = array<i32>} : memref<128xi32, #tpu.memory_space<vmem>>, vector<16xi32>,
      %get3A_40 = arith.index_cast %while3A_20 : i32 to index
      %get3A_41 = arith.constant 32 : index
      %get3A_42 = tpu.vector_load %arg6[%get3A_40, %get3A_41] {strides = array<i32>} : memref<94x128xi32, #tpu.memory_space<vmem>>, vector<1x16xi32>,
      %get3A_43 = vector.shape_cast %get3A_42 : vector<1x16xi32> to vector<16xi32>
      %shift_right_logical3A_44 = arith.constant 14 : i32
      %shift_right_logical3A_45 = vector.broadcast %shift_right_logical3A_44 : i32 to vector<16xi32>
      %shift_right_logical3A_46 = arith.shrui %get3A_43, %shift_right_logical3A_45 : vector<16xi32>
      %swap3A_47 = arith.constant 32 : index
      %swap3A_48 = tpu.vector_load %arg7[%swap3A_47] {strides = array<i32>} : memref<128xi32, #tpu.memory_space<vmem>>, vector<16xi32>,
      %swap3A_49 = vector.shape_cast %swap3A_48 : vector<16xi32> to vector<16xi32>
      %swap3A_50 = vector.shape_cast %shift_right_logical3A_46 : vector<16xi32> to vector<16xi32>
      tpu.vector_store %arg7[%swap3A_47], %swap3A_50 {strides = array<i32>} : memref<128xi32, #tpu.memory_space<vmem>>, vector<16xi32>,
      %get3A_51 = arith.index_cast %while3A_20 : i32 to index
      %get3A_52 = arith.constant 48 : index
      %get3A_53 = tpu.vector_load %arg6[%get3A_51, %get3A_52] {strides = array<i32>} : memref<94x128xi32, #tpu.memory_space<vmem>>, vector<1x16xi32>,
      %get3A_54 = vector.shape_cast %get3A_53 : vector<1x16xi32> to vector<16xi32>
      %shift_right_logical3A_55 = arith.constant 14 : i32
      %shift_right_logical3A_56 = vector.broadcast %shift_right_logical3A_55 : i32 to vector<16xi32>
      %shift_right_logical3A_57 = arith.shrui %get3A_54, %shift_right_logical3A_56 : vector<16xi32>
      %swap3A_58 = arith.constant 48 : index
      %swap3A_59 = tpu.vector_load %arg7[%swap3A_58] {strides = array<i32>} : memref<128xi32, #tpu.memory_space<vmem>>, vector<16xi32>,
      %swap3A_60 = vector.shape_cast %swap3A_59 : vector<16xi32> to vector<16xi32>
      %swap3A_61 = vector.shape_cast %shift_right_logical3A_57 : vector<16xi32> to vector<16xi32>
      tpu.vector_store %arg7[%swap3A_58], %swap3A_61 {strides = array<i32>} : memref<128xi32, #tpu.memory_space<vmem>>, vector<16xi32>,
      %get3A_62 = arith.index_cast %while3A_20 : i32 to index
      %get3A_63 = arith.constant 64 : index
      %get3A_64 = tpu.vector_load %arg6[%get3A_62, %get3A_63] {strides = array<i32>} : memref<94x128xi32, #tpu.memory_space<vmem>>, vector<1x16xi32>,
      %get3A_65 = vector.shape_cast %get3A_64 : vector<1x16xi32> to vector<16xi32>
      %shift_right_logical3A_66 = arith.constant 14 : i32
      %shift_right_logical3A_67 = vector.broadcast %shift_right_logical3A_66 : i32 to vector<16xi32>
      %shift_right_logical3A_68 = arith.shrui %get3A_65, %shift_right_logical3A_67 : vector<16xi32>
      %swap3A_69 = arith.constant 64 : index
      %swap3A_70 = tpu.vector_load %arg7[%swap3A_69] {strides = array<i32>} : memref<128xi32, #tpu.memory_space<vmem>>, vector<16xi32>,
      %swap3A_71 = vector.shape_cast %swap3A_70 : vector<16xi32> to vector<16xi32>
      %swap3A_72 = vector.shape_cast %shift_right_logical3A_68 : vector<16xi32> to vector<16xi32>
      tpu.vector_store %arg7[%swap3A_69], %swap3A_72 {strides = array<i32>} : memref<128xi32, #tpu.memory_space<vmem>>, vector<16xi32>,
      %get3A_73 = arith.index_cast %while3A_20 : i32 to index
      %get3A_74 = arith.constant 80 : index
      %get3A_75 = tpu.vector_load %arg6[%get3A_73, %get3A_74] {strides = array<i32>} : memref<94x128xi32, #tpu.memory_space<vmem>>, vector<1x16xi32>,
      %get3A_76 = vector.shape_cast %get3A_75 : vector<1x16xi32> to vector<16xi32>
      %shift_right_logical3A_77 = arith.constant 14 : i32
      %shift_right_logical3A_78 = vector.broadcast %shift_right_logical3A_77 : i32 to vector<16xi32>
      %shift_right_logical3A_79 = arith.shrui %get3A_76, %shift_right_logical3A_78 : vector<16xi32>
      %swap3A_80 = arith.constant 80 : index
      %swap3A_81 = tpu.vector_load %arg7[%swap3A_80] {strides = array<i32>} : memref<128xi32, #tpu.memory_space<vmem>>, vector<16xi32>,
      %swap3A_82 = vector.shape_cast %swap3A_81 : vector<16xi32> to vector<16xi32>
      %swap3A_83 = vector.shape_cast %shift_right_logical3A_79 : vector<16xi32> to vector<16xi32>
      tpu.vector_store %arg7[%swap3A_80], %swap3A_83 {strides = array<i32>} : memref<128xi32, #tpu.memory_space<vmem>>, vector<16xi32>,
      %get3A_84 = arith.index_cast %while3A_20 : i32 to index
      %get3A_85 = arith.constant 96 : index
      %get3A_86 = tpu.vector_load %arg6[%get3A_84, %get3A_85] {strides = array<i32>} : memref<94x128xi32, #tpu.memory_space<vmem>>, vector<1x16xi32>,
      %get3A_87 = vector.shape_cast %get3A_86 : vector<1x16xi32> to vector<16xi32>
      %shift_right_logical3A_88 = arith.constant 14 : i32
      %shift_right_logical3A_89 = vector.broadcast %shift_right_logical3A_88 : i32 to vector<16xi32>
      %shift_right_logical3A_90 = arith.shrui %get3A_87, %shift_right_logical3A_89 : vector<16xi32>
      %swap3A_91 = arith.constant 96 : index
      %swap3A_92 = tpu.vector_load %arg7[%swap3A_91] {strides = array<i32>} : memref<128xi32, #tpu.memory_space<vmem>>, vector<16xi32>,
      %swap3A_93 = vector.shape_cast %swap3A_92 : vector<16xi32> to vector<16xi32>
      %swap3A_94 = vector.shape_cast %shift_right_logical3A_90 : vector<16xi32> to vector<16xi32>
      tpu.vector_store %arg7[%swap3A_91], %swap3A_94 {strides = array<i32>} : memref<128xi32, #tpu.memory_space<vmem>>, vector<16xi32>,
      %get3A_95 = arith.index_cast %while3A_20 : i32 to index
      %get3A_96 = arith.constant 112 : index
      %get3A_97 = tpu.vector_load %arg6[%get3A_95, %get3A_96] {strides = array<i32>} : memref<94x128xi32, #tpu.memory_space<vmem>>, vector<1x16xi32>,
      %get3A_98 = vector.shape_cast %get3A_97 : vector<1x16xi32> to vector<16xi32>
      %shift_right_logical3A_99 = arith.constant 14 : i32
      %shift_right_logical3A_100 = vector.broadcast %shift_right_logical3A_99 : i32 to vector<16xi32>
      %shift_right_logical3A_101 = arith.shrui %get3A_98, %shift_right_logical3A_100 : vector<16xi32>
      %swap3A_102 = arith.constant 112 : index
      %swap3A_103 = tpu.vector_load %arg7[%swap3A_102] {strides = array<i32>} : memref<128xi32, #tpu.memory_space<vmem>>, vector<16xi32>,
      %swap3A_104 = vector.shape_cast %swap3A_103 : vector<16xi32> to vector<16xi32>
      %swap3A_105 = vector.shape_cast %shift_right_logical3A_101 : vector<16xi32> to vector<16xi32>
      tpu.vector_store %arg7[%swap3A_102], %swap3A_105 {strides = array<i32>} : memref<128xi32, #tpu.memory_space<vmem>>, vector<16xi32>,
      %dma_start3A = arith.constant 0 : i32
      %dma_start3A_106 = arith.constant 0 : i32
      %dma_start3A_107 = tpu.memref_slice %arg2[%dma_start3A, %dma_start3A_106] : memref<70000x128xf32, #tpu.memory_space<hbm>> -> memref<70000x128xf32, #tpu.memory_space<hbm>>
      tpu.enqueue_indirect_dma source(%dma_start3A_107 : memref<70000x128xf32, #tpu.memory_space<hbm>>) target(%arg9 : memref<128x128xf32, #tpu.memory_space<vmem>>) offsets(%arg7 : memref<128xi32, #tpu.memory_space<vmem>>) semaphore(%arg11 : memref<!tpu.dma_semaphore, #tpu.memory_space<semaphore_mem>>)
      %get3A_108 = arith.index_cast %while3A_20 : i32 to index
      %get3A_109 = arith.constant 0 : index
      %get3A_110 = tpu.vector_load %arg6[%get3A_108, %get3A_109] {strides = array<i32>} : memref<94x128xi32, #tpu.memory_space<vmem>>, vector<1x16xi32>,
      %get3A_111 = vector.shape_cast %get3A_110 : vector<1x16xi32> to vector<16xi32>
      %and3A = arith.constant 16383 : i32
      %and3A_112 = vector.broadcast %and3A : i32 to vector<16xi32>
      %and3A_113 = arith.andi %get3A_111, %and3A_112 : vector<16xi32>
      %swap3A_114 = arith.constant 0 : index
      %swap3A_115 = tpu.vector_load %arg8[%swap3A_114] {strides = array<i32>} : memref<128xi32, #tpu.memory_space<vmem>>, vector<16xi32>,
      %swap3A_116 = vector.shape_cast %swap3A_115 : vector<16xi32> to vector<16xi32>
      %swap3A_117 = vector.shape_cast %and3A_113 : vector<16xi32> to vector<16xi32>
      tpu.vector_store %arg8[%swap3A_114], %swap3A_117 {strides = array<i32>} : memref<128xi32, #tpu.memory_space<vmem>>, vector<16xi32>,
      %get3A_118 = arith.index_cast %while3A_20 : i32 to index
      %get3A_119 = arith.constant 16 : index
      %get3A_120 = tpu.vector_load %arg6[%get3A_118, %get3A_119] {strides = array<i32>} : memref<94x128xi32, #tpu.memory_space<vmem>>, vector<1x16xi32>,
      %get3A_121 = vector.shape_cast %get3A_120 : vector<1x16xi32> to vector<16xi32>
      %and3A_122 = arith.constant 16383 : i32
      %and3A_123 = vector.broadcast %and3A_122 : i32 to vector<16xi32>
      %and3A_124 = arith.andi %get3A_121, %and3A_123 : vector<16xi32>
      %swap3A_125 = arith.constant 16 : index
      %swap3A_126 = tpu.vector_load %arg8[%swap3A_125] {strides = array<i32>} : memref<128xi32, #tpu.memory_space<vmem>>, vector<16xi32>,
      %swap3A_127 = vector.shape_cast %swap3A_126 : vector<16xi32> to vector<16xi32>
      %swap3A_128 = vector.shape_cast %and3A_124 : vector<16xi32> to vector<16xi32>
      tpu.vector_store %arg8[%swap3A_125], %swap3A_128 {strides = array<i32>} : memref<128xi32, #tpu.memory_space<vmem>>, vector<16xi32>,
      %get3A_129 = arith.index_cast %while3A_20 : i32 to index
      %get3A_130 = arith.constant 32 : index
      %get3A_131 = tpu.vector_load %arg6[%get3A_129, %get3A_130] {strides = array<i32>} : memref<94x128xi32, #tpu.memory_space<vmem>>, vector<1x16xi32>,
      %get3A_132 = vector.shape_cast %get3A_131 : vector<1x16xi32> to vector<16xi32>
      %and3A_133 = arith.constant 16383 : i32
      %and3A_134 = vector.broadcast %and3A_133 : i32 to vector<16xi32>
      %and3A_135 = arith.andi %get3A_132, %and3A_134 : vector<16xi32>
      %swap3A_136 = arith.constant 32 : index
      %swap3A_137 = tpu.vector_load %arg8[%swap3A_136] {strides = array<i32>} : memref<128xi32, #tpu.memory_space<vmem>>, vector<16xi32>,
      %swap3A_138 = vector.shape_cast %swap3A_137 : vector<16xi32> to vector<16xi32>
      %swap3A_139 = vector.shape_cast %and3A_135 : vector<16xi32> to vector<16xi32>
      tpu.vector_store %arg8[%swap3A_136], %swap3A_139 {strides = array<i32>} : memref<128xi32, #tpu.memory_space<vmem>>, vector<16xi32>,
      %get3A_140 = arith.index_cast %while3A_20 : i32 to index
      %get3A_141 = arith.constant 48 : index
      %get3A_142 = tpu.vector_load %arg6[%get3A_140, %get3A_141] {strides = array<i32>} : memref<94x128xi32, #tpu.memory_space<vmem>>, vector<1x16xi32>,
      %get3A_143 = vector.shape_cast %get3A_142 : vector<1x16xi32> to vector<16xi32>
      %and3A_144 = arith.constant 16383 : i32
      %and3A_145 = vector.broadcast %and3A_144 : i32 to vector<16xi32>
      %and3A_146 = arith.andi %get3A_143, %and3A_145 : vector<16xi32>
      %swap3A_147 = arith.constant 48 : index
      %swap3A_148 = tpu.vector_load %arg8[%swap3A_147] {strides = array<i32>} : memref<128xi32, #tpu.memory_space<vmem>>, vector<16xi32>,
      %swap3A_149 = vector.shape_cast %swap3A_148 : vector<16xi32> to vector<16xi32>
      %swap3A_150 = vector.shape_cast %and3A_146 : vector<16xi32> to vector<16xi32>
      tpu.vector_store %arg8[%swap3A_147], %swap3A_150 {strides = array<i32>} : memref<128xi32, #tpu.memory_space<vmem>>, vector<16xi32>,
      %get3A_151 = arith.index_cast %while3A_20 : i32 to index
      %get3A_152 = arith.constant 64 : index
      %get3A_153 = tpu.vector_load %arg6[%get3A_151, %get3A_152] {strides = array<i32>} : memref<94x128xi32, #tpu.memory_space<vmem>>, vector<1x16xi32>,
      %get3A_154 = vector.shape_cast %get3A_153 : vector<1x16xi32> to vector<16xi32>
      %and3A_155 = arith.constant 16383 : i32
      %and3A_156 = vector.broadcast %and3A_155 : i32 to vector<16xi32>
      %and3A_157 = arith.andi %get3A_154, %and3A_156 : vector<16xi32>
      %swap3A_158 = arith.constant 64 : index
      %swap3A_159 = tpu.vector_load %arg8[%swap3A_158] {strides = array<i32>} : memref<128xi32, #tpu.memory_space<vmem>>, vector<16xi32>,
      %swap3A_160 = vector.shape_cast %swap3A_159 : vector<16xi32> to vector<16xi32>
      %swap3A_161 = vector.shape_cast %and3A_157 : vector<16xi32> to vector<16xi32>
      tpu.vector_store %arg8[%swap3A_158], %swap3A_161 {strides = array<i32>} : memref<128xi32, #tpu.memory_space<vmem>>, vector<16xi32>,
      %get3A_162 = arith.index_cast %while3A_20 : i32 to index
      %get3A_163 = arith.constant 80 : index
      %get3A_164 = tpu.vector_load %arg6[%get3A_162, %get3A_163] {strides = array<i32>} : memref<94x128xi32, #tpu.memory_space<vmem>>, vector<1x16xi32>,
      %get3A_165 = vector.shape_cast %get3A_164 : vector<1x16xi32> to vector<16xi32>
      %and3A_166 = arith.constant 16383 : i32
      %and3A_167 = vector.broadcast %and3A_166 : i32 to vector<16xi32>
      %and3A_168 = arith.andi %get3A_165, %and3A_167 : vector<16xi32>
      %swap3A_169 = arith.constant 80 : index
      %swap3A_170 = tpu.vector_load %arg8[%swap3A_169] {strides = array<i32>} : memref<128xi32, #tpu.memory_space<vmem>>, vector<16xi32>,
      %swap3A_171 = vector.shape_cast %swap3A_170 : vector<16xi32> to vector<16xi32>
      %swap3A_172 = vector.shape_cast %and3A_168 : vector<16xi32> to vector<16xi32>
      tpu.vector_store %arg8[%swap3A_169], %swap3A_172 {strides = array<i32>} : memref<128xi32, #tpu.memory_space<vmem>>, vector<16xi32>,
      %get3A_173 = arith.index_cast %while3A_20 : i32 to index
      %get3A_174 = arith.constant 96 : index
      %get3A_175 = tpu.vector_load %arg6[%get3A_173, %get3A_174] {strides = array<i32>} : memref<94x128xi32, #tpu.memory_space<vmem>>, vector<1x16xi32>,
      %get3A_176 = vector.shape_cast %get3A_175 : vector<1x16xi32> to vector<16xi32>
      %and3A_177 = arith.constant 16383 : i32
      %and3A_178 = vector.broadcast %and3A_177 : i32 to vector<16xi32>
      %and3A_179 = arith.andi %get3A_176, %and3A_178 : vector<16xi32>
      %swap3A_180 = arith.constant 96 : index
      %swap3A_181 = tpu.vector_load %arg8[%swap3A_180] {strides = array<i32>} : memref<128xi32, #tpu.memory_space<vmem>>, vector<16xi32>,
      %swap3A_182 = vector.shape_cast %swap3A_181 : vector<16xi32> to vector<16xi32>
      %swap3A_183 = vector.shape_cast %and3A_179 : vector<16xi32> to vector<16xi32>
      tpu.vector_store %arg8[%swap3A_180], %swap3A_183 {strides = array<i32>} : memref<128xi32, #tpu.memory_space<vmem>>, vector<16xi32>,
      %get3A_184 = arith.index_cast %while3A_20 : i32 to index
      %get3A_185 = arith.constant 112 : index
      %get3A_186 = tpu.vector_load %arg6[%get3A_184, %get3A_185] {strides = array<i32>} : memref<94x128xi32, #tpu.memory_space<vmem>>, vector<1x16xi32>,
      %get3A_187 = vector.shape_cast %get3A_186 : vector<1x16xi32> to vector<16xi32>
      %and3A_188 = arith.constant 16383 : i32
      %and3A_189 = vector.broadcast %and3A_188 : i32 to vector<16xi32>
      %and3A_190 = arith.andi %get3A_187, %and3A_189 : vector<16xi32>
      %swap3A_191 = arith.constant 112 : index
      %swap3A_192 = tpu.vector_load %arg8[%swap3A_191] {strides = array<i32>} : memref<128xi32, #tpu.memory_space<vmem>>, vector<16xi32>,
      %swap3A_193 = vector.shape_cast %swap3A_192 : vector<16xi32> to vector<16xi32>
      %swap3A_194 = vector.shape_cast %and3A_190 : vector<16xi32> to vector<16xi32>
      tpu.vector_store %arg8[%swap3A_191], %swap3A_194 {strides = array<i32>} : memref<128xi32, #tpu.memory_space<vmem>>, vector<16xi32>,
      %dma_wait3A = arith.constant 0 : i32
      %dma_wait3A_195 = arith.constant 0 : i32
      %dma_wait3A_196 = tpu.memref_slice %arg2[%dma_wait3A, %dma_wait3A_195] : memref<70000x128xf32, #tpu.memory_space<hbm>> -> memref<70000x128xf32, #tpu.memory_space<hbm>>
      tpu.wait_indirect_dma semaphore(%arg11 : memref<!tpu.dma_semaphore, #tpu.memory_space<semaphore_mem>>) src(%dma_wait3A_196 : memref<70000x128xf32, #tpu.memory_space<hbm>>) dst(%arg9 : memref<128x128xf32, #tpu.memory_space<vmem>>)
      %dma_start3A_197 = arith.constant 0 : i32
      %dma_start3A_198 = arith.constant 0 : i32
      %dma_start3A_199 = tpu.memref_slice %arg10[%dma_start3A_197, %dma_start3A_198] : memref<10112x128xf32, #tpu.memory_space<vmem_shared>> -> memref<10112x128xf32, #tpu.memory_space<vmem_shared>>
      tpu.enqueue_indirect_dma source(%arg9 : memref<128x128xf32, #tpu.memory_space<vmem>>) target(%dma_start3A_199 : memref<10112x128xf32, #tpu.memory_space<vmem_shared>>) offsets(%arg8 : memref<128xi32, #tpu.memory_space<vmem>>) semaphore(%arg12 : memref<!tpu.dma_semaphore, #tpu.memory_space<semaphore_mem>>) {add = true}
      %dma_wait3A_200 = arith.constant 0 : i32
      %dma_wait3A_201 = arith.constant 0 : i32
      %dma_wait3A_202 = tpu.memref_slice %arg10[%dma_wait3A_200, %dma_wait3A_201] : memref<10112x128xf32, #tpu.memory_space<vmem_shared>> -> memref<10112x128xf32, #tpu.memory_space<vmem_shared>>
      tpu.wait_indirect_dma semaphore(%arg12 : memref<!tpu.dma_semaphore, #tpu.memory_space<semaphore_mem>>) src(%arg9 : memref<128x128xf32, #tpu.memory_space<vmem>>) dst(%dma_wait3A_202 : memref<10112x128xf32, #tpu.memory_space<vmem_shared>>)
    }
    %while3A_14 = arith.constant 1 : i32
    scf.for %while3A_20 = %while3A_12 to %while3A_8 step %while3A_14  : i32 {
      %get3A = arith.index_cast %while3A_20 : i32 to index
      %get3A_21 = arith.constant 0 : index
      %get3A_22 = tpu.vector_load %arg6[%get3A, %get3A_21] {strides = array<i32>} : memref<94x128xi32, #tpu.memory_space<vmem>>, vector<1x16xi32>,
      %get3A_23 = vector.shape_cast %get3A_22 : vector<1x16xi32> to vector<16xi32>
      %shift_right_logical3A = arith.constant 14 : i32
      %shift_right_logical3A_24 = vector.broadcast %shift_right_logical3A : i32 to vector<16xi32>
      %shift_right_logical3A_25 = arith.shrui %get3A_23, %shift_right_logical3A_24 : vector<16xi32>
      %swap3A = arith.constant 0 : index
      %swap3A_26 = tpu.vector_load %arg7[%swap3A] {strides = array<i32>} : memref<128xi32, #tpu.memory_space<vmem>>, vector<16xi32>,
      %swap3A_27 = vector.shape_cast %swap3A_26 : vector<16xi32> to vector<16xi32>
      %swap3A_28 = vector.shape_cast %shift_right_logical3A_25 : vector<16xi32> to vector<16xi32>
      tpu.vector_store %arg7[%swap3A], %swap3A_28 {strides = array<i32>} : memref<128xi32, #tpu.memory_space<vmem>>, vector<16xi32>,
      %get3A_29 = arith.index_cast %while3A_20 : i32 to index
      %get3A_30 = arith.constant 16 : index
      %get3A_31 = tpu.vector_load %arg6[%get3A_29, %get3A_30] {strides = array<i32>} : memref<94x128xi32, #tpu.memory_space<vmem>>, vector<1x16xi32>,
      %get3A_32 = vector.shape_cast %get3A_31 : vector<1x16xi32> to vector<16xi32>
      %shift_right_logical3A_33 = arith.constant 14 : i32
      %shift_right_logical3A_34 = vector.broadcast %shift_right_logical3A_33 : i32 to vector<16xi32>
      %shift_right_logical3A_35 = arith.shrui %get3A_32, %shift_right_logical3A_34 : vector<16xi32>
      %swap3A_36 = arith.constant 16 : index
      %swap3A_37 = tpu.vector_load %arg7[%swap3A_36] {strides = array<i32>} : memref<128xi32, #tpu.memory_space<vmem>>, vector<16xi32>,
      %swap3A_38 = vector.shape_cast %swap3A_37 : vector<16xi32> to vector<16xi32>
      %swap3A_39 = vector.shape_cast %shift_right_logical3A_35 : vector<16xi32> to vector<16xi32>
      tpu.vector_store %arg7[%swap3A_36], %swap3A_39 {strides = array<i32>} : memref<128xi32, #tpu.memory_space<vmem>>, vector<16xi32>,
      %get3A_40 = arith.index_cast %while3A_20 : i32 to index
      %get3A_41 = arith.constant 32 : index
      %get3A_42 = tpu.vector_load %arg6[%get3A_40, %get3A_41] {strides = array<i32>} : memref<94x128xi32, #tpu.memory_space<vmem>>, vector<1x16xi32>,
      %get3A_43 = vector.shape_cast %get3A_42 : vector<1x16xi32> to vector<16xi32>
      %shift_right_logical3A_44 = arith.constant 14 : i32
      %shift_right_logical3A_45 = vector.broadcast %shift_right_logical3A_44 : i32 to vector<16xi32>
      %shift_right_logical3A_46 = arith.shrui %get3A_43, %shift_right_logical3A_45 : vector<16xi32>
      %swap3A_47 = arith.constant 32 : index
      %swap3A_48 = tpu.vector_load %arg7[%swap3A_47] {strides = array<i32>} : memref<128xi32, #tpu.memory_space<vmem>>, vector<16xi32>,
      %swap3A_49 = vector.shape_cast %swap3A_48 : vector<16xi32> to vector<16xi32>
      %swap3A_50 = vector.shape_cast %shift_right_logical3A_46 : vector<16xi32> to vector<16xi32>
      tpu.vector_store %arg7[%swap3A_47], %swap3A_50 {strides = array<i32>} : memref<128xi32, #tpu.memory_space<vmem>>, vector<16xi32>,
      %get3A_51 = arith.index_cast %while3A_20 : i32 to index
      %get3A_52 = arith.constant 48 : index
      %get3A_53 = tpu.vector_load %arg6[%get3A_51, %get3A_52] {strides = array<i32>} : memref<94x128xi32, #tpu.memory_space<vmem>>, vector<1x16xi32>,
      %get3A_54 = vector.shape_cast %get3A_53 : vector<1x16xi32> to vector<16xi32>
      %shift_right_logical3A_55 = arith.constant 14 : i32
      %shift_right_logical3A_56 = vector.broadcast %shift_right_logical3A_55 : i32 to vector<16xi32>
      %shift_right_logical3A_57 = arith.shrui %get3A_54, %shift_right_logical3A_56 : vector<16xi32>
      %swap3A_58 = arith.constant 48 : index
      %swap3A_59 = tpu.vector_load %arg7[%swap3A_58] {strides = array<i32>} : memref<128xi32, #tpu.memory_space<vmem>>, vector<16xi32>,
      %swap3A_60 = vector.shape_cast %swap3A_59 : vector<16xi32> to vector<16xi32>
      %swap3A_61 = vector.shape_cast %shift_right_logical3A_57 : vector<16xi32> to vector<16xi32>
      tpu.vector_store %arg7[%swap3A_58], %swap3A_61 {strides = array<i32>} : memref<128xi32, #tpu.memory_space<vmem>>, vector<16xi32>,
      %get3A_62 = arith.index_cast %while3A_20 : i32 to index
      %get3A_63 = arith.constant 64 : index
      %get3A_64 = tpu.vector_load %arg6[%get3A_62, %get3A_63] {strides = array<i32>} : memref<94x128xi32, #tpu.memory_space<vmem>>, vector<1x16xi32>,
      %get3A_65 = vector.shape_cast %get3A_64 : vector<1x16xi32> to vector<16xi32>
      %shift_right_logical3A_66 = arith.constant 14 : i32
      %shift_right_logical3A_67 = vector.broadcast %shift_right_logical3A_66 : i32 to vector<16xi32>
      %shift_right_logical3A_68 = arith.shrui %get3A_65, %shift_right_logical3A_67 : vector<16xi32>
      %swap3A_69 = arith.constant 64 : index
      %swap3A_70 = tpu.vector_load %arg7[%swap3A_69] {strides = array<i32>} : memref<128xi32, #tpu.memory_space<vmem>>, vector<16xi32>,
      %swap3A_71 = vector.shape_cast %swap3A_70 : vector<16xi32> to vector<16xi32>
      %swap3A_72 = vector.shape_cast %shift_right_logical3A_68 : vector<16xi32> to vector<16xi32>
      tpu.vector_store %arg7[%swap3A_69], %swap3A_72 {strides = array<i32>} : memref<128xi32, #tpu.memory_space<vmem>>, vector<16xi32>,
      %get3A_73 = arith.index_cast %while3A_20 : i32 to index
      %get3A_74 = arith.constant 80 : index
      %get3A_75 = tpu.vector_load %arg6[%get3A_73, %get3A_74] {strides = array<i32>} : memref<94x128xi32, #tpu.memory_space<vmem>>, vector<1x16xi32>,
      %get3A_76 = vector.shape_cast %get3A_75 : vector<1x16xi32> to vector<16xi32>
      %shift_right_logical3A_77 = arith.constant 14 : i32
      %shift_right_logical3A_78 = vector.broadcast %shift_right_logical3A_77 : i32 to vector<16xi32>
      %shift_right_logical3A_79 = arith.shrui %get3A_76, %shift_right_logical3A_78 : vector<16xi32>
      %swap3A_80 = arith.constant 80 : index
      %swap3A_81 = tpu.vector_load %arg7[%swap3A_80] {strides = array<i32>} : memref<128xi32, #tpu.memory_space<vmem>>, vector<16xi32>,
      %swap3A_82 = vector.shape_cast %swap3A_81 : vector<16xi32> to vector<16xi32>
      %swap3A_83 = vector.shape_cast %shift_right_logical3A_79 : vector<16xi32> to vector<16xi32>
      tpu.vector_store %arg7[%swap3A_80], %swap3A_83 {strides = array<i32>} : memref<128xi32, #tpu.memory_space<vmem>>, vector<16xi32>,
      %get3A_84 = arith.index_cast %while3A_20 : i32 to index
      %get3A_85 = arith.constant 96 : index
      %get3A_86 = tpu.vector_load %arg6[%get3A_84, %get3A_85] {strides = array<i32>} : memref<94x128xi32, #tpu.memory_space<vmem>>, vector<1x16xi32>,
      %get3A_87 = vector.shape_cast %get3A_86 : vector<1x16xi32> to vector<16xi32>
      %shift_right_logical3A_88 = arith.constant 14 : i32
      %shift_right_logical3A_89 = vector.broadcast %shift_right_logical3A_88 : i32 to vector<16xi32>
      %shift_right_logical3A_90 = arith.shrui %get3A_87, %shift_right_logical3A_89 : vector<16xi32>
      %swap3A_91 = arith.constant 96 : index
      %swap3A_92 = tpu.vector_load %arg7[%swap3A_91] {strides = array<i32>} : memref<128xi32, #tpu.memory_space<vmem>>, vector<16xi32>,
      %swap3A_93 = vector.shape_cast %swap3A_92 : vector<16xi32> to vector<16xi32>
      %swap3A_94 = vector.shape_cast %shift_right_logical3A_90 : vector<16xi32> to vector<16xi32>
      tpu.vector_store %arg7[%swap3A_91], %swap3A_94 {strides = array<i32>} : memref<128xi32, #tpu.memory_space<vmem>>, vector<16xi32>,
      %get3A_95 = arith.index_cast %while3A_20 : i32 to index
      %get3A_96 = arith.constant 112 : index
      %get3A_97 = tpu.vector_load %arg6[%get3A_95, %get3A_96] {strides = array<i32>} : memref<94x128xi32, #tpu.memory_space<vmem>>, vector<1x16xi32>,
      %get3A_98 = vector.shape_cast %get3A_97 : vector<1x16xi32> to vector<16xi32>
      %shift_right_logical3A_99 = arith.constant 14 : i32
      %shift_right_logical3A_100 = vector.broadcast %shift_right_logical3A_99 : i32 to vector<16xi32>
      %shift_right_logical3A_101 = arith.shrui %get3A_98, %shift_right_logical3A_100 : vector<16xi32>
      %swap3A_102 = arith.constant 112 : index
      %swap3A_103 = tpu.vector_load %arg7[%swap3A_102] {strides = array<i32>} : memref<128xi32, #tpu.memory_space<vmem>>, vector<16xi32>,
      %swap3A_104 = vector.shape_cast %swap3A_103 : vector<16xi32> to vector<16xi32>
      %swap3A_105 = vector.shape_cast %shift_right_logical3A_101 : vector<16xi32> to vector<16xi32>
      tpu.vector_store %arg7[%swap3A_102], %swap3A_105 {strides = array<i32>} : memref<128xi32, #tpu.memory_space<vmem>>, vector<16xi32>,
      %dma_start3A = arith.constant 0 : i32
      %dma_start3A_106 = arith.constant 0 : i32
      %dma_start3A_107 = tpu.memref_slice %arg2[%dma_start3A, %dma_start3A_106] : memref<70000x128xf32, #tpu.memory_space<hbm>> -> memref<70000x128xf32, #tpu.memory_space<hbm>>
      tpu.enqueue_indirect_dma source(%dma_start3A_107 : memref<70000x128xf32, #tpu.memory_space<hbm>>) target(%arg9 : memref<128x128xf32, #tpu.memory_space<vmem>>) offsets(%arg7 : memref<128xi32, #tpu.memory_space<vmem>>) semaphore(%arg11 : memref<!tpu.dma_semaphore, #tpu.memory_space<semaphore_mem>>)
      %get3A_108 = arith.index_cast %while3A_20 : i32 to index
      %get3A_109 = arith.constant 0 : index
      %get3A_110 = tpu.vector_load %arg6[%get3A_108, %get3A_109] {strides = array<i32>} : memref<94x128xi32, #tpu.memory_space<vmem>>, vector<1x16xi32>,
      %get3A_111 = vector.shape_cast %get3A_110 : vector<1x16xi32> to vector<16xi32>
      %and3A = arith.constant 16383 : i32
      %and3A_112 = vector.broadcast %and3A : i32 to vector<16xi32>
      %and3A_113 = arith.andi %get3A_111, %and3A_112 : vector<16xi32>
      %swap3A_114 = arith.constant 0 : index
      %swap3A_115 = tpu.vector_load %arg8[%swap3A_114] {strides = array<i32>} : memref<128xi32, #tpu.memory_space<vmem>>, vector<16xi32>,
      %swap3A_116 = vector.shape_cast %swap3A_115 : vector<16xi32> to vector<16xi32>
      %swap3A_117 = vector.shape_cast %and3A_113 : vector<16xi32> to vector<16xi32>
      tpu.vector_store %arg8[%swap3A_114], %swap3A_117 {strides = array<i32>} : memref<128xi32, #tpu.memory_space<vmem>>, vector<16xi32>,
      %get3A_118 = arith.index_cast %while3A_20 : i32 to index
      %get3A_119 = arith.constant 16 : index
      %get3A_120 = tpu.vector_load %arg6[%get3A_118, %get3A_119] {strides = array<i32>} : memref<94x128xi32, #tpu.memory_space<vmem>>, vector<1x16xi32>,
      %get3A_121 = vector.shape_cast %get3A_120 : vector<1x16xi32> to vector<16xi32>
      %and3A_122 = arith.constant 16383 : i32
      %and3A_123 = vector.broadcast %and3A_122 : i32 to vector<16xi32>
      %and3A_124 = arith.andi %get3A_121, %and3A_123 : vector<16xi32>
      %swap3A_125 = arith.constant 16 : index
      %swap3A_126 = tpu.vector_load %arg8[%swap3A_125] {strides = array<i32>} : memref<128xi32, #tpu.memory_space<vmem>>, vector<16xi32>,
      %swap3A_127 = vector.shape_cast %swap3A_126 : vector<16xi32> to vector<16xi32>
      %swap3A_128 = vector.shape_cast %and3A_124 : vector<16xi32> to vector<16xi32>
      tpu.vector_store %arg8[%swap3A_125], %swap3A_128 {strides = array<i32>} : memref<128xi32, #tpu.memory_space<vmem>>, vector<16xi32>,
      %get3A_129 = arith.index_cast %while3A_20 : i32 to index
      %get3A_130 = arith.constant 32 : index
      %get3A_131 = tpu.vector_load %arg6[%get3A_129, %get3A_130] {strides = array<i32>} : memref<94x128xi32, #tpu.memory_space<vmem>>, vector<1x16xi32>,
      %get3A_132 = vector.shape_cast %get3A_131 : vector<1x16xi32> to vector<16xi32>
      %and3A_133 = arith.constant 16383 : i32
      %and3A_134 = vector.broadcast %and3A_133 : i32 to vector<16xi32>
      %and3A_135 = arith.andi %get3A_132, %and3A_134 : vector<16xi32>
      %swap3A_136 = arith.constant 32 : index
      %swap3A_137 = tpu.vector_load %arg8[%swap3A_136] {strides = array<i32>} : memref<128xi32, #tpu.memory_space<vmem>>, vector<16xi32>,
      %swap3A_138 = vector.shape_cast %swap3A_137 : vector<16xi32> to vector<16xi32>
      %swap3A_139 = vector.shape_cast %and3A_135 : vector<16xi32> to vector<16xi32>
      tpu.vector_store %arg8[%swap3A_136], %swap3A_139 {strides = array<i32>} : memref<128xi32, #tpu.memory_space<vmem>>, vector<16xi32>,
      %get3A_140 = arith.index_cast %while3A_20 : i32 to index
      %get3A_141 = arith.constant 48 : index
      %get3A_142 = tpu.vector_load %arg6[%get3A_140, %get3A_141] {strides = array<i32>} : memref<94x128xi32, #tpu.memory_space<vmem>>, vector<1x16xi32>,
      %get3A_143 = vector.shape_cast %get3A_142 : vector<1x16xi32> to vector<16xi32>
      %and3A_144 = arith.constant 16383 : i32
      %and3A_145 = vector.broadcast %and3A_144 : i32 to vector<16xi32>
      %and3A_146 = arith.andi %get3A_143, %and3A_145 : vector<16xi32>
      %swap3A_147 = arith.constant 48 : index
      %swap3A_148 = tpu.vector_load %arg8[%swap3A_147] {strides = array<i32>} : memref<128xi32, #tpu.memory_space<vmem>>, vector<16xi32>,
      %swap3A_149 = vector.shape_cast %swap3A_148 : vector<16xi32> to vector<16xi32>
      %swap3A_150 = vector.shape_cast %and3A_146 : vector<16xi32> to vector<16xi32>
      tpu.vector_store %arg8[%swap3A_147], %swap3A_150 {strides = array<i32>} : memref<128xi32, #tpu.memory_space<vmem>>, vector<16xi32>,
      %get3A_151 = arith.index_cast %while3A_20 : i32 to index
      %get3A_152 = arith.constant 64 : index
      %get3A_153 = tpu.vector_load %arg6[%get3A_151, %get3A_152] {strides = array<i32>} : memref<94x128xi32, #tpu.memory_space<vmem>>, vector<1x16xi32>,
      %get3A_154 = vector.shape_cast %get3A_153 : vector<1x16xi32> to vector<16xi32>
      %and3A_155 = arith.constant 16383 : i32
      %and3A_156 = vector.broadcast %and3A_155 : i32 to vector<16xi32>
      %and3A_157 = arith.andi %get3A_154, %and3A_156 : vector<16xi32>
      %swap3A_158 = arith.constant 64 : index
      %swap3A_159 = tpu.vector_load %arg8[%swap3A_158] {strides = array<i32>} : memref<128xi32, #tpu.memory_space<vmem>>, vector<16xi32>,
      %swap3A_160 = vector.shape_cast %swap3A_159 : vector<16xi32> to vector<16xi32>
      %swap3A_161 = vector.shape_cast %and3A_157 : vector<16xi32> to vector<16xi32>
      tpu.vector_store %arg8[%swap3A_158], %swap3A_161 {strides = array<i32>} : memref<128xi32, #tpu.memory_space<vmem>>, vector<16xi32>,
      %get3A_162 = arith.index_cast %while3A_20 : i32 to index
      %get3A_163 = arith.constant 80 : index
      %get3A_164 = tpu.vector_load %arg6[%get3A_162, %get3A_163] {strides = array<i32>} : memref<94x128xi32, #tpu.memory_space<vmem>>, vector<1x16xi32>,
      %get3A_165 = vector.shape_cast %get3A_164 : vector<1x16xi32> to vector<16xi32>
      %and3A_166 = arith.constant 16383 : i32
      %and3A_167 = vector.broadcast %and3A_166 : i32 to vector<16xi32>
      %and3A_168 = arith.andi %get3A_165, %and3A_167 : vector<16xi32>
      %swap3A_169 = arith.constant 80 : index
      %swap3A_170 = tpu.vector_load %arg8[%swap3A_169] {strides = array<i32>} : memref<128xi32, #tpu.memory_space<vmem>>, vector<16xi32>,
      %swap3A_171 = vector.shape_cast %swap3A_170 : vector<16xi32> to vector<16xi32>
      %swap3A_172 = vector.shape_cast %and3A_168 : vector<16xi32> to vector<16xi32>
      tpu.vector_store %arg8[%swap3A_169], %swap3A_172 {strides = array<i32>} : memref<128xi32, #tpu.memory_space<vmem>>, vector<16xi32>,
      %get3A_173 = arith.index_cast %while3A_20 : i32 to index
      %get3A_174 = arith.constant 96 : index
      %get3A_175 = tpu.vector_load %arg6[%get3A_173, %get3A_174] {strides = array<i32>} : memref<94x128xi32, #tpu.memory_space<vmem>>, vector<1x16xi32>,
      %get3A_176 = vector.shape_cast %get3A_175 : vector<1x16xi32> to vector<16xi32>
      %and3A_177 = arith.constant 16383 : i32
      %and3A_178 = vector.broadcast %and3A_177 : i32 to vector<16xi32>
      %and3A_179 = arith.andi %get3A_176, %and3A_178 : vector<16xi32>
      %swap3A_180 = arith.constant 96 : index
      %swap3A_181 = tpu.vector_load %arg8[%swap3A_180] {strides = array<i32>} : memref<128xi32, #tpu.memory_space<vmem>>, vector<16xi32>,
      %swap3A_182 = vector.shape_cast %swap3A_181 : vector<16xi32> to vector<16xi32>
      %swap3A_183 = vector.shape_cast %and3A_179 : vector<16xi32> to vector<16xi32>
      tpu.vector_store %arg8[%swap3A_180], %swap3A_183 {strides = array<i32>} : memref<128xi32, #tpu.memory_space<vmem>>, vector<16xi32>,
      %get3A_184 = arith.index_cast %while3A_20 : i32 to index
      %get3A_185 = arith.constant 112 : index
      %get3A_186 = tpu.vector_load %arg6[%get3A_184, %get3A_185] {strides = array<i32>} : memref<94x128xi32, #tpu.memory_space<vmem>>, vector<1x16xi32>,
      %get3A_187 = vector.shape_cast %get3A_186 : vector<1x16xi32> to vector<16xi32>
      %and3A_188 = arith.constant 16383 : i32
      %and3A_189 = vector.broadcast %and3A_188 : i32 to vector<16xi32>
      %and3A_190 = arith.andi %get3A_187, %and3A_189 : vector<16xi32>
      %swap3A_191 = arith.constant 112 : index
      %swap3A_192 = tpu.vector_load %arg8[%swap3A_191] {strides = array<i32>} : memref<128xi32, #tpu.memory_space<vmem>>, vector<16xi32>,
      %swap3A_193 = vector.shape_cast %swap3A_192 : vector<16xi32> to vector<16xi32>
      %swap3A_194 = vector.shape_cast %and3A_190 : vector<16xi32> to vector<16xi32>
      tpu.vector_store %arg8[%swap3A_191], %swap3A_194 {strides = array<i32>} : memref<128xi32, #tpu.memory_space<vmem>>, vector<16xi32>,
      %dma_wait3A = arith.constant 0 : i32
      %dma_wait3A_195 = arith.constant 0 : i32
      %dma_wait3A_196 = tpu.memref_slice %arg2[%dma_wait3A, %dma_wait3A_195] : memref<70000x128xf32, #tpu.memory_space<hbm>> -> memref<70000x128xf32, #tpu.memory_space<hbm>>
      tpu.wait_indirect_dma semaphore(%arg11 : memref<!tpu.dma_semaphore, #tpu.memory_space<semaphore_mem>>) src(%dma_wait3A_196 : memref<70000x128xf32, #tpu.memory_space<hbm>>) dst(%arg9 : memref<128x128xf32, #tpu.memory_space<vmem>>)
      %dma_start3A_197 = arith.constant 0 : i32
      %dma_start3A_198 = arith.constant 0 : i32
      %dma_start3A_199 = tpu.memref_slice %arg10[%dma_start3A_197, %dma_start3A_198] : memref<10112x128xf32, #tpu.memory_space<vmem_shared>> -> memref<10112x128xf32, #tpu.memory_space<vmem_shared>>
      tpu.enqueue_indirect_dma source(%arg9 : memref<128x128xf32, #tpu.memory_space<vmem>>) target(%dma_start3A_199 : memref<10112x128xf32, #tpu.memory_space<vmem_shared>>) offsets(%arg8 : memref<128xi32, #tpu.memory_space<vmem>>) semaphore(%arg12 : memref<!tpu.dma_semaphore, #tpu.memory_space<semaphore_mem>>) {add = true}
      %dma_wait3A_200 = arith.constant 0 : i32
      %dma_wait3A_201 = arith.constant 0 : i32
      %dma_wait3A_202 = tpu.memref_slice %arg10[%dma_wait3A_200, %dma_wait3A_201] : memref<10112x128xf32, #tpu.memory_space<vmem_shared>> -> memref<10112x128xf32, #tpu.memory_space<vmem_shared>>
      tpu.wait_indirect_dma semaphore(%arg12 : memref<!tpu.dma_semaphore, #tpu.memory_space<semaphore_mem>>) src(%arg9 : memref<128x128xf32, #tpu.memory_space<vmem>>) dst(%dma_wait3A_202 : memref<10112x128xf32, #tpu.memory_space<vmem_shared>>)
    }
    %barrier3A_15 = arith.constant 0 : index
    tpu.barrier barrier_id(%barrier3A_15)
    %mul3A_16 = arith.constant 632 : i32
    %mul3A_17 = arith.muli %arg1, %mul3A_16 : i32
    %mul3A_18 = arith.constant 632 : i32
    %mul3A_19 = arith.muli %arg1, %mul3A_18 : i32
    "tpu.region"() ({
      %run_scoped3A = tpu.sem_alloc : memref<!tpu.dma_semaphore, #tpu.memory_space<semaphore_mem>>
      %dma_start3A = arith.constant 0 : i32
      %dma_start3A_20 = tpu.memref_slice %arg5[%arg0, %mul3A_19, %dma_start3A] : memref<2x10112x128xf32, #tpu.memory_space<hbm>> -> memref<1x632x128xf32, #tpu.memory_space<hbm>>
      %dma_start3A_21 = tpu.memref_squeeze %dma_start3A_20 : memref<1x632x128xf32, #tpu.memory_space<hbm>> -> memref<632x128xf32, #tpu.memory_space<hbm>>
      %dma_start3A_22 = arith.constant 0 : i32
      %dma_start3A_23 = tpu.memref_slice %arg10[%mul3A_17, %dma_start3A_22] : memref<10112x128xf32, #tpu.memory_space<vmem_shared>> -> memref<632x128xf32, #tpu.memory_space<vmem_shared>>
      tpu.enqueue_dma source(%dma_start3A_23 : memref<632x128xf32, #tpu.memory_space<vmem_shared>>) target(%dma_start3A_21 : memref<632x128xf32, #tpu.memory_space<hbm>>) target_semaphore(%run_scoped3A : memref<!tpu.dma_semaphore, #tpu.memory_space<semaphore_mem>>)
      %dma_wait3A = arith.constant 0 : i32
      %dma_wait3A_24 = tpu.memref_slice %arg5[%arg0, %mul3A_19, %dma_wait3A] : memref<2x10112x128xf32, #tpu.memory_space<hbm>> -> memref<1x632x128xf32, #tpu.memory_space<hbm>>
      %dma_wait3A_25 = tpu.memref_squeeze %dma_wait3A_24 : memref<1x632x128xf32, #tpu.memory_space<hbm>> -> memref<632x128xf32, #tpu.memory_space<hbm>>
      %dma_wait3A_26 = arith.constant 0 : i32
      %dma_wait3A_27 = tpu.memref_slice %arg10[%mul3A_17, %dma_wait3A_26] : memref<10112x128xf32, #tpu.memory_space<vmem_shared>> -> memref<632x128xf32, #tpu.memory_space<vmem_shared>>
      tpu.wait_dma2 semaphore(%run_scoped3A : memref<!tpu.dma_semaphore, #tpu.memory_space<semaphore_mem>>) src(%dma_wait3A_27 : memref<632x128xf32, #tpu.memory_space<vmem_shared>>) dst(%dma_wait3A_25 : memref<632x128xf32, #tpu.memory_space<hbm>>)
      tpu.yield
    }) : () -> ()
    return
  }
}

#map = affine_map<(d0, d1) -> (0, 0)>
#map1 = affine_map<(d0, d1) -> (0, 0, 0)>
module attributes {stable_mosaic.version = 14 : i64} {
  func.func @k(%arg0: i32, %arg1: i32, %arg2: memref<70000x128xf32, #tpu.memory_space<hbm>>, %arg3: memref<32x94x128xi32, #tpu.memory_space<hbm>>, %arg4: memref<632x128xf32, #tpu.memory_space<hbm>>, %arg5: memref<2x10112x128xf32, #tpu.memory_space<hbm>>, %arg6: memref<94x128xi32, #tpu.memory_space<vmem>>, %arg7: memref<128xi32, #tpu.memory_space<vmem>>, %arg8: memref<128xi32, #tpu.memory_space<vmem>>, %arg9: memref<128x128xf32, #tpu.memory_space<vmem>>, %arg10: memref<10112x128xf32, #tpu.memory_space<vmem_shared>>, %arg11: memref<!tpu.dma_semaphore, #tpu.memory_space<semaphore_mem>>, %arg12: memref<!tpu.dma_semaphore, #tpu.memory_space<semaphore_mem>>) attributes {dimension_semantics = [#tpu.dimension_semantics<core_parallel>, #tpu.dimension_semantics<subcore_parallel>], iteration_bounds = array<i64: 2, 16>, scalar_prefetch = 0 : i64, scratch_operands = 7 : i64, tpu.core_type = #tpu.core_type<sc_vector_subcore>, window_params = [{transform_indices = #map}, {transform_indices = #map1}, {transform_indices = #map}, {transform_indices = #map1}]} {
    %mul3A = arith.constant 16 : i32
    %mul3A_0 = arith.muli %arg0, %mul3A : i32
    %add3A = arith.addi %mul3A_0, %arg1 : i32
    "tpu.region"() ({
      %run_scoped3A = tpu.sem_alloc : memref<!tpu.dma_semaphore, #tpu.memory_space<semaphore_mem>>
      %dma_start3A = arith.constant 0 : i32
      %dma_start3A_20 = arith.constant 0 : i32
      %dma_start3A_21 = tpu.memref_slice %arg3[%add3A, %dma_start3A, %dma_start3A_20] : memref<32x94x128xi32, #tpu.memory_space<hbm>> -> memref<1x94x128xi32, #tpu.memory_space<hbm>>
      %dma_start3A_22 = tpu.memref_squeeze %dma_start3A_21 : memref<1x94x128xi32, #tpu.memory_space<hbm>> -> memref<94x128xi32, #tpu.memory_space<hbm>>
      %dma_start3A_23 = arith.constant 0 : i32
      %dma_start3A_24 = arith.constant 0 : i32
      %dma_start3A_25 = tpu.memref_slice %arg3[%add3A, %dma_start3A_23, %dma_start3A_24] : memref<32x94x128xi32, #tpu.memory_space<hbm>> -> memref<1x94x128xi32, #tpu.memory_space<hbm>>
      %dma_start3A_26 = tpu.memref_squeeze %dma_start3A_25 : memref<1x94x128xi32, #tpu.memory_space<hbm>> -> memref<94x128xi32, #tpu.memory_space<hbm>>
      tpu.enqueue_dma source(%dma_start3A_26 : memref<94x128xi32, #tpu.memory_space<hbm>>) target(%arg6 : memref<94x128xi32, #tpu.memory_space<vmem>>) target_semaphore(%run_scoped3A : memref<!tpu.dma_semaphore, #tpu.memory_space<semaphore_mem>>)
      %dma_wait3A = arith.constant 0 : i32
      %dma_wait3A_27 = arith.constant 0 : i32
      %dma_wait3A_28 = tpu.memref_slice %arg3[%add3A, %dma_wait3A, %dma_wait3A_27] : memref<32x94x128xi32, #tpu.memory_space<hbm>> -> memref<1x94x128xi32, #tpu.memory_space<hbm>>
      %dma_wait3A_29 = tpu.memref_squeeze %dma_wait3A_28 : memref<1x94x128xi32, #tpu.memory_space<hbm>> -> memref<94x128xi32, #tpu.memory_space<hbm>>
      %dma_wait3A_30 = arith.constant 0 : i32
      %dma_wait3A_31 = arith.constant 0 : i32
      %dma_wait3A_32 = tpu.memref_slice %arg3[%add3A, %dma_wait3A_30, %dma_wait3A_31] : memref<32x94x128xi32, #tpu.memory_space<hbm>> -> memref<1x94x128xi32, #tpu.memory_space<hbm>>
      %dma_wait3A_33 = tpu.memref_squeeze %dma_wait3A_32 : memref<1x94x128xi32, #tpu.memory_space<hbm>> -> memref<94x128xi32, #tpu.memory_space<hbm>>
      tpu.wait_dma2 semaphore(%run_scoped3A : memref<!tpu.dma_semaphore, #tpu.memory_space<semaphore_mem>>) src(%dma_wait3A_33 : memref<94x128xi32, #tpu.memory_space<hbm>>) dst(%arg6 : memref<94x128xi32, #tpu.memory_space<vmem>>)
      tpu.yield
    }) : () -> ()
    %mul3A_1 = arith.constant 632 : i32
    %mul3A_2 = arith.muli %arg1, %mul3A_1 : i32
    "tpu.region"() ({
      %run_scoped3A = tpu.sem_alloc : memref<!tpu.dma_semaphore, #tpu.memory_space<semaphore_mem>>
      %dma_start3A = arith.constant 0 : i32
      %dma_start3A_20 = tpu.memref_slice %arg10[%mul3A_2, %dma_start3A] : memref<10112x128xf32, #tpu.memory_space<vmem_shared>> -> memref<632x128xf32, #tpu.memory_space<vmem_shared>>
      tpu.enqueue_dma source(%arg4 : memref<632x128xf32, #tpu.memory_space<hbm>>) target(%dma_start3A_20 : memref<632x128xf32, #tpu.memory_space<vmem_shared>>) target_semaphore(%run_scoped3A : memref<!tpu.dma_semaphore, #tpu.memory_space<semaphore_mem>>)
      %dma_wait3A = arith.constant 0 : i32
      %dma_wait3A_21 = tpu.memref_slice %arg10[%mul3A_2, %dma_wait3A] : memref<10112x128xf32, #tpu.memory_space<vmem_shared>> -> memref<632x128xf32, #tpu.memory_space<vmem_shared>>
      tpu.wait_dma2 semaphore(%run_scoped3A : memref<!tpu.dma_semaphore, #tpu.memory_space<semaphore_mem>>) src(%arg4 : memref<632x128xf32, #tpu.memory_space<hbm>>) dst(%dma_wait3A_21 : memref<632x128xf32, #tpu.memory_space<vmem_shared>>)
      tpu.yield
    }) : () -> ()
    %barrier3A = arith.constant 0 : index
    tpu.barrier barrier_id(%barrier3A)
    %eq3A = arith.constant 0 : i32
    %eq3A_3 = arith.cmpi eq, %arg0, %eq3A : i32
    %select_n3A = arith.constant 63 : i32
    %select_n3A_4 = arith.constant 94 : i32
    %select_n3A_5 = arith.select %eq3A_3, %select_n3A_4, %select_n3A : i32
    %while3A = arith.constant 0 : i32
    %while3A_6 = arith.constant 0 : i32
    %while3A_7 = arith.subi %select_n3A_5, %while3A_6 : i32
    %while3A_8 = arith.addi %while3A_6, %while3A_7 : i32
    %while3A_9 = arith.constant 1 : i32
    %while3A_10 = arith.divsi %while3A_7, %while3A_9 : i32
    %while3A_11 = arith.muli %while3A_10, %while3A_9 : i32
    %while3A_12 = arith.addi %while3A_6, %while3A_11 : i32
    %while3A_13 = arith.constant 1 : i32
    scf.for %while3A_20 = %while3A_6 to %while3A_12 step %while3A_13  : i32 {
      %get3A = arith.index_cast %while3A_20 : i32 to index
      %get3A_21 = arith.constant 0 : index
      %get3A_22 = tpu.vector_load %arg6[%get3A, %get3A_21] {strides = array<i32>} : memref<94x128xi32, #tpu.memory_space<vmem>>, vector<1x16xi32>,
      %get3A_23 = vector.shape_cast %get3A_22 : vector<1x16xi32> to vector<16xi32>
      %shift_right_logical3A = arith.constant 14 : i32
      %shift_right_logical3A_24 = vector.broadcast %shift_right_logical3A : i32 to vector<16xi32>
      %shift_right_logical3A_25 = arith.shrui %get3A_23, %shift_right_logical3A_24 : vector<16xi32>
      %swap3A = arith.constant 0 : index
      %swap3A_26 = tpu.vector_load %arg7[%swap3A] {strides = array<i32>} : memref<128xi32, #tpu.memory_space<vmem>>, vector<16xi32>,
      %swap3A_27 = vector.shape_cast %swap3A_26 : vector<16xi32> to vector<16xi32>
      %swap3A_28 = vector.shape_cast %shift_right_logical3A_25 : vector<16xi32> to vector<16xi32>
      tpu.vector_store %arg7[%swap3A], %swap3A_28 {strides = array<i32>} : memref<128xi32, #tpu.memory_space<vmem>>, vector<16xi32>,
      %get3A_29 = arith.index_cast %while3A_20 : i32 to index
      %get3A_30 = arith.constant 16 : index
      %get3A_31 = tpu.vector_load %arg6[%get3A_29, %get3A_30] {strides = array<i32>} : memref<94x128xi32, #tpu.memory_space<vmem>>, vector<1x16xi32>,
      %get3A_32 = vector.shape_cast %get3A_31 : vector<1x16xi32> to vector<16xi32>
      %shift_right_logical3A_33 = arith.constant 14 : i32
      %shift_right_logical3A_34 = vector.broadcast %shift_right_logical3A_33 : i32 to vector<16xi32>
      %shift_right_logical3A_35 = arith.shrui %get3A_32, %shift_right_logical3A_34 : vector<16xi32>
      %swap3A_36 = arith.constant 16 : index
      %swap3A_37 = tpu.vector_load %arg7[%swap3A_36] {strides = array<i32>} : memref<128xi32, #tpu.memory_space<vmem>>, vector<16xi32>,
      %swap3A_38 = vector.shape_cast %swap3A_37 : vector<16xi32> to vector<16xi32>
      %swap3A_39 = vector.shape_cast %shift_right_logical3A_35 : vector<16xi32> to vector<16xi32>
      tpu.vector_store %arg7[%swap3A_36], %swap3A_39 {strides = array<i32>} : memref<128xi32, #tpu.memory_space<vmem>>, vector<16xi32>,
      %get3A_40 = arith.index_cast %while3A_20 : i32 to index
      %get3A_41 = arith.constant 32 : index
      %get3A_42 = tpu.vector_load %arg6[%get3A_40, %get3A_41] {strides = array<i32>} : memref<94x128xi32, #tpu.memory_space<vmem>>, vector<1x16xi32>,
      %get3A_43 = vector.shape_cast %get3A_42 : vector<1x16xi32> to vector<16xi32>
      %shift_right_logical3A_44 = arith.constant 14 : i32
      %shift_right_logical3A_45 = vector.broadcast %shift_right_logical3A_44 : i32 to vector<16xi32>
      %shift_right_logical3A_46 = arith.shrui %get3A_43, %shift_right_logical3A_45 : vector<16xi32>
      %swap3A_47 = arith.constant 32 : index
      %swap3A_48 = tpu.vector_load %arg7[%swap3A_47] {strides = array<i32>} : memref<128xi32, #tpu.memory_space<vmem>>, vector<16xi32>,
      %swap3A_49 = vector.shape_cast %swap3A_48 : vector<16xi32> to vector<16xi32>
      %swap3A_50 = vector.shape_cast %shift_right_logical3A_46 : vector<16xi32> to vector<16xi32>
      tpu.vector_store %arg7[%swap3A_47], %swap3A_50 {strides = array<i32>} : memref<128xi32, #tpu.memory_space<vmem>>, vector<16xi32>,
      %get3A_51 = arith.index_cast %while3A_20 : i32 to index
      %get3A_52 = arith.constant 48 : index
      %get3A_53 = tpu.vector_load %arg6[%get3A_51, %get3A_52] {strides = array<i32>} : memref<94x128xi32, #tpu.memory_space<vmem>>, vector<1x16xi32>,
      %get3A_54 = vector.shape_cast %get3A_53 : vector<1x16xi32> to vector<16xi32>
      %shift_right_logical3A_55 = arith.constant 14 : i32
      %shift_right_logical3A_56 = vector.broadcast %shift_right_logical3A_55 : i32 to vector<16xi32>
      %shift_right_logical3A_57 = arith.shrui %get3A_54, %shift_right_logical3A_56 : vector<16xi32>
      %swap3A_58 = arith.constant 48 : index
      %swap3A_59 = tpu.vector_load %arg7[%swap3A_58] {strides = array<i32>} : memref<128xi32, #tpu.memory_space<vmem>>, vector<16xi32>,
      %swap3A_60 = vector.shape_cast %swap3A_59 : vector<16xi32> to vector<16xi32>
      %swap3A_61 = vector.shape_cast %shift_right_logical3A_57 : vector<16xi32> to vector<16xi32>
      tpu.vector_store %arg7[%swap3A_58], %swap3A_61 {strides = array<i32>} : memref<128xi32, #tpu.memory_space<vmem>>, vector<16xi32>,
      %get3A_62 = arith.index_cast %while3A_20 : i32 to index
      %get3A_63 = arith.constant 64 : index
      %get3A_64 = tpu.vector_load %arg6[%get3A_62, %get3A_63] {strides = array<i32>} : memref<94x128xi32, #tpu.memory_space<vmem>>, vector<1x16xi32>,
      %get3A_65 = vector.shape_cast %get3A_64 : vector<1x16xi32> to vector<16xi32>
      %shift_right_logical3A_66 = arith.constant 14 : i32
      %shift_right_logical3A_67 = vector.broadcast %shift_right_logical3A_66 : i32 to vector<16xi32>
      %shift_right_logical3A_68 = arith.shrui %get3A_65, %shift_right_logical3A_67 : vector<16xi32>
      %swap3A_69 = arith.constant 64 : index
      %swap3A_70 = tpu.vector_load %arg7[%swap3A_69] {strides = array<i32>} : memref<128xi32, #tpu.memory_space<vmem>>, vector<16xi32>,
      %swap3A_71 = vector.shape_cast %swap3A_70 : vector<16xi32> to vector<16xi32>
      %swap3A_72 = vector.shape_cast %shift_right_logical3A_68 : vector<16xi32> to vector<16xi32>
      tpu.vector_store %arg7[%swap3A_69], %swap3A_72 {strides = array<i32>} : memref<128xi32, #tpu.memory_space<vmem>>, vector<16xi32>,
      %get3A_73 = arith.index_cast %while3A_20 : i32 to index
      %get3A_74 = arith.constant 80 : index
      %get3A_75 = tpu.vector_load %arg6[%get3A_73, %get3A_74] {strides = array<i32>} : memref<94x128xi32, #tpu.memory_space<vmem>>, vector<1x16xi32>,
      %get3A_76 = vector.shape_cast %get3A_75 : vector<1x16xi32> to vector<16xi32>
      %shift_right_logical3A_77 = arith.constant 14 : i32
      %shift_right_logical3A_78 = vector.broadcast %shift_right_logical3A_77 : i32 to vector<16xi32>
      %shift_right_logical3A_79 = arith.shrui %get3A_76, %shift_right_logical3A_78 : vector<16xi32>
      %swap3A_80 = arith.constant 80 : index
      %swap3A_81 = tpu.vector_load %arg7[%swap3A_80] {strides = array<i32>} : memref<128xi32, #tpu.memory_space<vmem>>, vector<16xi32>,
      %swap3A_82 = vector.shape_cast %swap3A_81 : vector<16xi32> to vector<16xi32>
      %swap3A_83 = vector.shape_cast %shift_right_logical3A_79 : vector<16xi32> to vector<16xi32>
      tpu.vector_store %arg7[%swap3A_80], %swap3A_83 {strides = array<i32>} : memref<128xi32, #tpu.memory_space<vmem>>, vector<16xi32>,
      %get3A_84 = arith.index_cast %while3A_20 : i32 to index
      %get3A_85 = arith.constant 96 : index
      %get3A_86 = tpu.vector_load %arg6[%get3A_84, %get3A_85] {strides = array<i32>} : memref<94x128xi32, #tpu.memory_space<vmem>>, vector<1x16xi32>,
      %get3A_87 = vector.shape_cast %get3A_86 : vector<1x16xi32> to vector<16xi32>
      %shift_right_logical3A_88 = arith.constant 14 : i32
      %shift_right_logical3A_89 = vector.broadcast %shift_right_logical3A_88 : i32 to vector<16xi32>
      %shift_right_logical3A_90 = arith.shrui %get3A_87, %shift_right_logical3A_89 : vector<16xi32>
      %swap3A_91 = arith.constant 96 : index
      %swap3A_92 = tpu.vector_load %arg7[%swap3A_91] {strides = array<i32>} : memref<128xi32, #tpu.memory_space<vmem>>, vector<16xi32>,
      %swap3A_93 = vector.shape_cast %swap3A_92 : vector<16xi32> to vector<16xi32>
      %swap3A_94 = vector.shape_cast %shift_right_logical3A_90 : vector<16xi32> to vector<16xi32>
      tpu.vector_store %arg7[%swap3A_91], %swap3A_94 {strides = array<i32>} : memref<128xi32, #tpu.memory_space<vmem>>, vector<16xi32>,
      %get3A_95 = arith.index_cast %while3A_20 : i32 to index
      %get3A_96 = arith.constant 112 : index
      %get3A_97 = tpu.vector_load %arg6[%get3A_95, %get3A_96] {strides = array<i32>} : memref<94x128xi32, #tpu.memory_space<vmem>>, vector<1x16xi32>,
      %get3A_98 = vector.shape_cast %get3A_97 : vector<1x16xi32> to vector<16xi32>
      %shift_right_logical3A_99 = arith.constant 14 : i32
      %shift_right_logical3A_100 = vector.broadcast %shift_right_logical3A_99 : i32 to vector<16xi32>
      %shift_right_logical3A_101 = arith.shrui %get3A_98, %shift_right_logical3A_100 : vector<16xi32>
      %swap3A_102 = arith.constant 112 : index
      %swap3A_103 = tpu.vector_load %arg7[%swap3A_102] {strides = array<i32>} : memref<128xi32, #tpu.memory_space<vmem>>, vector<16xi32>,
      %swap3A_104 = vector.shape_cast %swap3A_103 : vector<16xi32> to vector<16xi32>
      %swap3A_105 = vector.shape_cast %shift_right_logical3A_101 : vector<16xi32> to vector<16xi32>
      tpu.vector_store %arg7[%swap3A_102], %swap3A_105 {strides = array<i32>} : memref<128xi32, #tpu.memory_space<vmem>>, vector<16xi32>,
      %dma_start3A = arith.constant 0 : i32
      %dma_start3A_106 = arith.constant 0 : i32
      %dma_start3A_107 = tpu.memref_slice %arg2[%dma_start3A, %dma_start3A_106] : memref<70000x128xf32, #tpu.memory_space<hbm>> -> memref<70000x128xf32, #tpu.memory_space<hbm>>
      tpu.enqueue_indirect_dma source(%dma_start3A_107 : memref<70000x128xf32, #tpu.memory_space<hbm>>) target(%arg9 : memref<128x128xf32, #tpu.memory_space<vmem>>) offsets(%arg7 : memref<128xi32, #tpu.memory_space<vmem>>) semaphore(%arg11 : memref<!tpu.dma_semaphore, #tpu.memory_space<semaphore_mem>>)
      %get3A_108 = arith.index_cast %while3A_20 : i32 to index
      %get3A_109 = arith.constant 0 : index
      %get3A_110 = tpu.vector_load %arg6[%get3A_108, %get3A_109] {strides = array<i32>} : memref<94x128xi32, #tpu.memory_space<vmem>>, vector<1x16xi32>,
      %get3A_111 = vector.shape_cast %get3A_110 : vector<1x16xi32> to vector<16xi32>
      %and3A = arith.constant 16383 : i32
      %and3A_112 = vector.broadcast %and3A : i32 to vector<16xi32>
      %and3A_113 = arith.andi %get3A_111, %and3A_112 : vector<16xi32>
      %swap3A_114 = arith.constant 0 : index
      %swap3A_115 = tpu.vector_load %arg8[%swap3A_114] {strides = array<i32>} : memref<128xi32, #tpu.memory_space<vmem>>, vector<16xi32>,
      %swap3A_116 = vector.shape_cast %swap3A_115 : vector<16xi32> to vector<16xi32>
      %swap3A_117 = vector.shape_cast %and3A_113 : vector<16xi32> to vector<16xi32>
      tpu.vector_store %arg8[%swap3A_114], %swap3A_117 {strides = array<i32>} : memref<128xi32, #tpu.memory_space<vmem>>, vector<16xi32>,
      %get3A_118 = arith.index_cast %while3A_20 : i32 to index
      %get3A_119 = arith.constant 16 : index
      %get3A_120 = tpu.vector_load %arg6[%get3A_118, %get3A_119] {strides = array<i32>} : memref<94x128xi32, #tpu.memory_space<vmem>>, vector<1x16xi32>,
      %get3A_121 = vector.shape_cast %get3A_120 : vector<1x16xi32> to vector<16xi32>
      %and3A_122 = arith.constant 16383 : i32
      %and3A_123 = vector.broadcast %and3A_122 : i32 to vector<16xi32>
      %and3A_124 = arith.andi %get3A_121, %and3A_123 : vector<16xi32>
      %swap3A_125 = arith.constant 16 : index
      %swap3A_126 = tpu.vector_load %arg8[%swap3A_125] {strides = array<i32>} : memref<128xi32, #tpu.memory_space<vmem>>, vector<16xi32>,
      %swap3A_127 = vector.shape_cast %swap3A_126 : vector<16xi32> to vector<16xi32>
      %swap3A_128 = vector.shape_cast %and3A_124 : vector<16xi32> to vector<16xi32>
      tpu.vector_store %arg8[%swap3A_125], %swap3A_128 {strides = array<i32>} : memref<128xi32, #tpu.memory_space<vmem>>, vector<16xi32>,
      %get3A_129 = arith.index_cast %while3A_20 : i32 to index
      %get3A_130 = arith.constant 32 : index
      %get3A_131 = tpu.vector_load %arg6[%get3A_129, %get3A_130] {strides = array<i32>} : memref<94x128xi32, #tpu.memory_space<vmem>>, vector<1x16xi32>,
      %get3A_132 = vector.shape_cast %get3A_131 : vector<1x16xi32> to vector<16xi32>
      %and3A_133 = arith.constant 16383 : i32
      %and3A_134 = vector.broadcast %and3A_133 : i32 to vector<16xi32>
      %and3A_135 = arith.andi %get3A_132, %and3A_134 : vector<16xi32>
      %swap3A_136 = arith.constant 32 : index
      %swap3A_137 = tpu.vector_load %arg8[%swap3A_136] {strides = array<i32>} : memref<128xi32, #tpu.memory_space<vmem>>, vector<16xi32>,
      %swap3A_138 = vector.shape_cast %swap3A_137 : vector<16xi32> to vector<16xi32>
      %swap3A_139 = vector.shape_cast %and3A_135 : vector<16xi32> to vector<16xi32>
      tpu.vector_store %arg8[%swap3A_136], %swap3A_139 {strides = array<i32>} : memref<128xi32, #tpu.memory_space<vmem>>, vector<16xi32>,
      %get3A_140 = arith.index_cast %while3A_20 : i32 to index
      %get3A_141 = arith.constant 48 : index
      %get3A_142 = tpu.vector_load %arg6[%get3A_140, %get3A_141] {strides = array<i32>} : memref<94x128xi32, #tpu.memory_space<vmem>>, vector<1x16xi32>,
      %get3A_143 = vector.shape_cast %get3A_142 : vector<1x16xi32> to vector<16xi32>
      %and3A_144 = arith.constant 16383 : i32
      %and3A_145 = vector.broadcast %and3A_144 : i32 to vector<16xi32>
      %and3A_146 = arith.andi %get3A_143, %and3A_145 : vector<16xi32>
      %swap3A_147 = arith.constant 48 : index
      %swap3A_148 = tpu.vector_load %arg8[%swap3A_147] {strides = array<i32>} : memref<128xi32, #tpu.memory_space<vmem>>, vector<16xi32>,
      %swap3A_149 = vector.shape_cast %swap3A_148 : vector<16xi32> to vector<16xi32>
      %swap3A_150 = vector.shape_cast %and3A_146 : vector<16xi32> to vector<16xi32>
      tpu.vector_store %arg8[%swap3A_147], %swap3A_150 {strides = array<i32>} : memref<128xi32, #tpu.memory_space<vmem>>, vector<16xi32>,
      %get3A_151 = arith.index_cast %while3A_20 : i32 to index
      %get3A_152 = arith.constant 64 : index
      %get3A_153 = tpu.vector_load %arg6[%get3A_151, %get3A_152] {strides = array<i32>} : memref<94x128xi32, #tpu.memory_space<vmem>>, vector<1x16xi32>,
      %get3A_154 = vector.shape_cast %get3A_153 : vector<1x16xi32> to vector<16xi32>
      %and3A_155 = arith.constant 16383 : i32
      %and3A_156 = vector.broadcast %and3A_155 : i32 to vector<16xi32>
      %and3A_157 = arith.andi %get3A_154, %and3A_156 : vector<16xi32>
      %swap3A_158 = arith.constant 64 : index
      %swap3A_159 = tpu.vector_load %arg8[%swap3A_158] {strides = array<i32>} : memref<128xi32, #tpu.memory_space<vmem>>, vector<16xi32>,
      %swap3A_160 = vector.shape_cast %swap3A_159 : vector<16xi32> to vector<16xi32>
      %swap3A_161 = vector.shape_cast %and3A_157 : vector<16xi32> to vector<16xi32>
      tpu.vector_store %arg8[%swap3A_158], %swap3A_161 {strides = array<i32>} : memref<128xi32, #tpu.memory_space<vmem>>, vector<16xi32>,
      %get3A_162 = arith.index_cast %while3A_20 : i32 to index
      %get3A_163 = arith.constant 80 : index
      %get3A_164 = tpu.vector_load %arg6[%get3A_162, %get3A_163] {strides = array<i32>} : memref<94x128xi32, #tpu.memory_space<vmem>>, vector<1x16xi32>,
      %get3A_165 = vector.shape_cast %get3A_164 : vector<1x16xi32> to vector<16xi32>
      %and3A_166 = arith.constant 16383 : i32
      %and3A_167 = vector.broadcast %and3A_166 : i32 to vector<16xi32>
      %and3A_168 = arith.andi %get3A_165, %and3A_167 : vector<16xi32>
      %swap3A_169 = arith.constant 80 : index
      %swap3A_170 = tpu.vector_load %arg8[%swap3A_169] {strides = array<i32>} : memref<128xi32, #tpu.memory_space<vmem>>, vector<16xi32>,
      %swap3A_171 = vector.shape_cast %swap3A_170 : vector<16xi32> to vector<16xi32>
      %swap3A_172 = vector.shape_cast %and3A_168 : vector<16xi32> to vector<16xi32>
      tpu.vector_store %arg8[%swap3A_169], %swap3A_172 {strides = array<i32>} : memref<128xi32, #tpu.memory_space<vmem>>, vector<16xi32>,
      %get3A_173 = arith.index_cast %while3A_20 : i32 to index
      %get3A_174 = arith.constant 96 : index
      %get3A_175 = tpu.vector_load %arg6[%get3A_173, %get3A_174] {strides = array<i32>} : memref<94x128xi32, #tpu.memory_space<vmem>>, vector<1x16xi32>,
      %get3A_176 = vector.shape_cast %get3A_175 : vector<1x16xi32> to vector<16xi32>
      %and3A_177 = arith.constant 16383 : i32
      %and3A_178 = vector.broadcast %and3A_177 : i32 to vector<16xi32>
      %and3A_179 = arith.andi %get3A_176, %and3A_178 : vector<16xi32>
      %swap3A_180 = arith.constant 96 : index
      %swap3A_181 = tpu.vector_load %arg8[%swap3A_180] {strides = array<i32>} : memref<128xi32, #tpu.memory_space<vmem>>, vector<16xi32>,
      %swap3A_182 = vector.shape_cast %swap3A_181 : vector<16xi32> to vector<16xi32>
      %swap3A_183 = vector.shape_cast %and3A_179 : vector<16xi32> to vector<16xi32>
      tpu.vector_store %arg8[%swap3A_180], %swap3A_183 {strides = array<i32>} : memref<128xi32, #tpu.memory_space<vmem>>, vector<16xi32>,
      %get3A_184 = arith.index_cast %while3A_20 : i32 to index
      %get3A_185 = arith.constant 112 : index
      %get3A_186 = tpu.vector_load %arg6[%get3A_184, %get3A_185] {strides = array<i32>} : memref<94x128xi32, #tpu.memory_space<vmem>>, vector<1x16xi32>,
      %get3A_187 = vector.shape_cast %get3A_186 : vector<1x16xi32> to vector<16xi32>
      %and3A_188 = arith.constant 16383 : i32
      %and3A_189 = vector.broadcast %and3A_188 : i32 to vector<16xi32>
      %and3A_190 = arith.andi %get3A_187, %and3A_189 : vector<16xi32>
      %swap3A_191 = arith.constant 112 : index
      %swap3A_192 = tpu.vector_load %arg8[%swap3A_191] {strides = array<i32>} : memref<128xi32, #tpu.memory_space<vmem>>, vector<16xi32>,
      %swap3A_193 = vector.shape_cast %swap3A_192 : vector<16xi32> to vector<16xi32>
      %swap3A_194 = vector.shape_cast %and3A_190 : vector<16xi32> to vector<16xi32>
      tpu.vector_store %arg8[%swap3A_191], %swap3A_194 {strides = array<i32>} : memref<128xi32, #tpu.memory_space<vmem>>, vector<16xi32>,
      %dma_wait3A = arith.constant 0 : i32
      %dma_wait3A_195 = arith.constant 0 : i32
      %dma_wait3A_196 = tpu.memref_slice %arg2[%dma_wait3A, %dma_wait3A_195] : memref<70000x128xf32, #tpu.memory_space<hbm>> -> memref<70000x128xf32, #tpu.memory_space<hbm>>
      tpu.wait_indirect_dma semaphore(%arg11 : memref<!tpu.dma_semaphore, #tpu.memory_space<semaphore_mem>>) src(%dma_wait3A_196 : memref<70000x128xf32, #tpu.memory_space<hbm>>) dst(%arg9 : memref<128x128xf32, #tpu.memory_space<vmem>>)
      %dma_start3A_197 = arith.constant 0 : i32
      %dma_start3A_198 = arith.constant 0 : i32
      %dma_start3A_199 = tpu.memref_slice %arg10[%dma_start3A_197, %dma_start3A_198] : memref<10112x128xf32, #tpu.memory_space<vmem_shared>> -> memref<10112x128xf32, #tpu.memory_space<vmem_shared>>
      tpu.enqueue_indirect_dma source(%arg9 : memref<128x128xf32, #tpu.memory_space<vmem>>) target(%dma_start3A_199 : memref<10112x128xf32, #tpu.memory_space<vmem_shared>>) offsets(%arg8 : memref<128xi32, #tpu.memory_space<vmem>>) semaphore(%arg12 : memref<!tpu.dma_semaphore, #tpu.memory_space<semaphore_mem>>) {add = true}
      %dma_wait3A_200 = arith.constant 0 : i32
      %dma_wait3A_201 = arith.constant 0 : i32
      %dma_wait3A_202 = tpu.memref_slice %arg10[%dma_wait3A_200, %dma_wait3A_201] : memref<10112x128xf32, #tpu.memory_space<vmem_shared>> -> memref<10112x128xf32, #tpu.memory_space<vmem_shared>>
      tpu.wait_indirect_dma semaphore(%arg12 : memref<!tpu.dma_semaphore, #tpu.memory_space<semaphore_mem>>) src(%arg9 : memref<128x128xf32, #tpu.memory_space<vmem>>) dst(%dma_wait3A_202 : memref<10112x128xf32, #tpu.memory_space<vmem_shared>>)
    }
    %while3A_14 = arith.constant 1 : i32
    scf.for %while3A_20 = %while3A_12 to %while3A_8 step %while3A_14  : i32 {
      %get3A = arith.index_cast %while3A_20 : i32 to index
      %get3A_21 = arith.constant 0 : index
      %get3A_22 = tpu.vector_load %arg6[%get3A, %get3A_21] {strides = array<i32>} : memref<94x128xi32, #tpu.memory_space<vmem>>, vector<1x16xi32>,
      %get3A_23 = vector.shape_cast %get3A_22 : vector<1x16xi32> to vector<16xi32>
      %shift_right_logical3A = arith.constant 14 : i32
      %shift_right_logical3A_24 = vector.broadcast %shift_right_logical3A : i32 to vector<16xi32>
      %shift_right_logical3A_25 = arith.shrui %get3A_23, %shift_right_logical3A_24 : vector<16xi32>
      %swap3A = arith.constant 0 : index
      %swap3A_26 = tpu.vector_load %arg7[%swap3A] {strides = array<i32>} : memref<128xi32, #tpu.memory_space<vmem>>, vector<16xi32>,
      %swap3A_27 = vector.shape_cast %swap3A_26 : vector<16xi32> to vector<16xi32>
      %swap3A_28 = vector.shape_cast %shift_right_logical3A_25 : vector<16xi32> to vector<16xi32>
      tpu.vector_store %arg7[%swap3A], %swap3A_28 {strides = array<i32>} : memref<128xi32, #tpu.memory_space<vmem>>, vector<16xi32>,
      %get3A_29 = arith.index_cast %while3A_20 : i32 to index
      %get3A_30 = arith.constant 16 : index
      %get3A_31 = tpu.vector_load %arg6[%get3A_29, %get3A_30] {strides = array<i32>} : memref<94x128xi32, #tpu.memory_space<vmem>>, vector<1x16xi32>,
      %get3A_32 = vector.shape_cast %get3A_31 : vector<1x16xi32> to vector<16xi32>
      %shift_right_logical3A_33 = arith.constant 14 : i32
      %shift_right_logical3A_34 = vector.broadcast %shift_right_logical3A_33 : i32 to vector<16xi32>
      %shift_right_logical3A_35 = arith.shrui %get3A_32, %shift_right_logical3A_34 : vector<16xi32>
      %swap3A_36 = arith.constant 16 : index
      %swap3A_37 = tpu.vector_load %arg7[%swap3A_36] {strides = array<i32>} : memref<128xi32, #tpu.memory_space<vmem>>, vector<16xi32>,
      %swap3A_38 = vector.shape_cast %swap3A_37 : vector<16xi32> to vector<16xi32>
      %swap3A_39 = vector.shape_cast %shift_right_logical3A_35 : vector<16xi32> to vector<16xi32>
      tpu.vector_store %arg7[%swap3A_36], %swap3A_39 {strides = array<i32>} : memref<128xi32, #tpu.memory_space<vmem>>, vector<16xi32>,
      %get3A_40 = arith.index_cast %while3A_20 : i32 to index
      %get3A_41 = arith.constant 32 : index
      %get3A_42 = tpu.vector_load %arg6[%get3A_40, %get3A_41] {strides = array<i32>} : memref<94x128xi32, #tpu.memory_space<vmem>>, vector<1x16xi32>,
      %get3A_43 = vector.shape_cast %get3A_42 : vector<1x16xi32> to vector<16xi32>
      %shift_right_logical3A_44 = arith.constant 14 : i32
      %shift_right_logical3A_45 = vector.broadcast %shift_right_logical3A_44 : i32 to vector<16xi32>
      %shift_right_logical3A_46 = arith.shrui %get3A_43, %shift_right_logical3A_45 : vector<16xi32>
      %swap3A_47 = arith.constant 32 : index
      %swap3A_48 = tpu.vector_load %arg7[%swap3A_47] {strides = array<i32>} : memref<128xi32, #tpu.memory_space<vmem>>, vector<16xi32>,
      %swap3A_49 = vector.shape_cast %swap3A_48 : vector<16xi32> to vector<16xi32>
      %swap3A_50 = vector.shape_cast %shift_right_logical3A_46 : vector<16xi32> to vector<16xi32>
      tpu.vector_store %arg7[%swap3A_47], %swap3A_50 {strides = array<i32>} : memref<128xi32, #tpu.memory_space<vmem>>, vector<16xi32>,
      %get3A_51 = arith.index_cast %while3A_20 : i32 to index
      %get3A_52 = arith.constant 48 : index
      %get3A_53 = tpu.vector_load %arg6[%get3A_51, %get3A_52] {strides = array<i32>} : memref<94x128xi32, #tpu.memory_space<vmem>>, vector<1x16xi32>,
      %get3A_54 = vector.shape_cast %get3A_53 : vector<1x16xi32> to vector<16xi32>
      %shift_right_logical3A_55 = arith.constant 14 : i32
      %shift_right_logical3A_56 = vector.broadcast %shift_right_logical3A_55 : i32 to vector<16xi32>
      %shift_right_logical3A_57 = arith.shrui %get3A_54, %shift_right_logical3A_56 : vector<16xi32>
      %swap3A_58 = arith.constant 48 : index
      %swap3A_59 = tpu.vector_load %arg7[%swap3A_58] {strides = array<i32>} : memref<128xi32, #tpu.memory_space<vmem>>, vector<16xi32>,
      %swap3A_60 = vector.shape_cast %swap3A_59 : vector<16xi32> to vector<16xi32>
      %swap3A_61 = vector.shape_cast %shift_right_logical3A_57 : vector<16xi32> to vector<16xi32>
      tpu.vector_store %arg7[%swap3A_58], %swap3A_61 {strides = array<i32>} : memref<128xi32, #tpu.memory_space<vmem>>, vector<16xi32>,
      %get3A_62 = arith.index_cast %while3A_20 : i32 to index
      %get3A_63 = arith.constant 64 : index
      %get3A_64 = tpu.vector_load %arg6[%get3A_62, %get3A_63] {strides = array<i32>} : memref<94x128xi32, #tpu.memory_space<vmem>>, vector<1x16xi32>,
      %get3A_65 = vector.shape_cast %get3A_64 : vector<1x16xi32> to vector<16xi32>
      %shift_right_logical3A_66 = arith.constant 14 : i32
      %shift_right_logical3A_67 = vector.broadcast %shift_right_logical3A_66 : i32 to vector<16xi32>
      %shift_right_logical3A_68 = arith.shrui %get3A_65, %shift_right_logical3A_67 : vector<16xi32>
      %swap3A_69 = arith.constant 64 : index
      %swap3A_70 = tpu.vector_load %arg7[%swap3A_69] {strides = array<i32>} : memref<128xi32, #tpu.memory_space<vmem>>, vector<16xi32>,
      %swap3A_71 = vector.shape_cast %swap3A_70 : vector<16xi32> to vector<16xi32>
      %swap3A_72 = vector.shape_cast %shift_right_logical3A_68 : vector<16xi32> to vector<16xi32>
      tpu.vector_store %arg7[%swap3A_69], %swap3A_72 {strides = array<i32>} : memref<128xi32, #tpu.memory_space<vmem>>, vector<16xi32>,
      %get3A_73 = arith.index_cast %while3A_20 : i32 to index
      %get3A_74 = arith.constant 80 : index
      %get3A_75 = tpu.vector_load %arg6[%get3A_73, %get3A_74] {strides = array<i32>} : memref<94x128xi32, #tpu.memory_space<vmem>>, vector<1x16xi32>,
      %get3A_76 = vector.shape_cast %get3A_75 : vector<1x16xi32> to vector<16xi32>
      %shift_right_logical3A_77 = arith.constant 14 : i32
      %shift_right_logical3A_78 = vector.broadcast %shift_right_logical3A_77 : i32 to vector<16xi32>
      %shift_right_logical3A_79 = arith.shrui %get3A_76, %shift_right_logical3A_78 : vector<16xi32>
      %swap3A_80 = arith.constant 80 : index
      %swap3A_81 = tpu.vector_load %arg7[%swap3A_80] {strides = array<i32>} : memref<128xi32, #tpu.memory_space<vmem>>, vector<16xi32>,
      %swap3A_82 = vector.shape_cast %swap3A_81 : vector<16xi32> to vector<16xi32>
      %swap3A_83 = vector.shape_cast %shift_right_logical3A_79 : vector<16xi32> to vector<16xi32>
      tpu.vector_store %arg7[%swap3A_80], %swap3A_83 {strides = array<i32>} : memref<128xi32, #tpu.memory_space<vmem>>, vector<16xi32>,
      %get3A_84 = arith.index_cast %while3A_20 : i32 to index
      %get3A_85 = arith.constant 96 : index
      %get3A_86 = tpu.vector_load %arg6[%get3A_84, %get3A_85] {strides = array<i32>} : memref<94x128xi32, #tpu.memory_space<vmem>>, vector<1x16xi32>,
      %get3A_87 = vector.shape_cast %get3A_86 : vector<1x16xi32> to vector<16xi32>
      %shift_right_logical3A_88 = arith.constant 14 : i32
      %shift_right_logical3A_89 = vector.broadcast %shift_right_logical3A_88 : i32 to vector<16xi32>
      %shift_right_logical3A_90 = arith.shrui %get3A_87, %shift_right_logical3A_89 : vector<16xi32>
      %swap3A_91 = arith.constant 96 : index
      %swap3A_92 = tpu.vector_load %arg7[%swap3A_91] {strides = array<i32>} : memref<128xi32, #tpu.memory_space<vmem>>, vector<16xi32>,
      %swap3A_93 = vector.shape_cast %swap3A_92 : vector<16xi32> to vector<16xi32>
      %swap3A_94 = vector.shape_cast %shift_right_logical3A_90 : vector<16xi32> to vector<16xi32>
      tpu.vector_store %arg7[%swap3A_91], %swap3A_94 {strides = array<i32>} : memref<128xi32, #tpu.memory_space<vmem>>, vector<16xi32>,
      %get3A_95 = arith.index_cast %while3A_20 : i32 to index
      %get3A_96 = arith.constant 112 : index
      %get3A_97 = tpu.vector_load %arg6[%get3A_95, %get3A_96] {strides = array<i32>} : memref<94x128xi32, #tpu.memory_space<vmem>>, vector<1x16xi32>,
      %get3A_98 = vector.shape_cast %get3A_97 : vector<1x16xi32> to vector<16xi32>
      %shift_right_logical3A_99 = arith.constant 14 : i32
      %shift_right_logical3A_100 = vector.broadcast %shift_right_logical3A_99 : i32 to vector<16xi32>
      %shift_right_logical3A_101 = arith.shrui %get3A_98, %shift_right_logical3A_100 : vector<16xi32>
      %swap3A_102 = arith.constant 112 : index
      %swap3A_103 = tpu.vector_load %arg7[%swap3A_102] {strides = array<i32>} : memref<128xi32, #tpu.memory_space<vmem>>, vector<16xi32>,
      %swap3A_104 = vector.shape_cast %swap3A_103 : vector<16xi32> to vector<16xi32>
      %swap3A_105 = vector.shape_cast %shift_right_logical3A_101 : vector<16xi32> to vector<16xi32>
      tpu.vector_store %arg7[%swap3A_102], %swap3A_105 {strides = array<i32>} : memref<128xi32, #tpu.memory_space<vmem>>, vector<16xi32>,
      %dma_start3A = arith.constant 0 : i32
      %dma_start3A_106 = arith.constant 0 : i32
      %dma_start3A_107 = tpu.memref_slice %arg2[%dma_start3A, %dma_start3A_106] : memref<70000x128xf32, #tpu.memory_space<hbm>> -> memref<70000x128xf32, #tpu.memory_space<hbm>>
      tpu.enqueue_indirect_dma source(%dma_start3A_107 : memref<70000x128xf32, #tpu.memory_space<hbm>>) target(%arg9 : memref<128x128xf32, #tpu.memory_space<vmem>>) offsets(%arg7 : memref<128xi32, #tpu.memory_space<vmem>>) semaphore(%arg11 : memref<!tpu.dma_semaphore, #tpu.memory_space<semaphore_mem>>)
      %get3A_108 = arith.index_cast %while3A_20 : i32 to index
      %get3A_109 = arith.constant 0 : index
      %get3A_110 = tpu.vector_load %arg6[%get3A_108, %get3A_109] {strides = array<i32>} : memref<94x128xi32, #tpu.memory_space<vmem>>, vector<1x16xi32>,
      %get3A_111 = vector.shape_cast %get3A_110 : vector<1x16xi32> to vector<16xi32>
      %and3A = arith.constant 16383 : i32
      %and3A_112 = vector.broadcast %and3A : i32 to vector<16xi32>
      %and3A_113 = arith.andi %get3A_111, %and3A_112 : vector<16xi32>
      %swap3A_114 = arith.constant 0 : index
      %swap3A_115 = tpu.vector_load %arg8[%swap3A_114] {strides = array<i32>} : memref<128xi32, #tpu.memory_space<vmem>>, vector<16xi32>,
      %swap3A_116 = vector.shape_cast %swap3A_115 : vector<16xi32> to vector<16xi32>
      %swap3A_117 = vector.shape_cast %and3A_113 : vector<16xi32> to vector<16xi32>
      tpu.vector_store %arg8[%swap3A_114], %swap3A_117 {strides = array<i32>} : memref<128xi32, #tpu.memory_space<vmem>>, vector<16xi32>,
      %get3A_118 = arith.index_cast %while3A_20 : i32 to index
      %get3A_119 = arith.constant 16 : index
      %get3A_120 = tpu.vector_load %arg6[%get3A_118, %get3A_119] {strides = array<i32>} : memref<94x128xi32, #tpu.memory_space<vmem>>, vector<1x16xi32>,
      %get3A_121 = vector.shape_cast %get3A_120 : vector<1x16xi32> to vector<16xi32>
      %and3A_122 = arith.constant 16383 : i32
      %and3A_123 = vector.broadcast %and3A_122 : i32 to vector<16xi32>
      %and3A_124 = arith.andi %get3A_121, %and3A_123 : vector<16xi32>
      %swap3A_125 = arith.constant 16 : index
      %swap3A_126 = tpu.vector_load %arg8[%swap3A_125] {strides = array<i32>} : memref<128xi32, #tpu.memory_space<vmem>>, vector<16xi32>,
      %swap3A_127 = vector.shape_cast %swap3A_126 : vector<16xi32> to vector<16xi32>
      %swap3A_128 = vector.shape_cast %and3A_124 : vector<16xi32> to vector<16xi32>
      tpu.vector_store %arg8[%swap3A_125], %swap3A_128 {strides = array<i32>} : memref<128xi32, #tpu.memory_space<vmem>>, vector<16xi32>,
      %get3A_129 = arith.index_cast %while3A_20 : i32 to index
      %get3A_130 = arith.constant 32 : index
      %get3A_131 = tpu.vector_load %arg6[%get3A_129, %get3A_130] {strides = array<i32>} : memref<94x128xi32, #tpu.memory_space<vmem>>, vector<1x16xi32>,
      %get3A_132 = vector.shape_cast %get3A_131 : vector<1x16xi32> to vector<16xi32>
      %and3A_133 = arith.constant 16383 : i32
      %and3A_134 = vector.broadcast %and3A_133 : i32 to vector<16xi32>
      %and3A_135 = arith.andi %get3A_132, %and3A_134 : vector<16xi32>
      %swap3A_136 = arith.constant 32 : index
      %swap3A_137 = tpu.vector_load %arg8[%swap3A_136] {strides = array<i32>} : memref<128xi32, #tpu.memory_space<vmem>>, vector<16xi32>,
      %swap3A_138 = vector.shape_cast %swap3A_137 : vector<16xi32> to vector<16xi32>
      %swap3A_139 = vector.shape_cast %and3A_135 : vector<16xi32> to vector<16xi32>
      tpu.vector_store %arg8[%swap3A_136], %swap3A_139 {strides = array<i32>} : memref<128xi32, #tpu.memory_space<vmem>>, vector<16xi32>,
      %get3A_140 = arith.index_cast %while3A_20 : i32 to index
      %get3A_141 = arith.constant 48 : index
      %get3A_142 = tpu.vector_load %arg6[%get3A_140, %get3A_141] {strides = array<i32>} : memref<94x128xi32, #tpu.memory_space<vmem>>, vector<1x16xi32>,
      %get3A_143 = vector.shape_cast %get3A_142 : vector<1x16xi32> to vector<16xi32>
      %and3A_144 = arith.constant 16383 : i32
      %and3A_145 = vector.broadcast %and3A_144 : i32 to vector<16xi32>
      %and3A_146 = arith.andi %get3A_143, %and3A_145 : vector<16xi32>
      %swap3A_147 = arith.constant 48 : index
      %swap3A_148 = tpu.vector_load %arg8[%swap3A_147] {strides = array<i32>} : memref<128xi32, #tpu.memory_space<vmem>>, vector<16xi32>,
      %swap3A_149 = vector.shape_cast %swap3A_148 : vector<16xi32> to vector<16xi32>
      %swap3A_150 = vector.shape_cast %and3A_146 : vector<16xi32> to vector<16xi32>
      tpu.vector_store %arg8[%swap3A_147], %swap3A_150 {strides = array<i32>} : memref<128xi32, #tpu.memory_space<vmem>>, vector<16xi32>,
      %get3A_151 = arith.index_cast %while3A_20 : i32 to index
      %get3A_152 = arith.constant 64 : index
      %get3A_153 = tpu.vector_load %arg6[%get3A_151, %get3A_152] {strides = array<i32>} : memref<94x128xi32, #tpu.memory_space<vmem>>, vector<1x16xi32>,
      %get3A_154 = vector.shape_cast %get3A_153 : vector<1x16xi32> to vector<16xi32>
      %and3A_155 = arith.constant 16383 : i32
      %and3A_156 = vector.broadcast %and3A_155 : i32 to vector<16xi32>
      %and3A_157 = arith.andi %get3A_154, %and3A_156 : vector<16xi32>
      %swap3A_158 = arith.constant 64 : index
      %swap3A_159 = tpu.vector_load %arg8[%swap3A_158] {strides = array<i32>} : memref<128xi32, #tpu.memory_space<vmem>>, vector<16xi32>,
      %swap3A_160 = vector.shape_cast %swap3A_159 : vector<16xi32> to vector<16xi32>
      %swap3A_161 = vector.shape_cast %and3A_157 : vector<16xi32> to vector<16xi32>
      tpu.vector_store %arg8[%swap3A_158], %swap3A_161 {strides = array<i32>} : memref<128xi32, #tpu.memory_space<vmem>>, vector<16xi32>,
      %get3A_162 = arith.index_cast %while3A_20 : i32 to index
      %get3A_163 = arith.constant 80 : index
      %get3A_164 = tpu.vector_load %arg6[%get3A_162, %get3A_163] {strides = array<i32>} : memref<94x128xi32, #tpu.memory_space<vmem>>, vector<1x16xi32>,
      %get3A_165 = vector.shape_cast %get3A_164 : vector<1x16xi32> to vector<16xi32>
      %and3A_166 = arith.constant 16383 : i32
      %and3A_167 = vector.broadcast %and3A_166 : i32 to vector<16xi32>
      %and3A_168 = arith.andi %get3A_165, %and3A_167 : vector<16xi32>
      %swap3A_169 = arith.constant 80 : index
      %swap3A_170 = tpu.vector_load %arg8[%swap3A_169] {strides = array<i32>} : memref<128xi32, #tpu.memory_space<vmem>>, vector<16xi32>,
      %swap3A_171 = vector.shape_cast %swap3A_170 : vector<16xi32> to vector<16xi32>
      %swap3A_172 = vector.shape_cast %and3A_168 : vector<16xi32> to vector<16xi32>
      tpu.vector_store %arg8[%swap3A_169], %swap3A_172 {strides = array<i32>} : memref<128xi32, #tpu.memory_space<vmem>>, vector<16xi32>,
      %get3A_173 = arith.index_cast %while3A_20 : i32 to index
      %get3A_174 = arith.constant 96 : index
      %get3A_175 = tpu.vector_load %arg6[%get3A_173, %get3A_174] {strides = array<i32>} : memref<94x128xi32, #tpu.memory_space<vmem>>, vector<1x16xi32>,
      %get3A_176 = vector.shape_cast %get3A_175 : vector<1x16xi32> to vector<16xi32>
      %and3A_177 = arith.constant 16383 : i32
      %and3A_178 = vector.broadcast %and3A_177 : i32 to vector<16xi32>
      %and3A_179 = arith.andi %get3A_176, %and3A_178 : vector<16xi32>
      %swap3A_180 = arith.constant 96 : index
      %swap3A_181 = tpu.vector_load %arg8[%swap3A_180] {strides = array<i32>} : memref<128xi32, #tpu.memory_space<vmem>>, vector<16xi32>,
      %swap3A_182 = vector.shape_cast %swap3A_181 : vector<16xi32> to vector<16xi32>
      %swap3A_183 = vector.shape_cast %and3A_179 : vector<16xi32> to vector<16xi32>
      tpu.vector_store %arg8[%swap3A_180], %swap3A_183 {strides = array<i32>} : memref<128xi32, #tpu.memory_space<vmem>>, vector<16xi32>,
      %get3A_184 = arith.index_cast %while3A_20 : i32 to index
      %get3A_185 = arith.constant 112 : index
      %get3A_186 = tpu.vector_load %arg6[%get3A_184, %get3A_185] {strides = array<i32>} : memref<94x128xi32, #tpu.memory_space<vmem>>, vector<1x16xi32>,
      %get3A_187 = vector.shape_cast %get3A_186 : vector<1x16xi32> to vector<16xi32>
      %and3A_188 = arith.constant 16383 : i32
      %and3A_189 = vector.broadcast %and3A_188 : i32 to vector<16xi32>
      %and3A_190 = arith.andi %get3A_187, %and3A_189 : vector<16xi32>
      %swap3A_191 = arith.constant 112 : index
      %swap3A_192 = tpu.vector_load %arg8[%swap3A_191] {strides = array<i32>} : memref<128xi32, #tpu.memory_space<vmem>>, vector<16xi32>,
      %swap3A_193 = vector.shape_cast %swap3A_192 : vector<16xi32> to vector<16xi32>
      %swap3A_194 = vector.shape_cast %and3A_190 : vector<16xi32> to vector<16xi32>
      tpu.vector_store %arg8[%swap3A_191], %swap3A_194 {strides = array<i32>} : memref<128xi32, #tpu.memory_space<vmem>>, vector<16xi32>,
      %dma_wait3A = arith.constant 0 : i32
      %dma_wait3A_195 = arith.constant 0 : i32
      %dma_wait3A_196 = tpu.memref_slice %arg2[%dma_wait3A, %dma_wait3A_195] : memref<70000x128xf32, #tpu.memory_space<hbm>> -> memref<70000x128xf32, #tpu.memory_space<hbm>>
      tpu.wait_indirect_dma semaphore(%arg11 : memref<!tpu.dma_semaphore, #tpu.memory_space<semaphore_mem>>) src(%dma_wait3A_196 : memref<70000x128xf32, #tpu.memory_space<hbm>>) dst(%arg9 : memref<128x128xf32, #tpu.memory_space<vmem>>)
      %dma_start3A_197 = arith.constant 0 : i32
      %dma_start3A_198 = arith.constant 0 : i32
      %dma_start3A_199 = tpu.memref_slice %arg10[%dma_start3A_197, %dma_start3A_198] : memref<10112x128xf32, #tpu.memory_space<vmem_shared>> -> memref<10112x128xf32, #tpu.memory_space<vmem_shared>>
      tpu.enqueue_indirect_dma source(%arg9 : memref<128x128xf32, #tpu.memory_space<vmem>>) target(%dma_start3A_199 : memref<10112x128xf32, #tpu.memory_space<vmem_shared>>) offsets(%arg8 : memref<128xi32, #tpu.memory_space<vmem>>) semaphore(%arg12 : memref<!tpu.dma_semaphore, #tpu.memory_space<semaphore_mem>>) {add = true}
      %dma_wait3A_200 = arith.constant 0 : i32
      %dma_wait3A_201 = arith.constant 0 : i32
      %dma_wait3A_202 = tpu.memref_slice %arg10[%dma_wait3A_200, %dma_wait3A_201] : memref<10112x128xf32, #tpu.memory_space<vmem_shared>> -> memref<10112x128xf32, #tpu.memory_space<vmem_shared>>
      tpu.wait_indirect_dma semaphore(%arg12 : memref<!tpu.dma_semaphore, #tpu.memory_space<semaphore_mem>>) src(%arg9 : memref<128x128xf32, #tpu.memory_space<vmem>>) dst(%dma_wait3A_202 : memref<10112x128xf32, #tpu.memory_space<vmem_shared>>)
    }
    %barrier3A_15 = arith.constant 0 : index
    tpu.barrier barrier_id(%barrier3A_15)
    %mul3A_16 = arith.constant 632 : i32
    %mul3A_17 = arith.muli %arg1, %mul3A_16 : i32
    %mul3A_18 = arith.constant 632 : i32
    %mul3A_19 = arith.muli %arg1, %mul3A_18 : i32
    "tpu.region"() ({
      %run_scoped3A = tpu.sem_alloc : memref<!tpu.dma_semaphore, #tpu.memory_space<semaphore_mem>>
      %dma_start3A = arith.constant 0 : i32
      %dma_start3A_20 = tpu.memref_slice %arg5[%arg0, %mul3A_19, %dma_start3A] : memref<2x10112x128xf32, #tpu.memory_space<hbm>> -> memref<1x632x128xf32, #tpu.memory_space<hbm>>
      %dma_start3A_21 = tpu.memref_squeeze %dma_start3A_20 : memref<1x632x128xf32, #tpu.memory_space<hbm>> -> memref<632x128xf32, #tpu.memory_space<hbm>>
      %dma_start3A_22 = arith.constant 0 : i32
      %dma_start3A_23 = tpu.memref_slice %arg10[%mul3A_17, %dma_start3A_22] : memref<10112x128xf32, #tpu.memory_space<vmem_shared>> -> memref<632x128xf32, #tpu.memory_space<vmem_shared>>
      tpu.enqueue_dma source(%dma_start3A_23 : memref<632x128xf32, #tpu.memory_space<vmem_shared>>) target(%dma_start3A_21 : memref<632x128xf32, #tpu.memory_space<hbm>>) target_semaphore(%run_scoped3A : memref<!tpu.dma_semaphore, #tpu.memory_space<semaphore_mem>>)
      %dma_wait3A = arith.constant 0 : i32
      %dma_wait3A_24 = tpu.memref_slice %arg5[%arg0, %mul3A_19, %dma_wait3A] : memref<2x10112x128xf32, #tpu.memory_space<hbm>> -> memref<1x632x128xf32, #tpu.memory_space<hbm>>
      %dma_wait3A_25 = tpu.memref_squeeze %dma_wait3A_24 : memref<1x632x128xf32, #tpu.memory_space<hbm>> -> memref<632x128xf32, #tpu.memory_space<hbm>>
      %dma_wait3A_26 = arith.constant 0 : i32
      %dma_wait3A_27 = tpu.memref_slice %arg10[%mul3A_17, %dma_wait3A_26] : memref<10112x128xf32, #tpu.memory_space<vmem_shared>> -> memref<632x128xf32, #tpu.memory_space<vmem_shared>>
      tpu.wait_dma2 semaphore(%run_scoped3A : memref<!tpu.dma_semaphore, #tpu.memory_space<semaphore_mem>>) src(%dma_wait3A_27 : memref<632x128xf32, #tpu.memory_space<vmem_shared>>) dst(%dma_wait3A_25 : memref<632x128xf32, #tpu.memory_space<hbm>>)
      tpu.yield
    }) : () -> ()
    return
  }
}

#map = affine_map<(d0, d1) -> (0, 0)>
#map1 = affine_map<(d0, d1) -> (0, 0, 0)>
module attributes {stable_mosaic.version = 14 : i64} {
  func.func @k(%arg0: i32, %arg1: i32, %arg2: memref<70000x128xf32, #tpu.memory_space<hbm>>, %arg3: memref<32x94x128xi32, #tpu.memory_space<hbm>>, %arg4: memref<632x128xf32, #tpu.memory_space<hbm>>, %arg5: memref<2x10112x128xf32, #tpu.memory_space<hbm>>, %arg6: memref<94x128xi32, #tpu.memory_space<vmem>>, %arg7: memref<128xi32, #tpu.memory_space<vmem>>, %arg8: memref<128xi32, #tpu.memory_space<vmem>>, %arg9: memref<128x128xf32, #tpu.memory_space<vmem>>, %arg10: memref<10112x128xf32, #tpu.memory_space<vmem_shared>>, %arg11: memref<!tpu.dma_semaphore, #tpu.memory_space<semaphore_mem>>, %arg12: memref<!tpu.dma_semaphore, #tpu.memory_space<semaphore_mem>>) attributes {dimension_semantics = [#tpu.dimension_semantics<core_parallel>, #tpu.dimension_semantics<subcore_parallel>], iteration_bounds = array<i64: 2, 16>, scalar_prefetch = 0 : i64, scratch_operands = 7 : i64, tpu.core_type = #tpu.core_type<sc_vector_subcore>, window_params = [{transform_indices = #map}, {transform_indices = #map1}, {transform_indices = #map}, {transform_indices = #map1}]} {
    %mul3A = arith.constant 16 : i32
    %mul3A_0 = arith.muli %arg0, %mul3A : i32
    %add3A = arith.addi %mul3A_0, %arg1 : i32
    "tpu.region"() ({
      %run_scoped3A = tpu.sem_alloc : memref<!tpu.dma_semaphore, #tpu.memory_space<semaphore_mem>>
      %dma_start3A = arith.constant 0 : i32
      %dma_start3A_20 = arith.constant 0 : i32
      %dma_start3A_21 = tpu.memref_slice %arg3[%add3A, %dma_start3A, %dma_start3A_20] : memref<32x94x128xi32, #tpu.memory_space<hbm>> -> memref<1x94x128xi32, #tpu.memory_space<hbm>>
      %dma_start3A_22 = tpu.memref_squeeze %dma_start3A_21 : memref<1x94x128xi32, #tpu.memory_space<hbm>> -> memref<94x128xi32, #tpu.memory_space<hbm>>
      %dma_start3A_23 = arith.constant 0 : i32
      %dma_start3A_24 = arith.constant 0 : i32
      %dma_start3A_25 = tpu.memref_slice %arg3[%add3A, %dma_start3A_23, %dma_start3A_24] : memref<32x94x128xi32, #tpu.memory_space<hbm>> -> memref<1x94x128xi32, #tpu.memory_space<hbm>>
      %dma_start3A_26 = tpu.memref_squeeze %dma_start3A_25 : memref<1x94x128xi32, #tpu.memory_space<hbm>> -> memref<94x128xi32, #tpu.memory_space<hbm>>
      tpu.enqueue_dma source(%dma_start3A_26 : memref<94x128xi32, #tpu.memory_space<hbm>>) target(%arg6 : memref<94x128xi32, #tpu.memory_space<vmem>>) target_semaphore(%run_scoped3A : memref<!tpu.dma_semaphore, #tpu.memory_space<semaphore_mem>>)
      %dma_wait3A = arith.constant 0 : i32
      %dma_wait3A_27 = arith.constant 0 : i32
      %dma_wait3A_28 = tpu.memref_slice %arg3[%add3A, %dma_wait3A, %dma_wait3A_27] : memref<32x94x128xi32, #tpu.memory_space<hbm>> -> memref<1x94x128xi32, #tpu.memory_space<hbm>>
      %dma_wait3A_29 = tpu.memref_squeeze %dma_wait3A_28 : memref<1x94x128xi32, #tpu.memory_space<hbm>> -> memref<94x128xi32, #tpu.memory_space<hbm>>
      %dma_wait3A_30 = arith.constant 0 : i32
      %dma_wait3A_31 = arith.constant 0 : i32
      %dma_wait3A_32 = tpu.memref_slice %arg3[%add3A, %dma_wait3A_30, %dma_wait3A_31] : memref<32x94x128xi32, #tpu.memory_space<hbm>> -> memref<1x94x128xi32, #tpu.memory_space<hbm>>
      %dma_wait3A_33 = tpu.memref_squeeze %dma_wait3A_32 : memref<1x94x128xi32, #tpu.memory_space<hbm>> -> memref<94x128xi32, #tpu.memory_space<hbm>>
      tpu.wait_dma2 semaphore(%run_scoped3A : memref<!tpu.dma_semaphore, #tpu.memory_space<semaphore_mem>>) src(%dma_wait3A_33 : memref<94x128xi32, #tpu.memory_space<hbm>>) dst(%arg6 : memref<94x128xi32, #tpu.memory_space<vmem>>)
      tpu.yield
    }) : () -> ()
    %mul3A_1 = arith.constant 632 : i32
    %mul3A_2 = arith.muli %arg1, %mul3A_1 : i32
    "tpu.region"() ({
      %run_scoped3A = tpu.sem_alloc : memref<!tpu.dma_semaphore, #tpu.memory_space<semaphore_mem>>
      %dma_start3A = arith.constant 0 : i32
      %dma_start3A_20 = tpu.memref_slice %arg10[%mul3A_2, %dma_start3A] : memref<10112x128xf32, #tpu.memory_space<vmem_shared>> -> memref<632x128xf32, #tpu.memory_space<vmem_shared>>
      tpu.enqueue_dma source(%arg4 : memref<632x128xf32, #tpu.memory_space<hbm>>) target(%dma_start3A_20 : memref<632x128xf32, #tpu.memory_space<vmem_shared>>) target_semaphore(%run_scoped3A : memref<!tpu.dma_semaphore, #tpu.memory_space<semaphore_mem>>)
      %dma_wait3A = arith.constant 0 : i32
      %dma_wait3A_21 = tpu.memref_slice %arg10[%mul3A_2, %dma_wait3A] : memref<10112x128xf32, #tpu.memory_space<vmem_shared>> -> memref<632x128xf32, #tpu.memory_space<vmem_shared>>
      tpu.wait_dma2 semaphore(%run_scoped3A : memref<!tpu.dma_semaphore, #tpu.memory_space<semaphore_mem>>) src(%arg4 : memref<632x128xf32, #tpu.memory_space<hbm>>) dst(%dma_wait3A_21 : memref<632x128xf32, #tpu.memory_space<vmem_shared>>)
      tpu.yield
    }) : () -> ()
    %barrier3A = arith.constant 0 : index
    tpu.barrier barrier_id(%barrier3A)
    %eq3A = arith.constant 0 : i32
    %eq3A_3 = arith.cmpi eq, %arg0, %eq3A : i32
    %select_n3A = arith.constant 63 : i32
    %select_n3A_4 = arith.constant 94 : i32
    %select_n3A_5 = arith.select %eq3A_3, %select_n3A_4, %select_n3A : i32
    %while3A = arith.constant 0 : i32
    %while3A_6 = arith.constant 0 : i32
    %while3A_7 = arith.subi %select_n3A_5, %while3A_6 : i32
    %while3A_8 = arith.addi %while3A_6, %while3A_7 : i32
    %while3A_9 = arith.constant 1 : i32
    %while3A_10 = arith.divsi %while3A_7, %while3A_9 : i32
    %while3A_11 = arith.muli %while3A_10, %while3A_9 : i32
    %while3A_12 = arith.addi %while3A_6, %while3A_11 : i32
    %while3A_13 = arith.constant 1 : i32
    scf.for %while3A_20 = %while3A_6 to %while3A_12 step %while3A_13  : i32 {
      %get3A = arith.index_cast %while3A_20 : i32 to index
      %get3A_21 = arith.constant 0 : index
      %get3A_22 = tpu.vector_load %arg6[%get3A, %get3A_21] {strides = array<i32>} : memref<94x128xi32, #tpu.memory_space<vmem>>, vector<1x16xi32>,
      %get3A_23 = vector.shape_cast %get3A_22 : vector<1x16xi32> to vector<16xi32>
      %shift_right_logical3A = arith.constant 14 : i32
      %shift_right_logical3A_24 = vector.broadcast %shift_right_logical3A : i32 to vector<16xi32>
      %shift_right_logical3A_25 = arith.shrui %get3A_23, %shift_right_logical3A_24 : vector<16xi32>
      %swap3A = arith.constant 0 : index
      %swap3A_26 = tpu.vector_load %arg7[%swap3A] {strides = array<i32>} : memref<128xi32, #tpu.memory_space<vmem>>, vector<16xi32>,
      %swap3A_27 = vector.shape_cast %swap3A_26 : vector<16xi32> to vector<16xi32>
      %swap3A_28 = vector.shape_cast %shift_right_logical3A_25 : vector<16xi32> to vector<16xi32>
      tpu.vector_store %arg7[%swap3A], %swap3A_28 {strides = array<i32>} : memref<128xi32, #tpu.memory_space<vmem>>, vector<16xi32>,
      %get3A_29 = arith.index_cast %while3A_20 : i32 to index
      %get3A_30 = arith.constant 16 : index
      %get3A_31 = tpu.vector_load %arg6[%get3A_29, %get3A_30] {strides = array<i32>} : memref<94x128xi32, #tpu.memory_space<vmem>>, vector<1x16xi32>,
      %get3A_32 = vector.shape_cast %get3A_31 : vector<1x16xi32> to vector<16xi32>
      %shift_right_logical3A_33 = arith.constant 14 : i32
      %shift_right_logical3A_34 = vector.broadcast %shift_right_logical3A_33 : i32 to vector<16xi32>
      %shift_right_logical3A_35 = arith.shrui %get3A_32, %shift_right_logical3A_34 : vector<16xi32>
      %swap3A_36 = arith.constant 16 : index
      %swap3A_37 = tpu.vector_load %arg7[%swap3A_36] {strides = array<i32>} : memref<128xi32, #tpu.memory_space<vmem>>, vector<16xi32>,
      %swap3A_38 = vector.shape_cast %swap3A_37 : vector<16xi32> to vector<16xi32>
      %swap3A_39 = vector.shape_cast %shift_right_logical3A_35 : vector<16xi32> to vector<16xi32>
      tpu.vector_store %arg7[%swap3A_36], %swap3A_39 {strides = array<i32>} : memref<128xi32, #tpu.memory_space<vmem>>, vector<16xi32>,
      %get3A_40 = arith.index_cast %while3A_20 : i32 to index
      %get3A_41 = arith.constant 32 : index
      %get3A_42 = tpu.vector_load %arg6[%get3A_40, %get3A_41] {strides = array<i32>} : memref<94x128xi32, #tpu.memory_space<vmem>>, vector<1x16xi32>,
      %get3A_43 = vector.shape_cast %get3A_42 : vector<1x16xi32> to vector<16xi32>
      %shift_right_logical3A_44 = arith.constant 14 : i32
      %shift_right_logical3A_45 = vector.broadcast %shift_right_logical3A_44 : i32 to vector<16xi32>
      %shift_right_logical3A_46 = arith.shrui %get3A_43, %shift_right_logical3A_45 : vector<16xi32>
      %swap3A_47 = arith.constant 32 : index
      %swap3A_48 = tpu.vector_load %arg7[%swap3A_47] {strides = array<i32>} : memref<128xi32, #tpu.memory_space<vmem>>, vector<16xi32>,
      %swap3A_49 = vector.shape_cast %swap3A_48 : vector<16xi32> to vector<16xi32>
      %swap3A_50 = vector.shape_cast %shift_right_logical3A_46 : vector<16xi32> to vector<16xi32>
      tpu.vector_store %arg7[%swap3A_47], %swap3A_50 {strides = array<i32>} : memref<128xi32, #tpu.memory_space<vmem>>, vector<16xi32>,
      %get3A_51 = arith.index_cast %while3A_20 : i32 to index
      %get3A_52 = arith.constant 48 : index
      %get3A_53 = tpu.vector_load %arg6[%get3A_51, %get3A_52] {strides = array<i32>} : memref<94x128xi32, #tpu.memory_space<vmem>>, vector<1x16xi32>,
      %get3A_54 = vector.shape_cast %get3A_53 : vector<1x16xi32> to vector<16xi32>
      %shift_right_logical3A_55 = arith.constant 14 : i32
      %shift_right_logical3A_56 = vector.broadcast %shift_right_logical3A_55 : i32 to vector<16xi32>
      %shift_right_logical3A_57 = arith.shrui %get3A_54, %shift_right_logical3A_56 : vector<16xi32>
      %swap3A_58 = arith.constant 48 : index
      %swap3A_59 = tpu.vector_load %arg7[%swap3A_58] {strides = array<i32>} : memref<128xi32, #tpu.memory_space<vmem>>, vector<16xi32>,
      %swap3A_60 = vector.shape_cast %swap3A_59 : vector<16xi32> to vector<16xi32>
      %swap3A_61 = vector.shape_cast %shift_right_logical3A_57 : vector<16xi32> to vector<16xi32>
      tpu.vector_store %arg7[%swap3A_58], %swap3A_61 {strides = array<i32>} : memref<128xi32, #tpu.memory_space<vmem>>, vector<16xi32>,
      %get3A_62 = arith.index_cast %while3A_20 : i32 to index
      %get3A_63 = arith.constant 64 : index
      %get3A_64 = tpu.vector_load %arg6[%get3A_62, %get3A_63] {strides = array<i32>} : memref<94x128xi32, #tpu.memory_space<vmem>>, vector<1x16xi32>,
      %get3A_65 = vector.shape_cast %get3A_64 : vector<1x16xi32> to vector<16xi32>
      %shift_right_logical3A_66 = arith.constant 14 : i32
      %shift_right_logical3A_67 = vector.broadcast %shift_right_logical3A_66 : i32 to vector<16xi32>
      %shift_right_logical3A_68 = arith.shrui %get3A_65, %shift_right_logical3A_67 : vector<16xi32>
      %swap3A_69 = arith.constant 64 : index
      %swap3A_70 = tpu.vector_load %arg7[%swap3A_69] {strides = array<i32>} : memref<128xi32, #tpu.memory_space<vmem>>, vector<16xi32>,
      %swap3A_71 = vector.shape_cast %swap3A_70 : vector<16xi32> to vector<16xi32>
      %swap3A_72 = vector.shape_cast %shift_right_logical3A_68 : vector<16xi32> to vector<16xi32>
      tpu.vector_store %arg7[%swap3A_69], %swap3A_72 {strides = array<i32>} : memref<128xi32, #tpu.memory_space<vmem>>, vector<16xi32>,
      %get3A_73 = arith.index_cast %while3A_20 : i32 to index
      %get3A_74 = arith.constant 80 : index
      %get3A_75 = tpu.vector_load %arg6[%get3A_73, %get3A_74] {strides = array<i32>} : memref<94x128xi32, #tpu.memory_space<vmem>>, vector<1x16xi32>,
      %get3A_76 = vector.shape_cast %get3A_75 : vector<1x16xi32> to vector<16xi32>
      %shift_right_logical3A_77 = arith.constant 14 : i32
      %shift_right_logical3A_78 = vector.broadcast %shift_right_logical3A_77 : i32 to vector<16xi32>
      %shift_right_logical3A_79 = arith.shrui %get3A_76, %shift_right_logical3A_78 : vector<16xi32>
      %swap3A_80 = arith.constant 80 : index
      %swap3A_81 = tpu.vector_load %arg7[%swap3A_80] {strides = array<i32>} : memref<128xi32, #tpu.memory_space<vmem>>, vector<16xi32>,
      %swap3A_82 = vector.shape_cast %swap3A_81 : vector<16xi32> to vector<16xi32>
      %swap3A_83 = vector.shape_cast %shift_right_logical3A_79 : vector<16xi32> to vector<16xi32>
      tpu.vector_store %arg7[%swap3A_80], %swap3A_83 {strides = array<i32>} : memref<128xi32, #tpu.memory_space<vmem>>, vector<16xi32>,
      %get3A_84 = arith.index_cast %while3A_20 : i32 to index
      %get3A_85 = arith.constant 96 : index
      %get3A_86 = tpu.vector_load %arg6[%get3A_84, %get3A_85] {strides = array<i32>} : memref<94x128xi32, #tpu.memory_space<vmem>>, vector<1x16xi32>,
      %get3A_87 = vector.shape_cast %get3A_86 : vector<1x16xi32> to vector<16xi32>
      %shift_right_logical3A_88 = arith.constant 14 : i32
      %shift_right_logical3A_89 = vector.broadcast %shift_right_logical3A_88 : i32 to vector<16xi32>
      %shift_right_logical3A_90 = arith.shrui %get3A_87, %shift_right_logical3A_89 : vector<16xi32>
      %swap3A_91 = arith.constant 96 : index
      %swap3A_92 = tpu.vector_load %arg7[%swap3A_91] {strides = array<i32>} : memref<128xi32, #tpu.memory_space<vmem>>, vector<16xi32>,
      %swap3A_93 = vector.shape_cast %swap3A_92 : vector<16xi32> to vector<16xi32>
      %swap3A_94 = vector.shape_cast %shift_right_logical3A_90 : vector<16xi32> to vector<16xi32>
      tpu.vector_store %arg7[%swap3A_91], %swap3A_94 {strides = array<i32>} : memref<128xi32, #tpu.memory_space<vmem>>, vector<16xi32>,
      %get3A_95 = arith.index_cast %while3A_20 : i32 to index
      %get3A_96 = arith.constant 112 : index
      %get3A_97 = tpu.vector_load %arg6[%get3A_95, %get3A_96] {strides = array<i32>} : memref<94x128xi32, #tpu.memory_space<vmem>>, vector<1x16xi32>,
      %get3A_98 = vector.shape_cast %get3A_97 : vector<1x16xi32> to vector<16xi32>
      %shift_right_logical3A_99 = arith.constant 14 : i32
      %shift_right_logical3A_100 = vector.broadcast %shift_right_logical3A_99 : i32 to vector<16xi32>
      %shift_right_logical3A_101 = arith.shrui %get3A_98, %shift_right_logical3A_100 : vector<16xi32>
      %swap3A_102 = arith.constant 112 : index
      %swap3A_103 = tpu.vector_load %arg7[%swap3A_102] {strides = array<i32>} : memref<128xi32, #tpu.memory_space<vmem>>, vector<16xi32>,
      %swap3A_104 = vector.shape_cast %swap3A_103 : vector<16xi32> to vector<16xi32>
      %swap3A_105 = vector.shape_cast %shift_right_logical3A_101 : vector<16xi32> to vector<16xi32>
      tpu.vector_store %arg7[%swap3A_102], %swap3A_105 {strides = array<i32>} : memref<128xi32, #tpu.memory_space<vmem>>, vector<16xi32>,
      %dma_start3A = arith.constant 0 : i32
      %dma_start3A_106 = arith.constant 0 : i32
      %dma_start3A_107 = tpu.memref_slice %arg2[%dma_start3A, %dma_start3A_106] : memref<70000x128xf32, #tpu.memory_space<hbm>> -> memref<70000x128xf32, #tpu.memory_space<hbm>>
      tpu.enqueue_indirect_dma source(%dma_start3A_107 : memref<70000x128xf32, #tpu.memory_space<hbm>>) target(%arg9 : memref<128x128xf32, #tpu.memory_space<vmem>>) offsets(%arg7 : memref<128xi32, #tpu.memory_space<vmem>>) semaphore(%arg11 : memref<!tpu.dma_semaphore, #tpu.memory_space<semaphore_mem>>)
      %get3A_108 = arith.index_cast %while3A_20 : i32 to index
      %get3A_109 = arith.constant 0 : index
      %get3A_110 = tpu.vector_load %arg6[%get3A_108, %get3A_109] {strides = array<i32>} : memref<94x128xi32, #tpu.memory_space<vmem>>, vector<1x16xi32>,
      %get3A_111 = vector.shape_cast %get3A_110 : vector<1x16xi32> to vector<16xi32>
      %and3A = arith.constant 16383 : i32
      %and3A_112 = vector.broadcast %and3A : i32 to vector<16xi32>
      %and3A_113 = arith.andi %get3A_111, %and3A_112 : vector<16xi32>
      %swap3A_114 = arith.constant 0 : index
      %swap3A_115 = tpu.vector_load %arg8[%swap3A_114] {strides = array<i32>} : memref<128xi32, #tpu.memory_space<vmem>>, vector<16xi32>,
      %swap3A_116 = vector.shape_cast %swap3A_115 : vector<16xi32> to vector<16xi32>
      %swap3A_117 = vector.shape_cast %and3A_113 : vector<16xi32> to vector<16xi32>
      tpu.vector_store %arg8[%swap3A_114], %swap3A_117 {strides = array<i32>} : memref<128xi32, #tpu.memory_space<vmem>>, vector<16xi32>,
      %get3A_118 = arith.index_cast %while3A_20 : i32 to index
      %get3A_119 = arith.constant 16 : index
      %get3A_120 = tpu.vector_load %arg6[%get3A_118, %get3A_119] {strides = array<i32>} : memref<94x128xi32, #tpu.memory_space<vmem>>, vector<1x16xi32>,
      %get3A_121 = vector.shape_cast %get3A_120 : vector<1x16xi32> to vector<16xi32>
      %and3A_122 = arith.constant 16383 : i32
      %and3A_123 = vector.broadcast %and3A_122 : i32 to vector<16xi32>
      %and3A_124 = arith.andi %get3A_121, %and3A_123 : vector<16xi32>
      %swap3A_125 = arith.constant 16 : index
      %swap3A_126 = tpu.vector_load %arg8[%swap3A_125] {strides = array<i32>} : memref<128xi32, #tpu.memory_space<vmem>>, vector<16xi32>,
      %swap3A_127 = vector.shape_cast %swap3A_126 : vector<16xi32> to vector<16xi32>
      %swap3A_128 = vector.shape_cast %and3A_124 : vector<16xi32> to vector<16xi32>
      tpu.vector_store %arg8[%swap3A_125], %swap3A_128 {strides = array<i32>} : memref<128xi32, #tpu.memory_space<vmem>>, vector<16xi32>,
      %get3A_129 = arith.index_cast %while3A_20 : i32 to index
      %get3A_130 = arith.constant 32 : index
      %get3A_131 = tpu.vector_load %arg6[%get3A_129, %get3A_130] {strides = array<i32>} : memref<94x128xi32, #tpu.memory_space<vmem>>, vector<1x16xi32>,
      %get3A_132 = vector.shape_cast %get3A_131 : vector<1x16xi32> to vector<16xi32>
      %and3A_133 = arith.constant 16383 : i32
      %and3A_134 = vector.broadcast %and3A_133 : i32 to vector<16xi32>
      %and3A_135 = arith.andi %get3A_132, %and3A_134 : vector<16xi32>
      %swap3A_136 = arith.constant 32 : index
      %swap3A_137 = tpu.vector_load %arg8[%swap3A_136] {strides = array<i32>} : memref<128xi32, #tpu.memory_space<vmem>>, vector<16xi32>,
      %swap3A_138 = vector.shape_cast %swap3A_137 : vector<16xi32> to vector<16xi32>
      %swap3A_139 = vector.shape_cast %and3A_135 : vector<16xi32> to vector<16xi32>
      tpu.vector_store %arg8[%swap3A_136], %swap3A_139 {strides = array<i32>} : memref<128xi32, #tpu.memory_space<vmem>>, vector<16xi32>,
      %get3A_140 = arith.index_cast %while3A_20 : i32 to index
      %get3A_141 = arith.constant 48 : index
      %get3A_142 = tpu.vector_load %arg6[%get3A_140, %get3A_141] {strides = array<i32>} : memref<94x128xi32, #tpu.memory_space<vmem>>, vector<1x16xi32>,
      %get3A_143 = vector.shape_cast %get3A_142 : vector<1x16xi32> to vector<16xi32>
      %and3A_144 = arith.constant 16383 : i32
      %and3A_145 = vector.broadcast %and3A_144 : i32 to vector<16xi32>
      %and3A_146 = arith.andi %get3A_143, %and3A_145 : vector<16xi32>
      %swap3A_147 = arith.constant 48 : index
      %swap3A_148 = tpu.vector_load %arg8[%swap3A_147] {strides = array<i32>} : memref<128xi32, #tpu.memory_space<vmem>>, vector<16xi32>,
      %swap3A_149 = vector.shape_cast %swap3A_148 : vector<16xi32> to vector<16xi32>
      %swap3A_150 = vector.shape_cast %and3A_146 : vector<16xi32> to vector<16xi32>
      tpu.vector_store %arg8[%swap3A_147], %swap3A_150 {strides = array<i32>} : memref<128xi32, #tpu.memory_space<vmem>>, vector<16xi32>,
      %get3A_151 = arith.index_cast %while3A_20 : i32 to index
      %get3A_152 = arith.constant 64 : index
      %get3A_153 = tpu.vector_load %arg6[%get3A_151, %get3A_152] {strides = array<i32>} : memref<94x128xi32, #tpu.memory_space<vmem>>, vector<1x16xi32>,
      %get3A_154 = vector.shape_cast %get3A_153 : vector<1x16xi32> to vector<16xi32>
      %and3A_155 = arith.constant 16383 : i32
      %and3A_156 = vector.broadcast %and3A_155 : i32 to vector<16xi32>
      %and3A_157 = arith.andi %get3A_154, %and3A_156 : vector<16xi32>
      %swap3A_158 = arith.constant 64 : index
      %swap3A_159 = tpu.vector_load %arg8[%swap3A_158] {strides = array<i32>} : memref<128xi32, #tpu.memory_space<vmem>>, vector<16xi32>,
      %swap3A_160 = vector.shape_cast %swap3A_159 : vector<16xi32> to vector<16xi32>
      %swap3A_161 = vector.shape_cast %and3A_157 : vector<16xi32> to vector<16xi32>
      tpu.vector_store %arg8[%swap3A_158], %swap3A_161 {strides = array<i32>} : memref<128xi32, #tpu.memory_space<vmem>>, vector<16xi32>,
      %get3A_162 = arith.index_cast %while3A_20 : i32 to index
      %get3A_163 = arith.constant 80 : index
      %get3A_164 = tpu.vector_load %arg6[%get3A_162, %get3A_163] {strides = array<i32>} : memref<94x128xi32, #tpu.memory_space<vmem>>, vector<1x16xi32>,
      %get3A_165 = vector.shape_cast %get3A_164 : vector<1x16xi32> to vector<16xi32>
      %and3A_166 = arith.constant 16383 : i32
      %and3A_167 = vector.broadcast %and3A_166 : i32 to vector<16xi32>
      %and3A_168 = arith.andi %get3A_165, %and3A_167 : vector<16xi32>
      %swap3A_169 = arith.constant 80 : index
      %swap3A_170 = tpu.vector_load %arg8[%swap3A_169] {strides = array<i32>} : memref<128xi32, #tpu.memory_space<vmem>>, vector<16xi32>,
      %swap3A_171 = vector.shape_cast %swap3A_170 : vector<16xi32> to vector<16xi32>
      %swap3A_172 = vector.shape_cast %and3A_168 : vector<16xi32> to vector<16xi32>
      tpu.vector_store %arg8[%swap3A_169], %swap3A_172 {strides = array<i32>} : memref<128xi32, #tpu.memory_space<vmem>>, vector<16xi32>,
      %get3A_173 = arith.index_cast %while3A_20 : i32 to index
      %get3A_174 = arith.constant 96 : index
      %get3A_175 = tpu.vector_load %arg6[%get3A_173, %get3A_174] {strides = array<i32>} : memref<94x128xi32, #tpu.memory_space<vmem>>, vector<1x16xi32>,
      %get3A_176 = vector.shape_cast %get3A_175 : vector<1x16xi32> to vector<16xi32>
      %and3A_177 = arith.constant 16383 : i32
      %and3A_178 = vector.broadcast %and3A_177 : i32 to vector<16xi32>
      %and3A_179 = arith.andi %get3A_176, %and3A_178 : vector<16xi32>
      %swap3A_180 = arith.constant 96 : index
      %swap3A_181 = tpu.vector_load %arg8[%swap3A_180] {strides = array<i32>} : memref<128xi32, #tpu.memory_space<vmem>>, vector<16xi32>,
      %swap3A_182 = vector.shape_cast %swap3A_181 : vector<16xi32> to vector<16xi32>
      %swap3A_183 = vector.shape_cast %and3A_179 : vector<16xi32> to vector<16xi32>
      tpu.vector_store %arg8[%swap3A_180], %swap3A_183 {strides = array<i32>} : memref<128xi32, #tpu.memory_space<vmem>>, vector<16xi32>,
      %get3A_184 = arith.index_cast %while3A_20 : i32 to index
      %get3A_185 = arith.constant 112 : index
      %get3A_186 = tpu.vector_load %arg6[%get3A_184, %get3A_185] {strides = array<i32>} : memref<94x128xi32, #tpu.memory_space<vmem>>, vector<1x16xi32>,
      %get3A_187 = vector.shape_cast %get3A_186 : vector<1x16xi32> to vector<16xi32>
      %and3A_188 = arith.constant 16383 : i32
      %and3A_189 = vector.broadcast %and3A_188 : i32 to vector<16xi32>
      %and3A_190 = arith.andi %get3A_187, %and3A_189 : vector<16xi32>
      %swap3A_191 = arith.constant 112 : index
      %swap3A_192 = tpu.vector_load %arg8[%swap3A_191] {strides = array<i32>} : memref<128xi32, #tpu.memory_space<vmem>>, vector<16xi32>,
      %swap3A_193 = vector.shape_cast %swap3A_192 : vector<16xi32> to vector<16xi32>
      %swap3A_194 = vector.shape_cast %and3A_190 : vector<16xi32> to vector<16xi32>
      tpu.vector_store %arg8[%swap3A_191], %swap3A_194 {strides = array<i32>} : memref<128xi32, #tpu.memory_space<vmem>>, vector<16xi32>,
      %dma_wait3A = arith.constant 0 : i32
      %dma_wait3A_195 = arith.constant 0 : i32
      %dma_wait3A_196 = tpu.memref_slice %arg2[%dma_wait3A, %dma_wait3A_195] : memref<70000x128xf32, #tpu.memory_space<hbm>> -> memref<70000x128xf32, #tpu.memory_space<hbm>>
      tpu.wait_indirect_dma semaphore(%arg11 : memref<!tpu.dma_semaphore, #tpu.memory_space<semaphore_mem>>) src(%dma_wait3A_196 : memref<70000x128xf32, #tpu.memory_space<hbm>>) dst(%arg9 : memref<128x128xf32, #tpu.memory_space<vmem>>)
      %dma_start3A_197 = arith.constant 0 : i32
      %dma_start3A_198 = arith.constant 0 : i32
      %dma_start3A_199 = tpu.memref_slice %arg10[%dma_start3A_197, %dma_start3A_198] : memref<10112x128xf32, #tpu.memory_space<vmem_shared>> -> memref<10112x128xf32, #tpu.memory_space<vmem_shared>>
      tpu.enqueue_indirect_dma source(%arg9 : memref<128x128xf32, #tpu.memory_space<vmem>>) target(%dma_start3A_199 : memref<10112x128xf32, #tpu.memory_space<vmem_shared>>) offsets(%arg8 : memref<128xi32, #tpu.memory_space<vmem>>) semaphore(%arg12 : memref<!tpu.dma_semaphore, #tpu.memory_space<semaphore_mem>>) {add = true}
      %dma_wait3A_200 = arith.constant 0 : i32
      %dma_wait3A_201 = arith.constant 0 : i32
      %dma_wait3A_202 = tpu.memref_slice %arg10[%dma_wait3A_200, %dma_wait3A_201] : memref<10112x128xf32, #tpu.memory_space<vmem_shared>> -> memref<10112x128xf32, #tpu.memory_space<vmem_shared>>
      tpu.wait_indirect_dma semaphore(%arg12 : memref<!tpu.dma_semaphore, #tpu.memory_space<semaphore_mem>>) src(%arg9 : memref<128x128xf32, #tpu.memory_space<vmem>>) dst(%dma_wait3A_202 : memref<10112x128xf32, #tpu.memory_space<vmem_shared>>)
    }
    %while3A_14 = arith.constant 1 : i32
    scf.for %while3A_20 = %while3A_12 to %while3A_8 step %while3A_14  : i32 {
      %get3A = arith.index_cast %while3A_20 : i32 to index
      %get3A_21 = arith.constant 0 : index
      %get3A_22 = tpu.vector_load %arg6[%get3A, %get3A_21] {strides = array<i32>} : memref<94x128xi32, #tpu.memory_space<vmem>>, vector<1x16xi32>,
      %get3A_23 = vector.shape_cast %get3A_22 : vector<1x16xi32> to vector<16xi32>
      %shift_right_logical3A = arith.constant 14 : i32
      %shift_right_logical3A_24 = vector.broadcast %shift_right_logical3A : i32 to vector<16xi32>
      %shift_right_logical3A_25 = arith.shrui %get3A_23, %shift_right_logical3A_24 : vector<16xi32>
      %swap3A = arith.constant 0 : index
      %swap3A_26 = tpu.vector_load %arg7[%swap3A] {strides = array<i32>} : memref<128xi32, #tpu.memory_space<vmem>>, vector<16xi32>,
      %swap3A_27 = vector.shape_cast %swap3A_26 : vector<16xi32> to vector<16xi32>
      %swap3A_28 = vector.shape_cast %shift_right_logical3A_25 : vector<16xi32> to vector<16xi32>
      tpu.vector_store %arg7[%swap3A], %swap3A_28 {strides = array<i32>} : memref<128xi32, #tpu.memory_space<vmem>>, vector<16xi32>,
      %get3A_29 = arith.index_cast %while3A_20 : i32 to index
      %get3A_30 = arith.constant 16 : index
      %get3A_31 = tpu.vector_load %arg6[%get3A_29, %get3A_30] {strides = array<i32>} : memref<94x128xi32, #tpu.memory_space<vmem>>, vector<1x16xi32>,
      %get3A_32 = vector.shape_cast %get3A_31 : vector<1x16xi32> to vector<16xi32>
      %shift_right_logical3A_33 = arith.constant 14 : i32
      %shift_right_logical3A_34 = vector.broadcast %shift_right_logical3A_33 : i32 to vector<16xi32>
      %shift_right_logical3A_35 = arith.shrui %get3A_32, %shift_right_logical3A_34 : vector<16xi32>
      %swap3A_36 = arith.constant 16 : index
      %swap3A_37 = tpu.vector_load %arg7[%swap3A_36] {strides = array<i32>} : memref<128xi32, #tpu.memory_space<vmem>>, vector<16xi32>,
      %swap3A_38 = vector.shape_cast %swap3A_37 : vector<16xi32> to vector<16xi32>
      %swap3A_39 = vector.shape_cast %shift_right_logical3A_35 : vector<16xi32> to vector<16xi32>
      tpu.vector_store %arg7[%swap3A_36], %swap3A_39 {strides = array<i32>} : memref<128xi32, #tpu.memory_space<vmem>>, vector<16xi32>,
      %get3A_40 = arith.index_cast %while3A_20 : i32 to index
      %get3A_41 = arith.constant 32 : index
      %get3A_42 = tpu.vector_load %arg6[%get3A_40, %get3A_41] {strides = array<i32>} : memref<94x128xi32, #tpu.memory_space<vmem>>, vector<1x16xi32>,
      %get3A_43 = vector.shape_cast %get3A_42 : vector<1x16xi32> to vector<16xi32>
      %shift_right_logical3A_44 = arith.constant 14 : i32
      %shift_right_logical3A_45 = vector.broadcast %shift_right_logical3A_44 : i32 to vector<16xi32>
      %shift_right_logical3A_46 = arith.shrui %get3A_43, %shift_right_logical3A_45 : vector<16xi32>
      %swap3A_47 = arith.constant 32 : index
      %swap3A_48 = tpu.vector_load %arg7[%swap3A_47] {strides = array<i32>} : memref<128xi32, #tpu.memory_space<vmem>>, vector<16xi32>,
      %swap3A_49 = vector.shape_cast %swap3A_48 : vector<16xi32> to vector<16xi32>
      %swap3A_50 = vector.shape_cast %shift_right_logical3A_46 : vector<16xi32> to vector<16xi32>
      tpu.vector_store %arg7[%swap3A_47], %swap3A_50 {strides = array<i32>} : memref<128xi32, #tpu.memory_space<vmem>>, vector<16xi32>,
      %get3A_51 = arith.index_cast %while3A_20 : i32 to index
      %get3A_52 = arith.constant 48 : index
      %get3A_53 = tpu.vector_load %arg6[%get3A_51, %get3A_52] {strides = array<i32>} : memref<94x128xi32, #tpu.memory_space<vmem>>, vector<1x16xi32>,
      %get3A_54 = vector.shape_cast %get3A_53 : vector<1x16xi32> to vector<16xi32>
      %shift_right_logical3A_55 = arith.constant 14 : i32
      %shift_right_logical3A_56 = vector.broadcast %shift_right_logical3A_55 : i32 to vector<16xi32>
      %shift_right_logical3A_57 = arith.shrui %get3A_54, %shift_right_logical3A_56 : vector<16xi32>
      %swap3A_58 = arith.constant 48 : index
      %swap3A_59 = tpu.vector_load %arg7[%swap3A_58] {strides = array<i32>} : memref<128xi32, #tpu.memory_space<vmem>>, vector<16xi32>,
      %swap3A_60 = vector.shape_cast %swap3A_59 : vector<16xi32> to vector<16xi32>
      %swap3A_61 = vector.shape_cast %shift_right_logical3A_57 : vector<16xi32> to vector<16xi32>
      tpu.vector_store %arg7[%swap3A_58], %swap3A_61 {strides = array<i32>} : memref<128xi32, #tpu.memory_space<vmem>>, vector<16xi32>,
      %get3A_62 = arith.index_cast %while3A_20 : i32 to index
      %get3A_63 = arith.constant 64 : index
      %get3A_64 = tpu.vector_load %arg6[%get3A_62, %get3A_63] {strides = array<i32>} : memref<94x128xi32, #tpu.memory_space<vmem>>, vector<1x16xi32>,
      %get3A_65 = vector.shape_cast %get3A_64 : vector<1x16xi32> to vector<16xi32>
      %shift_right_logical3A_66 = arith.constant 14 : i32
      %shift_right_logical3A_67 = vector.broadcast %shift_right_logical3A_66 : i32 to vector<16xi32>
      %shift_right_logical3A_68 = arith.shrui %get3A_65, %shift_right_logical3A_67 : vector<16xi32>
      %swap3A_69 = arith.constant 64 : index
      %swap3A_70 = tpu.vector_load %arg7[%swap3A_69] {strides = array<i32>} : memref<128xi32, #tpu.memory_space<vmem>>, vector<16xi32>,
      %swap3A_71 = vector.shape_cast %swap3A_70 : vector<16xi32> to vector<16xi32>
      %swap3A_72 = vector.shape_cast %shift_right_logical3A_68 : vector<16xi32> to vector<16xi32>
      tpu.vector_store %arg7[%swap3A_69], %swap3A_72 {strides = array<i32>} : memref<128xi32, #tpu.memory_space<vmem>>, vector<16xi32>,
      %get3A_73 = arith.index_cast %while3A_20 : i32 to index
      %get3A_74 = arith.constant 80 : index
      %get3A_75 = tpu.vector_load %arg6[%get3A_73, %get3A_74] {strides = array<i32>} : memref<94x128xi32, #tpu.memory_space<vmem>>, vector<1x16xi32>,
      %get3A_76 = vector.shape_cast %get3A_75 : vector<1x16xi32> to vector<16xi32>
      %shift_right_logical3A_77 = arith.constant 14 : i32
      %shift_right_logical3A_78 = vector.broadcast %shift_right_logical3A_77 : i32 to vector<16xi32>
      %shift_right_logical3A_79 = arith.shrui %get3A_76, %shift_right_logical3A_78 : vector<16xi32>
      %swap3A_80 = arith.constant 80 : index
      %swap3A_81 = tpu.vector_load %arg7[%swap3A_80] {strides = array<i32>} : memref<128xi32, #tpu.memory_space<vmem>>, vector<16xi32>,
      %swap3A_82 = vector.shape_cast %swap3A_81 : vector<16xi32> to vector<16xi32>
      %swap3A_83 = vector.shape_cast %shift_right_logical3A_79 : vector<16xi32> to vector<16xi32>
      tpu.vector_store %arg7[%swap3A_80], %swap3A_83 {strides = array<i32>} : memref<128xi32, #tpu.memory_space<vmem>>, vector<16xi32>,
      %get3A_84 = arith.index_cast %while3A_20 : i32 to index
      %get3A_85 = arith.constant 96 : index
      %get3A_86 = tpu.vector_load %arg6[%get3A_84, %get3A_85] {strides = array<i32>} : memref<94x128xi32, #tpu.memory_space<vmem>>, vector<1x16xi32>,
      %get3A_87 = vector.shape_cast %get3A_86 : vector<1x16xi32> to vector<16xi32>
      %shift_right_logical3A_88 = arith.constant 14 : i32
      %shift_right_logical3A_89 = vector.broadcast %shift_right_logical3A_88 : i32 to vector<16xi32>
      %shift_right_logical3A_90 = arith.shrui %get3A_87, %shift_right_logical3A_89 : vector<16xi32>
      %swap3A_91 = arith.constant 96 : index
      %swap3A_92 = tpu.vector_load %arg7[%swap3A_91] {strides = array<i32>} : memref<128xi32, #tpu.memory_space<vmem>>, vector<16xi32>,
      %swap3A_93 = vector.shape_cast %swap3A_92 : vector<16xi32> to vector<16xi32>
      %swap3A_94 = vector.shape_cast %shift_right_logical3A_90 : vector<16xi32> to vector<16xi32>
      tpu.vector_store %arg7[%swap3A_91], %swap3A_94 {strides = array<i32>} : memref<128xi32, #tpu.memory_space<vmem>>, vector<16xi32>,
      %get3A_95 = arith.index_cast %while3A_20 : i32 to index
      %get3A_96 = arith.constant 112 : index
      %get3A_97 = tpu.vector_load %arg6[%get3A_95, %get3A_96] {strides = array<i32>} : memref<94x128xi32, #tpu.memory_space<vmem>>, vector<1x16xi32>,
      %get3A_98 = vector.shape_cast %get3A_97 : vector<1x16xi32> to vector<16xi32>
      %shift_right_logical3A_99 = arith.constant 14 : i32
      %shift_right_logical3A_100 = vector.broadcast %shift_right_logical3A_99 : i32 to vector<16xi32>
      %shift_right_logical3A_101 = arith.shrui %get3A_98, %shift_right_logical3A_100 : vector<16xi32>
      %swap3A_102 = arith.constant 112 : index
      %swap3A_103 = tpu.vector_load %arg7[%swap3A_102] {strides = array<i32>} : memref<128xi32, #tpu.memory_space<vmem>>, vector<16xi32>,
      %swap3A_104 = vector.shape_cast %swap3A_103 : vector<16xi32> to vector<16xi32>
      %swap3A_105 = vector.shape_cast %shift_right_logical3A_101 : vector<16xi32> to vector<16xi32>
      tpu.vector_store %arg7[%swap3A_102], %swap3A_105 {strides = array<i32>} : memref<128xi32, #tpu.memory_space<vmem>>, vector<16xi32>,
      %dma_start3A = arith.constant 0 : i32
      %dma_start3A_106 = arith.constant 0 : i32
      %dma_start3A_107 = tpu.memref_slice %arg2[%dma_start3A, %dma_start3A_106] : memref<70000x128xf32, #tpu.memory_space<hbm>> -> memref<70000x128xf32, #tpu.memory_space<hbm>>
      tpu.enqueue_indirect_dma source(%dma_start3A_107 : memref<70000x128xf32, #tpu.memory_space<hbm>>) target(%arg9 : memref<128x128xf32, #tpu.memory_space<vmem>>) offsets(%arg7 : memref<128xi32, #tpu.memory_space<vmem>>) semaphore(%arg11 : memref<!tpu.dma_semaphore, #tpu.memory_space<semaphore_mem>>)
      %get3A_108 = arith.index_cast %while3A_20 : i32 to index
      %get3A_109 = arith.constant 0 : index
      %get3A_110 = tpu.vector_load %arg6[%get3A_108, %get3A_109] {strides = array<i32>} : memref<94x128xi32, #tpu.memory_space<vmem>>, vector<1x16xi32>,
      %get3A_111 = vector.shape_cast %get3A_110 : vector<1x16xi32> to vector<16xi32>
      %and3A = arith.constant 16383 : i32
      %and3A_112 = vector.broadcast %and3A : i32 to vector<16xi32>
      %and3A_113 = arith.andi %get3A_111, %and3A_112 : vector<16xi32>
      %swap3A_114 = arith.constant 0 : index
      %swap3A_115 = tpu.vector_load %arg8[%swap3A_114] {strides = array<i32>} : memref<128xi32, #tpu.memory_space<vmem>>, vector<16xi32>,
      %swap3A_116 = vector.shape_cast %swap3A_115 : vector<16xi32> to vector<16xi32>
      %swap3A_117 = vector.shape_cast %and3A_113 : vector<16xi32> to vector<16xi32>
      tpu.vector_store %arg8[%swap3A_114], %swap3A_117 {strides = array<i32>} : memref<128xi32, #tpu.memory_space<vmem>>, vector<16xi32>,
      %get3A_118 = arith.index_cast %while3A_20 : i32 to index
      %get3A_119 = arith.constant 16 : index
      %get3A_120 = tpu.vector_load %arg6[%get3A_118, %get3A_119] {strides = array<i32>} : memref<94x128xi32, #tpu.memory_space<vmem>>, vector<1x16xi32>,
      %get3A_121 = vector.shape_cast %get3A_120 : vector<1x16xi32> to vector<16xi32>
      %and3A_122 = arith.constant 16383 : i32
      %and3A_123 = vector.broadcast %and3A_122 : i32 to vector<16xi32>
      %and3A_124 = arith.andi %get3A_121, %and3A_123 : vector<16xi32>
      %swap3A_125 = arith.constant 16 : index
      %swap3A_126 = tpu.vector_load %arg8[%swap3A_125] {strides = array<i32>} : memref<128xi32, #tpu.memory_space<vmem>>, vector<16xi32>,
      %swap3A_127 = vector.shape_cast %swap3A_126 : vector<16xi32> to vector<16xi32>
      %swap3A_128 = vector.shape_cast %and3A_124 : vector<16xi32> to vector<16xi32>
      tpu.vector_store %arg8[%swap3A_125], %swap3A_128 {strides = array<i32>} : memref<128xi32, #tpu.memory_space<vmem>>, vector<16xi32>,
      %get3A_129 = arith.index_cast %while3A_20 : i32 to index
      %get3A_130 = arith.constant 32 : index
      %get3A_131 = tpu.vector_load %arg6[%get3A_129, %get3A_130] {strides = array<i32>} : memref<94x128xi32, #tpu.memory_space<vmem>>, vector<1x16xi32>,
      %get3A_132 = vector.shape_cast %get3A_131 : vector<1x16xi32> to vector<16xi32>
      %and3A_133 = arith.constant 16383 : i32
      %and3A_134 = vector.broadcast %and3A_133 : i32 to vector<16xi32>
      %and3A_135 = arith.andi %get3A_132, %and3A_134 : vector<16xi32>
      %swap3A_136 = arith.constant 32 : index
      %swap3A_137 = tpu.vector_load %arg8[%swap3A_136] {strides = array<i32>} : memref<128xi32, #tpu.memory_space<vmem>>, vector<16xi32>,
      %swap3A_138 = vector.shape_cast %swap3A_137 : vector<16xi32> to vector<16xi32>
      %swap3A_139 = vector.shape_cast %and3A_135 : vector<16xi32> to vector<16xi32>
      tpu.vector_store %arg8[%swap3A_136], %swap3A_139 {strides = array<i32>} : memref<128xi32, #tpu.memory_space<vmem>>, vector<16xi32>,
      %get3A_140 = arith.index_cast %while3A_20 : i32 to index
      %get3A_141 = arith.constant 48 : index
      %get3A_142 = tpu.vector_load %arg6[%get3A_140, %get3A_141] {strides = array<i32>} : memref<94x128xi32, #tpu.memory_space<vmem>>, vector<1x16xi32>,
      %get3A_143 = vector.shape_cast %get3A_142 : vector<1x16xi32> to vector<16xi32>
      %and3A_144 = arith.constant 16383 : i32
      %and3A_145 = vector.broadcast %and3A_144 : i32 to vector<16xi32>
      %and3A_146 = arith.andi %get3A_143, %and3A_145 : vector<16xi32>
      %swap3A_147 = arith.constant 48 : index
      %swap3A_148 = tpu.vector_load %arg8[%swap3A_147] {strides = array<i32>} : memref<128xi32, #tpu.memory_space<vmem>>, vector<16xi32>,
      %swap3A_149 = vector.shape_cast %swap3A_148 : vector<16xi32> to vector<16xi32>
      %swap3A_150 = vector.shape_cast %and3A_146 : vector<16xi32> to vector<16xi32>
      tpu.vector_store %arg8[%swap3A_147], %swap3A_150 {strides = array<i32>} : memref<128xi32, #tpu.memory_space<vmem>>, vector<16xi32>,
      %get3A_151 = arith.index_cast %while3A_20 : i32 to index
      %get3A_152 = arith.constant 64 : index
      %get3A_153 = tpu.vector_load %arg6[%get3A_151, %get3A_152] {strides = array<i32>} : memref<94x128xi32, #tpu.memory_space<vmem>>, vector<1x16xi32>,
      %get3A_154 = vector.shape_cast %get3A_153 : vector<1x16xi32> to vector<16xi32>
      %and3A_155 = arith.constant 16383 : i32
      %and3A_156 = vector.broadcast %and3A_155 : i32 to vector<16xi32>
      %and3A_157 = arith.andi %get3A_154, %and3A_156 : vector<16xi32>
      %swap3A_158 = arith.constant 64 : index
      %swap3A_159 = tpu.vector_load %arg8[%swap3A_158] {strides = array<i32>} : memref<128xi32, #tpu.memory_space<vmem>>, vector<16xi32>,
      %swap3A_160 = vector.shape_cast %swap3A_159 : vector<16xi32> to vector<16xi32>
      %swap3A_161 = vector.shape_cast %and3A_157 : vector<16xi32> to vector<16xi32>
      tpu.vector_store %arg8[%swap3A_158], %swap3A_161 {strides = array<i32>} : memref<128xi32, #tpu.memory_space<vmem>>, vector<16xi32>,
      %get3A_162 = arith.index_cast %while3A_20 : i32 to index
      %get3A_163 = arith.constant 80 : index
      %get3A_164 = tpu.vector_load %arg6[%get3A_162, %get3A_163] {strides = array<i32>} : memref<94x128xi32, #tpu.memory_space<vmem>>, vector<1x16xi32>,
      %get3A_165 = vector.shape_cast %get3A_164 : vector<1x16xi32> to vector<16xi32>
      %and3A_166 = arith.constant 16383 : i32
      %and3A_167 = vector.broadcast %and3A_166 : i32 to vector<16xi32>
      %and3A_168 = arith.andi %get3A_165, %and3A_167 : vector<16xi32>
      %swap3A_169 = arith.constant 80 : index
      %swap3A_170 = tpu.vector_load %arg8[%swap3A_169] {strides = array<i32>} : memref<128xi32, #tpu.memory_space<vmem>>, vector<16xi32>,
      %swap3A_171 = vector.shape_cast %swap3A_170 : vector<16xi32> to vector<16xi32>
      %swap3A_172 = vector.shape_cast %and3A_168 : vector<16xi32> to vector<16xi32>
      tpu.vector_store %arg8[%swap3A_169], %swap3A_172 {strides = array<i32>} : memref<128xi32, #tpu.memory_space<vmem>>, vector<16xi32>,
      %get3A_173 = arith.index_cast %while3A_20 : i32 to index
      %get3A_174 = arith.constant 96 : index
      %get3A_175 = tpu.vector_load %arg6[%get3A_173, %get3A_174] {strides = array<i32>} : memref<94x128xi32, #tpu.memory_space<vmem>>, vector<1x16xi32>,
      %get3A_176 = vector.shape_cast %get3A_175 : vector<1x16xi32> to vector<16xi32>
      %and3A_177 = arith.constant 16383 : i32
      %and3A_178 = vector.broadcast %and3A_177 : i32 to vector<16xi32>
      %and3A_179 = arith.andi %get3A_176, %and3A_178 : vector<16xi32>
      %swap3A_180 = arith.constant 96 : index
      %swap3A_181 = tpu.vector_load %arg8[%swap3A_180] {strides = array<i32>} : memref<128xi32, #tpu.memory_space<vmem>>, vector<16xi32>,
      %swap3A_182 = vector.shape_cast %swap3A_181 : vector<16xi32> to vector<16xi32>
      %swap3A_183 = vector.shape_cast %and3A_179 : vector<16xi32> to vector<16xi32>
      tpu.vector_store %arg8[%swap3A_180], %swap3A_183 {strides = array<i32>} : memref<128xi32, #tpu.memory_space<vmem>>, vector<16xi32>,
      %get3A_184 = arith.index_cast %while3A_20 : i32 to index
      %get3A_185 = arith.constant 112 : index
      %get3A_186 = tpu.vector_load %arg6[%get3A_184, %get3A_185] {strides = array<i32>} : memref<94x128xi32, #tpu.memory_space<vmem>>, vector<1x16xi32>,
      %get3A_187 = vector.shape_cast %get3A_186 : vector<1x16xi32> to vector<16xi32>
      %and3A_188 = arith.constant 16383 : i32
      %and3A_189 = vector.broadcast %and3A_188 : i32 to vector<16xi32>
      %and3A_190 = arith.andi %get3A_187, %and3A_189 : vector<16xi32>
      %swap3A_191 = arith.constant 112 : index
      %swap3A_192 = tpu.vector_load %arg8[%swap3A_191] {strides = array<i32>} : memref<128xi32, #tpu.memory_space<vmem>>, vector<16xi32>,
      %swap3A_193 = vector.shape_cast %swap3A_192 : vector<16xi32> to vector<16xi32>
      %swap3A_194 = vector.shape_cast %and3A_190 : vector<16xi32> to vector<16xi32>
      tpu.vector_store %arg8[%swap3A_191], %swap3A_194 {strides = array<i32>} : memref<128xi32, #tpu.memory_space<vmem>>, vector<16xi32>,
      %dma_wait3A = arith.constant 0 : i32
      %dma_wait3A_195 = arith.constant 0 : i32
      %dma_wait3A_196 = tpu.memref_slice %arg2[%dma_wait3A, %dma_wait3A_195] : memref<70000x128xf32, #tpu.memory_space<hbm>> -> memref<70000x128xf32, #tpu.memory_space<hbm>>
      tpu.wait_indirect_dma semaphore(%arg11 : memref<!tpu.dma_semaphore, #tpu.memory_space<semaphore_mem>>) src(%dma_wait3A_196 : memref<70000x128xf32, #tpu.memory_space<hbm>>) dst(%arg9 : memref<128x128xf32, #tpu.memory_space<vmem>>)
      %dma_start3A_197 = arith.constant 0 : i32
      %dma_start3A_198 = arith.constant 0 : i32
      %dma_start3A_199 = tpu.memref_slice %arg10[%dma_start3A_197, %dma_start3A_198] : memref<10112x128xf32, #tpu.memory_space<vmem_shared>> -> memref<10112x128xf32, #tpu.memory_space<vmem_shared>>
      tpu.enqueue_indirect_dma source(%arg9 : memref<128x128xf32, #tpu.memory_space<vmem>>) target(%dma_start3A_199 : memref<10112x128xf32, #tpu.memory_space<vmem_shared>>) offsets(%arg8 : memref<128xi32, #tpu.memory_space<vmem>>) semaphore(%arg12 : memref<!tpu.dma_semaphore, #tpu.memory_space<semaphore_mem>>) {add = true}
      %dma_wait3A_200 = arith.constant 0 : i32
      %dma_wait3A_201 = arith.constant 0 : i32
      %dma_wait3A_202 = tpu.memref_slice %arg10[%dma_wait3A_200, %dma_wait3A_201] : memref<10112x128xf32, #tpu.memory_space<vmem_shared>> -> memref<10112x128xf32, #tpu.memory_space<vmem_shared>>
      tpu.wait_indirect_dma semaphore(%arg12 : memref<!tpu.dma_semaphore, #tpu.memory_space<semaphore_mem>>) src(%arg9 : memref<128x128xf32, #tpu.memory_space<vmem>>) dst(%dma_wait3A_202 : memref<10112x128xf32, #tpu.memory_space<vmem_shared>>)
    }
    %barrier3A_15 = arith.constant 0 : index
    tpu.barrier barrier_id(%barrier3A_15)
    %mul3A_16 = arith.constant 632 : i32
    %mul3A_17 = arith.muli %arg1, %mul3A_16 : i32
    %mul3A_18 = arith.constant 632 : i32
    %mul3A_19 = arith.muli %arg1, %mul3A_18 : i32
    "tpu.region"() ({
      %run_scoped3A = tpu.sem_alloc : memref<!tpu.dma_semaphore, #tpu.memory_space<semaphore_mem>>
      %dma_start3A = arith.constant 0 : i32
      %dma_start3A_20 = tpu.memref_slice %arg5[%arg0, %mul3A_19, %dma_start3A] : memref<2x10112x128xf32, #tpu.memory_space<hbm>> -> memref<1x632x128xf32, #tpu.memory_space<hbm>>
      %dma_start3A_21 = tpu.memref_squeeze %dma_start3A_20 : memref<1x632x128xf32, #tpu.memory_space<hbm>> -> memref<632x128xf32, #tpu.memory_space<hbm>>
      %dma_start3A_22 = arith.constant 0 : i32
      %dma_start3A_23 = tpu.memref_slice %arg10[%mul3A_17, %dma_start3A_22] : memref<10112x128xf32, #tpu.memory_space<vmem_shared>> -> memref<632x128xf32, #tpu.memory_space<vmem_shared>>
      tpu.enqueue_dma source(%dma_start3A_23 : memref<632x128xf32, #tpu.memory_space<vmem_shared>>) target(%dma_start3A_21 : memref<632x128xf32, #tpu.memory_space<hbm>>) target_semaphore(%run_scoped3A : memref<!tpu.dma_semaphore, #tpu.memory_space<semaphore_mem>>)
      %dma_wait3A = arith.constant 0 : i32
      %dma_wait3A_24 = tpu.memref_slice %arg5[%arg0, %mul3A_19, %dma_wait3A] : memref<2x10112x128xf32, #tpu.memory_space<hbm>> -> memref<1x632x128xf32, #tpu.memory_space<hbm>>
      %dma_wait3A_25 = tpu.memref_squeeze %dma_wait3A_24 : memref<1x632x128xf32, #tpu.memory_space<hbm>> -> memref<632x128xf32, #tpu.memory_space<hbm>>
      %dma_wait3A_26 = arith.constant 0 : i32
      %dma_wait3A_27 = tpu.memref_slice %arg10[%mul3A_17, %dma_wait3A_26] : memref<10112x128xf32, #tpu.memory_space<vmem_shared>> -> memref<632x128xf32, #tpu.memory_space<vmem_shared>>
      tpu.wait_dma2 semaphore(%run_scoped3A : memref<!tpu.dma_semaphore, #tpu.memory_space<semaphore_mem>>) src(%dma_wait3A_27 : memref<632x128xf32, #tpu.memory_space<vmem_shared>>) dst(%dma_wait3A_25 : memref<632x128xf32, #tpu.memory_space<hbm>>)
      tpu.yield
    }) : () -> ()
    return
  }
}

#map = affine_map<(d0, d1) -> (0, 0)>
#map1 = affine_map<(d0, d1) -> (0, 0, 0)>
module attributes {stable_mosaic.version = 14 : i64} {
  func.func @k(%arg0: i32, %arg1: i32, %arg2: memref<100000x128xf32, #tpu.memory_space<hbm>>, %arg3: memref<32x6x64xi32, #tpu.memory_space<hbm>>, %arg4: memref<10240x128xf32, #tpu.memory_space<hbm>>, %arg5: memref<6x64xi32, #tpu.memory_space<vmem>>, %arg6: memref<64x128xf32, #tpu.memory_space<vmem>>, %arg7: memref<!tpu.dma_semaphore, #tpu.memory_space<semaphore_mem>>) attributes {dimension_semantics = [#tpu.dimension_semantics<core_parallel>, #tpu.dimension_semantics<subcore_parallel>], iteration_bounds = array<i64: 2, 16>, scalar_prefetch = 0 : i64, scratch_operands = 3 : i64, tpu.core_type = #tpu.core_type<sc_vector_subcore>, window_params = [{transform_indices = #map}, {transform_indices = #map1}, {transform_indices = #map}]} {
    %mul3A = arith.constant 16 : i32
    %mul3A_0 = arith.muli %arg0, %mul3A : i32
    %add3A = arith.addi %mul3A_0, %arg1 : i32
    "tpu.region"() ({
      %run_scoped3A = tpu.sem_alloc : memref<!tpu.dma_semaphore, #tpu.memory_space<semaphore_mem>>
      %dma_start3A = arith.constant 0 : i32
      %dma_start3A_26 = arith.constant 0 : i32
      %dma_start3A_27 = tpu.memref_slice %arg3[%add3A, %dma_start3A, %dma_start3A_26] : memref<32x6x64xi32, #tpu.memory_space<hbm>> -> memref<1x6x64xi32, #tpu.memory_space<hbm>>
      %dma_start3A_28 = tpu.memref_squeeze %dma_start3A_27 : memref<1x6x64xi32, #tpu.memory_space<hbm>> -> memref<6x64xi32, #tpu.memory_space<hbm>>
      %dma_start3A_29 = arith.constant 0 : i32
      %dma_start3A_30 = arith.constant 0 : i32
      %dma_start3A_31 = tpu.memref_slice %arg3[%add3A, %dma_start3A_29, %dma_start3A_30] : memref<32x6x64xi32, #tpu.memory_space<hbm>> -> memref<1x6x64xi32, #tpu.memory_space<hbm>>
      %dma_start3A_32 = tpu.memref_squeeze %dma_start3A_31 : memref<1x6x64xi32, #tpu.memory_space<hbm>> -> memref<6x64xi32, #tpu.memory_space<hbm>>
      tpu.enqueue_dma source(%dma_start3A_32 : memref<6x64xi32, #tpu.memory_space<hbm>>) target(%arg5 : memref<6x64xi32, #tpu.memory_space<vmem>>) target_semaphore(%run_scoped3A : memref<!tpu.dma_semaphore, #tpu.memory_space<semaphore_mem>>)
      %dma_wait3A = arith.constant 0 : i32
      %dma_wait3A_33 = arith.constant 0 : i32
      %dma_wait3A_34 = tpu.memref_slice %arg3[%add3A, %dma_wait3A, %dma_wait3A_33] : memref<32x6x64xi32, #tpu.memory_space<hbm>> -> memref<1x6x64xi32, #tpu.memory_space<hbm>>
      %dma_wait3A_35 = tpu.memref_squeeze %dma_wait3A_34 : memref<1x6x64xi32, #tpu.memory_space<hbm>> -> memref<6x64xi32, #tpu.memory_space<hbm>>
      %dma_wait3A_36 = arith.constant 0 : i32
      %dma_wait3A_37 = arith.constant 0 : i32
      %dma_wait3A_38 = tpu.memref_slice %arg3[%add3A, %dma_wait3A_36, %dma_wait3A_37] : memref<32x6x64xi32, #tpu.memory_space<hbm>> -> memref<1x6x64xi32, #tpu.memory_space<hbm>>
      %dma_wait3A_39 = tpu.memref_squeeze %dma_wait3A_38 : memref<1x6x64xi32, #tpu.memory_space<hbm>> -> memref<6x64xi32, #tpu.memory_space<hbm>>
      tpu.wait_dma2 semaphore(%run_scoped3A : memref<!tpu.dma_semaphore, #tpu.memory_space<semaphore_mem>>) src(%dma_wait3A_39 : memref<6x64xi32, #tpu.memory_space<hbm>>) dst(%arg5 : memref<6x64xi32, #tpu.memory_space<vmem>>)
      tpu.yield
    }) : () -> ()
    %eq3A = arith.constant 0 : i32
    %eq3A_1 = arith.cmpi eq, %arg0, %eq3A : i32
    %mul3A_2 = arith.constant 6 : i32
    %mul3A_3 = arith.muli %add3A, %mul3A_2 : i32
    %mul3A_4 = arith.constant 64 : i32
    %mul3A_5 = arith.muli %mul3A_3, %mul3A_4 : i32
    %mul3A_6 = arith.constant 4 : i32
    %mul3A_7 = arith.muli %arg1, %mul3A_6 : i32
    %mul3A_8 = arith.constant 64 : i32
    %mul3A_9 = arith.muli %mul3A_7, %mul3A_8 : i32
    %add3A_10 = arith.constant 6144 : i32
    %add3A_11 = arith.addi %add3A_10, %mul3A_9 : i32
    %select_n3A = arith.select %eq3A_1, %mul3A_5, %add3A_11 : i32
    %eq3A_12 = arith.constant 0 : i32
    %eq3A_13 = arith.cmpi eq, %arg0, %eq3A_12 : i32
    %select_n3A_14 = arith.constant 4 : i32
    %select_n3A_15 = arith.constant 6 : i32
    %select_n3A_16 = arith.select %eq3A_13, %select_n3A_15, %select_n3A_14 : i32
    %while3A = arith.constant 0 : i32
    %while3A_17 = arith.constant 0 : i32
    %while3A_18 = arith.subi %select_n3A_16, %while3A_17 : i32
    %while3A_19 = arith.addi %while3A_17, %while3A_18 : i32
    %while3A_20 = arith.constant 1 : i32
    %while3A_21 = arith.divsi %while3A_18, %while3A_20 : i32
    %while3A_22 = arith.muli %while3A_21, %while3A_20 : i32
    %while3A_23 = arith.addi %while3A_17, %while3A_22 : i32
    %while3A_24 = arith.constant 1 : i32
    scf.for %while3A_26 = %while3A_17 to %while3A_23 step %while3A_24  : i32 {
      %dma_start3A = arith.constant 0 : i32
      %dma_start3A_27 = tpu.memref_slice %arg5[%while3A_26, %dma_start3A] : memref<6x64xi32, #tpu.memory_space<vmem>> -> memref<1x64xi32, #tpu.memory_space<vmem>>
      %dma_start3A_28 = tpu.memref_squeeze %dma_start3A_27 : memref<1x64xi32, #tpu.memory_space<vmem>> -> memref<64xi32, #tpu.memory_space<vmem>>
      %dma_start3A_29 = arith.constant 0 : i32
      %dma_start3A_30 = arith.constant 0 : i32
      %dma_start3A_31 = tpu.memref_slice %arg2[%dma_start3A_29, %dma_start3A_30] : memref<100000x128xf32, #tpu.memory_space<hbm>> -> memref<100000x128xf32, #tpu.memory_space<hbm>>
      tpu.enqueue_indirect_dma source(%dma_start3A_31 : memref<100000x128xf32, #tpu.memory_space<hbm>>) target(%arg6 : memref<64x128xf32, #tpu.memory_space<vmem>>) offsets(%dma_start3A_28 : memref<64xi32, #tpu.memory_space<vmem>>) semaphore(%arg7 : memref<!tpu.dma_semaphore, #tpu.memory_space<semaphore_mem>>)
      %dma_wait3A = arith.constant 0 : i32
      %dma_wait3A_32 = tpu.memref_slice %arg5[%while3A_26, %dma_wait3A] : memref<6x64xi32, #tpu.memory_space<vmem>> -> memref<1x64xi32, #tpu.memory_space<vmem>>
      %dma_wait3A_33 = tpu.memref_squeeze %dma_wait3A_32 : memref<1x64xi32, #tpu.memory_space<vmem>> -> memref<64xi32, #tpu.memory_space<vmem>>
      %dma_wait3A_34 = arith.constant 0 : i32
      %dma_wait3A_35 = arith.constant 0 : i32
      %dma_wait3A_36 = tpu.memref_slice %arg2[%dma_wait3A_34, %dma_wait3A_35] : memref<100000x128xf32, #tpu.memory_space<hbm>> -> memref<100000x128xf32, #tpu.memory_space<hbm>>
      tpu.wait_indirect_dma semaphore(%arg7 : memref<!tpu.dma_semaphore, #tpu.memory_space<semaphore_mem>>) src(%dma_wait3A_36 : memref<100000x128xf32, #tpu.memory_space<hbm>>) dst(%arg6 : memref<64x128xf32, #tpu.memory_space<vmem>>)
      %mul3A_37 = arith.constant 64 : i32
      %mul3A_38 = arith.muli %while3A_26, %mul3A_37 : i32
      %add3A_39 = arith.addi %select_n3A, %mul3A_38 : i32
      "tpu.region"() ({
        %run_scoped3A = tpu.sem_alloc : memref<!tpu.dma_semaphore, #tpu.memory_space<semaphore_mem>>
        %dma_start3A_40 = arith.constant 0 : i32
        %dma_start3A_41 = tpu.memref_slice %arg4[%add3A_39, %dma_start3A_40] : memref<10240x128xf32, #tpu.memory_space<hbm>> -> memref<64x128xf32, #tpu.memory_space<hbm>>
        %dma_start3A_42 = arith.constant 0 : i32
        %dma_start3A_43 = tpu.memref_slice %arg4[%add3A_39, %dma_start3A_42] : memref<10240x128xf32, #tpu.memory_space<hbm>> -> memref<64x128xf32, #tpu.memory_space<hbm>>
        tpu.enqueue_dma source(%arg6 : memref<64x128xf32, #tpu.memory_space<vmem>>) target(%dma_start3A_43 : memref<64x128xf32, #tpu.memory_space<hbm>>) target_semaphore(%run_scoped3A : memref<!tpu.dma_semaphore, #tpu.memory_space<semaphore_mem>>)
        %dma_wait3A_44 = arith.constant 0 : i32
        %dma_wait3A_45 = tpu.memref_slice %arg4[%add3A_39, %dma_wait3A_44] : memref<10240x128xf32, #tpu.memory_space<hbm>> -> memref<64x128xf32, #tpu.memory_space<hbm>>
        %dma_wait3A_46 = arith.constant 0 : i32
        %dma_wait3A_47 = tpu.memref_slice %arg4[%add3A_39, %dma_wait3A_46] : memref<10240x128xf32, #tpu.memory_space<hbm>> -> memref<64x128xf32, #tpu.memory_space<hbm>>
        tpu.wait_dma2 semaphore(%run_scoped3A : memref<!tpu.dma_semaphore, #tpu.memory_space<semaphore_mem>>) src(%arg6 : memref<64x128xf32, #tpu.memory_space<vmem>>) dst(%dma_wait3A_47 : memref<64x128xf32, #tpu.memory_space<hbm>>)
        tpu.yield
      }) : () -> ()
    }
    %while3A_25 = arith.constant 1 : i32
    scf.for %while3A_26 = %while3A_23 to %while3A_19 step %while3A_25  : i32 {
      %dma_start3A = arith.constant 0 : i32
      %dma_start3A_27 = tpu.memref_slice %arg5[%while3A_26, %dma_start3A] : memref<6x64xi32, #tpu.memory_space<vmem>> -> memref<1x64xi32, #tpu.memory_space<vmem>>
      %dma_start3A_28 = tpu.memref_squeeze %dma_start3A_27 : memref<1x64xi32, #tpu.memory_space<vmem>> -> memref<64xi32, #tpu.memory_space<vmem>>
      %dma_start3A_29 = arith.constant 0 : i32
      %dma_start3A_30 = arith.constant 0 : i32
      %dma_start3A_31 = tpu.memref_slice %arg2[%dma_start3A_29, %dma_start3A_30] : memref<100000x128xf32, #tpu.memory_space<hbm>> -> memref<100000x128xf32, #tpu.memory_space<hbm>>
      tpu.enqueue_indirect_dma source(%dma_start3A_31 : memref<100000x128xf32, #tpu.memory_space<hbm>>) target(%arg6 : memref<64x128xf32, #tpu.memory_space<vmem>>) offsets(%dma_start3A_28 : memref<64xi32, #tpu.memory_space<vmem>>) semaphore(%arg7 : memref<!tpu.dma_semaphore, #tpu.memory_space<semaphore_mem>>)
      %dma_wait3A = arith.constant 0 : i32
      %dma_wait3A_32 = tpu.memref_slice %arg5[%while3A_26, %dma_wait3A] : memref<6x64xi32, #tpu.memory_space<vmem>> -> memref<1x64xi32, #tpu.memory_space<vmem>>
      %dma_wait3A_33 = tpu.memref_squeeze %dma_wait3A_32 : memref<1x64xi32, #tpu.memory_space<vmem>> -> memref<64xi32, #tpu.memory_space<vmem>>
      %dma_wait3A_34 = arith.constant 0 : i32
      %dma_wait3A_35 = arith.constant 0 : i32
      %dma_wait3A_36 = tpu.memref_slice %arg2[%dma_wait3A_34, %dma_wait3A_35] : memref<100000x128xf32, #tpu.memory_space<hbm>> -> memref<100000x128xf32, #tpu.memory_space<hbm>>
      tpu.wait_indirect_dma semaphore(%arg7 : memref<!tpu.dma_semaphore, #tpu.memory_space<semaphore_mem>>) src(%dma_wait3A_36 : memref<100000x128xf32, #tpu.memory_space<hbm>>) dst(%arg6 : memref<64x128xf32, #tpu.memory_space<vmem>>)
      %mul3A_37 = arith.constant 64 : i32
      %mul3A_38 = arith.muli %while3A_26, %mul3A_37 : i32
      %add3A_39 = arith.addi %select_n3A, %mul3A_38 : i32
      "tpu.region"() ({
        %run_scoped3A = tpu.sem_alloc : memref<!tpu.dma_semaphore, #tpu.memory_space<semaphore_mem>>
        %dma_start3A_40 = arith.constant 0 : i32
        %dma_start3A_41 = tpu.memref_slice %arg4[%add3A_39, %dma_start3A_40] : memref<10240x128xf32, #tpu.memory_space<hbm>> -> memref<64x128xf32, #tpu.memory_space<hbm>>
        %dma_start3A_42 = arith.constant 0 : i32
        %dma_start3A_43 = tpu.memref_slice %arg4[%add3A_39, %dma_start3A_42] : memref<10240x128xf32, #tpu.memory_space<hbm>> -> memref<64x128xf32, #tpu.memory_space<hbm>>
        tpu.enqueue_dma source(%arg6 : memref<64x128xf32, #tpu.memory_space<vmem>>) target(%dma_start3A_43 : memref<64x128xf32, #tpu.memory_space<hbm>>) target_semaphore(%run_scoped3A : memref<!tpu.dma_semaphore, #tpu.memory_space<semaphore_mem>>)
        %dma_wait3A_44 = arith.constant 0 : i32
        %dma_wait3A_45 = tpu.memref_slice %arg4[%add3A_39, %dma_wait3A_44] : memref<10240x128xf32, #tpu.memory_space<hbm>> -> memref<64x128xf32, #tpu.memory_space<hbm>>
        %dma_wait3A_46 = arith.constant 0 : i32
        %dma_wait3A_47 = tpu.memref_slice %arg4[%add3A_39, %dma_wait3A_46] : memref<10240x128xf32, #tpu.memory_space<hbm>> -> memref<64x128xf32, #tpu.memory_space<hbm>>
        tpu.wait_dma2 semaphore(%run_scoped3A : memref<!tpu.dma_semaphore, #tpu.memory_space<semaphore_mem>>) src(%arg6 : memref<64x128xf32, #tpu.memory_space<vmem>>) dst(%dma_wait3A_47 : memref<64x128xf32, #tpu.memory_space<hbm>>)
        tpu.yield
      }) : () -> ()
    }
    return
  }
}

#map = affine_map<(d0, d1) -> (0, 0)>
#map1 = affine_map<(d0, d1) -> (0, 0, 0)>
module attributes {stable_mosaic.version = 14 : i64} {
  func.func @k(%arg0: i32, %arg1: i32, %arg2: memref<70000x128xf32, #tpu.memory_space<hbm>>, %arg3: memref<32x94x128xi32, #tpu.memory_space<hbm>>, %arg4: memref<632x128xf32, #tpu.memory_space<hbm>>, %arg5: memref<2x10112x128xf32, #tpu.memory_space<hbm>>, %arg6: memref<94x128xi32, #tpu.memory_space<vmem>>, %arg7: memref<128xi32, #tpu.memory_space<vmem>>, %arg8: memref<128xi32, #tpu.memory_space<vmem>>, %arg9: memref<128x128xf32, #tpu.memory_space<vmem>>, %arg10: memref<10112x128xf32, #tpu.memory_space<vmem_shared>>, %arg11: memref<!tpu.dma_semaphore, #tpu.memory_space<semaphore_mem>>, %arg12: memref<!tpu.dma_semaphore, #tpu.memory_space<semaphore_mem>>) attributes {dimension_semantics = [#tpu.dimension_semantics<core_parallel>, #tpu.dimension_semantics<subcore_parallel>], iteration_bounds = array<i64: 2, 16>, scalar_prefetch = 0 : i64, scratch_operands = 7 : i64, tpu.core_type = #tpu.core_type<sc_vector_subcore>, window_params = [{transform_indices = #map}, {transform_indices = #map1}, {transform_indices = #map}, {transform_indices = #map1}]} {
    %mul3A = arith.constant 16 : i32
    %mul3A_0 = arith.muli %arg0, %mul3A : i32
    %add3A = arith.addi %mul3A_0, %arg1 : i32
    "tpu.region"() ({
      %run_scoped3A = tpu.sem_alloc : memref<!tpu.dma_semaphore, #tpu.memory_space<semaphore_mem>>
      %dma_start3A = arith.constant 0 : i32
      %dma_start3A_20 = arith.constant 0 : i32
      %dma_start3A_21 = tpu.memref_slice %arg3[%add3A, %dma_start3A, %dma_start3A_20] : memref<32x94x128xi32, #tpu.memory_space<hbm>> -> memref<1x94x128xi32, #tpu.memory_space<hbm>>
      %dma_start3A_22 = tpu.memref_squeeze %dma_start3A_21 : memref<1x94x128xi32, #tpu.memory_space<hbm>> -> memref<94x128xi32, #tpu.memory_space<hbm>>
      %dma_start3A_23 = arith.constant 0 : i32
      %dma_start3A_24 = arith.constant 0 : i32
      %dma_start3A_25 = tpu.memref_slice %arg3[%add3A, %dma_start3A_23, %dma_start3A_24] : memref<32x94x128xi32, #tpu.memory_space<hbm>> -> memref<1x94x128xi32, #tpu.memory_space<hbm>>
      %dma_start3A_26 = tpu.memref_squeeze %dma_start3A_25 : memref<1x94x128xi32, #tpu.memory_space<hbm>> -> memref<94x128xi32, #tpu.memory_space<hbm>>
      tpu.enqueue_dma source(%dma_start3A_26 : memref<94x128xi32, #tpu.memory_space<hbm>>) target(%arg6 : memref<94x128xi32, #tpu.memory_space<vmem>>) target_semaphore(%run_scoped3A : memref<!tpu.dma_semaphore, #tpu.memory_space<semaphore_mem>>)
      %dma_wait3A = arith.constant 0 : i32
      %dma_wait3A_27 = arith.constant 0 : i32
      %dma_wait3A_28 = tpu.memref_slice %arg3[%add3A, %dma_wait3A, %dma_wait3A_27] : memref<32x94x128xi32, #tpu.memory_space<hbm>> -> memref<1x94x128xi32, #tpu.memory_space<hbm>>
      %dma_wait3A_29 = tpu.memref_squeeze %dma_wait3A_28 : memref<1x94x128xi32, #tpu.memory_space<hbm>> -> memref<94x128xi32, #tpu.memory_space<hbm>>
      %dma_wait3A_30 = arith.constant 0 : i32
      %dma_wait3A_31 = arith.constant 0 : i32
      %dma_wait3A_32 = tpu.memref_slice %arg3[%add3A, %dma_wait3A_30, %dma_wait3A_31] : memref<32x94x128xi32, #tpu.memory_space<hbm>> -> memref<1x94x128xi32, #tpu.memory_space<hbm>>
      %dma_wait3A_33 = tpu.memref_squeeze %dma_wait3A_32 : memref<1x94x128xi32, #tpu.memory_space<hbm>> -> memref<94x128xi32, #tpu.memory_space<hbm>>
      tpu.wait_dma2 semaphore(%run_scoped3A : memref<!tpu.dma_semaphore, #tpu.memory_space<semaphore_mem>>) src(%dma_wait3A_33 : memref<94x128xi32, #tpu.memory_space<hbm>>) dst(%arg6 : memref<94x128xi32, #tpu.memory_space<vmem>>)
      tpu.yield
    }) : () -> ()
    %mul3A_1 = arith.constant 632 : i32
    %mul3A_2 = arith.muli %arg1, %mul3A_1 : i32
    "tpu.region"() ({
      %run_scoped3A = tpu.sem_alloc : memref<!tpu.dma_semaphore, #tpu.memory_space<semaphore_mem>>
      %dma_start3A = arith.constant 0 : i32
      %dma_start3A_20 = tpu.memref_slice %arg10[%mul3A_2, %dma_start3A] : memref<10112x128xf32, #tpu.memory_space<vmem_shared>> -> memref<632x128xf32, #tpu.memory_space<vmem_shared>>
      tpu.enqueue_dma source(%arg4 : memref<632x128xf32, #tpu.memory_space<hbm>>) target(%dma_start3A_20 : memref<632x128xf32, #tpu.memory_space<vmem_shared>>) target_semaphore(%run_scoped3A : memref<!tpu.dma_semaphore, #tpu.memory_space<semaphore_mem>>)
      %dma_wait3A = arith.constant 0 : i32
      %dma_wait3A_21 = tpu.memref_slice %arg10[%mul3A_2, %dma_wait3A] : memref<10112x128xf32, #tpu.memory_space<vmem_shared>> -> memref<632x128xf32, #tpu.memory_space<vmem_shared>>
      tpu.wait_dma2 semaphore(%run_scoped3A : memref<!tpu.dma_semaphore, #tpu.memory_space<semaphore_mem>>) src(%arg4 : memref<632x128xf32, #tpu.memory_space<hbm>>) dst(%dma_wait3A_21 : memref<632x128xf32, #tpu.memory_space<vmem_shared>>)
      tpu.yield
    }) : () -> ()
    %barrier3A = arith.constant 0 : index
    tpu.barrier barrier_id(%barrier3A)
    %eq3A = arith.constant 0 : i32
    %eq3A_3 = arith.cmpi eq, %arg0, %eq3A : i32
    %select_n3A = arith.constant 63 : i32
    %select_n3A_4 = arith.constant 94 : i32
    %select_n3A_5 = arith.select %eq3A_3, %select_n3A_4, %select_n3A : i32
    %while3A = arith.constant 0 : i32
    %while3A_6 = arith.constant 0 : i32
    %while3A_7 = arith.subi %select_n3A_5, %while3A_6 : i32
    %while3A_8 = arith.addi %while3A_6, %while3A_7 : i32
    %while3A_9 = arith.constant 1 : i32
    %while3A_10 = arith.divsi %while3A_7, %while3A_9 : i32
    %while3A_11 = arith.muli %while3A_10, %while3A_9 : i32
    %while3A_12 = arith.addi %while3A_6, %while3A_11 : i32
    %while3A_13 = arith.constant 1 : i32
    scf.for %while3A_20 = %while3A_6 to %while3A_12 step %while3A_13  : i32 {
      %get3A = arith.index_cast %while3A_20 : i32 to index
      %get3A_21 = arith.constant 0 : index
      %get3A_22 = tpu.vector_load %arg6[%get3A, %get3A_21] {strides = array<i32>} : memref<94x128xi32, #tpu.memory_space<vmem>>, vector<1x16xi32>,
      %get3A_23 = vector.shape_cast %get3A_22 : vector<1x16xi32> to vector<16xi32>
      %shift_right_logical3A = arith.constant 14 : i32
      %shift_right_logical3A_24 = vector.broadcast %shift_right_logical3A : i32 to vector<16xi32>
      %shift_right_logical3A_25 = arith.shrui %get3A_23, %shift_right_logical3A_24 : vector<16xi32>
      %swap3A = arith.constant 0 : index
      %swap3A_26 = tpu.vector_load %arg7[%swap3A] {strides = array<i32>} : memref<128xi32, #tpu.memory_space<vmem>>, vector<16xi32>,
      %swap3A_27 = vector.shape_cast %swap3A_26 : vector<16xi32> to vector<16xi32>
      %swap3A_28 = vector.shape_cast %shift_right_logical3A_25 : vector<16xi32> to vector<16xi32>
      tpu.vector_store %arg7[%swap3A], %swap3A_28 {strides = array<i32>} : memref<128xi32, #tpu.memory_space<vmem>>, vector<16xi32>,
      %get3A_29 = arith.index_cast %while3A_20 : i32 to index
      %get3A_30 = arith.constant 16 : index
      %get3A_31 = tpu.vector_load %arg6[%get3A_29, %get3A_30] {strides = array<i32>} : memref<94x128xi32, #tpu.memory_space<vmem>>, vector<1x16xi32>,
      %get3A_32 = vector.shape_cast %get3A_31 : vector<1x16xi32> to vector<16xi32>
      %shift_right_logical3A_33 = arith.constant 14 : i32
      %shift_right_logical3A_34 = vector.broadcast %shift_right_logical3A_33 : i32 to vector<16xi32>
      %shift_right_logical3A_35 = arith.shrui %get3A_32, %shift_right_logical3A_34 : vector<16xi32>
      %swap3A_36 = arith.constant 16 : index
      %swap3A_37 = tpu.vector_load %arg7[%swap3A_36] {strides = array<i32>} : memref<128xi32, #tpu.memory_space<vmem>>, vector<16xi32>,
      %swap3A_38 = vector.shape_cast %swap3A_37 : vector<16xi32> to vector<16xi32>
      %swap3A_39 = vector.shape_cast %shift_right_logical3A_35 : vector<16xi32> to vector<16xi32>
      tpu.vector_store %arg7[%swap3A_36], %swap3A_39 {strides = array<i32>} : memref<128xi32, #tpu.memory_space<vmem>>, vector<16xi32>,
      %get3A_40 = arith.index_cast %while3A_20 : i32 to index
      %get3A_41 = arith.constant 32 : index
      %get3A_42 = tpu.vector_load %arg6[%get3A_40, %get3A_41] {strides = array<i32>} : memref<94x128xi32, #tpu.memory_space<vmem>>, vector<1x16xi32>,
      %get3A_43 = vector.shape_cast %get3A_42 : vector<1x16xi32> to vector<16xi32>
      %shift_right_logical3A_44 = arith.constant 14 : i32
      %shift_right_logical3A_45 = vector.broadcast %shift_right_logical3A_44 : i32 to vector<16xi32>
      %shift_right_logical3A_46 = arith.shrui %get3A_43, %shift_right_logical3A_45 : vector<16xi32>
      %swap3A_47 = arith.constant 32 : index
      %swap3A_48 = tpu.vector_load %arg7[%swap3A_47] {strides = array<i32>} : memref<128xi32, #tpu.memory_space<vmem>>, vector<16xi32>,
      %swap3A_49 = vector.shape_cast %swap3A_48 : vector<16xi32> to vector<16xi32>
      %swap3A_50 = vector.shape_cast %shift_right_logical3A_46 : vector<16xi32> to vector<16xi32>
      tpu.vector_store %arg7[%swap3A_47], %swap3A_50 {strides = array<i32>} : memref<128xi32, #tpu.memory_space<vmem>>, vector<16xi32>,
      %get3A_51 = arith.index_cast %while3A_20 : i32 to index
      %get3A_52 = arith.constant 48 : index
      %get3A_53 = tpu.vector_load %arg6[%get3A_51, %get3A_52] {strides = array<i32>} : memref<94x128xi32, #tpu.memory_space<vmem>>, vector<1x16xi32>,
      %get3A_54 = vector.shape_cast %get3A_53 : vector<1x16xi32> to vector<16xi32>
      %shift_right_logical3A_55 = arith.constant 14 : i32
      %shift_right_logical3A_56 = vector.broadcast %shift_right_logical3A_55 : i32 to vector<16xi32>
      %shift_right_logical3A_57 = arith.shrui %get3A_54, %shift_right_logical3A_56 : vector<16xi32>
      %swap3A_58 = arith.constant 48 : index
      %swap3A_59 = tpu.vector_load %arg7[%swap3A_58] {strides = array<i32>} : memref<128xi32, #tpu.memory_space<vmem>>, vector<16xi32>,
      %swap3A_60 = vector.shape_cast %swap3A_59 : vector<16xi32> to vector<16xi32>
      %swap3A_61 = vector.shape_cast %shift_right_logical3A_57 : vector<16xi32> to vector<16xi32>
      tpu.vector_store %arg7[%swap3A_58], %swap3A_61 {strides = array<i32>} : memref<128xi32, #tpu.memory_space<vmem>>, vector<16xi32>,
      %get3A_62 = arith.index_cast %while3A_20 : i32 to index
      %get3A_63 = arith.constant 64 : index
      %get3A_64 = tpu.vector_load %arg6[%get3A_62, %get3A_63] {strides = array<i32>} : memref<94x128xi32, #tpu.memory_space<vmem>>, vector<1x16xi32>,
      %get3A_65 = vector.shape_cast %get3A_64 : vector<1x16xi32> to vector<16xi32>
      %shift_right_logical3A_66 = arith.constant 14 : i32
      %shift_right_logical3A_67 = vector.broadcast %shift_right_logical3A_66 : i32 to vector<16xi32>
      %shift_right_logical3A_68 = arith.shrui %get3A_65, %shift_right_logical3A_67 : vector<16xi32>
      %swap3A_69 = arith.constant 64 : index
      %swap3A_70 = tpu.vector_load %arg7[%swap3A_69] {strides = array<i32>} : memref<128xi32, #tpu.memory_space<vmem>>, vector<16xi32>,
      %swap3A_71 = vector.shape_cast %swap3A_70 : vector<16xi32> to vector<16xi32>
      %swap3A_72 = vector.shape_cast %shift_right_logical3A_68 : vector<16xi32> to vector<16xi32>
      tpu.vector_store %arg7[%swap3A_69], %swap3A_72 {strides = array<i32>} : memref<128xi32, #tpu.memory_space<vmem>>, vector<16xi32>,
      %get3A_73 = arith.index_cast %while3A_20 : i32 to index
      %get3A_74 = arith.constant 80 : index
      %get3A_75 = tpu.vector_load %arg6[%get3A_73, %get3A_74] {strides = array<i32>} : memref<94x128xi32, #tpu.memory_space<vmem>>, vector<1x16xi32>,
      %get3A_76 = vector.shape_cast %get3A_75 : vector<1x16xi32> to vector<16xi32>
      %shift_right_logical3A_77 = arith.constant 14 : i32
      %shift_right_logical3A_78 = vector.broadcast %shift_right_logical3A_77 : i32 to vector<16xi32>
      %shift_right_logical3A_79 = arith.shrui %get3A_76, %shift_right_logical3A_78 : vector<16xi32>
      %swap3A_80 = arith.constant 80 : index
      %swap3A_81 = tpu.vector_load %arg7[%swap3A_80] {strides = array<i32>} : memref<128xi32, #tpu.memory_space<vmem>>, vector<16xi32>,
      %swap3A_82 = vector.shape_cast %swap3A_81 : vector<16xi32> to vector<16xi32>
      %swap3A_83 = vector.shape_cast %shift_right_logical3A_79 : vector<16xi32> to vector<16xi32>
      tpu.vector_store %arg7[%swap3A_80], %swap3A_83 {strides = array<i32>} : memref<128xi32, #tpu.memory_space<vmem>>, vector<16xi32>,
      %get3A_84 = arith.index_cast %while3A_20 : i32 to index
      %get3A_85 = arith.constant 96 : index
      %get3A_86 = tpu.vector_load %arg6[%get3A_84, %get3A_85] {strides = array<i32>} : memref<94x128xi32, #tpu.memory_space<vmem>>, vector<1x16xi32>,
      %get3A_87 = vector.shape_cast %get3A_86 : vector<1x16xi32> to vector<16xi32>
      %shift_right_logical3A_88 = arith.constant 14 : i32
      %shift_right_logical3A_89 = vector.broadcast %shift_right_logical3A_88 : i32 to vector<16xi32>
      %shift_right_logical3A_90 = arith.shrui %get3A_87, %shift_right_logical3A_89 : vector<16xi32>
      %swap3A_91 = arith.constant 96 : index
      %swap3A_92 = tpu.vector_load %arg7[%swap3A_91] {strides = array<i32>} : memref<128xi32, #tpu.memory_space<vmem>>, vector<16xi32>,
      %swap3A_93 = vector.shape_cast %swap3A_92 : vector<16xi32> to vector<16xi32>
      %swap3A_94 = vector.shape_cast %shift_right_logical3A_90 : vector<16xi32> to vector<16xi32>
      tpu.vector_store %arg7[%swap3A_91], %swap3A_94 {strides = array<i32>} : memref<128xi32, #tpu.memory_space<vmem>>, vector<16xi32>,
      %get3A_95 = arith.index_cast %while3A_20 : i32 to index
      %get3A_96 = arith.constant 112 : index
      %get3A_97 = tpu.vector_load %arg6[%get3A_95, %get3A_96] {strides = array<i32>} : memref<94x128xi32, #tpu.memory_space<vmem>>, vector<1x16xi32>,
      %get3A_98 = vector.shape_cast %get3A_97 : vector<1x16xi32> to vector<16xi32>
      %shift_right_logical3A_99 = arith.constant 14 : i32
      %shift_right_logical3A_100 = vector.broadcast %shift_right_logical3A_99 : i32 to vector<16xi32>
      %shift_right_logical3A_101 = arith.shrui %get3A_98, %shift_right_logical3A_100 : vector<16xi32>
      %swap3A_102 = arith.constant 112 : index
      %swap3A_103 = tpu.vector_load %arg7[%swap3A_102] {strides = array<i32>} : memref<128xi32, #tpu.memory_space<vmem>>, vector<16xi32>,
      %swap3A_104 = vector.shape_cast %swap3A_103 : vector<16xi32> to vector<16xi32>
      %swap3A_105 = vector.shape_cast %shift_right_logical3A_101 : vector<16xi32> to vector<16xi32>
      tpu.vector_store %arg7[%swap3A_102], %swap3A_105 {strides = array<i32>} : memref<128xi32, #tpu.memory_space<vmem>>, vector<16xi32>,
      %dma_start3A = arith.constant 0 : i32
      %dma_start3A_106 = arith.constant 0 : i32
      %dma_start3A_107 = tpu.memref_slice %arg2[%dma_start3A, %dma_start3A_106] : memref<70000x128xf32, #tpu.memory_space<hbm>> -> memref<70000x128xf32, #tpu.memory_space<hbm>>
      tpu.enqueue_indirect_dma source(%dma_start3A_107 : memref<70000x128xf32, #tpu.memory_space<hbm>>) target(%arg9 : memref<128x128xf32, #tpu.memory_space<vmem>>) offsets(%arg7 : memref<128xi32, #tpu.memory_space<vmem>>) semaphore(%arg11 : memref<!tpu.dma_semaphore, #tpu.memory_space<semaphore_mem>>)
      %get3A_108 = arith.index_cast %while3A_20 : i32 to index
      %get3A_109 = arith.constant 0 : index
      %get3A_110 = tpu.vector_load %arg6[%get3A_108, %get3A_109] {strides = array<i32>} : memref<94x128xi32, #tpu.memory_space<vmem>>, vector<1x16xi32>,
      %get3A_111 = vector.shape_cast %get3A_110 : vector<1x16xi32> to vector<16xi32>
      %and3A = arith.constant 16383 : i32
      %and3A_112 = vector.broadcast %and3A : i32 to vector<16xi32>
      %and3A_113 = arith.andi %get3A_111, %and3A_112 : vector<16xi32>
      %swap3A_114 = arith.constant 0 : index
      %swap3A_115 = tpu.vector_load %arg8[%swap3A_114] {strides = array<i32>} : memref<128xi32, #tpu.memory_space<vmem>>, vector<16xi32>,
      %swap3A_116 = vector.shape_cast %swap3A_115 : vector<16xi32> to vector<16xi32>
      %swap3A_117 = vector.shape_cast %and3A_113 : vector<16xi32> to vector<16xi32>
      tpu.vector_store %arg8[%swap3A_114], %swap3A_117 {strides = array<i32>} : memref<128xi32, #tpu.memory_space<vmem>>, vector<16xi32>,
      %get3A_118 = arith.index_cast %while3A_20 : i32 to index
      %get3A_119 = arith.constant 16 : index
      %get3A_120 = tpu.vector_load %arg6[%get3A_118, %get3A_119] {strides = array<i32>} : memref<94x128xi32, #tpu.memory_space<vmem>>, vector<1x16xi32>,
      %get3A_121 = vector.shape_cast %get3A_120 : vector<1x16xi32> to vector<16xi32>
      %and3A_122 = arith.constant 16383 : i32
      %and3A_123 = vector.broadcast %and3A_122 : i32 to vector<16xi32>
      %and3A_124 = arith.andi %get3A_121, %and3A_123 : vector<16xi32>
      %swap3A_125 = arith.constant 16 : index
      %swap3A_126 = tpu.vector_load %arg8[%swap3A_125] {strides = array<i32>} : memref<128xi32, #tpu.memory_space<vmem>>, vector<16xi32>,
      %swap3A_127 = vector.shape_cast %swap3A_126 : vector<16xi32> to vector<16xi32>
      %swap3A_128 = vector.shape_cast %and3A_124 : vector<16xi32> to vector<16xi32>
      tpu.vector_store %arg8[%swap3A_125], %swap3A_128 {strides = array<i32>} : memref<128xi32, #tpu.memory_space<vmem>>, vector<16xi32>,
      %get3A_129 = arith.index_cast %while3A_20 : i32 to index
      %get3A_130 = arith.constant 32 : index
      %get3A_131 = tpu.vector_load %arg6[%get3A_129, %get3A_130] {strides = array<i32>} : memref<94x128xi32, #tpu.memory_space<vmem>>, vector<1x16xi32>,
      %get3A_132 = vector.shape_cast %get3A_131 : vector<1x16xi32> to vector<16xi32>
      %and3A_133 = arith.constant 16383 : i32
      %and3A_134 = vector.broadcast %and3A_133 : i32 to vector<16xi32>
      %and3A_135 = arith.andi %get3A_132, %and3A_134 : vector<16xi32>
      %swap3A_136 = arith.constant 32 : index
      %swap3A_137 = tpu.vector_load %arg8[%swap3A_136] {strides = array<i32>} : memref<128xi32, #tpu.memory_space<vmem>>, vector<16xi32>,
      %swap3A_138 = vector.shape_cast %swap3A_137 : vector<16xi32> to vector<16xi32>
      %swap3A_139 = vector.shape_cast %and3A_135 : vector<16xi32> to vector<16xi32>
      tpu.vector_store %arg8[%swap3A_136], %swap3A_139 {strides = array<i32>} : memref<128xi32, #tpu.memory_space<vmem>>, vector<16xi32>,
      %get3A_140 = arith.index_cast %while3A_20 : i32 to index
      %get3A_141 = arith.constant 48 : index
      %get3A_142 = tpu.vector_load %arg6[%get3A_140, %get3A_141] {strides = array<i32>} : memref<94x128xi32, #tpu.memory_space<vmem>>, vector<1x16xi32>,
      %get3A_143 = vector.shape_cast %get3A_142 : vector<1x16xi32> to vector<16xi32>
      %and3A_144 = arith.constant 16383 : i32
      %and3A_145 = vector.broadcast %and3A_144 : i32 to vector<16xi32>
      %and3A_146 = arith.andi %get3A_143, %and3A_145 : vector<16xi32>
      %swap3A_147 = arith.constant 48 : index
      %swap3A_148 = tpu.vector_load %arg8[%swap3A_147] {strides = array<i32>} : memref<128xi32, #tpu.memory_space<vmem>>, vector<16xi32>,
      %swap3A_149 = vector.shape_cast %swap3A_148 : vector<16xi32> to vector<16xi32>
      %swap3A_150 = vector.shape_cast %and3A_146 : vector<16xi32> to vector<16xi32>
      tpu.vector_store %arg8[%swap3A_147], %swap3A_150 {strides = array<i32>} : memref<128xi32, #tpu.memory_space<vmem>>, vector<16xi32>,
      %get3A_151 = arith.index_cast %while3A_20 : i32 to index
      %get3A_152 = arith.constant 64 : index
      %get3A_153 = tpu.vector_load %arg6[%get3A_151, %get3A_152] {strides = array<i32>} : memref<94x128xi32, #tpu.memory_space<vmem>>, vector<1x16xi32>,
      %get3A_154 = vector.shape_cast %get3A_153 : vector<1x16xi32> to vector<16xi32>
      %and3A_155 = arith.constant 16383 : i32
      %and3A_156 = vector.broadcast %and3A_155 : i32 to vector<16xi32>
      %and3A_157 = arith.andi %get3A_154, %and3A_156 : vector<16xi32>
      %swap3A_158 = arith.constant 64 : index
      %swap3A_159 = tpu.vector_load %arg8[%swap3A_158] {strides = array<i32>} : memref<128xi32, #tpu.memory_space<vmem>>, vector<16xi32>,
      %swap3A_160 = vector.shape_cast %swap3A_159 : vector<16xi32> to vector<16xi32>
      %swap3A_161 = vector.shape_cast %and3A_157 : vector<16xi32> to vector<16xi32>
      tpu.vector_store %arg8[%swap3A_158], %swap3A_161 {strides = array<i32>} : memref<128xi32, #tpu.memory_space<vmem>>, vector<16xi32>,
      %get3A_162 = arith.index_cast %while3A_20 : i32 to index
      %get3A_163 = arith.constant 80 : index
      %get3A_164 = tpu.vector_load %arg6[%get3A_162, %get3A_163] {strides = array<i32>} : memref<94x128xi32, #tpu.memory_space<vmem>>, vector<1x16xi32>,
      %get3A_165 = vector.shape_cast %get3A_164 : vector<1x16xi32> to vector<16xi32>
      %and3A_166 = arith.constant 16383 : i32
      %and3A_167 = vector.broadcast %and3A_166 : i32 to vector<16xi32>
      %and3A_168 = arith.andi %get3A_165, %and3A_167 : vector<16xi32>
      %swap3A_169 = arith.constant 80 : index
      %swap3A_170 = tpu.vector_load %arg8[%swap3A_169] {strides = array<i32>} : memref<128xi32, #tpu.memory_space<vmem>>, vector<16xi32>,
      %swap3A_171 = vector.shape_cast %swap3A_170 : vector<16xi32> to vector<16xi32>
      %swap3A_172 = vector.shape_cast %and3A_168 : vector<16xi32> to vector<16xi32>
      tpu.vector_store %arg8[%swap3A_169], %swap3A_172 {strides = array<i32>} : memref<128xi32, #tpu.memory_space<vmem>>, vector<16xi32>,
      %get3A_173 = arith.index_cast %while3A_20 : i32 to index
      %get3A_174 = arith.constant 96 : index
      %get3A_175 = tpu.vector_load %arg6[%get3A_173, %get3A_174] {strides = array<i32>} : memref<94x128xi32, #tpu.memory_space<vmem>>, vector<1x16xi32>,
      %get3A_176 = vector.shape_cast %get3A_175 : vector<1x16xi32> to vector<16xi32>
      %and3A_177 = arith.constant 16383 : i32
      %and3A_178 = vector.broadcast %and3A_177 : i32 to vector<16xi32>
      %and3A_179 = arith.andi %get3A_176, %and3A_178 : vector<16xi32>
      %swap3A_180 = arith.constant 96 : index
      %swap3A_181 = tpu.vector_load %arg8[%swap3A_180] {strides = array<i32>} : memref<128xi32, #tpu.memory_space<vmem>>, vector<16xi32>,
      %swap3A_182 = vector.shape_cast %swap3A_181 : vector<16xi32> to vector<16xi32>
      %swap3A_183 = vector.shape_cast %and3A_179 : vector<16xi32> to vector<16xi32>
      tpu.vector_store %arg8[%swap3A_180], %swap3A_183 {strides = array<i32>} : memref<128xi32, #tpu.memory_space<vmem>>, vector<16xi32>,
      %get3A_184 = arith.index_cast %while3A_20 : i32 to index
      %get3A_185 = arith.constant 112 : index
      %get3A_186 = tpu.vector_load %arg6[%get3A_184, %get3A_185] {strides = array<i32>} : memref<94x128xi32, #tpu.memory_space<vmem>>, vector<1x16xi32>,
      %get3A_187 = vector.shape_cast %get3A_186 : vector<1x16xi32> to vector<16xi32>
      %and3A_188 = arith.constant 16383 : i32
      %and3A_189 = vector.broadcast %and3A_188 : i32 to vector<16xi32>
      %and3A_190 = arith.andi %get3A_187, %and3A_189 : vector<16xi32>
      %swap3A_191 = arith.constant 112 : index
      %swap3A_192 = tpu.vector_load %arg8[%swap3A_191] {strides = array<i32>} : memref<128xi32, #tpu.memory_space<vmem>>, vector<16xi32>,
      %swap3A_193 = vector.shape_cast %swap3A_192 : vector<16xi32> to vector<16xi32>
      %swap3A_194 = vector.shape_cast %and3A_190 : vector<16xi32> to vector<16xi32>
      tpu.vector_store %arg8[%swap3A_191], %swap3A_194 {strides = array<i32>} : memref<128xi32, #tpu.memory_space<vmem>>, vector<16xi32>,
      %dma_wait3A = arith.constant 0 : i32
      %dma_wait3A_195 = arith.constant 0 : i32
      %dma_wait3A_196 = tpu.memref_slice %arg2[%dma_wait3A, %dma_wait3A_195] : memref<70000x128xf32, #tpu.memory_space<hbm>> -> memref<70000x128xf32, #tpu.memory_space<hbm>>
      tpu.wait_indirect_dma semaphore(%arg11 : memref<!tpu.dma_semaphore, #tpu.memory_space<semaphore_mem>>) src(%dma_wait3A_196 : memref<70000x128xf32, #tpu.memory_space<hbm>>) dst(%arg9 : memref<128x128xf32, #tpu.memory_space<vmem>>)
      %dma_start3A_197 = arith.constant 0 : i32
      %dma_start3A_198 = arith.constant 0 : i32
      %dma_start3A_199 = tpu.memref_slice %arg10[%dma_start3A_197, %dma_start3A_198] : memref<10112x128xf32, #tpu.memory_space<vmem_shared>> -> memref<10112x128xf32, #tpu.memory_space<vmem_shared>>
      tpu.enqueue_indirect_dma source(%arg9 : memref<128x128xf32, #tpu.memory_space<vmem>>) target(%dma_start3A_199 : memref<10112x128xf32, #tpu.memory_space<vmem_shared>>) offsets(%arg8 : memref<128xi32, #tpu.memory_space<vmem>>) semaphore(%arg12 : memref<!tpu.dma_semaphore, #tpu.memory_space<semaphore_mem>>) {add = true}
      %dma_wait3A_200 = arith.constant 0 : i32
      %dma_wait3A_201 = arith.constant 0 : i32
      %dma_wait3A_202 = tpu.memref_slice %arg10[%dma_wait3A_200, %dma_wait3A_201] : memref<10112x128xf32, #tpu.memory_space<vmem_shared>> -> memref<10112x128xf32, #tpu.memory_space<vmem_shared>>
      tpu.wait_indirect_dma semaphore(%arg12 : memref<!tpu.dma_semaphore, #tpu.memory_space<semaphore_mem>>) src(%arg9 : memref<128x128xf32, #tpu.memory_space<vmem>>) dst(%dma_wait3A_202 : memref<10112x128xf32, #tpu.memory_space<vmem_shared>>)
    }
    %while3A_14 = arith.constant 1 : i32
    scf.for %while3A_20 = %while3A_12 to %while3A_8 step %while3A_14  : i32 {
      %get3A = arith.index_cast %while3A_20 : i32 to index
      %get3A_21 = arith.constant 0 : index
      %get3A_22 = tpu.vector_load %arg6[%get3A, %get3A_21] {strides = array<i32>} : memref<94x128xi32, #tpu.memory_space<vmem>>, vector<1x16xi32>,
      %get3A_23 = vector.shape_cast %get3A_22 : vector<1x16xi32> to vector<16xi32>
      %shift_right_logical3A = arith.constant 14 : i32
      %shift_right_logical3A_24 = vector.broadcast %shift_right_logical3A : i32 to vector<16xi32>
      %shift_right_logical3A_25 = arith.shrui %get3A_23, %shift_right_logical3A_24 : vector<16xi32>
      %swap3A = arith.constant 0 : index
      %swap3A_26 = tpu.vector_load %arg7[%swap3A] {strides = array<i32>} : memref<128xi32, #tpu.memory_space<vmem>>, vector<16xi32>,
      %swap3A_27 = vector.shape_cast %swap3A_26 : vector<16xi32> to vector<16xi32>
      %swap3A_28 = vector.shape_cast %shift_right_logical3A_25 : vector<16xi32> to vector<16xi32>
      tpu.vector_store %arg7[%swap3A], %swap3A_28 {strides = array<i32>} : memref<128xi32, #tpu.memory_space<vmem>>, vector<16xi32>,
      %get3A_29 = arith.index_cast %while3A_20 : i32 to index
      %get3A_30 = arith.constant 16 : index
      %get3A_31 = tpu.vector_load %arg6[%get3A_29, %get3A_30] {strides = array<i32>} : memref<94x128xi32, #tpu.memory_space<vmem>>, vector<1x16xi32>,
      %get3A_32 = vector.shape_cast %get3A_31 : vector<1x16xi32> to vector<16xi32>
      %shift_right_logical3A_33 = arith.constant 14 : i32
      %shift_right_logical3A_34 = vector.broadcast %shift_right_logical3A_33 : i32 to vector<16xi32>
      %shift_right_logical3A_35 = arith.shrui %get3A_32, %shift_right_logical3A_34 : vector<16xi32>
      %swap3A_36 = arith.constant 16 : index
      %swap3A_37 = tpu.vector_load %arg7[%swap3A_36] {strides = array<i32>} : memref<128xi32, #tpu.memory_space<vmem>>, vector<16xi32>,
      %swap3A_38 = vector.shape_cast %swap3A_37 : vector<16xi32> to vector<16xi32>
      %swap3A_39 = vector.shape_cast %shift_right_logical3A_35 : vector<16xi32> to vector<16xi32>
      tpu.vector_store %arg7[%swap3A_36], %swap3A_39 {strides = array<i32>} : memref<128xi32, #tpu.memory_space<vmem>>, vector<16xi32>,
      %get3A_40 = arith.index_cast %while3A_20 : i32 to index
      %get3A_41 = arith.constant 32 : index
      %get3A_42 = tpu.vector_load %arg6[%get3A_40, %get3A_41] {strides = array<i32>} : memref<94x128xi32, #tpu.memory_space<vmem>>, vector<1x16xi32>,
      %get3A_43 = vector.shape_cast %get3A_42 : vector<1x16xi32> to vector<16xi32>
      %shift_right_logical3A_44 = arith.constant 14 : i32
      %shift_right_logical3A_45 = vector.broadcast %shift_right_logical3A_44 : i32 to vector<16xi32>
      %shift_right_logical3A_46 = arith.shrui %get3A_43, %shift_right_logical3A_45 : vector<16xi32>
      %swap3A_47 = arith.constant 32 : index
      %swap3A_48 = tpu.vector_load %arg7[%swap3A_47] {strides = array<i32>} : memref<128xi32, #tpu.memory_space<vmem>>, vector<16xi32>,
      %swap3A_49 = vector.shape_cast %swap3A_48 : vector<16xi32> to vector<16xi32>
      %swap3A_50 = vector.shape_cast %shift_right_logical3A_46 : vector<16xi32> to vector<16xi32>
      tpu.vector_store %arg7[%swap3A_47], %swap3A_50 {strides = array<i32>} : memref<128xi32, #tpu.memory_space<vmem>>, vector<16xi32>,
      %get3A_51 = arith.index_cast %while3A_20 : i32 to index
      %get3A_52 = arith.constant 48 : index
      %get3A_53 = tpu.vector_load %arg6[%get3A_51, %get3A_52] {strides = array<i32>} : memref<94x128xi32, #tpu.memory_space<vmem>>, vector<1x16xi32>,
      %get3A_54 = vector.shape_cast %get3A_53 : vector<1x16xi32> to vector<16xi32>
      %shift_right_logical3A_55 = arith.constant 14 : i32
      %shift_right_logical3A_56 = vector.broadcast %shift_right_logical3A_55 : i32 to vector<16xi32>
      %shift_right_logical3A_57 = arith.shrui %get3A_54, %shift_right_logical3A_56 : vector<16xi32>
      %swap3A_58 = arith.constant 48 : index
      %swap3A_59 = tpu.vector_load %arg7[%swap3A_58] {strides = array<i32>} : memref<128xi32, #tpu.memory_space<vmem>>, vector<16xi32>,
      %swap3A_60 = vector.shape_cast %swap3A_59 : vector<16xi32> to vector<16xi32>
      %swap3A_61 = vector.shape_cast %shift_right_logical3A_57 : vector<16xi32> to vector<16xi32>
      tpu.vector_store %arg7[%swap3A_58], %swap3A_61 {strides = array<i32>} : memref<128xi32, #tpu.memory_space<vmem>>, vector<16xi32>,
      %get3A_62 = arith.index_cast %while3A_20 : i32 to index
      %get3A_63 = arith.constant 64 : index
      %get3A_64 = tpu.vector_load %arg6[%get3A_62, %get3A_63] {strides = array<i32>} : memref<94x128xi32, #tpu.memory_space<vmem>>, vector<1x16xi32>,
      %get3A_65 = vector.shape_cast %get3A_64 : vector<1x16xi32> to vector<16xi32>
      %shift_right_logical3A_66 = arith.constant 14 : i32
      %shift_right_logical3A_67 = vector.broadcast %shift_right_logical3A_66 : i32 to vector<16xi32>
      %shift_right_logical3A_68 = arith.shrui %get3A_65, %shift_right_logical3A_67 : vector<16xi32>
      %swap3A_69 = arith.constant 64 : index
      %swap3A_70 = tpu.vector_load %arg7[%swap3A_69] {strides = array<i32>} : memref<128xi32, #tpu.memory_space<vmem>>, vector<16xi32>,
      %swap3A_71 = vector.shape_cast %swap3A_70 : vector<16xi32> to vector<16xi32>
      %swap3A_72 = vector.shape_cast %shift_right_logical3A_68 : vector<16xi32> to vector<16xi32>
      tpu.vector_store %arg7[%swap3A_69], %swap3A_72 {strides = array<i32>} : memref<128xi32, #tpu.memory_space<vmem>>, vector<16xi32>,
      %get3A_73 = arith.index_cast %while3A_20 : i32 to index
      %get3A_74 = arith.constant 80 : index
      %get3A_75 = tpu.vector_load %arg6[%get3A_73, %get3A_74] {strides = array<i32>} : memref<94x128xi32, #tpu.memory_space<vmem>>, vector<1x16xi32>,
      %get3A_76 = vector.shape_cast %get3A_75 : vector<1x16xi32> to vector<16xi32>
      %shift_right_logical3A_77 = arith.constant 14 : i32
      %shift_right_logical3A_78 = vector.broadcast %shift_right_logical3A_77 : i32 to vector<16xi32>
      %shift_right_logical3A_79 = arith.shrui %get3A_76, %shift_right_logical3A_78 : vector<16xi32>
      %swap3A_80 = arith.constant 80 : index
      %swap3A_81 = tpu.vector_load %arg7[%swap3A_80] {strides = array<i32>} : memref<128xi32, #tpu.memory_space<vmem>>, vector<16xi32>,
      %swap3A_82 = vector.shape_cast %swap3A_81 : vector<16xi32> to vector<16xi32>
      %swap3A_83 = vector.shape_cast %shift_right_logical3A_79 : vector<16xi32> to vector<16xi32>
      tpu.vector_store %arg7[%swap3A_80], %swap3A_83 {strides = array<i32>} : memref<128xi32, #tpu.memory_space<vmem>>, vector<16xi32>,
      %get3A_84 = arith.index_cast %while3A_20 : i32 to index
      %get3A_85 = arith.constant 96 : index
      %get3A_86 = tpu.vector_load %arg6[%get3A_84, %get3A_85] {strides = array<i32>} : memref<94x128xi32, #tpu.memory_space<vmem>>, vector<1x16xi32>,
      %get3A_87 = vector.shape_cast %get3A_86 : vector<1x16xi32> to vector<16xi32>
      %shift_right_logical3A_88 = arith.constant 14 : i32
      %shift_right_logical3A_89 = vector.broadcast %shift_right_logical3A_88 : i32 to vector<16xi32>
      %shift_right_logical3A_90 = arith.shrui %get3A_87, %shift_right_logical3A_89 : vector<16xi32>
      %swap3A_91 = arith.constant 96 : index
      %swap3A_92 = tpu.vector_load %arg7[%swap3A_91] {strides = array<i32>} : memref<128xi32, #tpu.memory_space<vmem>>, vector<16xi32>,
      %swap3A_93 = vector.shape_cast %swap3A_92 : vector<16xi32> to vector<16xi32>
      %swap3A_94 = vector.shape_cast %shift_right_logical3A_90 : vector<16xi32> to vector<16xi32>
      tpu.vector_store %arg7[%swap3A_91], %swap3A_94 {strides = array<i32>} : memref<128xi32, #tpu.memory_space<vmem>>, vector<16xi32>,
      %get3A_95 = arith.index_cast %while3A_20 : i32 to index
      %get3A_96 = arith.constant 112 : index
      %get3A_97 = tpu.vector_load %arg6[%get3A_95, %get3A_96] {strides = array<i32>} : memref<94x128xi32, #tpu.memory_space<vmem>>, vector<1x16xi32>,
      %get3A_98 = vector.shape_cast %get3A_97 : vector<1x16xi32> to vector<16xi32>
      %shift_right_logical3A_99 = arith.constant 14 : i32
      %shift_right_logical3A_100 = vector.broadcast %shift_right_logical3A_99 : i32 to vector<16xi32>
      %shift_right_logical3A_101 = arith.shrui %get3A_98, %shift_right_logical3A_100 : vector<16xi32>
      %swap3A_102 = arith.constant 112 : index
      %swap3A_103 = tpu.vector_load %arg7[%swap3A_102] {strides = array<i32>} : memref<128xi32, #tpu.memory_space<vmem>>, vector<16xi32>,
      %swap3A_104 = vector.shape_cast %swap3A_103 : vector<16xi32> to vector<16xi32>
      %swap3A_105 = vector.shape_cast %shift_right_logical3A_101 : vector<16xi32> to vector<16xi32>
      tpu.vector_store %arg7[%swap3A_102], %swap3A_105 {strides = array<i32>} : memref<128xi32, #tpu.memory_space<vmem>>, vector<16xi32>,
      %dma_start3A = arith.constant 0 : i32
      %dma_start3A_106 = arith.constant 0 : i32
      %dma_start3A_107 = tpu.memref_slice %arg2[%dma_start3A, %dma_start3A_106] : memref<70000x128xf32, #tpu.memory_space<hbm>> -> memref<70000x128xf32, #tpu.memory_space<hbm>>
      tpu.enqueue_indirect_dma source(%dma_start3A_107 : memref<70000x128xf32, #tpu.memory_space<hbm>>) target(%arg9 : memref<128x128xf32, #tpu.memory_space<vmem>>) offsets(%arg7 : memref<128xi32, #tpu.memory_space<vmem>>) semaphore(%arg11 : memref<!tpu.dma_semaphore, #tpu.memory_space<semaphore_mem>>)
      %get3A_108 = arith.index_cast %while3A_20 : i32 to index
      %get3A_109 = arith.constant 0 : index
      %get3A_110 = tpu.vector_load %arg6[%get3A_108, %get3A_109] {strides = array<i32>} : memref<94x128xi32, #tpu.memory_space<vmem>>, vector<1x16xi32>,
      %get3A_111 = vector.shape_cast %get3A_110 : vector<1x16xi32> to vector<16xi32>
      %and3A = arith.constant 16383 : i32
      %and3A_112 = vector.broadcast %and3A : i32 to vector<16xi32>
      %and3A_113 = arith.andi %get3A_111, %and3A_112 : vector<16xi32>
      %swap3A_114 = arith.constant 0 : index
      %swap3A_115 = tpu.vector_load %arg8[%swap3A_114] {strides = array<i32>} : memref<128xi32, #tpu.memory_space<vmem>>, vector<16xi32>,
      %swap3A_116 = vector.shape_cast %swap3A_115 : vector<16xi32> to vector<16xi32>
      %swap3A_117 = vector.shape_cast %and3A_113 : vector<16xi32> to vector<16xi32>
      tpu.vector_store %arg8[%swap3A_114], %swap3A_117 {strides = array<i32>} : memref<128xi32, #tpu.memory_space<vmem>>, vector<16xi32>,
      %get3A_118 = arith.index_cast %while3A_20 : i32 to index
      %get3A_119 = arith.constant 16 : index
      %get3A_120 = tpu.vector_load %arg6[%get3A_118, %get3A_119] {strides = array<i32>} : memref<94x128xi32, #tpu.memory_space<vmem>>, vector<1x16xi32>,
      %get3A_121 = vector.shape_cast %get3A_120 : vector<1x16xi32> to vector<16xi32>
      %and3A_122 = arith.constant 16383 : i32
      %and3A_123 = vector.broadcast %and3A_122 : i32 to vector<16xi32>
      %and3A_124 = arith.andi %get3A_121, %and3A_123 : vector<16xi32>
      %swap3A_125 = arith.constant 16 : index
      %swap3A_126 = tpu.vector_load %arg8[%swap3A_125] {strides = array<i32>} : memref<128xi32, #tpu.memory_space<vmem>>, vector<16xi32>,
      %swap3A_127 = vector.shape_cast %swap3A_126 : vector<16xi32> to vector<16xi32>
      %swap3A_128 = vector.shape_cast %and3A_124 : vector<16xi32> to vector<16xi32>
      tpu.vector_store %arg8[%swap3A_125], %swap3A_128 {strides = array<i32>} : memref<128xi32, #tpu.memory_space<vmem>>, vector<16xi32>,
      %get3A_129 = arith.index_cast %while3A_20 : i32 to index
      %get3A_130 = arith.constant 32 : index
      %get3A_131 = tpu.vector_load %arg6[%get3A_129, %get3A_130] {strides = array<i32>} : memref<94x128xi32, #tpu.memory_space<vmem>>, vector<1x16xi32>,
      %get3A_132 = vector.shape_cast %get3A_131 : vector<1x16xi32> to vector<16xi32>
      %and3A_133 = arith.constant 16383 : i32
      %and3A_134 = vector.broadcast %and3A_133 : i32 to vector<16xi32>
      %and3A_135 = arith.andi %get3A_132, %and3A_134 : vector<16xi32>
      %swap3A_136 = arith.constant 32 : index
      %swap3A_137 = tpu.vector_load %arg8[%swap3A_136] {strides = array<i32>} : memref<128xi32, #tpu.memory_space<vmem>>, vector<16xi32>,
      %swap3A_138 = vector.shape_cast %swap3A_137 : vector<16xi32> to vector<16xi32>
      %swap3A_139 = vector.shape_cast %and3A_135 : vector<16xi32> to vector<16xi32>
      tpu.vector_store %arg8[%swap3A_136], %swap3A_139 {strides = array<i32>} : memref<128xi32, #tpu.memory_space<vmem>>, vector<16xi32>,
      %get3A_140 = arith.index_cast %while3A_20 : i32 to index
      %get3A_141 = arith.constant 48 : index
      %get3A_142 = tpu.vector_load %arg6[%get3A_140, %get3A_141] {strides = array<i32>} : memref<94x128xi32, #tpu.memory_space<vmem>>, vector<1x16xi32>,
      %get3A_143 = vector.shape_cast %get3A_142 : vector<1x16xi32> to vector<16xi32>
      %and3A_144 = arith.constant 16383 : i32
      %and3A_145 = vector.broadcast %and3A_144 : i32 to vector<16xi32>
      %and3A_146 = arith.andi %get3A_143, %and3A_145 : vector<16xi32>
      %swap3A_147 = arith.constant 48 : index
      %swap3A_148 = tpu.vector_load %arg8[%swap3A_147] {strides = array<i32>} : memref<128xi32, #tpu.memory_space<vmem>>, vector<16xi32>,
      %swap3A_149 = vector.shape_cast %swap3A_148 : vector<16xi32> to vector<16xi32>
      %swap3A_150 = vector.shape_cast %and3A_146 : vector<16xi32> to vector<16xi32>
      tpu.vector_store %arg8[%swap3A_147], %swap3A_150 {strides = array<i32>} : memref<128xi32, #tpu.memory_space<vmem>>, vector<16xi32>,
      %get3A_151 = arith.index_cast %while3A_20 : i32 to index
      %get3A_152 = arith.constant 64 : index
      %get3A_153 = tpu.vector_load %arg6[%get3A_151, %get3A_152] {strides = array<i32>} : memref<94x128xi32, #tpu.memory_space<vmem>>, vector<1x16xi32>,
      %get3A_154 = vector.shape_cast %get3A_153 : vector<1x16xi32> to vector<16xi32>
      %and3A_155 = arith.constant 16383 : i32
      %and3A_156 = vector.broadcast %and3A_155 : i32 to vector<16xi32>
      %and3A_157 = arith.andi %get3A_154, %and3A_156 : vector<16xi32>
      %swap3A_158 = arith.constant 64 : index
      %swap3A_159 = tpu.vector_load %arg8[%swap3A_158] {strides = array<i32>} : memref<128xi32, #tpu.memory_space<vmem>>, vector<16xi32>,
      %swap3A_160 = vector.shape_cast %swap3A_159 : vector<16xi32> to vector<16xi32>
      %swap3A_161 = vector.shape_cast %and3A_157 : vector<16xi32> to vector<16xi32>
      tpu.vector_store %arg8[%swap3A_158], %swap3A_161 {strides = array<i32>} : memref<128xi32, #tpu.memory_space<vmem>>, vector<16xi32>,
      %get3A_162 = arith.index_cast %while3A_20 : i32 to index
      %get3A_163 = arith.constant 80 : index
      %get3A_164 = tpu.vector_load %arg6[%get3A_162, %get3A_163] {strides = array<i32>} : memref<94x128xi32, #tpu.memory_space<vmem>>, vector<1x16xi32>,
      %get3A_165 = vector.shape_cast %get3A_164 : vector<1x16xi32> to vector<16xi32>
      %and3A_166 = arith.constant 16383 : i32
      %and3A_167 = vector.broadcast %and3A_166 : i32 to vector<16xi32>
      %and3A_168 = arith.andi %get3A_165, %and3A_167 : vector<16xi32>
      %swap3A_169 = arith.constant 80 : index
      %swap3A_170 = tpu.vector_load %arg8[%swap3A_169] {strides = array<i32>} : memref<128xi32, #tpu.memory_space<vmem>>, vector<16xi32>,
      %swap3A_171 = vector.shape_cast %swap3A_170 : vector<16xi32> to vector<16xi32>
      %swap3A_172 = vector.shape_cast %and3A_168 : vector<16xi32> to vector<16xi32>
      tpu.vector_store %arg8[%swap3A_169], %swap3A_172 {strides = array<i32>} : memref<128xi32, #tpu.memory_space<vmem>>, vector<16xi32>,
      %get3A_173 = arith.index_cast %while3A_20 : i32 to index
      %get3A_174 = arith.constant 96 : index
      %get3A_175 = tpu.vector_load %arg6[%get3A_173, %get3A_174] {strides = array<i32>} : memref<94x128xi32, #tpu.memory_space<vmem>>, vector<1x16xi32>,
      %get3A_176 = vector.shape_cast %get3A_175 : vector<1x16xi32> to vector<16xi32>
      %and3A_177 = arith.constant 16383 : i32
      %and3A_178 = vector.broadcast %and3A_177 : i32 to vector<16xi32>
      %and3A_179 = arith.andi %get3A_176, %and3A_178 : vector<16xi32>
      %swap3A_180 = arith.constant 96 : index
      %swap3A_181 = tpu.vector_load %arg8[%swap3A_180] {strides = array<i32>} : memref<128xi32, #tpu.memory_space<vmem>>, vector<16xi32>,
      %swap3A_182 = vector.shape_cast %swap3A_181 : vector<16xi32> to vector<16xi32>
      %swap3A_183 = vector.shape_cast %and3A_179 : vector<16xi32> to vector<16xi32>
      tpu.vector_store %arg8[%swap3A_180], %swap3A_183 {strides = array<i32>} : memref<128xi32, #tpu.memory_space<vmem>>, vector<16xi32>,
      %get3A_184 = arith.index_cast %while3A_20 : i32 to index
      %get3A_185 = arith.constant 112 : index
      %get3A_186 = tpu.vector_load %arg6[%get3A_184, %get3A_185] {strides = array<i32>} : memref<94x128xi32, #tpu.memory_space<vmem>>, vector<1x16xi32>,
      %get3A_187 = vector.shape_cast %get3A_186 : vector<1x16xi32> to vector<16xi32>
      %and3A_188 = arith.constant 16383 : i32
      %and3A_189 = vector.broadcast %and3A_188 : i32 to vector<16xi32>
      %and3A_190 = arith.andi %get3A_187, %and3A_189 : vector<16xi32>
      %swap3A_191 = arith.constant 112 : index
      %swap3A_192 = tpu.vector_load %arg8[%swap3A_191] {strides = array<i32>} : memref<128xi32, #tpu.memory_space<vmem>>, vector<16xi32>,
      %swap3A_193 = vector.shape_cast %swap3A_192 : vector<16xi32> to vector<16xi32>
      %swap3A_194 = vector.shape_cast %and3A_190 : vector<16xi32> to vector<16xi32>
      tpu.vector_store %arg8[%swap3A_191], %swap3A_194 {strides = array<i32>} : memref<128xi32, #tpu.memory_space<vmem>>, vector<16xi32>,
      %dma_wait3A = arith.constant 0 : i32
      %dma_wait3A_195 = arith.constant 0 : i32
      %dma_wait3A_196 = tpu.memref_slice %arg2[%dma_wait3A, %dma_wait3A_195] : memref<70000x128xf32, #tpu.memory_space<hbm>> -> memref<70000x128xf32, #tpu.memory_space<hbm>>
      tpu.wait_indirect_dma semaphore(%arg11 : memref<!tpu.dma_semaphore, #tpu.memory_space<semaphore_mem>>) src(%dma_wait3A_196 : memref<70000x128xf32, #tpu.memory_space<hbm>>) dst(%arg9 : memref<128x128xf32, #tpu.memory_space<vmem>>)
      %dma_start3A_197 = arith.constant 0 : i32
      %dma_start3A_198 = arith.constant 0 : i32
      %dma_start3A_199 = tpu.memref_slice %arg10[%dma_start3A_197, %dma_start3A_198] : memref<10112x128xf32, #tpu.memory_space<vmem_shared>> -> memref<10112x128xf32, #tpu.memory_space<vmem_shared>>
      tpu.enqueue_indirect_dma source(%arg9 : memref<128x128xf32, #tpu.memory_space<vmem>>) target(%dma_start3A_199 : memref<10112x128xf32, #tpu.memory_space<vmem_shared>>) offsets(%arg8 : memref<128xi32, #tpu.memory_space<vmem>>) semaphore(%arg12 : memref<!tpu.dma_semaphore, #tpu.memory_space<semaphore_mem>>) {add = true}
      %dma_wait3A_200 = arith.constant 0 : i32
      %dma_wait3A_201 = arith.constant 0 : i32
      %dma_wait3A_202 = tpu.memref_slice %arg10[%dma_wait3A_200, %dma_wait3A_201] : memref<10112x128xf32, #tpu.memory_space<vmem_shared>> -> memref<10112x128xf32, #tpu.memory_space<vmem_shared>>
      tpu.wait_indirect_dma semaphore(%arg12 : memref<!tpu.dma_semaphore, #tpu.memory_space<semaphore_mem>>) src(%arg9 : memref<128x128xf32, #tpu.memory_space<vmem>>) dst(%dma_wait3A_202 : memref<10112x128xf32, #tpu.memory_space<vmem_shared>>)
    }
    %barrier3A_15 = arith.constant 0 : index
    tpu.barrier barrier_id(%barrier3A_15)
    %mul3A_16 = arith.constant 632 : i32
    %mul3A_17 = arith.muli %arg1, %mul3A_16 : i32
    %mul3A_18 = arith.constant 632 : i32
    %mul3A_19 = arith.muli %arg1, %mul3A_18 : i32
    "tpu.region"() ({
      %run_scoped3A = tpu.sem_alloc : memref<!tpu.dma_semaphore, #tpu.memory_space<semaphore_mem>>
      %dma_start3A = arith.constant 0 : i32
      %dma_start3A_20 = tpu.memref_slice %arg5[%arg0, %mul3A_19, %dma_start3A] : memref<2x10112x128xf32, #tpu.memory_space<hbm>> -> memref<1x632x128xf32, #tpu.memory_space<hbm>>
      %dma_start3A_21 = tpu.memref_squeeze %dma_start3A_20 : memref<1x632x128xf32, #tpu.memory_space<hbm>> -> memref<632x128xf32, #tpu.memory_space<hbm>>
      %dma_start3A_22 = arith.constant 0 : i32
      %dma_start3A_23 = tpu.memref_slice %arg10[%mul3A_17, %dma_start3A_22] : memref<10112x128xf32, #tpu.memory_space<vmem_shared>> -> memref<632x128xf32, #tpu.memory_space<vmem_shared>>
      tpu.enqueue_dma source(%dma_start3A_23 : memref<632x128xf32, #tpu.memory_space<vmem_shared>>) target(%dma_start3A_21 : memref<632x128xf32, #tpu.memory_space<hbm>>) target_semaphore(%run_scoped3A : memref<!tpu.dma_semaphore, #tpu.memory_space<semaphore_mem>>)
      %dma_wait3A = arith.constant 0 : i32
      %dma_wait3A_24 = tpu.memref_slice %arg5[%arg0, %mul3A_19, %dma_wait3A] : memref<2x10112x128xf32, #tpu.memory_space<hbm>> -> memref<1x632x128xf32, #tpu.memory_space<hbm>>
      %dma_wait3A_25 = tpu.memref_squeeze %dma_wait3A_24 : memref<1x632x128xf32, #tpu.memory_space<hbm>> -> memref<632x128xf32, #tpu.memory_space<hbm>>
      %dma_wait3A_26 = arith.constant 0 : i32
      %dma_wait3A_27 = tpu.memref_slice %arg10[%mul3A_17, %dma_wait3A_26] : memref<10112x128xf32, #tpu.memory_space<vmem_shared>> -> memref<632x128xf32, #tpu.memory_space<vmem_shared>>
      tpu.wait_dma2 semaphore(%run_scoped3A : memref<!tpu.dma_semaphore, #tpu.memory_space<semaphore_mem>>) src(%dma_wait3A_27 : memref<632x128xf32, #tpu.memory_space<vmem_shared>>) dst(%dma_wait3A_25 : memref<632x128xf32, #tpu.memory_space<hbm>>)
      tpu.yield
    }) : () -> ()
    return
  }
}

module attributes {stable_mosaic.version = 14 : i64} {
  func.func @body(%arg0: i32, %arg1: memref<2000x128xf32, #tpu.memory_space<vmem>>, %arg2: memref<128x128xf32, #tpu.memory_space<vmem>>, %arg3: memref<7x128xf32, #tpu.memory_space<vmem>>, %arg4: memref<7x2000x128xf32, #tpu.memory_space<vmem>>) attributes {dimension_semantics = [#tpu.dimension_semantics<arbitrary>], iteration_bounds = array<i64: 5>, scalar_prefetch = 0 : i64, scratch_operands = 0 : i64, tpu.core_type = #tpu.core_type<tc>, window_params = [{transform_indices = @transform_0, window_bounds = array<i64: 2000, 128>}, {pipeline_mode = #tpu.pipeline_mode<synchronous>, transform_indices = @transform_1, window_bounds = array<i64: 128, 128>}, {pipeline_mode = #tpu.pipeline_mode<synchronous>, transform_indices = @transform_2, window_bounds = array<i64: 7, 128>}, {transform_indices = @transform_3, window_bounds = array<i64: 7, 2000, 128>}]} {
    %get3A = arith.constant 0 : index
    %get3A_0 = arith.constant 0 : index
    %get3A_1 = vector.load %arg1[%get3A, %get3A_0] : memref<2000x128xf32, #tpu.memory_space<vmem>>, vector<2000x128xf32>
    %get3A_2 = arith.constant 0 : index
    %get3A_3 = arith.constant 0 : index
    %get3A_4 = vector.load %arg2[%get3A_2, %get3A_3] : memref<128x128xf32, #tpu.memory_space<vmem>>, vector<128x128xf32>
    %dot_general3A = arith.constant dense<0.000000e+00> : vector<2000x128xf32>
    %dot_general3A_5 = tpu.matmul %get3A_1, %get3A_4, %dot_general3A {dimension_numbers = #tpu.dot_dimension_numbers<[1], [0], [0], [1], [0, 0, 1, 1], [], []>, transpose_lhs_hint = false} : vector<2000x128xf32>, vector<128x128xf32>, vector<2000x128xf32> -> vector<2000x128xf32>
    %get3A_6 = arith.constant 0 : index
    %get3A_7 = arith.constant 0 : index
    %get3A_8 = vector.load %arg3[%get3A_6, %get3A_7] : memref<7x128xf32, #tpu.memory_space<vmem>>, vector<7x128xf32>
    %reduce_sum3A = arith.constant dense<0.000000e+00> : vector<7xf32>
    %reduce_sum3A_9 = vector.multi_reduction <add>, %get3A_8, %reduce_sum3A [1] : vector<7x128xf32> to vector<7xf32>
    %div3A = arith.constant 1.280000e+02 : f32
    %div3A_10 = vector.broadcast %div3A : f32 to vector<7xf32>
    %div3A_11 = arith.divf %reduce_sum3A_9, %div3A_10 : vector<7xf32>
    %broadcast_in_dim3A = vector.shape_cast %div3A_11 : vector<7xf32> to vector<7x1x1xf32>
    %broadcast_in_dim3A_12 = vector.shape_cast %dot_general3A_5 : vector<2000x128xf32> to vector<1x2000x128xf32>
    %mul3A = vector.broadcast %broadcast_in_dim3A : vector<7x1x1xf32> to vector<7x2000x128xf32>
    %mul3A_13 = vector.broadcast %broadcast_in_dim3A_12 : vector<1x2000x128xf32> to vector<7x2000x128xf32>
    %mul3A_14 = arith.mulf %mul3A, %mul3A_13 : vector<7x2000x128xf32>
    %swap3A = arith.constant 0 : index
    %swap3A_15 = arith.constant 0 : index
    %swap3A_16 = arith.constant 0 : index
    %swap3A_17 = vector.load %arg4[%swap3A, %swap3A_15, %swap3A_16] : memref<7x2000x128xf32, #tpu.memory_space<vmem>>, vector<7x2000x128xf32>
    tpu.vector_store %arg4[%swap3A, %swap3A_15, %swap3A_16], %mul3A_14 {strides = array<i32>} : memref<7x2000x128xf32, #tpu.memory_space<vmem>>, vector<7x2000x128xf32>,
    return
  }
  func.func @transform_0(%arg0: i32) -> (i32, i32) {
    %c0_i32 = arith.constant 0 : i32
    %c0_i32_0 = arith.constant 0 : i32
    return %arg0, %c0_i32 : i32, i32
  }
  func.func @transform_1(%arg0: i32) -> (i32, i32) {
    %c0_i32 = arith.constant 0 : i32
    %c0_i32_0 = arith.constant 0 : i32
    %c0_i32_1 = arith.constant 0 : i32
    return %c0_i32, %c0_i32_0 : i32, i32
  }
  func.func @transform_2(%arg0: i32) -> (i32, i32) {
    %c0_i32 = arith.constant 0 : i32
    %c0_i32_0 = arith.constant 0 : i32
    %c0_i32_1 = arith.constant 0 : i32
    return %c0_i32, %c0_i32_0 : i32, i32
  }
  func.func @transform_3(%arg0: i32) -> (i32, i32, i32) {
    %c0_i32 = arith.constant 0 : i32
    %c0_i32_0 = arith.constant 0 : i32
    %c0_i32_1 = arith.constant 0 : i32
    return %c0_i32, %arg0, %c0_i32_0 : i32, i32, i32
  }
}

module attributes {stable_mosaic.version = 14 : i64} {
  func.func @body(%arg0: i32, %arg1: memref<2x2000x128xf32, #tpu.memory_space<vmem>>, %arg2: memref<2000x128xf32, #tpu.memory_space<vmem>>, %arg3: memref<384x128xf32, #tpu.memory_space<vmem>>, %arg4: memref<384x128xf32, #tpu.memory_space<vmem>>, %arg5: memref<1x384xf32, #tpu.memory_space<vmem>>, %arg6: memref<1x384xf32, #tpu.memory_space<vmem>>, %arg7: memref<128x128xf32, #tpu.memory_space<vmem>>, %arg8: memref<7x128xf32, #tpu.memory_space<vmem>>, %arg9: memref<2000x128xf32, #tpu.memory_space<vmem>>, %arg10: memref<7x2000x128xf32, #tpu.memory_space<vmem>>) attributes {dimension_semantics = [#tpu.dimension_semantics<arbitrary>], iteration_bounds = array<i64: 5>, scalar_prefetch = 0 : i64, scratch_operands = 0 : i64, tpu.core_type = #tpu.core_type<tc>, window_params = [{transform_indices = @transform_0, window_bounds = array<i64: 2, 2000, 128>}, {transform_indices = @transform_1, window_bounds = array<i64: 2000, 128>}, {pipeline_mode = #tpu.pipeline_mode<synchronous>, transform_indices = @transform_2, window_bounds = array<i64: 384, 128>}, {pipeline_mode = #tpu.pipeline_mode<synchronous>, transform_indices = @transform_3, window_bounds = array<i64: 384, 128>}, {pipeline_mode = #tpu.pipeline_mode<synchronous>, transform_indices = @transform_4, window_bounds = array<i64: 1, 384>}, {pipeline_mode = #tpu.pipeline_mode<synchronous>, transform_indices = @transform_5, window_bounds = array<i64: 1, 384>}, {pipeline_mode = #tpu.pipeline_mode<synchronous>, transform_indices = @transform_6, window_bounds = array<i64: 128, 128>}, {pipeline_mode = #tpu.pipeline_mode<synchronous>, transform_indices = @transform_7, window_bounds = array<i64: 7, 128>}, {transform_indices = @transform_8, window_bounds = array<i64: 2000, 128>}, {transform_indices = @transform_9, window_bounds = array<i64: 7, 2000, 128>}]} {
    %get3A = arith.constant 0 : index
    %get3A_0 = arith.constant 0 : index
    %get3A_1 = arith.constant 0 : index
    %get3A_2 = vector.load %arg1[%get3A, %get3A_0, %get3A_1] : memref<2x2000x128xf32, #tpu.memory_space<vmem>>, vector<1x2000x128xf32>
    %get3A_3 = vector.shape_cast %get3A_2 : vector<1x2000x128xf32> to vector<2000x128xf32>
    %get3A_4 = arith.constant 1 : index
    %get3A_5 = arith.constant 0 : index
    %get3A_6 = arith.constant 0 : index
    %get3A_7 = vector.load %arg1[%get3A_4, %get3A_5, %get3A_6] : memref<2x2000x128xf32, #tpu.memory_space<vmem>>, vector<1x2000x128xf32>
    %get3A_8 = vector.shape_cast %get3A_7 : vector<1x2000x128xf32> to vector<2000x128xf32>
    %add3A = arith.addf %get3A_3, %get3A_8 : vector<2000x128xf32>
    %get3A_9 = arith.constant 0 : index
    %get3A_10 = arith.constant 0 : index
    %get3A_11 = vector.load %arg2[%get3A_9, %get3A_10] : memref<2000x128xf32, #tpu.memory_space<vmem>>, vector<2000x128xf32>
    %get3A_12 = arith.constant 0 : index
    %get3A_13 = arith.constant 0 : index
    %get3A_14 = vector.load %arg3[%get3A_12, %get3A_13] : memref<384x128xf32, #tpu.memory_space<vmem>>, vector<384x128xf32>
    %dot_general3A = arith.constant dense<0.000000e+00> : vector<2000x384xf32>
    %dot_general3A_15 = tpu.matmul %add3A, %get3A_14, %dot_general3A {dimension_numbers = #tpu.dot_dimension_numbers<[1], [1], [0], [0], [0, 0, 1, 0], [], []>, transpose_lhs_hint = false} : vector<2000x128xf32>, vector<384x128xf32>, vector<2000x384xf32> -> vector<2000x384xf32>
    %get3A_16 = arith.constant 0 : index
    %get3A_17 = arith.constant 0 : index
    %get3A_18 = vector.load %arg5[%get3A_16, %get3A_17] : memref<1x384xf32, #tpu.memory_space<vmem>>, vector<1x384xf32>
    %add3A_19 = vector.broadcast %get3A_18 : vector<1x384xf32> to vector<2000x384xf32>
    %add3A_20 = arith.addf %dot_general3A_15, %add3A_19 : vector<2000x384xf32>
    %get3A_21 = arith.constant 0 : index
    %get3A_22 = arith.constant 0 : index
    %get3A_23 = vector.load %arg4[%get3A_21, %get3A_22] : memref<384x128xf32, #tpu.memory_space<vmem>>, vector<384x128xf32>
    %dot_general3A_24 = arith.constant dense<0.000000e+00> : vector<2000x384xf32>
    %dot_general3A_25 = tpu.matmul %get3A_11, %get3A_23, %dot_general3A_24 {dimension_numbers = #tpu.dot_dimension_numbers<[1], [1], [0], [0], [0, 0, 1, 0], [], []>, transpose_lhs_hint = false} : vector<2000x128xf32>, vector<384x128xf32>, vector<2000x384xf32> -> vector<2000x384xf32>
    %get3A_26 = arith.constant 0 : index
    %get3A_27 = arith.constant 0 : index
    %get3A_28 = vector.load %arg6[%get3A_26, %get3A_27] : memref<1x384xf32, #tpu.memory_space<vmem>>, vector<1x384xf32>
    %add3A_29 = vector.broadcast %get3A_28 : vector<1x384xf32> to vector<2000x384xf32>
    %add3A_30 = arith.addf %dot_general3A_25, %add3A_29 : vector<2000x384xf32>
    %slice3A = vector.extract_strided_slice %add3A_20 {offsets = [0, 0], sizes = [2000, 128], strides = [1, 1]} : vector<2000x384xf32> to vector<2000x128xf32>
    %slice3A_31 = vector.extract_strided_slice %add3A_30 {offsets = [0, 0], sizes = [2000, 128], strides = [1, 1]} : vector<2000x384xf32> to vector<2000x128xf32>
    %add3A_32 = arith.addf %slice3A, %slice3A_31 : vector<2000x128xf32>
    %logistic3A = arith.negf %add3A_32 : vector<2000x128xf32>
    %logistic3A_33 = math.exp %logistic3A : vector<2000x128xf32>
    %logistic3A_34 = arith.constant 1.000000e+00 : f32
    %logistic3A_35 = vector.broadcast %logistic3A_34 : f32 to vector<2000x128xf32>
    %logistic3A_36 = arith.addf %logistic3A_35, %logistic3A_33 : vector<2000x128xf32>
    %logistic3A_37 = arith.divf %logistic3A_35, %logistic3A_36 : vector<2000x128xf32>
    %slice3A_38 = vector.extract_strided_slice %add3A_20 {offsets = [0, 128], sizes = [2000, 128], strides = [1, 1]} : vector<2000x384xf32> to vector<2000x128xf32>
    %slice3A_39 = vector.extract_strided_slice %add3A_30 {offsets = [0, 128], sizes = [2000, 128], strides = [1, 1]} : vector<2000x384xf32> to vector<2000x128xf32>
    %add3A_40 = arith.addf %slice3A_38, %slice3A_39 : vector<2000x128xf32>
    %logistic3A_41 = arith.negf %add3A_40 : vector<2000x128xf32>
    %logistic3A_42 = math.exp %logistic3A_41 : vector<2000x128xf32>
    %logistic3A_43 = arith.constant 1.000000e+00 : f32
    %logistic3A_44 = vector.broadcast %logistic3A_43 : f32 to vector<2000x128xf32>
    %logistic3A_45 = arith.addf %logistic3A_44, %logistic3A_42 : vector<2000x128xf32>
    %logistic3A_46 = arith.divf %logistic3A_44, %logistic3A_45 : vector<2000x128xf32>
    %slice3A_47 = vector.extract_strided_slice %add3A_20 {offsets = [0, 256], sizes = [2000, 128], strides = [1, 1]} : vector<2000x384xf32> to vector<2000x128xf32>
    %slice3A_48 = vector.extract_strided_slice %add3A_30 {offsets = [0, 256], sizes = [2000, 128], strides = [1, 1]} : vector<2000x384xf32> to vector<2000x128xf32>
    %mul3A = arith.mulf %logistic3A_37, %slice3A_48 : vector<2000x128xf32>
    %add3A_49 = arith.addf %slice3A_47, %mul3A : vector<2000x128xf32>
    %tanh3A = math.tanh %add3A_49 : vector<2000x128xf32>
    %sub3A = arith.constant 1.000000e+00 : f32
    %sub3A_50 = vector.broadcast %sub3A : f32 to vector<2000x128xf32>
    %sub3A_51 = arith.subf %sub3A_50, %logistic3A_46 : vector<2000x128xf32>
    %mul3A_52 = arith.mulf %sub3A_51, %tanh3A : vector<2000x128xf32>
    %mul3A_53 = arith.mulf %logistic3A_46, %get3A_11 : vector<2000x128xf32>
    %add3A_54 = arith.addf %mul3A_52, %mul3A_53 : vector<2000x128xf32>
    %swap3A = arith.constant 0 : index
    %swap3A_55 = arith.constant 0 : index
    %swap3A_56 = vector.load %arg9[%swap3A, %swap3A_55] : memref<2000x128xf32, #tpu.memory_space<vmem>>, vector<2000x128xf32>
    tpu.vector_store %arg9[%swap3A, %swap3A_55], %add3A_54 {strides = array<i32>} : memref<2000x128xf32, #tpu.memory_space<vmem>>, vector<2000x128xf32>,
    %get3A_57 = arith.constant 0 : index
    %get3A_58 = arith.constant 0 : index
    %get3A_59 = vector.load %arg7[%get3A_57, %get3A_58] : memref<128x128xf32, #tpu.memory_space<vmem>>, vector<128x128xf32>
    %dot_general3A_60 = arith.constant dense<0.000000e+00> : vector<2000x128xf32>
    %dot_general3A_61 = tpu.matmul %add3A_54, %get3A_59, %dot_general3A_60 {dimension_numbers = #tpu.dot_dimension_numbers<[1], [0], [0], [1], [0, 0, 1, 1], [], []>, transpose_lhs_hint = false} : vector<2000x128xf32>, vector<128x128xf32>, vector<2000x128xf32> -> vector<2000x128xf32>
    %get3A_62 = arith.constant 0 : index
    %get3A_63 = arith.constant 0 : index
    %get3A_64 = vector.load %arg8[%get3A_62, %get3A_63] : memref<7x128xf32, #tpu.memory_space<vmem>>, vector<7x128xf32>
    %reduce_sum3A = arith.constant dense<0.000000e+00> : vector<7xf32>
    %reduce_sum3A_65 = vector.multi_reduction <add>, %get3A_64, %reduce_sum3A [1] : vector<7x128xf32> to vector<7xf32>
    %div3A = arith.constant 1.280000e+02 : f32
    %div3A_66 = vector.broadcast %div3A : f32 to vector<7xf32>
    %div3A_67 = arith.divf %reduce_sum3A_65, %div3A_66 : vector<7xf32>
    %broadcast_in_dim3A = vector.shape_cast %div3A_67 : vector<7xf32> to vector<7x1x1xf32>
    %broadcast_in_dim3A_68 = vector.shape_cast %dot_general3A_61 : vector<2000x128xf32> to vector<1x2000x128xf32>
    %mul3A_69 = vector.broadcast %broadcast_in_dim3A : vector<7x1x1xf32> to vector<7x2000x128xf32>
    %mul3A_70 = vector.broadcast %broadcast_in_dim3A_68 : vector<1x2000x128xf32> to vector<7x2000x128xf32>
    %mul3A_71 = arith.mulf %mul3A_69, %mul3A_70 : vector<7x2000x128xf32>
    %swap3A_72 = arith.constant 0 : index
    %swap3A_73 = arith.constant 0 : index
    %swap3A_74 = arith.constant 0 : index
    %swap3A_75 = vector.load %arg10[%swap3A_72, %swap3A_73, %swap3A_74] : memref<7x2000x128xf32, #tpu.memory_space<vmem>>, vector<7x2000x128xf32>
    tpu.vector_store %arg10[%swap3A_72, %swap3A_73, %swap3A_74], %mul3A_71 {strides = array<i32>} : memref<7x2000x128xf32, #tpu.memory_space<vmem>>, vector<7x2000x128xf32>,
    return
  }
  func.func @transform_0(%arg0: i32) -> (i32, i32, i32) {
    %c0_i32 = arith.constant 0 : i32
    %c0_i32_0 = arith.constant 0 : i32
    %c0_i32_1 = arith.constant 0 : i32
    return %c0_i32, %arg0, %c0_i32_0 : i32, i32, i32
  }
  func.func @transform_1(%arg0: i32) -> (i32, i32) {
    %c0_i32 = arith.constant 0 : i32
    %c0_i32_0 = arith.constant 0 : i32
    return %arg0, %c0_i32 : i32, i32
  }
  func.func @transform_2(%arg0: i32) -> (i32, i32) {
    %c0_i32 = arith.constant 0 : i32
    %c0_i32_0 = arith.constant 0 : i32
    %c0_i32_1 = arith.constant 0 : i32
    return %c0_i32, %c0_i32_0 : i32, i32
  }
  func.func @transform_3(%arg0: i32) -> (i32, i32) {
    %c0_i32 = arith.constant 0 : i32
    %c0_i32_0 = arith.constant 0 : i32
    %c0_i32_1 = arith.constant 0 : i32
    return %c0_i32, %c0_i32_0 : i32, i32
  }
  func.func @transform_4(%arg0: i32) -> (i32, i32) {
    %c0_i32 = arith.constant 0 : i32
    %c0_i32_0 = arith.constant 0 : i32
    %c0_i32_1 = arith.constant 0 : i32
    return %c0_i32, %c0_i32_0 : i32, i32
  }
  func.func @transform_5(%arg0: i32) -> (i32, i32) {
    %c0_i32 = arith.constant 0 : i32
    %c0_i32_0 = arith.constant 0 : i32
    %c0_i32_1 = arith.constant 0 : i32
    return %c0_i32, %c0_i32_0 : i32, i32
  }
  func.func @transform_6(%arg0: i32) -> (i32, i32) {
    %c0_i32 = arith.constant 0 : i32
    %c0_i32_0 = arith.constant 0 : i32
    %c0_i32_1 = arith.constant 0 : i32
    return %c0_i32, %c0_i32_0 : i32, i32
  }
  func.func @transform_7(%arg0: i32) -> (i32, i32) {
    %c0_i32 = arith.constant 0 : i32
    %c0_i32_0 = arith.constant 0 : i32
    %c0_i32_1 = arith.constant 0 : i32
    return %c0_i32, %c0_i32_0 : i32, i32
  }
  func.func @transform_8(%arg0: i32) -> (i32, i32) {
    %c0_i32 = arith.constant 0 : i32
    %c0_i32_0 = arith.constant 0 : i32
    return %arg0, %c0_i32 : i32, i32
  }
  func.func @transform_9(%arg0: i32) -> (i32, i32, i32) {
    %c0_i32 = arith.constant 0 : i32
    %c0_i32_0 = arith.constant 0 : i32
    %c0_i32_1 = arith.constant 0 : i32
    return %c0_i32, %arg0, %c0_i32_0 : i32, i32, i32
  }
}

module attributes {stable_mosaic.version = 14 : i64} {
  func.func @body(%arg0: i32, %arg1: memref<2x2000x128xf32, #tpu.memory_space<vmem>>, %arg2: memref<2000x128xf32, #tpu.memory_space<vmem>>, %arg3: memref<384x128xf32, #tpu.memory_space<vmem>>, %arg4: memref<384x128xf32, #tpu.memory_space<vmem>>, %arg5: memref<1x384xf32, #tpu.memory_space<vmem>>, %arg6: memref<1x384xf32, #tpu.memory_space<vmem>>, %arg7: memref<2000x128xf32, #tpu.memory_space<vmem>>) attributes {dimension_semantics = [#tpu.dimension_semantics<arbitrary>], iteration_bounds = array<i64: 5>, scalar_prefetch = 0 : i64, scratch_operands = 0 : i64, tpu.core_type = #tpu.core_type<tc>, window_params = [{transform_indices = @transform_0, window_bounds = array<i64: 2, 2000, 128>}, {transform_indices = @transform_1, window_bounds = array<i64: 2000, 128>}, {pipeline_mode = #tpu.pipeline_mode<synchronous>, transform_indices = @transform_2, window_bounds = array<i64: 384, 128>}, {pipeline_mode = #tpu.pipeline_mode<synchronous>, transform_indices = @transform_3, window_bounds = array<i64: 384, 128>}, {pipeline_mode = #tpu.pipeline_mode<synchronous>, transform_indices = @transform_4, window_bounds = array<i64: 1, 384>}, {pipeline_mode = #tpu.pipeline_mode<synchronous>, transform_indices = @transform_5, window_bounds = array<i64: 1, 384>}, {transform_indices = @transform_6, window_bounds = array<i64: 2000, 128>}]} {
    %get3A = arith.constant 0 : index
    %get3A_0 = arith.constant 0 : index
    %get3A_1 = arith.constant 0 : index
    %get3A_2 = vector.load %arg1[%get3A, %get3A_0, %get3A_1] : memref<2x2000x128xf32, #tpu.memory_space<vmem>>, vector<1x2000x128xf32>
    %get3A_3 = vector.shape_cast %get3A_2 : vector<1x2000x128xf32> to vector<2000x128xf32>
    %get3A_4 = arith.constant 1 : index
    %get3A_5 = arith.constant 0 : index
    %get3A_6 = arith.constant 0 : index
    %get3A_7 = vector.load %arg1[%get3A_4, %get3A_5, %get3A_6] : memref<2x2000x128xf32, #tpu.memory_space<vmem>>, vector<1x2000x128xf32>
    %get3A_8 = vector.shape_cast %get3A_7 : vector<1x2000x128xf32> to vector<2000x128xf32>
    %add3A = arith.addf %get3A_3, %get3A_8 : vector<2000x128xf32>
    %get3A_9 = arith.constant 0 : index
    %get3A_10 = arith.constant 0 : index
    %get3A_11 = vector.load %arg2[%get3A_9, %get3A_10] : memref<2000x128xf32, #tpu.memory_space<vmem>>, vector<2000x128xf32>
    %get3A_12 = arith.constant 0 : index
    %get3A_13 = arith.constant 0 : index
    %get3A_14 = vector.load %arg3[%get3A_12, %get3A_13] : memref<384x128xf32, #tpu.memory_space<vmem>>, vector<384x128xf32>
    %dot_general3A = arith.constant dense<0.000000e+00> : vector<2000x384xf32>
    %dot_general3A_15 = tpu.matmul %add3A, %get3A_14, %dot_general3A {dimension_numbers = #tpu.dot_dimension_numbers<[1], [1], [0], [0], [0, 0, 1, 0], [], []>, transpose_lhs_hint = false} : vector<2000x128xf32>, vector<384x128xf32>, vector<2000x384xf32> -> vector<2000x384xf32>
    %get3A_16 = arith.constant 0 : index
    %get3A_17 = arith.constant 0 : index
    %get3A_18 = vector.load %arg5[%get3A_16, %get3A_17] : memref<1x384xf32, #tpu.memory_space<vmem>>, vector<1x384xf32>
    %add3A_19 = vector.broadcast %get3A_18 : vector<1x384xf32> to vector<2000x384xf32>
    %add3A_20 = arith.addf %dot_general3A_15, %add3A_19 : vector<2000x384xf32>
    %get3A_21 = arith.constant 0 : index
    %get3A_22 = arith.constant 0 : index
    %get3A_23 = vector.load %arg4[%get3A_21, %get3A_22] : memref<384x128xf32, #tpu.memory_space<vmem>>, vector<384x128xf32>
    %dot_general3A_24 = arith.constant dense<0.000000e+00> : vector<2000x384xf32>
    %dot_general3A_25 = tpu.matmul %get3A_11, %get3A_23, %dot_general3A_24 {dimension_numbers = #tpu.dot_dimension_numbers<[1], [1], [0], [0], [0, 0, 1, 0], [], []>, transpose_lhs_hint = false} : vector<2000x128xf32>, vector<384x128xf32>, vector<2000x384xf32> -> vector<2000x384xf32>
    %get3A_26 = arith.constant 0 : index
    %get3A_27 = arith.constant 0 : index
    %get3A_28 = vector.load %arg6[%get3A_26, %get3A_27] : memref<1x384xf32, #tpu.memory_space<vmem>>, vector<1x384xf32>
    %add3A_29 = vector.broadcast %get3A_28 : vector<1x384xf32> to vector<2000x384xf32>
    %add3A_30 = arith.addf %dot_general3A_25, %add3A_29 : vector<2000x384xf32>
    %slice3A = vector.extract_strided_slice %add3A_20 {offsets = [0, 0], sizes = [2000, 128], strides = [1, 1]} : vector<2000x384xf32> to vector<2000x128xf32>
    %slice3A_31 = vector.extract_strided_slice %add3A_30 {offsets = [0, 0], sizes = [2000, 128], strides = [1, 1]} : vector<2000x384xf32> to vector<2000x128xf32>
    %add3A_32 = arith.addf %slice3A, %slice3A_31 : vector<2000x128xf32>
    %logistic3A = arith.negf %add3A_32 : vector<2000x128xf32>
    %logistic3A_33 = math.exp %logistic3A : vector<2000x128xf32>
    %logistic3A_34 = arith.constant 1.000000e+00 : f32
    %logistic3A_35 = vector.broadcast %logistic3A_34 : f32 to vector<2000x128xf32>
    %logistic3A_36 = arith.addf %logistic3A_35, %logistic3A_33 : vector<2000x128xf32>
    %logistic3A_37 = arith.divf %logistic3A_35, %logistic3A_36 : vector<2000x128xf32>
    %slice3A_38 = vector.extract_strided_slice %add3A_20 {offsets = [0, 128], sizes = [2000, 128], strides = [1, 1]} : vector<2000x384xf32> to vector<2000x128xf32>
    %slice3A_39 = vector.extract_strided_slice %add3A_30 {offsets = [0, 128], sizes = [2000, 128], strides = [1, 1]} : vector<2000x384xf32> to vector<2000x128xf32>
    %add3A_40 = arith.addf %slice3A_38, %slice3A_39 : vector<2000x128xf32>
    %logistic3A_41 = arith.negf %add3A_40 : vector<2000x128xf32>
    %logistic3A_42 = math.exp %logistic3A_41 : vector<2000x128xf32>
    %logistic3A_43 = arith.constant 1.000000e+00 : f32
    %logistic3A_44 = vector.broadcast %logistic3A_43 : f32 to vector<2000x128xf32>
    %logistic3A_45 = arith.addf %logistic3A_44, %logistic3A_42 : vector<2000x128xf32>
    %logistic3A_46 = arith.divf %logistic3A_44, %logistic3A_45 : vector<2000x128xf32>
    %slice3A_47 = vector.extract_strided_slice %add3A_20 {offsets = [0, 256], sizes = [2000, 128], strides = [1, 1]} : vector<2000x384xf32> to vector<2000x128xf32>
    %slice3A_48 = vector.extract_strided_slice %add3A_30 {offsets = [0, 256], sizes = [2000, 128], strides = [1, 1]} : vector<2000x384xf32> to vector<2000x128xf32>
    %mul3A = arith.mulf %logistic3A_37, %slice3A_48 : vector<2000x128xf32>
    %add3A_49 = arith.addf %slice3A_47, %mul3A : vector<2000x128xf32>
    %tanh3A = math.tanh %add3A_49 : vector<2000x128xf32>
    %sub3A = arith.constant 1.000000e+00 : f32
    %sub3A_50 = vector.broadcast %sub3A : f32 to vector<2000x128xf32>
    %sub3A_51 = arith.subf %sub3A_50, %logistic3A_46 : vector<2000x128xf32>
    %mul3A_52 = arith.mulf %sub3A_51, %tanh3A : vector<2000x128xf32>
    %mul3A_53 = arith.mulf %logistic3A_46, %get3A_11 : vector<2000x128xf32>
    %add3A_54 = arith.addf %mul3A_52, %mul3A_53 : vector<2000x128xf32>
    %swap3A = arith.constant 0 : index
    %swap3A_55 = arith.constant 0 : index
    %swap3A_56 = vector.load %arg7[%swap3A, %swap3A_55] : memref<2000x128xf32, #tpu.memory_space<vmem>>, vector<2000x128xf32>
    tpu.vector_store %arg7[%swap3A, %swap3A_55], %add3A_54 {strides = array<i32>} : memref<2000x128xf32, #tpu.memory_space<vmem>>, vector<2000x128xf32>,
    return
  }
  func.func @transform_0(%arg0: i32) -> (i32, i32, i32) {
    %c0_i32 = arith.constant 0 : i32
    %c0_i32_0 = arith.constant 0 : i32
    %c0_i32_1 = arith.constant 0 : i32
    return %c0_i32, %arg0, %c0_i32_0 : i32, i32, i32
  }
  func.func @transform_1(%arg0: i32) -> (i32, i32) {
    %c0_i32 = arith.constant 0 : i32
    %c0_i32_0 = arith.constant 0 : i32
    return %arg0, %c0_i32 : i32, i32
  }
  func.func @transform_2(%arg0: i32) -> (i32, i32) {
    %c0_i32 = arith.constant 0 : i32
    %c0_i32_0 = arith.constant 0 : i32
    %c0_i32_1 = arith.constant 0 : i32
    return %c0_i32, %c0_i32_0 : i32, i32
  }
  func.func @transform_3(%arg0: i32) -> (i32, i32) {
    %c0_i32 = arith.constant 0 : i32
    %c0_i32_0 = arith.constant 0 : i32
    %c0_i32_1 = arith.constant 0 : i32
    return %c0_i32, %c0_i32_0 : i32, i32
  }
  func.func @transform_4(%arg0: i32) -> (i32, i32) {
    %c0_i32 = arith.constant 0 : i32
    %c0_i32_0 = arith.constant 0 : i32
    %c0_i32_1 = arith.constant 0 : i32
    return %c0_i32, %c0_i32_0 : i32, i32
  }
  func.func @transform_5(%arg0: i32) -> (i32, i32) {
    %c0_i32 = arith.constant 0 : i32
    %c0_i32_0 = arith.constant 0 : i32
    %c0_i32_1 = arith.constant 0 : i32
    return %c0_i32, %c0_i32_0 : i32, i32
  }
  func.func @transform_6(%arg0: i32) -> (i32, i32) {
    %c0_i32 = arith.constant 0 : i32
    %c0_i32_0 = arith.constant 0 : i32
    return %arg0, %c0_i32 : i32, i32
  }
}

module attributes {stable_mosaic.version = 14 : i64} {
  func.func @body(%arg0: i32, %arg1: memref<1x1xf32, #tpu.memory_space<smem>>, %arg2: memref<10000x128xf32, #tpu.memory_space<vmem>>, %arg3: memref<1x128xf32, #tpu.memory_space<vmem>>, %arg4: memref<104x128xf32, #tpu.memory_space<vmem>>, %arg5: memref<1x104xf32, #tpu.memory_space<vmem>>, %arg6: memref<1x104xf32, #tpu.memory_space<vmem>>) attributes {dimension_semantics = [#tpu.dimension_semantics<arbitrary>], iteration_bounds = array<i64: 1>, scalar_prefetch = 0 : i64, scratch_operands = 0 : i64, tpu.core_type = #tpu.core_type<tc>, window_params = [{transform_indices = @transform_0, window_bounds = array<i64: 1, 1>}, {pipeline_mode = #tpu.pipeline_mode<synchronous>, transform_indices = @transform_1, window_bounds = array<i64: 10000, 128>}, {pipeline_mode = #tpu.pipeline_mode<synchronous>, transform_indices = @transform_2, window_bounds = array<i64: 1, 128>}, {pipeline_mode = #tpu.pipeline_mode<synchronous>, transform_indices = @transform_3, window_bounds = array<i64: 104, 128>}, {pipeline_mode = #tpu.pipeline_mode<synchronous>, transform_indices = @transform_4, window_bounds = array<i64: 1, 104>}, {pipeline_mode = #tpu.pipeline_mode<synchronous>, transform_indices = @transform_5, window_bounds = array<i64: 1, 104>}]} {
    %get3A = arith.constant 0 : index
    %get3A_0 = arith.constant 0 : index
    %get3A_1 = vector.load %arg2[%get3A, %get3A_0] : memref<10000x128xf32, #tpu.memory_space<vmem>>, vector<10000x128xf32>
    %get3A_2 = arith.constant 0 : index
    %get3A_3 = arith.constant 0 : index
    %get3A_4 = vector.load %arg3[%get3A_2, %get3A_3] : memref<1x128xf32, #tpu.memory_space<vmem>>, vector<1x128xf32>
    %mul3A = vector.broadcast %get3A_4 : vector<1x128xf32> to vector<10000x128xf32>
    %mul3A_5 = arith.mulf %get3A_1, %mul3A : vector<10000x128xf32>
    %reduce_sum3A = arith.constant dense<0.000000e+00> : vector<10000xf32>
    %reduce_sum3A_6 = vector.multi_reduction <add>, %mul3A_5, %reduce_sum3A [1] : vector<10000x128xf32> to vector<10000xf32>
    %broadcast_in_dim3A = vector.shape_cast %reduce_sum3A_6 : vector<10000xf32> to vector<10000x1xf32>
    %get3A_7 = arith.constant 0 : index
    %get3A_8 = arith.constant 0 : index
    %get3A_9 = memref.load %arg1[%get3A_7, %get3A_8] : memref<1x1xf32, #tpu.memory_space<smem>>
    %add3A = vector.broadcast %get3A_9 : f32 to vector<10000x1xf32>
    %add3A_10 = arith.addf %broadcast_in_dim3A, %add3A : vector<10000x1xf32>
    %logistic3A = arith.negf %add3A_10 : vector<10000x1xf32>
    %logistic3A_11 = math.exp %logistic3A : vector<10000x1xf32>
    %logistic3A_12 = arith.constant 1.000000e+00 : f32
    %logistic3A_13 = vector.broadcast %logistic3A_12 : f32 to vector<10000x1xf32>
    %logistic3A_14 = arith.addf %logistic3A_13, %logistic3A_11 : vector<10000x1xf32>
    %logistic3A_15 = arith.divf %logistic3A_13, %logistic3A_14 : vector<10000x1xf32>
    %exp3A = math.exp %logistic3A_15 : vector<10000x1xf32>
    %reduce_sum3A_16 = vector.shape_cast %exp3A : vector<10000x1xf32> to vector<1x10000x1xf32>
    %reduce_sum3A_17 = arith.constant dense<0.000000e+00> : vector<1xf32>
    %reduce_sum3A_18 = vector.multi_reduction <add>, %reduce_sum3A_16, %reduce_sum3A_17 [1, 2] : vector<1x10000x1xf32> to vector<1xf32>
    %reduce_sum3A_19 = vector.shape_cast %reduce_sum3A_18 : vector<1xf32> to vector<1x1x1xf32>
    %reduce_sum3A_20 = vector.extract %reduce_sum3A_19[0, 0, 0] : f32 from vector<1x1x1xf32>
    %mul3A_21 = vector.broadcast %exp3A : vector<10000x1xf32> to vector<10000x128xf32>
    %mul3A_22 = arith.mulf %mul3A_21, %get3A_1 : vector<10000x128xf32>
    %reduce_sum3A_23 = arith.constant dense<0.000000e+00> : vector<128xf32>
    %reduce_sum3A_24 = vector.multi_reduction <add>, %mul3A_22, %reduce_sum3A_23 [0] : vector<10000x128xf32> to vector<128xf32>
    %broadcast_in_dim3A_25 = vector.shape_cast %reduce_sum3A_24 : vector<128xf32> to vector<1x128xf32>
    %div3A = vector.broadcast %reduce_sum3A_20 : f32 to vector<1x128xf32>
    %div3A_26 = arith.divf %broadcast_in_dim3A_25, %div3A : vector<1x128xf32>
    %get3A_27 = arith.constant 0 : index
    %get3A_28 = arith.constant 0 : index
    %get3A_29 = vector.load %arg4[%get3A_27, %get3A_28] : memref<104x128xf32, #tpu.memory_space<vmem>>, vector<104x128xf32>
    %dot_general3A = arith.constant dense<0.000000e+00> : vector<1x104xf32>
    %dot_general3A_30 = tpu.matmul %div3A_26, %get3A_29, %dot_general3A {dimension_numbers = #tpu.dot_dimension_numbers<[1], [1], [0], [0], [0, 0, 1, 0], [], []>, transpose_lhs_hint = false} : vector<1x128xf32>, vector<104x128xf32>, vector<1x104xf32> -> vector<1x104xf32>
    %get3A_31 = arith.constant 0 : index
    %get3A_32 = arith.constant 0 : index
    %get3A_33 = vector.load %arg5[%get3A_31, %get3A_32] : memref<1x104xf32, #tpu.memory_space<vmem>>, vector<1x104xf32>
    %add3A_34 = arith.addf %dot_general3A_30, %get3A_33 : vector<1x104xf32>
    %swap3A = arith.constant 0 : index
    %swap3A_35 = arith.constant 0 : index
    %swap3A_36 = vector.load %arg6[%swap3A, %swap3A_35] : memref<1x104xf32, #tpu.memory_space<vmem>>, vector<1x104xf32>
    tpu.vector_store %arg6[%swap3A, %swap3A_35], %add3A_34 {strides = array<i32>} : memref<1x104xf32, #tpu.memory_space<vmem>>, vector<1x104xf32>,
    return
  }
  func.func @transform_0(%arg0: i32) -> (i32, i32) {
    %c0_i32 = arith.constant 0 : i32
    %c0_i32_0 = arith.constant 0 : i32
    %c0_i32_1 = arith.constant 0 : i32
    return %c0_i32, %c0_i32_0 : i32, i32
  }
  func.func @transform_1(%arg0: i32) -> (i32, i32) {
    %c0_i32 = arith.constant 0 : i32
    %c0_i32_0 = arith.constant 0 : i32
    %c0_i32_1 = arith.constant 0 : i32
    return %c0_i32, %c0_i32_0 : i32, i32
  }
  func.func @transform_2(%arg0: i32) -> (i32, i32) {
    %c0_i32 = arith.constant 0 : i32
    %c0_i32_0 = arith.constant 0 : i32
    %c0_i32_1 = arith.constant 0 : i32
    return %c0_i32, %c0_i32_0 : i32, i32
  }
  func.func @transform_3(%arg0: i32) -> (i32, i32) {
    %c0_i32 = arith.constant 0 : i32
    %c0_i32_0 = arith.constant 0 : i32
    %c0_i32_1 = arith.constant 0 : i32
    return %c0_i32, %c0_i32_0 : i32, i32
  }
  func.func @transform_4(%arg0: i32) -> (i32, i32) {
    %c0_i32 = arith.constant 0 : i32
    %c0_i32_0 = arith.constant 0 : i32
    %c0_i32_1 = arith.constant 0 : i32
    return %c0_i32, %c0_i32_0 : i32, i32
  }
  func.func @transform_5(%arg0: i32) -> (i32, i32) {
    %c0_i32 = arith.constant 0 : i32
    %c0_i32_0 = arith.constant 0 : i32
    %c0_i32_1 = arith.constant 0 : i32
    return %c0_i32, %c0_i32_0 : i32, i32
  }
}

</mosaic_0001>

<sc_bundles>
// kernel: kernel.13.cloned.1.call-start
scs
__scs_entry_jumppad:
0x0: {  	(pc) =	sbr.rel $0x88, $3  }
0x1: {  	(tag) =	ssettag $0x0;
	lr =	simm.s32 $0x1  }
0x2: {  	[smem:$0x3F93] =	sst lr;
	_ =	strace $0xD0000000  }
0x3: {  	_ = 	snop  }
0x4: {  	_ = 	snop  }
0x5: {  	_ = 	snop  }
0x6: {  	_ = 	snop  }
0x7: {  	_ = 	snop  }
__scs_overlays_trampoline_lowered:
0x8: {  	[smem:$0x3FA2] =	sst s0  }
0x9: {  	[smem:$0x3FA3] =	sst s1  }
0xa: {  	[smem:$0x3FA4] =	sst s2  }
0xb: {  	[smem:$0x3FA5] =	sst s3  }
0xc: {  	[smem:$0x3FA6] =	sst s4  }
0xd: {  	[smem:$0x3FA7] =	sst s5  }
0xe: {  	[smem:$0x3FA8] =	sst s6  }
0xf: {  	[smem:$0x3FA9] =	sst s7  }
0x10: {  	[smem:$0x3FAA] =	sst s8  }
0x11: {  	[smem:$0x3FAB] =	sst s9;
	s0 =	simm.s32 @!p0 $0x0  }
0x12: {  	s1 =	sld [smem:$0x3F91];
	s0 =	simm.s32 @p0 $0x1  }
0x13: {  	[smem:$0x3FAC] =	sst s0;
	s0 =	simm.s32 @!p1 $0x0  }
0x14: {  	s2 =	sld [smem:$0x3F90];
	s0 =	simm.s32 @p1 $0x1  }
0x15: {  	[smem:$0x3FAD] =	sst s0;
	s0 =	simm.s32 @!p2 $0x0  }
0x16: {  	s3 =	sld [smem:$0x3FDB];
	s0 =	simm.s32 @p2 $0x1  }
0x17: {  	s4 =	simm.s32 $0x1BF5;
	[smem:$0x3FAF] =	sst s0  }
0x18: {  	s0 =	sld [smem:$0x3F92];
	_ =	swait.ge [sflag:s4], $0x0  }
0x19: {  	s7 =	sld [smem:$0x3F93]  }
0x1a: {  	s8 =	sadd.s32 $0xFFFFE003, lr  }
0x1b: {  	s9 =	sadd.s32 $0xFFFFFEF7, lr;
	s5 =	simm.s32 $0xFFFFFFFF;
	p2 =	slt.u32 s8, $0xFFFFF086  }
0x1c: {  	p1 =	slt.u32 s9, $0xF7A;
	s5 =	simm.s32 @!p2 $0x0  }
0x1d: {  	s5 =	simm.s32 @p1 $0x1;
	p0 =	seq.s32 s7, s2  }
0x1e: {  	s7 =	smul.u32 @!p0 $0xF7A, s2;
	p2 =	seq.s32 @!p0 s5, $0x0  }
0x1f: {  	s9 =	smul.u32 $0xF7A, s1;
	s8 =	simm.s32 @!p0 $0x1BF5;
	p2 =	por !p2, p0  }
0x20: {  	[sflag:s8] =	ssyncset.s32 @!p0 $0xFFFFF086;
	s6 =	sadd.s32 @!p0 s3, s7;
	s7 =	simm.s32 @!p0 $0x108  }
0x21: {  	s3 =	sadd.s32 s3, s9;
	s6 =	sadd.s32 @!p0 $0x88, s6;
	s7 =	simm.s32 @p2 $0x1082  }
0x22: {  	[simem:s7], [sflag:s8] =	dma.local @!p0 [hbm:s6], $0xF7A  }
0x23: {  	s9 =	sor.u32 $0xD0000000, s2;
	s6 =	simm.s32 $0x108;
	_ =	swait.ge @!p0 [sflag:s8], $0x0  }
0x24: {  	s3 =	sadd.s32 $0x88, s3;
	s6 =	simm.s32 @!p1 $0x1082;
	[sflag:s4] =	ssyncset.s32 $0xFFFFF086  }
0x25: {  	[simem:s6], [sflag:s4] =	dma.local [hbm:s3], $0xF7A  }
0x26: {  	[smem:$0x3F93] =	sst s1;
	(tag) =	ssettag s2;
	_ =	strace s9  }
0x27: {  	s1 =	sld [smem:$0x3FA3]  }
0x28: {  	s2 =	sld [smem:$0x3FA4]  }
0x29: {  	s4 =	sld [smem:$0x3FA6]  }
0x2a: {  	p0 =	seq.s32 s5, $0x0;
	s5 =	sld [smem:$0x3FA7]  }
0x2b: {  	s6 =	sld [smem:$0x3FA8]  }
0x2c: {  	s7 =	sld [smem:$0x3FA9]  }
0x2d: {  	s3 =	simm.s32 $0x108;
	s8 =	sld [smem:$0x3FAA]  }
0x2e: {  	s3 =	simm.s32 @!p0 $0x1082;
	s9 =	sld [smem:$0x3FAB]  }
0x2f: {  	lr =	sadd.s32 s0, s3;
	s0 =	sld [smem:$0x3FA2]  }
0x30: {  	s3 =	sld [smem:$0x3FA5]  }
0x31: {  	[smem:$0x3FAE] =	sst s10  }
0x32: {  	s10 =	sld [smem:$0x3FAC];
	_ =	sdelay $0x3  }
0x33: {  	p0 =	seq.s32 s10, $0x1;
	s10 =	sld [smem:$0x3FAE];
	_ =	sdelay $0x3  }
0x34: {  	[smem:$0x3FAE] =	sst s10  }
0x35: {  	s10 =	sld [smem:$0x3FAD];
	_ =	sdelay $0x3  }
0x36: {  	p1 =	seq.s32 s10, $0x1;
	s10 =	sld [smem:$0x3FAE];
	_ =	sdelay $0x3  }
0x37: {  	[smem:$0x3FAE] =	sst s10  }
0x38: {  	s10 =	sld [smem:$0x3FAF]  }
0x39: {  	_ = 	snop;
	(pc) =	sbr.ind lr, $3  }
0x3a: {  	_ = 	snop  }
0x3b: {  	_ = 	snop  }
0x3c: {  	p2 =	seq.s32 s10, $0x1;
	s10 =	sld [smem:$0x3FAE]  }
0x3d: {  	_ =	shalt  }
0x3e: {  	_ =	shalt  }
0x3f: {  	_ =	shalt  }
0x40: {  	_ =	shalt  }
0x41: {  	_ =	shalt  }
0x42: {  	_ =	shalt  }
0x43: {  	_ =	shalt  }
0x44: {  	_ =	shalt  }
0x45: {  	_ =	shalt  }
0x46: {  	_ =	shalt  }
0x47: {  	_ =	shalt  }
0x48: {  	_ =	shalt  }
0x49: {  	_ =	shalt  }
0x4a: {  	_ =	shalt  }
0x4b: {  	_ =	shalt  }
0x4c: {  	_ =	shalt  }
0x4d: {  	_ =	shalt  }
0x4e: {  	_ =	shalt  }
0x4f: {  	_ =	shalt  }
0x50: {  	_ =	shalt  }
0x51: {  	_ =	shalt  }
0x52: {  	_ =	shalt  }
0x53: {  	_ =	shalt  }
0x54: {  	_ =	shalt  }
0x55: {  	_ =	shalt  }
0x56: {  	_ =	shalt  }
0x57: {  	_ =	shalt  }
0x58: {  	_ =	shalt  }
0x59: {  	_ =	shalt  }
0x5a: {  	_ =	shalt  }
0x5b: {  	_ =	shalt  }
0x5c: {  	_ =	shalt  }
0x5d: {  	_ =	shalt  }
0x5e: {  	_ =	shalt  }
0x5f: {  	_ =	shalt  }
0x60: {  	_ =	shalt  }
0x61: {  	_ =	shalt  }
0x62: {  	_ =	shalt  }
0x63: {  	_ =	shalt  }
0x64: {  	_ =	shalt  }
0x65: {  	_ =	shalt  }
0x66: {  	_ =	shalt  }
0x67: {  	_ =	shalt  }
0x68: {  	_ =	shalt  }
0x69: {  	_ =	shalt  }
0x6a: {  	_ =	shalt  }
0x6b: {  	_ =	shalt  }
0x6c: {  	_ =	shalt  }
0x6d: {  	_ =	shalt  }
0x6e: {  	_ =	shalt  }
0x6f: {  	_ =	shalt  }
0x70: {  	_ =	shalt  }
0x71: {  	_ =	shalt  }
0x72: {  	_ =	shalt  }
0x73: {  	_ =	shalt  }
0x74: {  	_ =	shalt  }
0x75: {  	_ =	shalt  }
0x76: {  	_ =	shalt  }
0x77: {  	_ =	shalt  }
0x78: {  	_ =	shalt  }
0x79: {  	_ =	shalt  }
0x7a: {  	_ =	shalt  }
0x7b: {  	_ =	shalt  }
0x7c: {  	_ =	shalt  }
0x7d: {  	_ =	shalt  }
0x7e: {  	_ =	shalt  }
0x7f: {  	_ =	shalt  }
0x80: {  	_ =	shalt  }
0x81: {  	_ =	shalt  }
0x82: {  	_ =	shalt  }
0x83: {  	_ =	shalt  }
0x84: {  	_ =	shalt  }
0x85: {  	_ =	shalt  }
0x86: {  	_ =	shalt  }
0x87: {  	_ =	shalt  }
.Lfunc_end0:
.L_simem_size_0:
called_computation_lowered:
.L_overlay_start_0:
0x88: {  	s2 =	sld [smem:$0x3FD9]  }
0x89: {  	s3 =	sld [smem:$0x3FFE];
	_ =	sdelay $0x1  }
0x8a: {  	s1 =	srdreg.scid  }
0x8b: {  	s0 =	sand.u32 $0x1, s1  }
0x8c: {  	s17 =	sshll.u32 s0, $0xA;
	s2 =	sadd.s32 s3, s2  }
0x8d: {  	s2 =	sadd.s32 s2, s17  }
0x8e: {  	[smem:$0x3FBA] =	sst s2  }
0x8f: {  	_ = 	snop  }
0x90: {  	s2 =	sld [smem:$0x3FC6];
	(tm) =	ssettm $0x1  }
0x91: {  	s18 =	sld [smem:$0x3FFB];
	_ =	sdelay $0x3  }
0x92: {  	_ =	strace s18  }
0x93: {  	s3 =	sld [smem:$0x3FFC];
	_ =	sdelay $0x3  }
0x94: {  	_ =	strace s3  }
0x95: {  	s3 =	sld [smem:$0x3FFD];
	_ =	sdelay $0x3  }
0x96: {  	_ =	strace s3  }
0x97: {  	_ =	strace $0x8FFFFFFF  }
0x98: {  	s19 =	sld [smem:$0x3FDB];
	_ =	sdelay $0x1  }
0x99: {  	s4 =	simm.s32 $_scs_section_size  }
0x9a: {  	s5 =	simm.s32 $_size__tile_overlayer_lowered;
	s6 =	simm.s32 $_tile_overlayer_lowered  }
0x9b: {  	s22 =	simm.s32 $0x1BFF;
	s21 =	sshll.u32 s6, $0x1;
	s3 =	sadd.s32 s4, s19  }
0x9c: {  	s7 =	simm.s32 $0x0;
	s20 =	sshll.u32 s5, $0x1;
	s5 =	sadd.s32 s21, s3  }
0x9d: {  	[timem:s7], [sflag:s22] =	dma.local [hbm:s5], s20  }
0x9e: {  	_ =	swait.ge [sflag:s22], s20  }
0x9f: {  	s4 =	ssub.s32 $0x0, s20;
	[sflag:s22] =	ssyncset.done $0x0  }
0xa0: {  	[sflag:s22] =	ssyncadd.s32 s4;
	_ =	sdelay $0x1  }
0xa1: {  	s23 =	simm.s32 $0x1B8B  }
0xa2: {  	_ =	swait.ge [sflag:s23], $0x1  }
0xa3: {  	[sflag:s23] =	ssyncset.done $0x0  }
0xa4: {  	s25 =	simm.s32 $0x1B8E;
	s24 =	sld [smem:$0x3FFE];
	[sflag:s23] =	ssyncadd.s32 $0xFFFFFFFF  }
0xa5: {  	s26 =	simm.s32 $execute0_lowered;
	[smem:$0x3FD2] =	sst s25  }
0xa6: {  	s5 =	sshll.u32 s26, $0x1;
	_ =	strace $0x80000046;
	[dreg:$0x1] =	wrdreg $0xFFFFFFFF  }
0xa7: {  	s28 =	simm.s32 $_size_execute0_lowered;
	s3 =	sadd.s32 s3, s5;
	[dreg:$0x0] =	wrdreg $0x0  }
0xa8: {  	s5 =	sshll.u32 s28, $0x1;
	[dreg:$0x2] =	wrdreg s3  }
0xa9: {  	[dreg:$0x3] =	wrdreg s5  }
0xaa: {  	[dreg:$0x4] =	wrdreg $0xC0  }
0xab: {  	_ =	task [dreg:s7], $0x5FFFF  }
0xac: {  	[dreg:$0x1] =	wrdreg $0xFFFFFFFF  }
0xad: {  	[dreg:$0x0] =	wrdreg $0x60  }
0xae: {  	[dreg:$0x2] =	wrdreg s2  }
0xaf: {  	[dreg:$0x3] =	wrdreg s24  }
0xb0: {  	[dreg:$0x4] =	wrdreg $0x9  }
0xb1: {  	_ =	task.clear_ibuf [dreg:s7], $0x5FFFF;
	_ =	strace $0x90000046  }
0xb2: {  	s29 =	simm.s32 $0x9;
	_ =	strace $0x80000048  }
0xb3: {  	_ =	swait.ge [sflag:s29], $0x1  }
0xb4: {  	[sflag:s29] =	ssyncadd.s32 $0xFFFFFFFF  }
0xb5: {  	_ =	strace $0x90000048  }
0xb6: {  	_ =	sfence  }
0xb7: {  	s30 =	sld [smem:$0x0];
	_ =	sdelay $0x2  }
0xb8: {  	s31 =	sshll.u32 s1, $0xD;
	s1 =	sshrl.u32 s1, $0x2  }
0xb9: {  	s3 =	sand.u32 $0x4000, s31;
	s1 =	sadd.s32 s1, s30  }
0xba: {  	s0 =	sor.u32 s3, s0;
	s1 =	sshll.u32 s1, $0x11  }
0xbb: {  	s0 =	sor.u32 s1, s0  }
0xbc: {  	s0 =	sadd.s32 $0x8F2B, s0  }
0xbd: {  	[sflag:s0] =	ssyncadd.remote.s32 $0x1  }
0xbe: {  	_ =	sfence.sel $0xFFFF  }
0xbf: {  	[dreg:$0x0] =	wrdreg $0xFFFFFFFF;
	(pc) =	sbr.abs _section_cstart, $3  }
0xc0: {  	[dreg:$0x1] =	wrdreg $0xFFFFFFFF  }
0xc1: {  	_ =	task.clear_ibuf [dreg:s7], $0x2FFFF;
	_ =	strace $0x9FFFFFFF  }
0xc2: {  	(tm) =	ssettm $0x7FFFFFFF  }
0xc3: {  	_ =	shalt  }
tec
execute0_lowered:
.L_overlay_start_1:
0x0: {  	(tag) =	ssettag $0x1  }
0x1: {  	s2 =	rddreg [dreg:$0x0]  }
0x2: {  	s0 =	srdreg.scid;
	s5 =	rddreg [dreg:$0x1]  }
0x3: {  	s1 =	stileid.u32;
	s3 =	simm.s32 $0x0;
	s9 =	simm.s32 $0x40  }
0x4: {  	s10 =	simm.s32 $0x400;
	s11 =	simm.s32 $0x1;
	s4 =	sand.u32 $0x1, s0  }
0x5: {  	s12 =	simm.s32 $0x0;
	s0 =	rddreg [dreg:$0x2];
	s6 =	sshll.u32 s4, $0x4  }
0x6: {  	[smem:$0x7FF] =	sst s3;
	s8 =	sshll.u32 s1, $0x8;
	s6 =	sor.u32 s1, s6  }
0x7: {  	_ =	strace $0x80000047;
	p0 =	seq.s32 s4, $0x0;
	s7 =	smul.u32 $0x180, s6  }
0x8: {  	s8 =	sadd.s32 $0x1800, s8;
	s4 =	ssub.s32 $0x2, s4;
	s6 =	sshll.u32 s6, $0x7  }
0x9: {  	s31 =	sshrl.u32 s4, $0x1;
	s6 =	sadd.s32 s6, s5;
	s8 =	smov.u32 @p0 s7  }
0xa: {  	s7 =	sshll.u32 s8, $0x4;
	s8 =	ssub.s32 s4, s31;
	s4 =	simm.s32 $0x6  }
0xb: {  	s7 =	sadd.s32 s7, s5;
	s5 =	sadd.s32 $0x3400, s6;
	s4 =	simm.s32 @!p0 $0x4  }
0xc: {  	s6 =	smax.u32 s8, $0x1;
	s8 =	simm.s32 $0x2;
	s7 =	sadd.s32 $0x4400, s7  }
.LBB2_1:
0xd: {  	[tilespmem:s3], [sflag:$0x2] =	stream.linear.gather [hbm4b:s5+s3], $0x300, $0x38;
	[tilespmem:$0x2400] =	vst v63  }
0xe: {  	_ =	swait.ge [sflag:s8], $0x300  }
0xf: {  	[sflag:s8] =	ssyncset.done $0x0  }
0x10: {  	[sflag:s8] =	ssyncadd.s32 $0xFFFFFD00  }
0x11: {  	[tilespmem:s10], [sflag:$0x1] =	stream.indirect.gather [hbm4b:s2+s9], $0x80, s3, s9, $0xb8;
	[tilespmem:$0x2400] =	vst v63  }
0x12: {  	p0 =	sne.s32 s4, $0x1;
	_ =	swait.ge [sflag:s11], $0x2000  }
.Ltmp0:
0x13: {  	[sflag:s11] =	ssyncset.done $0x0;
	(pc) =	sbr.rel @!p0 .LBB2_3-.Ltmp0, $4  }
0x14: {  	[sflag:s11] =	ssyncadd.s32 $0xFFFFE000  }
0x15: {  	[hbm4b:s7+s3] =	stream.linear.scatter [tilespmem:s10], [sflag:$0x2], $0x2000, $0x38;
	[tilespmem:$0x2400] =	vst v63  }
0x16: {  	s13 =	sadd.s32 $0xFFFFFFFF, s4;
	_ =	swait.ge [sflag:s8], $0x2000  }
0x17: {  	s14 =	smov.u32 s7;
	s15 =	simm.s32 $0x0;
	[sflag:s8] =	ssyncset.done $0x0  }
.LBB2_2:
0x18: {  	[sflag:s8] =	ssyncadd.s32 $0xFFFFE000;
	s14 =	sadd.s32 $0x400, s14;
	s15 =	sadd.s32 $0x80, s15  }
0x19: {  	[tilespmem:s10], [sflag:$0x1] =	stream.indirect.gather [hbm4b:s2+s9], $0x80, s15, s9, $0xb8;
	[tilespmem:$0x2400] =	vst v63  }
0x1a: {  	p0 =	sne.s32 s13, $0x1;
	s13 =	sadd.s32 $0xFFFFFFFF, s13;
	_ =	swait.ge [sflag:s11], $0x2000  }
.Ltmp1:
0x1b: {  	[sflag:s11] =	ssyncset.done $0x0;
	(pc) =	sbr.rel @p0 .LBB2_2-.Ltmp1, $4  }
0x1c: {  	[sflag:s11] =	ssyncadd.s32 $0xFFFFE000  }
0x1d: {  	[hbm4b:s14+s3] =	stream.linear.scatter [tilespmem:s10], [sflag:$0x2], $0x2000, $0x38;
	[tilespmem:$0x2400] =	vst v63  }
0x1e: {  	_ =	swait.ge [sflag:s8], $0x2000  }
0x1f: {  	[sflag:s8] =	ssyncset.done $0x0  }
.LBB2_3:
0x20: {  	s12 =	sadd.s32 $0x1, s12  }
0x21: {  	p0 =	sne.s32 s12, s6  }
.Ltmp2:
0x22: {  	_ = 	snop;
	(pc) =	sbr.rel @p0 .LBB2_1-.Ltmp2, $2  }
0x23: {  	_ =	sdelay $0x2  }
0x24: {  	[sflag:s8] =	ssyncadd.s32 $0xFFFFE000  }
0x25: {  	_ =	sfence.sel $0x180000  }
0x26: {  	[bflag:$0x0] =	sbarrier.arrive $0xFFFF  }
0x27: {  	p0 =	sne.s32 s1, $0x0;
	_ =	strace $0x90000047  }
0x28: {  	s0 =	sadd.s32 @!p0 $0x100000, s0;
	[bflag:$0x2] =	sbarrier.arrive $0xFFFF  }
0x29: {  	[sflag:s0] =	ssyncadd.tile.s32 @!p0 $0x1;
	_ =	shalt  }
.Lfunc_end2:
_tile_overlayer_lowered:
.L_overlay_start_2:
0x2a: {  	(tag) =	ssettag $0x2  }
0x2b: {  	s0 =	rddreg [dreg:$0x0];
	s2 =	stileid.u32  }
0x2c: {  	s1 =	rddreg [dreg:$0x1];
	p0 =	sne.s32 s2, $0x0  }
0x2d: {  	s3 =	rddreg [dreg:$0x2];
	[bflag:$0x3] =	sbarrier.arrive $0xFFFF;
	s2 =	simm.s32 @!p0 $0x1C02  }
0x2e: {  	[timem:s3], [sflag:s2] =	dma.local @!p0 [hbm:s0], s1  }
0x2f: {  	s0 =	simm.s32 @!p0 $0x2  }
0x30: {  	_ =	swait.ge @!p0 [sflag:s0], s1  }
0x31: {  	s1 =	ssub.s32 @!p0 $0x0, s1;
	[sflag:s0] =	ssyncset.done @!p0 $0x0  }
0x32: {  	[sflag:s0] =	ssyncadd.s32 @!p0 s1  }
0x33: {  	[bflag:$0x3] =	sbarrier.arrive $0xFFFF  }
0x34: {  	_ =	shalt  }

// kernel: kernel.16.cloned.1.call-start
scs
__scs_entry_jumppad:
0x0: {  	(pc) =	sbr.rel $0x88, $3  }
0x1: {  	(tag) =	ssettag $0x0;
	lr =	simm.s32 $0x1  }
0x2: {  	[smem:$0x3F93] =	sst lr;
	_ =	strace $0xD0000000  }
0x3: {  	_ = 	snop  }
0x4: {  	_ = 	snop  }
0x5: {  	_ = 	snop  }
0x6: {  	_ = 	snop  }
0x7: {  	_ = 	snop  }
__scs_overlays_trampoline_lowered:
0x8: {  	[smem:$0x3FA2] =	sst s0  }
0x9: {  	[smem:$0x3FA3] =	sst s1  }
0xa: {  	[smem:$0x3FA4] =	sst s2  }
0xb: {  	[smem:$0x3FA5] =	sst s3  }
0xc: {  	[smem:$0x3FA6] =	sst s4  }
0xd: {  	[smem:$0x3FA7] =	sst s5  }
0xe: {  	[smem:$0x3FA8] =	sst s6  }
0xf: {  	[smem:$0x3FA9] =	sst s7  }
0x10: {  	[smem:$0x3FAA] =	sst s8  }
0x11: {  	[smem:$0x3FAB] =	sst s9;
	s0 =	simm.s32 @!p0 $0x0  }
0x12: {  	s1 =	sld [smem:$0x3F91];
	s0 =	simm.s32 @p0 $0x1  }
0x13: {  	[smem:$0x3FAC] =	sst s0;
	s0 =	simm.s32 @!p1 $0x0  }
0x14: {  	s2 =	sld [smem:$0x3F90];
	s0 =	simm.s32 @p1 $0x1  }
0x15: {  	[smem:$0x3FAD] =	sst s0;
	s0 =	simm.s32 @!p2 $0x0  }
0x16: {  	s3 =	sld [smem:$0x3FDB];
	s0 =	simm.s32 @p2 $0x1  }
0x17: {  	s4 =	simm.s32 $0x1BF5;
	[smem:$0x3FAF] =	sst s0  }
0x18: {  	s0 =	sld [smem:$0x3F92];
	_ =	swait.ge [sflag:s4], $0x0  }
0x19: {  	s7 =	sld [smem:$0x3F93]  }
0x1a: {  	s8 =	sadd.s32 $0xFFFFE003, lr  }
0x1b: {  	s9 =	sadd.s32 $0xFFFFFEF7, lr;
	s5 =	simm.s32 $0xFFFFFFFF;
	p2 =	slt.u32 s8, $0xFFFFF086  }
0x1c: {  	p1 =	slt.u32 s9, $0xF7A;
	s5 =	simm.s32 @!p2 $0x0  }
0x1d: {  	s5 =	simm.s32 @p1 $0x1;
	p0 =	seq.s32 s7, s2  }
0x1e: {  	s7 =	smul.u32 @!p0 $0xF7A, s2;
	p2 =	seq.s32 @!p0 s5, $0x0  }
0x1f: {  	s9 =	smul.u32 $0xF7A, s1;
	s8 =	simm.s32 @!p0 $0x1BF5;
	p2 =	por !p2, p0  }
0x20: {  	[sflag:s8] =	ssyncset.s32 @!p0 $0xFFFFF086;
	s6 =	sadd.s32 @!p0 s3, s7;
	s7 =	simm.s32 @!p0 $0x108  }
0x21: {  	s3 =	sadd.s32 s3, s9;
	s6 =	sadd.s32 @!p0 $0x88, s6;
	s7 =	simm.s32 @p2 $0x1082  }
0x22: {  	[simem:s7], [sflag:s8] =	dma.local @!p0 [hbm:s6], $0xF7A  }
0x23: {  	s9 =	sor.u32 $0xD0000000, s2;
	s6 =	simm.s32 $0x108;
	_ =	swait.ge @!p0 [sflag:s8], $0x0  }
0x24: {  	s3 =	sadd.s32 $0x88, s3;
	s6 =	simm.s32 @!p1 $0x1082;
	[sflag:s4] =	ssyncset.s32 $0xFFFFF086  }
0x25: {  	[simem:s6], [sflag:s4] =	dma.local [hbm:s3], $0xF7A  }
0x26: {  	[smem:$0x3F93] =	sst s1;
	(tag) =	ssettag s2;
	_ =	strace s9  }
0x27: {  	s1 =	sld [smem:$0x3FA3]  }
0x28: {  	s2 =	sld [smem:$0x3FA4]  }
0x29: {  	s4 =	sld [smem:$0x3FA6]  }
0x2a: {  	p0 =	seq.s32 s5, $0x0;
	s5 =	sld [smem:$0x3FA7]  }
0x2b: {  	s6 =	sld [smem:$0x3FA8]  }
0x2c: {  	s7 =	sld [smem:$0x3FA9]  }
0x2d: {  	s3 =	simm.s32 $0x108;
	s8 =	sld [smem:$0x3FAA]  }
0x2e: {  	s3 =	simm.s32 @!p0 $0x1082;
	s9 =	sld [smem:$0x3FAB]  }
0x2f: {  	lr =	sadd.s32 s0, s3;
	s0 =	sld [smem:$0x3FA2]  }
0x30: {  	s3 =	sld [smem:$0x3FA5]  }
0x31: {  	[smem:$0x3FAE] =	sst s10  }
0x32: {  	s10 =	sld [smem:$0x3FAC];
	_ =	sdelay $0x3  }
0x33: {  	p0 =	seq.s32 s10, $0x1;
	s10 =	sld [smem:$0x3FAE];
	_ =	sdelay $0x3  }
0x34: {  	[smem:$0x3FAE] =	sst s10  }
0x35: {  	s10 =	sld [smem:$0x3FAD];
	_ =	sdelay $0x3  }
0x36: {  	p1 =	seq.s32 s10, $0x1;
	s10 =	sld [smem:$0x3FAE];
	_ =	sdelay $0x3  }
0x37: {  	[smem:$0x3FAE] =	sst s10  }
0x38: {  	s10 =	sld [smem:$0x3FAF]  }
0x39: {  	_ = 	snop;
	(pc) =	sbr.ind lr, $3  }
0x3a: {  	_ = 	snop  }
0x3b: {  	_ = 	snop  }
0x3c: {  	p2 =	seq.s32 s10, $0x1;
	s10 =	sld [smem:$0x3FAE]  }
0x3d: {  	_ =	shalt  }
0x3e: {  	_ =	shalt  }
0x3f: {  	_ =	shalt  }
0x40: {  	_ =	shalt  }
0x41: {  	_ =	shalt  }
0x42: {  	_ =	shalt  }
0x43: {  	_ =	shalt  }
0x44: {  	_ =	shalt  }
0x45: {  	_ =	shalt  }
0x46: {  	_ =	shalt  }
0x47: {  	_ =	shalt  }
0x48: {  	_ =	shalt  }
0x49: {  	_ =	shalt  }
0x4a: {  	_ =	shalt  }
0x4b: {  	_ =	shalt  }
0x4c: {  	_ =	shalt  }
0x4d: {  	_ =	shalt  }
0x4e: {  	_ =	shalt  }
0x4f: {  	_ =	shalt  }
0x50: {  	_ =	shalt  }
0x51: {  	_ =	shalt  }
0x52: {  	_ =	shalt  }
0x53: {  	_ =	shalt  }
0x54: {  	_ =	shalt  }
0x55: {  	_ =	shalt  }
0x56: {  	_ =	shalt  }
0x57: {  	_ =	shalt  }
0x58: {  	_ =	shalt  }
0x59: {  	_ =	shalt  }
0x5a: {  	_ =	shalt  }
0x5b: {  	_ =	shalt  }
0x5c: {  	_ =	shalt  }
0x5d: {  	_ =	shalt  }
0x5e: {  	_ =	shalt  }
0x5f: {  	_ =	shalt  }
0x60: {  	_ =	shalt  }
0x61: {  	_ =	shalt  }
0x62: {  	_ =	shalt  }
0x63: {  	_ =	shalt  }
0x64: {  	_ =	shalt  }
0x65: {  	_ =	shalt  }
0x66: {  	_ =	shalt  }
0x67: {  	_ =	shalt  }
0x68: {  	_ =	shalt  }
0x69: {  	_ =	shalt  }
0x6a: {  	_ =	shalt  }
0x6b: {  	_ =	shalt  }
0x6c: {  	_ =	shalt  }
0x6d: {  	_ =	shalt  }
0x6e: {  	_ =	shalt  }
0x6f: {  	_ =	shalt  }
0x70: {  	_ =	shalt  }
0x71: {  	_ =	shalt  }
0x72: {  	_ =	shalt  }
0x73: {  	_ =	shalt  }
0x74: {  	_ =	shalt  }
0x75: {  	_ =	shalt  }
0x76: {  	_ =	shalt  }
0x77: {  	_ =	shalt  }
0x78: {  	_ =	shalt  }
0x79: {  	_ =	shalt  }
0x7a: {  	_ =	shalt  }
0x7b: {  	_ =	shalt  }
0x7c: {  	_ =	shalt  }
0x7d: {  	_ =	shalt  }
0x7e: {  	_ =	shalt  }
0x7f: {  	_ =	shalt  }
0x80: {  	_ =	shalt  }
0x81: {  	_ =	shalt  }
0x82: {  	_ =	shalt  }
0x83: {  	_ =	shalt  }
0x84: {  	_ =	shalt  }
0x85: {  	_ =	shalt  }
0x86: {  	_ =	shalt  }
0x87: {  	_ =	shalt  }
.Lfunc_end0:
.L_simem_size_0:
called_computation.1_lowered:
.L_overlay_start_0:
0x88: {  	s2 =	sld [smem:$0x3FD9]  }
0x89: {  	s3 =	sld [smem:$0x3FFE];
	_ =	sdelay $0x1  }
0x8a: {  	s1 =	srdreg.scid  }
0x8b: {  	s0 =	sand.u32 $0x1, s1  }
0x8c: {  	s16 =	sshll.u32 s0, $0xA;
	s2 =	sadd.s32 s3, s2  }
0x8d: {  	s2 =	sadd.s32 s2, s16  }
0x8e: {  	[smem:$0x3FBA] =	sst s2  }
0x8f: {  	_ = 	snop  }
0x90: {  	(tm) =	ssettm $0x1  }
0x91: {  	s17 =	sld [smem:$0x3FFB];
	_ =	sdelay $0x3  }
0x92: {  	_ =	strace s17  }
0x93: {  	s2 =	sld [smem:$0x3FFC];
	_ =	sdelay $0x3  }
0x94: {  	_ =	strace s2  }
0x95: {  	s2 =	sld [smem:$0x3FFD];
	_ =	sdelay $0x3  }
0x96: {  	_ =	strace s2  }
0x97: {  	_ =	strace $0x8FFFFFFF  }
0x98: {  	s18 =	sld [smem:$0x3FDB];
	_ =	sdelay $0x1  }
0x99: {  	s19 =	simm.s32 $_scs_section_size  }
0x9a: {  	s4 =	simm.s32 $_size__tile_overlayer_lowered;
	s5 =	simm.s32 $_tile_overlayer_lowered  }
0x9b: {  	s22 =	simm.s32 $0x1BFF;
	s21 =	sshll.u32 s5, $0x1;
	s2 =	sadd.s32 s19, s18  }
0x9c: {  	s6 =	simm.s32 $0x0;
	s20 =	sshll.u32 s4, $0x1;
	s4 =	sadd.s32 s21, s2  }
0x9d: {  	[timem:s6], [sflag:s22] =	dma.local [hbm:s4], s20  }
0x9e: {  	_ =	swait.ge [sflag:s22], s20  }
0x9f: {  	s3 =	ssub.s32 $0x0, s20;
	[sflag:s22] =	ssyncset.done $0x0  }
0xa0: {  	[sflag:s22] =	ssyncadd.s32 s3;
	_ =	sdelay $0x1  }
0xa1: {  	s23 =	simm.s32 $0x1B8B  }
0xa2: {  	_ =	swait.ge [sflag:s23], $0x1  }
0xa3: {  	[sflag:s23] =	ssyncset.done $0x0  }
0xa4: {  	s25 =	simm.s32 $0x1B8E;
	s24 =	sld [smem:$0x3FFE];
	[sflag:s23] =	ssyncadd.s32 $0xFFFFFFFF  }
0xa5: {  	s26 =	simm.s32 $execute0_lowered;
	[smem:$0x3FD2] =	sst s25  }
0xa6: {  	s4 =	sshll.u32 s26, $0x1;
	_ =	strace $0x80000049;
	[dreg:$0x1] =	wrdreg $0xFFFFFFFF  }
0xa7: {  	s28 =	simm.s32 $_size_execute0_lowered;
	s2 =	sadd.s32 s2, s4;
	[dreg:$0x0] =	wrdreg $0x0  }
0xa8: {  	s4 =	sshll.u32 s28, $0x1;
	[dreg:$0x2] =	wrdreg s2  }
0xa9: {  	[dreg:$0x3] =	wrdreg s4  }
0xaa: {  	[dreg:$0x4] =	wrdreg $0xC0  }
0xab: {  	_ =	task [dreg:s6], $0x5FFFF  }
0xac: {  	[dreg:$0x1] =	wrdreg $0xFFFFFFFF  }
0xad: {  	[dreg:$0x0] =	wrdreg $0x60  }
0xae: {  	[dreg:$0x2] =	wrdreg s24  }
0xaf: {  	[dreg:$0x3] =	wrdreg $0x71000  }
0xb0: {  	[dreg:$0x4] =	wrdreg $0x9  }
0xb1: {  	_ =	task.clear_ibuf [dreg:s6], $0x5FFFF;
	_ =	strace $0x90000049  }
0xb2: {  	s29 =	simm.s32 $0x9;
	_ =	strace $0x8000004B  }
0xb3: {  	_ =	swait.ge [sflag:s29], $0x1  }
0xb4: {  	[sflag:s29] =	ssyncadd.s32 $0xFFFFFFFF  }
0xb5: {  	_ =	strace $0x9000004B  }
0xb6: {  	_ =	sfence  }
0xb7: {  	s30 =	sld [smem:$0x0];
	_ =	sdelay $0x2  }
0xb8: {  	s31 =	sshll.u32 s1, $0xD;
	s1 =	sshrl.u32 s1, $0x2  }
0xb9: {  	s3 =	sand.u32 $0x4000, s31;
	s1 =	sadd.s32 s1, s30  }
0xba: {  	s0 =	sor.u32 s3, s0;
	s1 =	sshll.u32 s1, $0x11  }
0xbb: {  	s0 =	sor.u32 s1, s0  }
0xbc: {  	s0 =	sadd.s32 $0x8F2B, s0  }
0xbd: {  	[sflag:s0] =	ssyncadd.remote.s32 $0x1  }
0xbe: {  	_ =	sfence.sel $0xFFFF  }
0xbf: {  	[dreg:$0x0] =	wrdreg $0xFFFFFFFF;
	(pc) =	sbr.abs _section_cstart, $3  }
0xc0: {  	[dreg:$0x1] =	wrdreg $0xFFFFFFFF  }
0xc1: {  	_ =	task.clear_ibuf [dreg:s6], $0x2FFFF;
	_ =	strace $0x9FFFFFFF  }
0xc2: {  	(tm) =	ssettm $0x7FFFFFFF  }
0xc3: {  	_ =	shalt  }
tec
execute0_lowered:
.L_overlay_start_1:
0x0: {  	(tag) =	ssettag $0x1  }
0x1: {  	s6 =	rddreg [dreg:$0x0]  }
0x2: {  	s0 =	srdreg.scid;
	s2 =	rddreg [dreg:$0x1];
	s3 =	simm.s32 $0x0  }
0x3: {  	s13 =	simm.s32 $0x80;
	s14 =	simm.s32 $0x3000;
	s15 =	simm.s32 $0x3100  }
0x4: {  	s16 =	simm.s32 $0x1;
	s17 =	simm.s32 $0x3080;
	s18 =	simm.s32 $0x2  }
0x5: {  	s19 =	simm.s32 $0x0;
	s7 =	sand.u32 $0x1, s0;
	s0 =	stileid.u32  }
0x6: {  	[smem:$0x7FF] =	sst s3;
	s4 =	sadd.s32 $0x38C00, s6;
	s8 =	smul.u32 $0x13C000, s7  }
0x7: {  	s1 =	sshll.u32 s7, $0x4;
	s9 =	smul.u32 $0x13C00, s0;
	s29 =	ssub.s32 $0x2, s7  }
0x8: {  	s12 =	smul.u32 $0x4F000, s0;
	p0 =	seq.s32 s7, $0x0;
	s7 =	simm.s32 $0x5E  }
0x9: {  	s31 =	sshll.u32 s0, $0x6;
	s1 =	sor.u32 s0, s1;
	s11 =	sshrl.u32 s29, $0x1  }
0xa: {  	s7 =	simm.s32 @!p0 $0x3F;
	s5 =	smul.u32 $0x600, s1;
	s1 =	rddreg [dreg:$0x2]  }
0xb: {  	_ =	strace $0x8000004A;
	s8 =	sadd.s32 s9, s8;
	s9 =	ssub.s32 s29, s11  }
0xc: {  	s30 =	sshrl.u32 s12, $0x2;
	s11 =	sor.u32 $0x1C03, s31;
	s8 =	sshrl.u32 s8, $0x3  }
0xd: {  	s12 =	sadd.s32 s30, s2;
	s9 =	smax.u32 s9, $0x1;
	s10 =	sadd.s32 s5, s6  }
0xe: {  	s5 =	sadd.s32 $0x3400, s6;
	s8 =	sadd.s32 s8, s6;
	s12 =	sshrl.u32 s12, $0x3  }
0xf: {  	s6 =	sadd.s32 $0x2C400, s10;
	s8 =	sadd.s32 $0x14A400, s8;
	s10 =	simm.s32 $0x3  }
.LBB2_1:
0x10: {  	[tilespmem:s3], [sflag:$0x3] =	stream.linear.gather [hbm4b:s6+s3], $0x2F00, $0x38;
	[tilespmem:$0x1AD00] =	vst v63  }
0x11: {  	_ =	swait.ge [sflag:s10], $0x2F00  }
0x12: {  	[sflag:s10] =	ssyncset.done $0x0  }
0x13: {  	[sflag:s10] =	ssyncadd.s32 $0xFFFFD100  }
0x14: {  	[spmem:s12], [sflag:s11] =	dma.local [hbm:s5], $0x2780  }
0x15: {  	_ =	swait.ge [sflag:s10], $0x2780  }
0x16: {  	[sflag:s10] =	ssyncset.done $0x0  }
0x17: {  	[sflag:s10] =	ssyncadd.s32 $0xFFFFD880  }
0x18: {  	s20 =	simm.s32 $0x40;
	[bflag:$0x0] =	sbarrier.arrive $0xFFFF  }
0x19: {  	v0 =	vld [tilespmem:s20+$0xFFFFFFC0];
	_ =	sdelay $0x4  }
0x1a: {  	v0 =	vshrl.u32 v0, $0xE  }
0x1b: {  	[tilespmem:$0x3000] =	vst v0  }
0x1c: {  	v0 =	vld [tilespmem:s20+$0xFFFFFFD0];
	_ =	sdelay $0x4  }
0x1d: {  	v0 =	vshrl.u32 v0, $0xE  }
0x1e: {  	[tilespmem:$0x3010] =	vst v0  }
0x1f: {  	v0 =	vld [tilespmem:s20+$0xFFFFFFE0];
	_ =	sdelay $0x4  }
0x20: {  	v0 =	vshrl.u32 v0, $0xE  }
0x21: {  	[tilespmem:$0x3020] =	vst v0  }
0x22: {  	v0 =	vld [tilespmem:s20+$0xFFFFFFF0];
	_ =	sdelay $0x4  }
0x23: {  	v0 =	vshrl.u32 v0, $0xE  }
0x24: {  	[tilespmem:$0x3030] =	vst v0  }
0x25: {  	v0 =	vld [tilespmem:s20+$0x0];
	_ =	sdelay $0x4  }
0x26: {  	v0 =	vshrl.u32 v0, $0xE  }
0x27: {  	[tilespmem:$0x3040] =	vst v0  }
0x28: {  	v0 =	vld [tilespmem:s20+$0x10];
	_ =	sdelay $0x4  }
0x29: {  	v0 =	vshrl.u32 v0, $0xE  }
0x2a: {  	[tilespmem:$0x3050] =	vst v0  }
0x2b: {  	v0 =	vld [tilespmem:s20+$0x20];
	_ =	sdelay $0x4  }
0x2c: {  	v0 =	vshrl.u32 v0, $0xE  }
0x2d: {  	[tilespmem:$0x3060] =	vst v0  }
0x2e: {  	v0 =	vld [tilespmem:s20+$0x30];
	_ =	sdelay $0x4  }
0x2f: {  	v0 =	vshrl.u32 v0, $0xE  }
0x30: {  	[tilespmem:$0x3070] =	vst v0  }
0x31: {  	[tilespmem:s15], [sflag:$0x1] =	stream.indirect.gather [hbm4b:s4+s13], $0x80, s14, s13, $0xb8;
	[tilespmem:$0x1AD00] =	vst v63  }
0x32: {  	v0 =	vld [tilespmem:s20+$0xFFFFFFC0];
	_ =	sdelay $0x4  }
0x33: {  	v0 =	vand.u32 $0x3FFF, v0  }
0x34: {  	[tilespmem:$0x3080] =	vst v0  }
0x35: {  	v0 =	vld [tilespmem:s20+$0xFFFFFFD0];
	_ =	sdelay $0x4  }
0x36: {  	v0 =	vand.u32 $0x3FFF, v0  }
0x37: {  	[tilespmem:$0x3090] =	vst v0  }
0x38: {  	v0 =	vld [tilespmem:s20+$0xFFFFFFE0];
	_ =	sdelay $0x4  }
0x39: {  	v0 =	vand.u32 $0x3FFF, v0  }
0x3a: {  	[tilespmem:$0x30A0] =	vst v0  }
0x3b: {  	v0 =	vld [tilespmem:s20+$0xFFFFFFF0];
	_ =	sdelay $0x4  }
0x3c: {  	v0 =	vand.u32 $0x3FFF, v0  }
0x3d: {  	[tilespmem:$0x30B0] =	vst v0  }
0x3e: {  	v0 =	vld [tilespmem:s20+$0x0];
	_ =	sdelay $0x4  }
0x3f: {  	v0 =	vand.u32 $0x3FFF, v0  }
0x40: {  	[tilespmem:$0x30C0] =	vst v0  }
0x41: {  	v0 =	vld [tilespmem:s20+$0x10];
	_ =	sdelay $0x4  }
0x42: {  	v0 =	vand.u32 $0x3FFF, v0  }
0x43: {  	[tilespmem:$0x30D0] =	vst v0  }
0x44: {  	v0 =	vld [tilespmem:s20+$0x20];
	_ =	sdelay $0x4  }
0x45: {  	v0 =	vand.u32 $0x3FFF, v0  }
0x46: {  	[tilespmem:$0x30E0] =	vst v0  }
0x47: {  	v0 =	vld [tilespmem:s20+$0x30];
	_ =	sdelay $0x4  }
0x48: {  	v0 =	vand.u32 $0x3FFF, v0  }
0x49: {  	[tilespmem:$0x30F0] =	vst v0  }
0x4a: {  	p0 =	sne.s32 s7, $0x1;
	_ =	swait.ge [sflag:s16], $0x4000  }
.Ltmp0:
0x4b: {  	[sflag:s16] =	ssyncset.done $0x0;
	(pc) =	sbr.rel @!p0 .LBB2_3-.Ltmp0, $4  }
0x4c: {  	[sflag:s16] =	ssyncadd.s32 $0xFFFFC000  }
0x4d: {  	[spmem:s2] =	stream.indirect.scatter.add.f32 [tilespmem:s15], [sflag:$0x2], $0x80, s17, s13, $0xb8;
	[tilespmem:$0x1AD00] =	vst v63  }
0x4e: {  	_ =	swait.ge [sflag:s18], $0x4000  }
0x4f: {  	s21 =	sadd.s32 $0xFFFFFFFF, s7;
	[sflag:s18] =	ssyncset.done $0x0  }
.LBB2_2:
0x50: {  	p0 =	sne.s32 s21, $0x1;
	[sflag:s18] =	ssyncadd.s32 $0xFFFFC000;
	s20 =	sadd.s32 $0x80, s20  }
0x51: {  	s21 =	sadd.s32 $0xFFFFFFFF, s21;
	v0 =	vld [tilespmem:s20+$0xFFFFFFC0];
	_ =	sdelay $0x4  }
0x52: {  	v0 =	vshrl.u32 v0, $0xE  }
0x53: {  	[tilespmem:$0x3000] =	vst v0  }
0x54: {  	v0 =	vld [tilespmem:s20+$0xFFFFFFD0];
	_ =	sdelay $0x4  }
0x55: {  	v0 =	vshrl.u32 v0, $0xE  }
0x56: {  	[tilespmem:$0x3010] =	vst v0  }
0x57: {  	v0 =	vld [tilespmem:s20+$0xFFFFFFE0];
	_ =	sdelay $0x4  }
0x58: {  	v0 =	vshrl.u32 v0, $0xE  }
0x59: {  	[tilespmem:$0x3020] =	vst v0  }
0x5a: {  	v0 =	vld [tilespmem:s20+$0xFFFFFFF0];
	_ =	sdelay $0x4  }
0x5b: {  	v0 =	vshrl.u32 v0, $0xE  }
0x5c: {  	[tilespmem:$0x3030] =	vst v0  }
0x5d: {  	v0 =	vld [tilespmem:s20+$0x0];
	_ =	sdelay $0x4  }
0x5e: {  	v0 =	vshrl.u32 v0, $0xE  }
0x5f: {  	[tilespmem:$0x3040] =	vst v0  }
0x60: {  	v0 =	vld [tilespmem:s20+$0x10];
	_ =	sdelay $0x4  }
0x61: {  	v0 =	vshrl.u32 v0, $0xE  }
0x62: {  	[tilespmem:$0x3050] =	vst v0  }
0x63: {  	v0 =	vld [tilespmem:s20+$0x20];
	_ =	sdelay $0x4  }
0x64: {  	v0 =	vshrl.u32 v0, $0xE  }
0x65: {  	[tilespmem:$0x3060] =	vst v0  }
0x66: {  	v0 =	vld [tilespmem:s20+$0x30];
	_ =	sdelay $0x4  }
0x67: {  	v0 =	vshrl.u32 v0, $0xE  }
0x68: {  	[tilespmem:$0x3070] =	vst v0  }
0x69: {  	[tilespmem:s15], [sflag:$0x1] =	stream.indirect.gather [hbm4b:s4+s13], $0x80, s14, s13, $0xb8;
	[tilespmem:$0x1AD00] =	vst v63  }
0x6a: {  	v0 =	vld [tilespmem:s20+$0xFFFFFFC0];
	_ =	sdelay $0x4  }
0x6b: {  	v0 =	vand.u32 $0x3FFF, v0  }
0x6c: {  	[tilespmem:$0x3080] =	vst v0  }
0x6d: {  	v0 =	vld [tilespmem:s20+$0xFFFFFFD0];
	_ =	sdelay $0x4  }
0x6e: {  	v0 =	vand.u32 $0x3FFF, v0  }
0x6f: {  	[tilespmem:$0x3090] =	vst v0  }
0x70: {  	v0 =	vld [tilespmem:s20+$0xFFFFFFE0];
	_ =	sdelay $0x4  }
0x71: {  	v0 =	vand.u32 $0x3FFF, v0  }
0x72: {  	[tilespmem:$0x30A0] =	vst v0  }
0x73: {  	v0 =	vld [tilespmem:s20+$0xFFFFFFF0];
	_ =	sdelay $0x4  }
0x74: {  	v0 =	vand.u32 $0x3FFF, v0  }
0x75: {  	[tilespmem:$0x30B0] =	vst v0  }
0x76: {  	v0 =	vld [tilespmem:s20+$0x0];
	_ =	sdelay $0x4  }
0x77: {  	v0 =	vand.u32 $0x3FFF, v0  }
0x78: {  	[tilespmem:$0x30C0] =	vst v0  }
0x79: {  	v0 =	vld [tilespmem:s20+$0x10];
	_ =	sdelay $0x4  }
0x7a: {  	v0 =	vand.u32 $0x3FFF, v0  }
0x7b: {  	[tilespmem:$0x30D0] =	vst v0  }
0x7c: {  	v0 =	vld [tilespmem:s20+$0x20];
	_ =	sdelay $0x4  }
0x7d: {  	v0 =	vand.u32 $0x3FFF, v0  }
0x7e: {  	[tilespmem:$0x30E0] =	vst v0  }
0x7f: {  	v0 =	vld [tilespmem:s20+$0x30];
	_ =	sdelay $0x4  }
0x80: {  	v0 =	vand.u32 $0x3FFF, v0  }
0x81: {  	[tilespmem:$0x30F0] =	vst v0  }
0x82: {  	_ =	swait.ge [sflag:s16], $0x4000  }
.Ltmp1:
0x83: {  	[sflag:s16] =	ssyncset.done $0x0;
	(pc) =	sbr.rel @p0 .LBB2_2-.Ltmp1, $4  }
0x84: {  	[sflag:s16] =	ssyncadd.s32 $0xFFFFC000  }
0x85: {  	[spmem:s2] =	stream.indirect.scatter.add.f32 [tilespmem:s15], [sflag:$0x2], $0x80, s17, s13, $0xb8;
	[tilespmem:$0x1AD00] =	vst v63  }
0x86: {  	_ =	swait.ge [sflag:s18], $0x4000  }
0x87: {  	[sflag:s18] =	ssyncset.done $0x0  }
.LBB2_3:
0x88: {  	s19 =	sadd.s32 $0x1, s19  }
0x89: {  	[sflag:s18] =	ssyncadd.s32 $0xFFFFC000;
	p0 =	sne.s32 s19, s9  }
.Ltmp2:
0x8a: {  	[bflag:$0x0] =	sbarrier.arrive $0xFFFF;
	(pc) =	sbr.rel @p0 .LBB2_1-.Ltmp2, $4  }
0x8b: {  	[hbm:s8], [sflag:s11] =	dma.local [spmem:s12], $0x2780  }
0x8c: {  	_ =	swait.ge [sflag:s10], $0x2780  }
0x8d: {  	[sflag:s10] =	ssyncset.done $0x0  }
0x8e: {  	[sflag:s10] =	ssyncadd.s32 $0xFFFFD880  }
0x8f: {  	_ =	sfence.sel $0x180000  }
0x90: {  	[bflag:$0x0] =	sbarrier.arrive $0xFFFF  }
0x91: {  	p0 =	sne.s32 s0, $0x0;
	_ =	strace $0x9000004A  }
0x92: {  	s0 =	sadd.s32 @!p0 $0x100000, s1;
	[bflag:$0x2] =	sbarrier.arrive $0xFFFF  }
0x93: {  	[sflag:s0] =	ssyncadd.tile.s32 @!p0 $0x1;
	_ =	shalt  }
.Lfunc_end2:
_tile_overlayer_lowered:
.L_overlay_start_2:
0x94: {  	(tag) =	ssettag $0x2  }
0x95: {  	s0 =	rddreg [dreg:$0x0];
	s2 =	stileid.u32  }
0x96: {  	s1 =	rddreg [dreg:$0x1];
	p0 =	sne.s32 s2, $0x0  }
0x97: {  	s3 =	rddreg [dreg:$0x2];
	[bflag:$0x3] =	sbarrier.arrive $0xFFFF;
	s2 =	simm.s32 @!p0 $0x1C03  }
0x98: {  	[timem:s3], [sflag:s2] =	dma.local @!p0 [hbm:s0], s1  }
0x99: {  	s0 =	simm.s32 @!p0 $0x3  }
0x9a: {  	_ =	swait.ge @!p0 [sflag:s0], s1  }
0x9b: {  	s1 =	ssub.s32 @!p0 $0x0, s1;
	[sflag:s0] =	ssyncset.done @!p0 $0x0  }
0x9c: {  	[sflag:s0] =	ssyncadd.s32 @!p0 s1  }
0x9d: {  	[bflag:$0x3] =	sbarrier.arrive $0xFFFF  }
0x9e: {  	_ =	shalt  }

// kernel: kernel.19.cloned.1.call-start
scs
__scs_entry_jumppad:
0x0: {  	(pc) =	sbr.rel $0x88, $3  }
0x1: {  	(tag) =	ssettag $0x0;
	lr =	simm.s32 $0x1  }
0x2: {  	[smem:$0x3F93] =	sst lr;
	_ =	strace $0xD0000000  }
0x3: {  	_ = 	snop  }
0x4: {  	_ = 	snop  }
0x5: {  	_ = 	snop  }
0x6: {  	_ = 	snop  }
0x7: {  	_ = 	snop  }
__scs_overlays_trampoline_lowered:
0x8: {  	[smem:$0x3FA2] =	sst s0  }
0x9: {  	[smem:$0x3FA3] =	sst s1  }
0xa: {  	[smem:$0x3FA4] =	sst s2  }
0xb: {  	[smem:$0x3FA5] =	sst s3  }
0xc: {  	[smem:$0x3FA6] =	sst s4  }
0xd: {  	[smem:$0x3FA7] =	sst s5  }
0xe: {  	[smem:$0x3FA8] =	sst s6  }
0xf: {  	[smem:$0x3FA9] =	sst s7  }
0x10: {  	[smem:$0x3FAA] =	sst s8  }
0x11: {  	[smem:$0x3FAB] =	sst s9;
	s0 =	simm.s32 @!p0 $0x0  }
0x12: {  	s1 =	sld [smem:$0x3F91];
	s0 =	simm.s32 @p0 $0x1  }
0x13: {  	[smem:$0x3FAC] =	sst s0;
	s0 =	simm.s32 @!p1 $0x0  }
0x14: {  	s2 =	sld [smem:$0x3F90];
	s0 =	simm.s32 @p1 $0x1  }
0x15: {  	[smem:$0x3FAD] =	sst s0;
	s0 =	simm.s32 @!p2 $0x0  }
0x16: {  	s3 =	sld [smem:$0x3FDB];
	s0 =	simm.s32 @p2 $0x1  }
0x17: {  	s4 =	simm.s32 $0x1BF5;
	[smem:$0x3FAF] =	sst s0  }
0x18: {  	s0 =	sld [smem:$0x3F92];
	_ =	swait.ge [sflag:s4], $0x0  }
0x19: {  	s7 =	sld [smem:$0x3F93]  }
0x1a: {  	s8 =	sadd.s32 $0xFFFFE003, lr  }
0x1b: {  	s9 =	sadd.s32 $0xFFFFFEF7, lr;
	s5 =	simm.s32 $0xFFFFFFFF;
	p2 =	slt.u32 s8, $0xFFFFF086  }
0x1c: {  	p1 =	slt.u32 s9, $0xF7A;
	s5 =	simm.s32 @!p2 $0x0  }
0x1d: {  	s5 =	simm.s32 @p1 $0x1;
	p0 =	seq.s32 s7, s2  }
0x1e: {  	s7 =	smul.u32 @!p0 $0xF7A, s2;
	p2 =	seq.s32 @!p0 s5, $0x0  }
0x1f: {  	s9 =	smul.u32 $0xF7A, s1;
	s8 =	simm.s32 @!p0 $0x1BF5;
	p2 =	por !p2, p0  }
0x20: {  	[sflag:s8] =	ssyncset.s32 @!p0 $0xFFFFF086;
	s6 =	sadd.s32 @!p0 s3, s7;
	s7 =	simm.s32 @!p0 $0x108  }
0x21: {  	s3 =	sadd.s32 s3, s9;
	s6 =	sadd.s32 @!p0 $0x88, s6;
	s7 =	simm.s32 @p2 $0x1082  }
0x22: {  	[simem:s7], [sflag:s8] =	dma.local @!p0 [hbm:s6], $0xF7A  }
0x23: {  	s9 =	sor.u32 $0xD0000000, s2;
	s6 =	simm.s32 $0x108;
	_ =	swait.ge @!p0 [sflag:s8], $0x0  }
0x24: {  	s3 =	sadd.s32 $0x88, s3;
	s6 =	simm.s32 @!p1 $0x1082;
	[sflag:s4] =	ssyncset.s32 $0xFFFFF086  }
0x25: {  	[simem:s6], [sflag:s4] =	dma.local [hbm:s3], $0xF7A  }
0x26: {  	[smem:$0x3F93] =	sst s1;
	(tag) =	ssettag s2;
	_ =	strace s9  }
0x27: {  	s1 =	sld [smem:$0x3FA3]  }
0x28: {  	s2 =	sld [smem:$0x3FA4]  }
0x29: {  	s4 =	sld [smem:$0x3FA6]  }
0x2a: {  	p0 =	seq.s32 s5, $0x0;
	s5 =	sld [smem:$0x3FA7]  }
0x2b: {  	s6 =	sld [smem:$0x3FA8]  }
0x2c: {  	s7 =	sld [smem:$0x3FA9]  }
0x2d: {  	s3 =	simm.s32 $0x108;
	s8 =	sld [smem:$0x3FAA]  }
0x2e: {  	s3 =	simm.s32 @!p0 $0x1082;
	s9 =	sld [smem:$0x3FAB]  }
0x2f: {  	lr =	sadd.s32 s0, s3;
	s0 =	sld [smem:$0x3FA2]  }
0x30: {  	s3 =	sld [smem:$0x3FA5]  }
0x31: {  	[smem:$0x3FAE] =	sst s10  }
0x32: {  	s10 =	sld [smem:$0x3FAC];
	_ =	sdelay $0x3  }
0x33: {  	p0 =	seq.s32 s10, $0x1;
	s10 =	sld [smem:$0x3FAE];
	_ =	sdelay $0x3  }
0x34: {  	[smem:$0x3FAE] =	sst s10  }
0x35: {  	s10 =	sld [smem:$0x3FAD];
	_ =	sdelay $0x3  }
0x36: {  	p1 =	seq.s32 s10, $0x1;
	s10 =	sld [smem:$0x3FAE];
	_ =	sdelay $0x3  }
0x37: {  	[smem:$0x3FAE] =	sst s10  }
0x38: {  	s10 =	sld [smem:$0x3FAF]  }
0x39: {  	_ = 	snop;
	(pc) =	sbr.ind lr, $3  }
0x3a: {  	_ = 	snop  }
0x3b: {  	_ = 	snop  }
0x3c: {  	p2 =	seq.s32 s10, $0x1;
	s10 =	sld [smem:$0x3FAE]  }
0x3d: {  	_ =	shalt  }
0x3e: {  	_ =	shalt  }
0x3f: {  	_ =	shalt  }
0x40: {  	_ =	shalt  }
0x41: {  	_ =	shalt  }
0x42: {  	_ =	shalt  }
0x43: {  	_ =	shalt  }
0x44: {  	_ =	shalt  }
0x45: {  	_ =	shalt  }
0x46: {  	_ =	shalt  }
0x47: {  	_ =	shalt  }
0x48: {  	_ =	shalt  }
0x49: {  	_ =	shalt  }
0x4a: {  	_ =	shalt  }
0x4b: {  	_ =	shalt  }
0x4c: {  	_ =	shalt  }
0x4d: {  	_ =	shalt  }
0x4e: {  	_ =	shalt  }
0x4f: {  	_ =	shalt  }
0x50: {  	_ =	shalt  }
0x51: {  	_ =	shalt  }
0x52: {  	_ =	shalt  }
0x53: {  	_ =	shalt  }
0x54: {  	_ =	shalt  }
0x55: {  	_ =	shalt  }
0x56: {  	_ =	shalt  }
0x57: {  	_ =	shalt  }
0x58: {  	_ =	shalt  }
0x59: {  	_ =	shalt  }
0x5a: {  	_ =	shalt  }
0x5b: {  	_ =	shalt  }
0x5c: {  	_ =	shalt  }
0x5d: {  	_ =	shalt  }
0x5e: {  	_ =	shalt  }
0x5f: {  	_ =	shalt  }
0x60: {  	_ =	shalt  }
0x61: {  	_ =	shalt  }
0x62: {  	_ =	shalt  }
0x63: {  	_ =	shalt  }
0x64: {  	_ =	shalt  }
0x65: {  	_ =	shalt  }
0x66: {  	_ =	shalt  }
0x67: {  	_ =	shalt  }
0x68: {  	_ =	shalt  }
0x69: {  	_ =	shalt  }
0x6a: {  	_ =	shalt  }
0x6b: {  	_ =	shalt  }
0x6c: {  	_ =	shalt  }
0x6d: {  	_ =	shalt  }
0x6e: {  	_ =	shalt  }
0x6f: {  	_ =	shalt  }
0x70: {  	_ =	shalt  }
0x71: {  	_ =	shalt  }
0x72: {  	_ =	shalt  }
0x73: {  	_ =	shalt  }
0x74: {  	_ =	shalt  }
0x75: {  	_ =	shalt  }
0x76: {  	_ =	shalt  }
0x77: {  	_ =	shalt  }
0x78: {  	_ =	shalt  }
0x79: {  	_ =	shalt  }
0x7a: {  	_ =	shalt  }
0x7b: {  	_ =	shalt  }
0x7c: {  	_ =	shalt  }
0x7d: {  	_ =	shalt  }
0x7e: {  	_ =	shalt  }
0x7f: {  	_ =	shalt  }
0x80: {  	_ =	shalt  }
0x81: {  	_ =	shalt  }
0x82: {  	_ =	shalt  }
0x83: {  	_ =	shalt  }
0x84: {  	_ =	shalt  }
0x85: {  	_ =	shalt  }
0x86: {  	_ =	shalt  }
0x87: {  	_ =	shalt  }
.Lfunc_end0:
.L_simem_size_0:
called_computation.2_lowered:
.L_overlay_start_0:
0x88: {  	s2 =	sld [smem:$0x3FD9]  }
0x89: {  	s3 =	sld [smem:$0x3FFE];
	_ =	sdelay $0x1  }
0x8a: {  	s1 =	srdreg.scid  }
0x8b: {  	s0 =	sand.u32 $0x1, s1  }
0x8c: {  	s16 =	sshll.u32 s0, $0xA;
	s2 =	sadd.s32 s3, s2  }
0x8d: {  	s2 =	sadd.s32 s2, s16  }
0x8e: {  	[smem:$0x3FBA] =	sst s2  }
0x8f: {  	_ = 	snop  }
0x90: {  	(tm) =	ssettm $0x1  }
0x91: {  	s17 =	sld [smem:$0x3FFB];
	_ =	sdelay $0x3  }
0x92: {  	_ =	strace s17  }
0x93: {  	s2 =	sld [smem:$0x3FFC];
	_ =	sdelay $0x3  }
0x94: {  	_ =	strace s2  }
0x95: {  	s2 =	sld [smem:$0x3FFD];
	_ =	sdelay $0x3  }
0x96: {  	_ =	strace s2  }
0x97: {  	_ =	strace $0x8FFFFFFF  }
0x98: {  	s18 =	sld [smem:$0x3FDB];
	_ =	sdelay $0x1  }
0x99: {  	s19 =	simm.s32 $_scs_section_size  }
0x9a: {  	s4 =	simm.s32 $_size__tile_overlayer_lowered;
	s5 =	simm.s32 $_tile_overlayer_lowered  }
0x9b: {  	s22 =	simm.s32 $0x1BFF;
	s21 =	sshll.u32 s5, $0x1;
	s2 =	sadd.s32 s19, s18  }
0x9c: {  	s6 =	simm.s32 $0x0;
	s20 =	sshll.u32 s4, $0x1;
	s4 =	sadd.s32 s21, s2  }
0x9d: {  	[timem:s6], [sflag:s22] =	dma.local [hbm:s4], s20  }
0x9e: {  	_ =	swait.ge [sflag:s22], s20  }
0x9f: {  	s3 =	ssub.s32 $0x0, s20;
	[sflag:s22] =	ssyncset.done $0x0  }
0xa0: {  	[sflag:s22] =	ssyncadd.s32 s3;
	_ =	sdelay $0x1  }
0xa1: {  	s23 =	simm.s32 $0x1B8B  }
0xa2: {  	_ =	swait.ge [sflag:s23], $0x1  }
0xa3: {  	[sflag:s23] =	ssyncset.done $0x0  }
0xa4: {  	s25 =	simm.s32 $0x1B8E;
	s24 =	sld [smem:$0x3FFE];
	[sflag:s23] =	ssyncadd.s32 $0xFFFFFFFF  }
0xa5: {  	s26 =	simm.s32 $execute0_lowered;
	[smem:$0x3FD2] =	sst s25  }
0xa6: {  	s4 =	sshll.u32 s26, $0x1;
	_ =	strace $0x8000004C;
	[dreg:$0x1] =	wrdreg $0xFFFFFFFF  }
0xa7: {  	s28 =	simm.s32 $_size_execute0_lowered;
	s2 =	sadd.s32 s2, s4;
	[dreg:$0x0] =	wrdreg $0x0  }
0xa8: {  	s4 =	sshll.u32 s28, $0x1;
	[dreg:$0x2] =	wrdreg s2  }
0xa9: {  	[dreg:$0x3] =	wrdreg s4  }
0xaa: {  	[dreg:$0x4] =	wrdreg $0xC0  }
0xab: {  	_ =	task [dreg:s6], $0x5FFFF  }
0xac: {  	[dreg:$0x1] =	wrdreg $0xFFFFFFFF  }
0xad: {  	[dreg:$0x0] =	wrdreg $0x60  }
0xae: {  	[dreg:$0x2] =	wrdreg s24  }
0xaf: {  	[dreg:$0x3] =	wrdreg $0x71000  }
0xb0: {  	[dreg:$0x4] =	wrdreg $0x9  }
0xb1: {  	_ =	task.clear_ibuf [dreg:s6], $0x5FFFF;
	_ =	strace $0x9000004C  }
0xb2: {  	s29 =	simm.s32 $0x9;
	_ =	strace $0x8000004E  }
0xb3: {  	_ =	swait.ge [sflag:s29], $0x1  }
0xb4: {  	[sflag:s29] =	ssyncadd.s32 $0xFFFFFFFF  }
0xb5: {  	_ =	strace $0x9000004E  }
0xb6: {  	_ =	sfence  }
0xb7: {  	s30 =	sld [smem:$0x0];
	_ =	sdelay $0x2  }
0xb8: {  	s31 =	sshll.u32 s1, $0xD;
	s1 =	sshrl.u32 s1, $0x2  }
0xb9: {  	s3 =	sand.u32 $0x4000, s31;
	s1 =	sadd.s32 s1, s30  }
0xba: {  	s0 =	sor.u32 s3, s0;
	s1 =	sshll.u32 s1, $0x11  }
0xbb: {  	s0 =	sor.u32 s1, s0  }
0xbc: {  	s0 =	sadd.s32 $0x8F2B, s0  }
0xbd: {  	[sflag:s0] =	ssyncadd.remote.s32 $0x1  }
0xbe: {  	_ =	sfence.sel $0xFFFF  }
0xbf: {  	[dreg:$0x0] =	wrdreg $0xFFFFFFFF;
	(pc) =	sbr.abs _section_cstart, $3  }
0xc0: {  	[dreg:$0x1] =	wrdreg $0xFFFFFFFF  }
0xc1: {  	_ =	task.clear_ibuf [dreg:s6], $0x2FFFF;
	_ =	strace $0x9FFFFFFF  }
0xc2: {  	(tm) =	ssettm $0x7FFFFFFF  }
0xc3: {  	_ =	shalt  }
tec
execute0_lowered:
.L_overlay_start_1:
0x0: {  	(tag) =	ssettag $0x1  }
0x1: {  	s6 =	rddreg [dreg:$0x0]  }
0x2: {  	s0 =	srdreg.scid;
	s2 =	rddreg [dreg:$0x1];
	s3 =	simm.s32 $0x0  }
0x3: {  	s13 =	simm.s32 $0x80;
	s14 =	simm.s32 $0x3000;
	s15 =	simm.s32 $0x3100  }
0x4: {  	s16 =	simm.s32 $0x1;
	s17 =	simm.s32 $0x3080;
	s18 =	simm.s32 $0x2  }
0x5: {  	s19 =	simm.s32 $0x0;
	s7 =	sand.u32 $0x1, s0;
	s0 =	stileid.u32  }
0x6: {  	[smem:$0x7FF] =	sst s3;
	s4 =	sadd.s32 $0x38C00, s6;
	s8 =	smul.u32 $0x13C000, s7  }
0x7: {  	s1 =	sshll.u32 s7, $0x4;
	s9 =	smul.u32 $0x13C00, s0;
	s29 =	ssub.s32 $0x2, s7  }
0x8: {  	s12 =	smul.u32 $0x4F000, s0;
	p0 =	seq.s32 s7, $0x0;
	s7 =	simm.s32 $0x5E  }
0x9: {  	s31 =	sshll.u32 s0, $0x6;
	s1 =	sor.u32 s0, s1;
	s11 =	sshrl.u32 s29, $0x1  }
0xa: {  	s7 =	simm.s32 @!p0 $0x3F;
	s5 =	smul.u32 $0x600, s1;
	s1 =	rddreg [dreg:$0x2]  }
0xb: {  	_ =	strace $0x8000004D;
	s8 =	sadd.s32 s9, s8;
	s9 =	ssub.s32 s29, s11  }
0xc: {  	s30 =	sshrl.u32 s12, $0x2;
	s11 =	sor.u32 $0x1C03, s31;
	s8 =	sshrl.u32 s8, $0x3  }
0xd: {  	s12 =	sadd.s32 s30, s2;
	s9 =	smax.u32 s9, $0x1;
	s10 =	sadd.s32 s5, s6  }
0xe: {  	s5 =	sadd.s32 $0x3400, s6;
	s8 =	sadd.s32 s8, s6;
	s12 =	sshrl.u32 s12, $0x3  }
0xf: {  	s6 =	sadd.s32 $0x2C400, s10;
	s8 =	sadd.s32 $0x14A400, s8;
	s10 =	simm.s32 $0x3  }
.LBB2_1:
0x10: {  	[tilespmem:s3], [sflag:$0x3] =	stream.linear.gather [hbm4b:s6+s3], $0x2F00, $0x38;
	[tilespmem:$0x1AD00] =	vst v63  }
0x11: {  	_ =	swait.ge [sflag:s10], $0x2F00  }
0x12: {  	[sflag:s10] =	ssyncset.done $0x0  }
0x13: {  	[sflag:s10] =	ssyncadd.s32 $0xFFFFD100  }
0x14: {  	[spmem:s12], [sflag:s11] =	dma.local [hbm:s5], $0x2780  }
0x15: {  	_ =	swait.ge [sflag:s10], $0x2780  }
0x16: {  	[sflag:s10] =	ssyncset.done $0x0  }
0x17: {  	[sflag:s10] =	ssyncadd.s32 $0xFFFFD880  }
0x18: {  	s20 =	simm.s32 $0x40;
	[bflag:$0x0] =	sbarrier.arrive $0xFFFF  }
0x19: {  	v0 =	vld [tilespmem:s20+$0xFFFFFFC0];
	_ =	sdelay $0x4  }
0x1a: {  	v0 =	vshrl.u32 v0, $0xE  }
0x1b: {  	[tilespmem:$0x3000] =	vst v0  }
0x1c: {  	v0 =	vld [tilespmem:s20+$0xFFFFFFD0];
	_ =	sdelay $0x4  }
0x1d: {  	v0 =	vshrl.u32 v0, $0xE  }
0x1e: {  	[tilespmem:$0x3010] =	vst v0  }
0x1f: {  	v0 =	vld [tilespmem:s20+$0xFFFFFFE0];
	_ =	sdelay $0x4  }
0x20: {  	v0 =	vshrl.u32 v0, $0xE  }
0x21: {  	[tilespmem:$0x3020] =	vst v0  }
0x22: {  	v0 =	vld [tilespmem:s20+$0xFFFFFFF0];
	_ =	sdelay $0x4  }
0x23: {  	v0 =	vshrl.u32 v0, $0xE  }
0x24: {  	[tilespmem:$0x3030] =	vst v0  }
0x25: {  	v0 =	vld [tilespmem:s20+$0x0];
	_ =	sdelay $0x4  }
0x26: {  	v0 =	vshrl.u32 v0, $0xE  }
0x27: {  	[tilespmem:$0x3040] =	vst v0  }
0x28: {  	v0 =	vld [tilespmem:s20+$0x10];
	_ =	sdelay $0x4  }
0x29: {  	v0 =	vshrl.u32 v0, $0xE  }
0x2a: {  	[tilespmem:$0x3050] =	vst v0  }
0x2b: {  	v0 =	vld [tilespmem:s20+$0x20];
	_ =	sdelay $0x4  }
0x2c: {  	v0 =	vshrl.u32 v0, $0xE  }
0x2d: {  	[tilespmem:$0x3060] =	vst v0  }
0x2e: {  	v0 =	vld [tilespmem:s20+$0x30];
	_ =	sdelay $0x4  }
0x2f: {  	v0 =	vshrl.u32 v0, $0xE  }
0x30: {  	[tilespmem:$0x3070] =	vst v0  }
0x31: {  	[tilespmem:s15], [sflag:$0x1] =	stream.indirect.gather [hbm4b:s4+s13], $0x80, s14, s13, $0xb8;
	[tilespmem:$0x1AD00] =	vst v63  }
0x32: {  	v0 =	vld [tilespmem:s20+$0xFFFFFFC0];
	_ =	sdelay $0x4  }
0x33: {  	v0 =	vand.u32 $0x3FFF, v0  }
0x34: {  	[tilespmem:$0x3080] =	vst v0  }
0x35: {  	v0 =	vld [tilespmem:s20+$0xFFFFFFD0];
	_ =	sdelay $0x4  }
0x36: {  	v0 =	vand.u32 $0x3FFF, v0  }
0x37: {  	[tilespmem:$0x3090] =	vst v0  }
0x38: {  	v0 =	vld [tilespmem:s20+$0xFFFFFFE0];
	_ =	sdelay $0x4  }
0x39: {  	v0 =	vand.u32 $0x3FFF, v0  }
0x3a: {  	[tilespmem:$0x30A0] =	vst v0  }
0x3b: {  	v0 =	vld [tilespmem:s20+$0xFFFFFFF0];
	_ =	sdelay $0x4  }
0x3c: {  	v0 =	vand.u32 $0x3FFF, v0  }
0x3d: {  	[tilespmem:$0x30B0] =	vst v0  }
0x3e: {  	v0 =	vld [tilespmem:s20+$0x0];
	_ =	sdelay $0x4  }
0x3f: {  	v0 =	vand.u32 $0x3FFF, v0  }
0x40: {  	[tilespmem:$0x30C0] =	vst v0  }
0x41: {  	v0 =	vld [tilespmem:s20+$0x10];
	_ =	sdelay $0x4  }
0x42: {  	v0 =	vand.u32 $0x3FFF, v0  }
0x43: {  	[tilespmem:$0x30D0] =	vst v0  }
0x44: {  	v0 =	vld [tilespmem:s20+$0x20];
	_ =	sdelay $0x4  }
0x45: {  	v0 =	vand.u32 $0x3FFF, v0  }
0x46: {  	[tilespmem:$0x30E0] =	vst v0  }
0x47: {  	v0 =	vld [tilespmem:s20+$0x30];
	_ =	sdelay $0x4  }
0x48: {  	v0 =	vand.u32 $0x3FFF, v0  }
0x49: {  	[tilespmem:$0x30F0] =	vst v0  }
0x4a: {  	p0 =	sne.s32 s7, $0x1;
	_ =	swait.ge [sflag:s16], $0x4000  }
.Ltmp0:
0x4b: {  	[sflag:s16] =	ssyncset.done $0x0;
	(pc) =	sbr.rel @!p0 .LBB2_3-.Ltmp0, $4  }
0x4c: {  	[sflag:s16] =	ssyncadd.s32 $0xFFFFC000  }
0x4d: {  	[spmem:s2] =	stream.indirect.scatter.add.f32 [tilespmem:s15], [sflag:$0x2], $0x80, s17, s13, $0xb8;
	[tilespmem:$0x1AD00] =	vst v63  }
0x4e: {  	_ =	swait.ge [sflag:s18], $0x4000  }
0x4f: {  	s21 =	sadd.s32 $0xFFFFFFFF, s7;
	[sflag:s18] =	ssyncset.done $0x0  }
.LBB2_2:
0x50: {  	p0 =	sne.s32 s21, $0x1;
	[sflag:s18] =	ssyncadd.s32 $0xFFFFC000;
	s20 =	sadd.s32 $0x80, s20  }
0x51: {  	s21 =	sadd.s32 $0xFFFFFFFF, s21;
	v0 =	vld [tilespmem:s20+$0xFFFFFFC0];
	_ =	sdelay $0x4  }
0x52: {  	v0 =	vshrl.u32 v0, $0xE  }
0x53: {  	[tilespmem:$0x3000] =	vst v0  }
0x54: {  	v0 =	vld [tilespmem:s20+$0xFFFFFFD0];
	_ =	sdelay $0x4  }
0x55: {  	v0 =	vshrl.u32 v0, $0xE  }
0x56: {  	[tilespmem:$0x3010] =	vst v0  }
0x57: {  	v0 =	vld [tilespmem:s20+$0xFFFFFFE0];
	_ =	sdelay $0x4  }
0x58: {  	v0 =	vshrl.u32 v0, $0xE  }
0x59: {  	[tilespmem:$0x3020] =	vst v0  }
0x5a: {  	v0 =	vld [tilespmem:s20+$0xFFFFFFF0];
	_ =	sdelay $0x4  }
0x5b: {  	v0 =	vshrl.u32 v0, $0xE  }
0x5c: {  	[tilespmem:$0x3030] =	vst v0  }
0x5d: {  	v0 =	vld [tilespmem:s20+$0x0];
	_ =	sdelay $0x4  }
0x5e: {  	v0 =	vshrl.u32 v0, $0xE  }
0x5f: {  	[tilespmem:$0x3040] =	vst v0  }
0x60: {  	v0 =	vld [tilespmem:s20+$0x10];
	_ =	sdelay $0x4  }
0x61: {  	v0 =	vshrl.u32 v0, $0xE  }
0x62: {  	[tilespmem:$0x3050] =	vst v0  }
0x63: {  	v0 =	vld [tilespmem:s20+$0x20];
	_ =	sdelay $0x4  }
0x64: {  	v0 =	vshrl.u32 v0, $0xE  }
0x65: {  	[tilespmem:$0x3060] =	vst v0  }
0x66: {  	v0 =	vld [tilespmem:s20+$0x30];
	_ =	sdelay $0x4  }
0x67: {  	v0 =	vshrl.u32 v0, $0xE  }
0x68: {  	[tilespmem:$0x3070] =	vst v0  }
0x69: {  	[tilespmem:s15], [sflag:$0x1] =	stream.indirect.gather [hbm4b:s4+s13], $0x80, s14, s13, $0xb8;
	[tilespmem:$0x1AD00] =	vst v63  }
0x6a: {  	v0 =	vld [tilespmem:s20+$0xFFFFFFC0];
	_ =	sdelay $0x4  }
0x6b: {  	v0 =	vand.u32 $0x3FFF, v0  }
0x6c: {  	[tilespmem:$0x3080] =	vst v0  }
0x6d: {  	v0 =	vld [tilespmem:s20+$0xFFFFFFD0];
	_ =	sdelay $0x4  }
0x6e: {  	v0 =	vand.u32 $0x3FFF, v0  }
0x6f: {  	[tilespmem:$0x3090] =	vst v0  }
0x70: {  	v0 =	vld [tilespmem:s20+$0xFFFFFFE0];
	_ =	sdelay $0x4  }
0x71: {  	v0 =	vand.u32 $0x3FFF, v0  }
0x72: {  	[tilespmem:$0x30A0] =	vst v0  }
0x73: {  	v0 =	vld [tilespmem:s20+$0xFFFFFFF0];
	_ =	sdelay $0x4  }
0x74: {  	v0 =	vand.u32 $0x3FFF, v0  }
0x75: {  	[tilespmem:$0x30B0] =	vst v0  }
0x76: {  	v0 =	vld [tilespmem:s20+$0x0];
	_ =	sdelay $0x4  }
0x77: {  	v0 =	vand.u32 $0x3FFF, v0  }
0x78: {  	[tilespmem:$0x30C0] =	vst v0  }
0x79: {  	v0 =	vld [tilespmem:s20+$0x10];
	_ =	sdelay $0x4  }
0x7a: {  	v0 =	vand.u32 $0x3FFF, v0  }
0x7b: {  	[tilespmem:$0x30D0] =	vst v0  }
0x7c: {  	v0 =	vld [tilespmem:s20+$0x20];
	_ =	sdelay $0x4  }
0x7d: {  	v0 =	vand.u32 $0x3FFF, v0  }
0x7e: {  	[tilespmem:$0x30E0] =	vst v0  }
0x7f: {  	v0 =	vld [tilespmem:s20+$0x30];
	_ =	sdelay $0x4  }
0x80: {  	v0 =	vand.u32 $0x3FFF, v0  }
0x81: {  	[tilespmem:$0x30F0] =	vst v0  }
0x82: {  	_ =	swait.ge [sflag:s16], $0x4000  }
.Ltmp1:
0x83: {  	[sflag:s16] =	ssyncset.done $0x0;
	(pc) =	sbr.rel @p0 .LBB2_2-.Ltmp1, $4  }
0x84: {  	[sflag:s16] =	ssyncadd.s32 $0xFFFFC000  }
0x85: {  	[spmem:s2] =	stream.indirect.scatter.add.f32 [tilespmem:s15], [sflag:$0x2], $0x80, s17, s13, $0xb8;
	[tilespmem:$0x1AD00] =	vst v63  }
0x86: {  	_ =	swait.ge [sflag:s18], $0x4000  }
0x87: {  	[sflag:s18] =	ssyncset.done $0x0  }
.LBB2_3:
0x88: {  	s19 =	sadd.s32 $0x1, s19  }
0x89: {  	[sflag:s18] =	ssyncadd.s32 $0xFFFFC000;
	p0 =	sne.s32 s19, s9  }
.Ltmp2:
0x8a: {  	[bflag:$0x0] =	sbarrier.arrive $0xFFFF;
	(pc) =	sbr.rel @p0 .LBB2_1-.Ltmp2, $4  }
0x8b: {  	[hbm:s8], [sflag:s11] =	dma.local [spmem:s12], $0x2780  }
0x8c: {  	_ =	swait.ge [sflag:s10], $0x2780  }
0x8d: {  	[sflag:s10] =	ssyncset.done $0x0  }
0x8e: {  	[sflag:s10] =	ssyncadd.s32 $0xFFFFD880  }
0x8f: {  	_ =	sfence.sel $0x180000  }
0x90: {  	[bflag:$0x0] =	sbarrier.arrive $0xFFFF  }
0x91: {  	p0 =	sne.s32 s0, $0x0;
	_ =	strace $0x9000004D  }
0x92: {  	s0 =	sadd.s32 @!p0 $0x100000, s1;
	[bflag:$0x2] =	sbarrier.arrive $0xFFFF  }
0x93: {  	[sflag:s0] =	ssyncadd.tile.s32 @!p0 $0x1;
	_ =	shalt  }
.Lfunc_end2:
_tile_overlayer_lowered:
.L_overlay_start_2:
0x94: {  	(tag) =	ssettag $0x2  }
0x95: {  	s0 =	rddreg [dreg:$0x0];
	s2 =	stileid.u32  }
0x96: {  	s1 =	rddreg [dreg:$0x1];
	p0 =	sne.s32 s2, $0x0  }
0x97: {  	s3 =	rddreg [dreg:$0x2];
	[bflag:$0x3] =	sbarrier.arrive $0xFFFF;
	s2 =	simm.s32 @!p0 $0x1C03  }
0x98: {  	[timem:s3], [sflag:s2] =	dma.local @!p0 [hbm:s0], s1  }
0x99: {  	s0 =	simm.s32 @!p0 $0x3  }
0x9a: {  	_ =	swait.ge @!p0 [sflag:s0], s1  }
0x9b: {  	s1 =	ssub.s32 @!p0 $0x0, s1;
	[sflag:s0] =	ssyncset.done @!p0 $0x0  }
0x9c: {  	[sflag:s0] =	ssyncadd.s32 @!p0 s1  }
0x9d: {  	[bflag:$0x3] =	sbarrier.arrive $0xFFFF  }
0x9e: {  	_ =	shalt  }

// kernel: kernel.22.cloned.1.call-start
scs
__scs_entry_jumppad:
0x0: {  	(pc) =	sbr.rel $0x88, $3  }
0x1: {  	(tag) =	ssettag $0x0;
	lr =	simm.s32 $0x1  }
0x2: {  	[smem:$0x3F93] =	sst lr;
	_ =	strace $0xD0000000  }
0x3: {  	_ = 	snop  }
0x4: {  	_ = 	snop  }
0x5: {  	_ = 	snop  }
0x6: {  	_ = 	snop  }
0x7: {  	_ = 	snop  }
__scs_overlays_trampoline_lowered:
0x8: {  	[smem:$0x3FA2] =	sst s0  }
0x9: {  	[smem:$0x3FA3] =	sst s1  }
0xa: {  	[smem:$0x3FA4] =	sst s2  }
0xb: {  	[smem:$0x3FA5] =	sst s3  }
0xc: {  	[smem:$0x3FA6] =	sst s4  }
0xd: {  	[smem:$0x3FA7] =	sst s5  }
0xe: {  	[smem:$0x3FA8] =	sst s6  }
0xf: {  	[smem:$0x3FA9] =	sst s7  }
0x10: {  	[smem:$0x3FAA] =	sst s8  }
0x11: {  	[smem:$0x3FAB] =	sst s9;
	s0 =	simm.s32 @!p0 $0x0  }
0x12: {  	s1 =	sld [smem:$0x3F91];
	s0 =	simm.s32 @p0 $0x1  }
0x13: {  	[smem:$0x3FAC] =	sst s0;
	s0 =	simm.s32 @!p1 $0x0  }
0x14: {  	s2 =	sld [smem:$0x3F90];
	s0 =	simm.s32 @p1 $0x1  }
0x15: {  	[smem:$0x3FAD] =	sst s0;
	s0 =	simm.s32 @!p2 $0x0  }
0x16: {  	s3 =	sld [smem:$0x3FDB];
	s0 =	simm.s32 @p2 $0x1  }
0x17: {  	s4 =	simm.s32 $0x1BF5;
	[smem:$0x3FAF] =	sst s0  }
0x18: {  	s0 =	sld [smem:$0x3F92];
	_ =	swait.ge [sflag:s4], $0x0  }
0x19: {  	s7 =	sld [smem:$0x3F93]  }
0x1a: {  	s8 =	sadd.s32 $0xFFFFE003, lr  }
0x1b: {  	s9 =	sadd.s32 $0xFFFFFEF7, lr;
	s5 =	simm.s32 $0xFFFFFFFF;
	p2 =	slt.u32 s8, $0xFFFFF086  }
0x1c: {  	p1 =	slt.u32 s9, $0xF7A;
	s5 =	simm.s32 @!p2 $0x0  }
0x1d: {  	s5 =	simm.s32 @p1 $0x1;
	p0 =	seq.s32 s7, s2  }
0x1e: {  	s7 =	smul.u32 @!p0 $0xF7A, s2;
	p2 =	seq.s32 @!p0 s5, $0x0  }
0x1f: {  	s9 =	smul.u32 $0xF7A, s1;
	s8 =	simm.s32 @!p0 $0x1BF5;
	p2 =	por !p2, p0  }
0x20: {  	[sflag:s8] =	ssyncset.s32 @!p0 $0xFFFFF086;
	s6 =	sadd.s32 @!p0 s3, s7;
	s7 =	simm.s32 @!p0 $0x108  }
0x21: {  	s3 =	sadd.s32 s3, s9;
	s6 =	sadd.s32 @!p0 $0x88, s6;
	s7 =	simm.s32 @p2 $0x1082  }
0x22: {  	[simem:s7], [sflag:s8] =	dma.local @!p0 [hbm:s6], $0xF7A  }
0x23: {  	s9 =	sor.u32 $0xD0000000, s2;
	s6 =	simm.s32 $0x108;
	_ =	swait.ge @!p0 [sflag:s8], $0x0  }
0x24: {  	s3 =	sadd.s32 $0x88, s3;
	s6 =	simm.s32 @!p1 $0x1082;
	[sflag:s4] =	ssyncset.s32 $0xFFFFF086  }
0x25: {  	[simem:s6], [sflag:s4] =	dma.local [hbm:s3], $0xF7A  }
0x26: {  	[smem:$0x3F93] =	sst s1;
	(tag) =	ssettag s2;
	_ =	strace s9  }
0x27: {  	s1 =	sld [smem:$0x3FA3]  }
0x28: {  	s2 =	sld [smem:$0x3FA4]  }
0x29: {  	s4 =	sld [smem:$0x3FA6]  }
0x2a: {  	p0 =	seq.s32 s5, $0x0;
	s5 =	sld [smem:$0x3FA7]  }
0x2b: {  	s6 =	sld [smem:$0x3FA8]  }
0x2c: {  	s7 =	sld [smem:$0x3FA9]  }
0x2d: {  	s3 =	simm.s32 $0x108;
	s8 =	sld [smem:$0x3FAA]  }
0x2e: {  	s3 =	simm.s32 @!p0 $0x1082;
	s9 =	sld [smem:$0x3FAB]  }
0x2f: {  	lr =	sadd.s32 s0, s3;
	s0 =	sld [smem:$0x3FA2]  }
0x30: {  	s3 =	sld [smem:$0x3FA5]  }
0x31: {  	[smem:$0x3FAE] =	sst s10  }
0x32: {  	s10 =	sld [smem:$0x3FAC];
	_ =	sdelay $0x3  }
0x33: {  	p0 =	seq.s32 s10, $0x1;
	s10 =	sld [smem:$0x3FAE];
	_ =	sdelay $0x3  }
0x34: {  	[smem:$0x3FAE] =	sst s10  }
0x35: {  	s10 =	sld [smem:$0x3FAD];
	_ =	sdelay $0x3  }
0x36: {  	p1 =	seq.s32 s10, $0x1;
	s10 =	sld [smem:$0x3FAE];
	_ =	sdelay $0x3  }
0x37: {  	[smem:$0x3FAE] =	sst s10  }
0x38: {  	s10 =	sld [smem:$0x3FAF]  }
0x39: {  	_ = 	snop;
	(pc) =	sbr.ind lr, $3  }
0x3a: {  	_ = 	snop  }
0x3b: {  	_ = 	snop  }
0x3c: {  	p2 =	seq.s32 s10, $0x1;
	s10 =	sld [smem:$0x3FAE]  }
0x3d: {  	_ =	shalt  }
0x3e: {  	_ =	shalt  }
0x3f: {  	_ =	shalt  }
0x40: {  	_ =	shalt  }
0x41: {  	_ =	shalt  }
0x42: {  	_ =	shalt  }
0x43: {  	_ =	shalt  }
0x44: {  	_ =	shalt  }
0x45: {  	_ =	shalt  }
0x46: {  	_ =	shalt  }
0x47: {  	_ =	shalt  }
0x48: {  	_ =	shalt  }
0x49: {  	_ =	shalt  }
0x4a: {  	_ =	shalt  }
0x4b: {  	_ =	shalt  }
0x4c: {  	_ =	shalt  }
0x4d: {  	_ =	shalt  }
0x4e: {  	_ =	shalt  }
0x4f: {  	_ =	shalt  }
0x50: {  	_ =	shalt  }
0x51: {  	_ =	shalt  }
0x52: {  	_ =	shalt  }
0x53: {  	_ =	shalt  }
0x54: {  	_ =	shalt  }
0x55: {  	_ =	shalt  }
0x56: {  	_ =	shalt  }
0x57: {  	_ =	shalt  }
0x58: {  	_ =	shalt  }
0x59: {  	_ =	shalt  }
0x5a: {  	_ =	shalt  }
0x5b: {  	_ =	shalt  }
0x5c: {  	_ =	shalt  }
0x5d: {  	_ =	shalt  }
0x5e: {  	_ =	shalt  }
0x5f: {  	_ =	shalt  }
0x60: {  	_ =	shalt  }
0x61: {  	_ =	shalt  }
0x62: {  	_ =	shalt  }
0x63: {  	_ =	shalt  }
0x64: {  	_ =	shalt  }
0x65: {  	_ =	shalt  }
0x66: {  	_ =	shalt  }
0x67: {  	_ =	shalt  }
0x68: {  	_ =	shalt  }
0x69: {  	_ =	shalt  }
0x6a: {  	_ =	shalt  }
0x6b: {  	_ =	shalt  }
0x6c: {  	_ =	shalt  }
0x6d: {  	_ =	shalt  }
0x6e: {  	_ =	shalt  }
0x6f: {  	_ =	shalt  }
0x70: {  	_ =	shalt  }
0x71: {  	_ =	shalt  }
0x72: {  	_ =	shalt  }
0x73: {  	_ =	shalt  }
0x74: {  	_ =	shalt  }
0x75: {  	_ =	shalt  }
0x76: {  	_ =	shalt  }
0x77: {  	_ =	shalt  }
0x78: {  	_ =	shalt  }
0x79: {  	_ =	shalt  }
0x7a: {  	_ =	shalt  }
0x7b: {  	_ =	shalt  }
0x7c: {  	_ =	shalt  }
0x7d: {  	_ =	shalt  }
0x7e: {  	_ =	shalt  }
0x7f: {  	_ =	shalt  }
0x80: {  	_ =	shalt  }
0x81: {  	_ =	shalt  }
0x82: {  	_ =	shalt  }
0x83: {  	_ =	shalt  }
0x84: {  	_ =	shalt  }
0x85: {  	_ =	shalt  }
0x86: {  	_ =	shalt  }
0x87: {  	_ =	shalt  }
.Lfunc_end0:
.L_simem_size_0:
called_computation.3_lowered:
.L_overlay_start_0:
0x88: {  	s2 =	sld [smem:$0x3FD9]  }
0x89: {  	s3 =	sld [smem:$0x3FFE];
	_ =	sdelay $0x1  }
0x8a: {  	s1 =	srdreg.scid  }
0x8b: {  	s0 =	sand.u32 $0x1, s1  }
0x8c: {  	s16 =	sshll.u32 s0, $0xA;
	s2 =	sadd.s32 s3, s2  }
0x8d: {  	s2 =	sadd.s32 s2, s16  }
0x8e: {  	[smem:$0x3FBA] =	sst s2  }
0x8f: {  	_ = 	snop  }
0x90: {  	(tm) =	ssettm $0x1  }
0x91: {  	s17 =	sld [smem:$0x3FFB];
	_ =	sdelay $0x3  }
0x92: {  	_ =	strace s17  }
0x93: {  	s2 =	sld [smem:$0x3FFC];
	_ =	sdelay $0x3  }
0x94: {  	_ =	strace s2  }
0x95: {  	s2 =	sld [smem:$0x3FFD];
	_ =	sdelay $0x3  }
0x96: {  	_ =	strace s2  }
0x97: {  	_ =	strace $0x8FFFFFFF  }
0x98: {  	s18 =	sld [smem:$0x3FDB];
	_ =	sdelay $0x1  }
0x99: {  	s19 =	simm.s32 $_scs_section_size  }
0x9a: {  	s4 =	simm.s32 $_size__tile_overlayer_lowered;
	s5 =	simm.s32 $_tile_overlayer_lowered  }
0x9b: {  	s22 =	simm.s32 $0x1BFF;
	s21 =	sshll.u32 s5, $0x1;
	s2 =	sadd.s32 s19, s18  }
0x9c: {  	s6 =	simm.s32 $0x0;
	s20 =	sshll.u32 s4, $0x1;
	s4 =	sadd.s32 s21, s2  }
0x9d: {  	[timem:s6], [sflag:s22] =	dma.local [hbm:s4], s20  }
0x9e: {  	_ =	swait.ge [sflag:s22], s20  }
0x9f: {  	s3 =	ssub.s32 $0x0, s20;
	[sflag:s22] =	ssyncset.done $0x0  }
0xa0: {  	[sflag:s22] =	ssyncadd.s32 s3;
	_ =	sdelay $0x1  }
0xa1: {  	s23 =	simm.s32 $0x1B8B  }
0xa2: {  	_ =	swait.ge [sflag:s23], $0x1  }
0xa3: {  	[sflag:s23] =	ssyncset.done $0x0  }
0xa4: {  	s25 =	simm.s32 $0x1B8E;
	s24 =	sld [smem:$0x3FFE];
	[sflag:s23] =	ssyncadd.s32 $0xFFFFFFFF  }
0xa5: {  	s26 =	simm.s32 $execute0_lowered;
	[smem:$0x3FD2] =	sst s25  }
0xa6: {  	s4 =	sshll.u32 s26, $0x1;
	_ =	strace $0x8000004F;
	[dreg:$0x1] =	wrdreg $0xFFFFFFFF  }
0xa7: {  	s28 =	simm.s32 $_size_execute0_lowered;
	s2 =	sadd.s32 s2, s4;
	[dreg:$0x0] =	wrdreg $0x0  }
0xa8: {  	s4 =	sshll.u32 s28, $0x1;
	[dreg:$0x2] =	wrdreg s2  }
0xa9: {  	[dreg:$0x3] =	wrdreg s4  }
0xaa: {  	[dreg:$0x4] =	wrdreg $0xC0  }
0xab: {  	_ =	task [dreg:s6], $0x5FFFF  }
0xac: {  	[dreg:$0x1] =	wrdreg $0xFFFFFFFF  }
0xad: {  	[dreg:$0x0] =	wrdreg $0x60  }
0xae: {  	[dreg:$0x2] =	wrdreg s24  }
0xaf: {  	[dreg:$0x3] =	wrdreg $0x71000  }
0xb0: {  	[dreg:$0x4] =	wrdreg $0x9  }
0xb1: {  	_ =	task.clear_ibuf [dreg:s6], $0x5FFFF;
	_ =	strace $0x9000004F  }
0xb2: {  	s29 =	simm.s32 $0x9;
	_ =	strace $0x80000051  }
0xb3: {  	_ =	swait.ge [sflag:s29], $0x1  }
0xb4: {  	[sflag:s29] =	ssyncadd.s32 $0xFFFFFFFF  }
0xb5: {  	_ =	strace $0x90000051  }
0xb6: {  	_ =	sfence  }
0xb7: {  	s30 =	sld [smem:$0x0];
	_ =	sdelay $0x2  }
0xb8: {  	s31 =	sshll.u32 s1, $0xD;
	s1 =	sshrl.u32 s1, $0x2  }
0xb9: {  	s3 =	sand.u32 $0x4000, s31;
	s1 =	sadd.s32 s1, s30  }
0xba: {  	s0 =	sor.u32 s3, s0;
	s1 =	sshll.u32 s1, $0x11  }
0xbb: {  	s0 =	sor.u32 s1, s0  }
0xbc: {  	s0 =	sadd.s32 $0x8F2B, s0  }
0xbd: {  	[sflag:s0] =	ssyncadd.remote.s32 $0x1  }
0xbe: {  	_ =	sfence.sel $0xFFFF  }
0xbf: {  	[dreg:$0x0] =	wrdreg $0xFFFFFFFF;
	(pc) =	sbr.abs _section_cstart, $3  }
0xc0: {  	[dreg:$0x1] =	wrdreg $0xFFFFFFFF  }
0xc1: {  	_ =	task.clear_ibuf [dreg:s6], $0x2FFFF;
	_ =	strace $0x9FFFFFFF  }
0xc2: {  	(tm) =	ssettm $0x7FFFFFFF  }
0xc3: {  	_ =	shalt  }
tec
execute0_lowered:
.L_overlay_start_1:
0x0: {  	(tag) =	ssettag $0x1  }
0x1: {  	s6 =	rddreg [dreg:$0x0]  }
0x2: {  	s0 =	srdreg.scid;
	s2 =	rddreg [dreg:$0x1];
	s3 =	simm.s32 $0x0  }
0x3: {  	s13 =	simm.s32 $0x80;
	s14 =	simm.s32 $0x3000;
	s15 =	simm.s32 $0x3100  }
0x4: {  	s16 =	simm.s32 $0x1;
	s17 =	simm.s32 $0x3080;
	s18 =	simm.s32 $0x2  }
0x5: {  	s19 =	simm.s32 $0x0;
	s7 =	sand.u32 $0x1, s0;
	s0 =	stileid.u32  }
0x6: {  	[smem:$0x7FF] =	sst s3;
	s4 =	sadd.s32 $0x38C00, s6;
	s8 =	smul.u32 $0x13C000, s7  }
0x7: {  	s1 =	sshll.u32 s7, $0x4;
	s9 =	smul.u32 $0x13C00, s0;
	s29 =	ssub.s32 $0x2, s7  }
0x8: {  	s12 =	smul.u32 $0x4F000, s0;
	p0 =	seq.s32 s7, $0x0;
	s7 =	simm.s32 $0x5E  }
0x9: {  	s31 =	sshll.u32 s0, $0x6;
	s1 =	sor.u32 s0, s1;
	s11 =	sshrl.u32 s29, $0x1  }
0xa: {  	s7 =	simm.s32 @!p0 $0x3F;
	s5 =	smul.u32 $0x600, s1;
	s1 =	rddreg [dreg:$0x2]  }
0xb: {  	_ =	strace $0x80000050;
	s8 =	sadd.s32 s9, s8;
	s9 =	ssub.s32 s29, s11  }
0xc: {  	s30 =	sshrl.u32 s12, $0x2;
	s11 =	sor.u32 $0x1C03, s31;
	s8 =	sshrl.u32 s8, $0x3  }
0xd: {  	s12 =	sadd.s32 s30, s2;
	s9 =	smax.u32 s9, $0x1;
	s10 =	sadd.s32 s5, s6  }
0xe: {  	s5 =	sadd.s32 $0x3400, s6;
	s8 =	sadd.s32 s8, s6;
	s12 =	sshrl.u32 s12, $0x3  }
0xf: {  	s6 =	sadd.s32 $0x2C400, s10;
	s8 =	sadd.s32 $0x14A400, s8;
	s10 =	simm.s32 $0x3  }
.LBB2_1:
0x10: {  	[tilespmem:s3], [sflag:$0x3] =	stream.linear.gather [hbm4b:s6+s3], $0x2F00, $0x38;
	[tilespmem:$0x1AD00] =	vst v63  }
0x11: {  	_ =	swait.ge [sflag:s10], $0x2F00  }
0x12: {  	[sflag:s10] =	ssyncset.done $0x0  }
0x13: {  	[sflag:s10] =	ssyncadd.s32 $0xFFFFD100  }
0x14: {  	[spmem:s12], [sflag:s11] =	dma.local [hbm:s5], $0x2780  }
0x15: {  	_ =	swait.ge [sflag:s10], $0x2780  }
0x16: {  	[sflag:s10] =	ssyncset.done $0x0  }
0x17: {  	[sflag:s10] =	ssyncadd.s32 $0xFFFFD880  }
0x18: {  	s20 =	simm.s32 $0x40;
	[bflag:$0x0] =	sbarrier.arrive $0xFFFF  }
0x19: {  	v0 =	vld [tilespmem:s20+$0xFFFFFFC0];
	_ =	sdelay $0x4  }
0x1a: {  	v0 =	vshrl.u32 v0, $0xE  }
0x1b: {  	[tilespmem:$0x3000] =	vst v0  }
0x1c: {  	v0 =	vld [tilespmem:s20+$0xFFFFFFD0];
	_ =	sdelay $0x4  }
0x1d: {  	v0 =	vshrl.u32 v0, $0xE  }
0x1e: {  	[tilespmem:$0x3010] =	vst v0  }
0x1f: {  	v0 =	vld [tilespmem:s20+$0xFFFFFFE0];
	_ =	sdelay $0x4  }
0x20: {  	v0 =	vshrl.u32 v0, $0xE  }
0x21: {  	[tilespmem:$0x3020] =	vst v0  }
0x22: {  	v0 =	vld [tilespmem:s20+$0xFFFFFFF0];
	_ =	sdelay $0x4  }
0x23: {  	v0 =	vshrl.u32 v0, $0xE  }
0x24: {  	[tilespmem:$0x3030] =	vst v0  }
0x25: {  	v0 =	vld [tilespmem:s20+$0x0];
	_ =	sdelay $0x4  }
0x26: {  	v0 =	vshrl.u32 v0, $0xE  }
0x27: {  	[tilespmem:$0x3040] =	vst v0  }
0x28: {  	v0 =	vld [tilespmem:s20+$0x10];
	_ =	sdelay $0x4  }
0x29: {  	v0 =	vshrl.u32 v0, $0xE  }
0x2a: {  	[tilespmem:$0x3050] =	vst v0  }
0x2b: {  	v0 =	vld [tilespmem:s20+$0x20];
	_ =	sdelay $0x4  }
0x2c: {  	v0 =	vshrl.u32 v0, $0xE  }
0x2d: {  	[tilespmem:$0x3060] =	vst v0  }
0x2e: {  	v0 =	vld [tilespmem:s20+$0x30];
	_ =	sdelay $0x4  }
0x2f: {  	v0 =	vshrl.u32 v0, $0xE  }
0x30: {  	[tilespmem:$0x3070] =	vst v0  }
0x31: {  	[tilespmem:s15], [sflag:$0x1] =	stream.indirect.gather [hbm4b:s4+s13], $0x80, s14, s13, $0xb8;
	[tilespmem:$0x1AD00] =	vst v63  }
0x32: {  	v0 =	vld [tilespmem:s20+$0xFFFFFFC0];
	_ =	sdelay $0x4  }
0x33: {  	v0 =	vand.u32 $0x3FFF, v0  }
0x34: {  	[tilespmem:$0x3080] =	vst v0  }
0x35: {  	v0 =	vld [tilespmem:s20+$0xFFFFFFD0];
	_ =	sdelay $0x4  }
0x36: {  	v0 =	vand.u32 $0x3FFF, v0  }
0x37: {  	[tilespmem:$0x3090] =	vst v0  }
0x38: {  	v0 =	vld [tilespmem:s20+$0xFFFFFFE0];
	_ =	sdelay $0x4  }
0x39: {  	v0 =	vand.u32 $0x3FFF, v0  }
0x3a: {  	[tilespmem:$0x30A0] =	vst v0  }
0x3b: {  	v0 =	vld [tilespmem:s20+$0xFFFFFFF0];
	_ =	sdelay $0x4  }
0x3c: {  	v0 =	vand.u32 $0x3FFF, v0  }
0x3d: {  	[tilespmem:$0x30B0] =	vst v0  }
0x3e: {  	v0 =	vld [tilespmem:s20+$0x0];
	_ =	sdelay $0x4  }
0x3f: {  	v0 =	vand.u32 $0x3FFF, v0  }
0x40: {  	[tilespmem:$0x30C0] =	vst v0  }
0x41: {  	v0 =	vld [tilespmem:s20+$0x10];
	_ =	sdelay $0x4  }
0x42: {  	v0 =	vand.u32 $0x3FFF, v0  }
0x43: {  	[tilespmem:$0x30D0] =	vst v0  }
0x44: {  	v0 =	vld [tilespmem:s20+$0x20];
	_ =	sdelay $0x4  }
0x45: {  	v0 =	vand.u32 $0x3FFF, v0  }
0x46: {  	[tilespmem:$0x30E0] =	vst v0  }
0x47: {  	v0 =	vld [tilespmem:s20+$0x30];
	_ =	sdelay $0x4  }
0x48: {  	v0 =	vand.u32 $0x3FFF, v0  }
0x49: {  	[tilespmem:$0x30F0] =	vst v0  }
0x4a: {  	p0 =	sne.s32 s7, $0x1;
	_ =	swait.ge [sflag:s16], $0x4000  }
.Ltmp0:
0x4b: {  	[sflag:s16] =	ssyncset.done $0x0;
	(pc) =	sbr.rel @!p0 .LBB2_3-.Ltmp0, $4  }
0x4c: {  	[sflag:s16] =	ssyncadd.s32 $0xFFFFC000  }
0x4d: {  	[spmem:s2] =	stream.indirect.scatter.add.f32 [tilespmem:s15], [sflag:$0x2], $0x80, s17, s13, $0xb8;
	[tilespmem:$0x1AD00] =	vst v63  }
0x4e: {  	_ =	swait.ge [sflag:s18], $0x4000  }
0x4f: {  	s21 =	sadd.s32 $0xFFFFFFFF, s7;
	[sflag:s18] =	ssyncset.done $0x0  }
.LBB2_2:
0x50: {  	p0 =	sne.s32 s21, $0x1;
	[sflag:s18] =	ssyncadd.s32 $0xFFFFC000;
	s20 =	sadd.s32 $0x80, s20  }
0x51: {  	s21 =	sadd.s32 $0xFFFFFFFF, s21;
	v0 =	vld [tilespmem:s20+$0xFFFFFFC0];
	_ =	sdelay $0x4  }
0x52: {  	v0 =	vshrl.u32 v0, $0xE  }
0x53: {  	[tilespmem:$0x3000] =	vst v0  }
0x54: {  	v0 =	vld [tilespmem:s20+$0xFFFFFFD0];
	_ =	sdelay $0x4  }
0x55: {  	v0 =	vshrl.u32 v0, $0xE  }
0x56: {  	[tilespmem:$0x3010] =	vst v0  }
0x57: {  	v0 =	vld [tilespmem:s20+$0xFFFFFFE0];
	_ =	sdelay $0x4  }
0x58: {  	v0 =	vshrl.u32 v0, $0xE  }
0x59: {  	[tilespmem:$0x3020] =	vst v0  }
0x5a: {  	v0 =	vld [tilespmem:s20+$0xFFFFFFF0];
	_ =	sdelay $0x4  }
0x5b: {  	v0 =	vshrl.u32 v0, $0xE  }
0x5c: {  	[tilespmem:$0x3030] =	vst v0  }
0x5d: {  	v0 =	vld [tilespmem:s20+$0x0];
	_ =	sdelay $0x4  }
0x5e: {  	v0 =	vshrl.u32 v0, $0xE  }
0x5f: {  	[tilespmem:$0x3040] =	vst v0  }
0x60: {  	v0 =	vld [tilespmem:s20+$0x10];
	_ =	sdelay $0x4  }
0x61: {  	v0 =	vshrl.u32 v0, $0xE  }
0x62: {  	[tilespmem:$0x3050] =	vst v0  }
0x63: {  	v0 =	vld [tilespmem:s20+$0x20];
	_ =	sdelay $0x4  }
0x64: {  	v0 =	vshrl.u32 v0, $0xE  }
0x65: {  	[tilespmem:$0x3060] =	vst v0  }
0x66: {  	v0 =	vld [tilespmem:s20+$0x30];
	_ =	sdelay $0x4  }
0x67: {  	v0 =	vshrl.u32 v0, $0xE  }
0x68: {  	[tilespmem:$0x3070] =	vst v0  }
0x69: {  	[tilespmem:s15], [sflag:$0x1] =	stream.indirect.gather [hbm4b:s4+s13], $0x80, s14, s13, $0xb8;
	[tilespmem:$0x1AD00] =	vst v63  }
0x6a: {  	v0 =	vld [tilespmem:s20+$0xFFFFFFC0];
	_ =	sdelay $0x4  }
0x6b: {  	v0 =	vand.u32 $0x3FFF, v0  }
0x6c: {  	[tilespmem:$0x3080] =	vst v0  }
0x6d: {  	v0 =	vld [tilespmem:s20+$0xFFFFFFD0];
	_ =	sdelay $0x4  }
0x6e: {  	v0 =	vand.u32 $0x3FFF, v0  }
0x6f: {  	[tilespmem:$0x3090] =	vst v0  }
0x70: {  	v0 =	vld [tilespmem:s20+$0xFFFFFFE0];
	_ =	sdelay $0x4  }
0x71: {  	v0 =	vand.u32 $0x3FFF, v0  }
0x72: {  	[tilespmem:$0x30A0] =	vst v0  }
0x73: {  	v0 =	vld [tilespmem:s20+$0xFFFFFFF0];
	_ =	sdelay $0x4  }
0x74: {  	v0 =	vand.u32 $0x3FFF, v0  }
0x75: {  	[tilespmem:$0x30B0] =	vst v0  }
0x76: {  	v0 =	vld [tilespmem:s20+$0x0];
	_ =	sdelay $0x4  }
0x77: {  	v0 =	vand.u32 $0x3FFF, v0  }
0x78: {  	[tilespmem:$0x30C0] =	vst v0  }
0x79: {  	v0 =	vld [tilespmem:s20+$0x10];
	_ =	sdelay $0x4  }
0x7a: {  	v0 =	vand.u32 $0x3FFF, v0  }
0x7b: {  	[tilespmem:$0x30D0] =	vst v0  }
0x7c: {  	v0 =	vld [tilespmem:s20+$0x20];
	_ =	sdelay $0x4  }
0x7d: {  	v0 =	vand.u32 $0x3FFF, v0  }
0x7e: {  	[tilespmem:$0x30E0] =	vst v0  }
0x7f: {  	v0 =	vld [tilespmem:s20+$0x30];
	_ =	sdelay $0x4  }
0x80: {  	v0 =	vand.u32 $0x3FFF, v0  }
0x81: {  	[tilespmem:$0x30F0] =	vst v0  }
0x82: {  	_ =	swait.ge [sflag:s16], $0x4000  }
.Ltmp1:
0x83: {  	[sflag:s16] =	ssyncset.done $0x0;
	(pc) =	sbr.rel @p0 .LBB2_2-.Ltmp1, $4  }
0x84: {  	[sflag:s16] =	ssyncadd.s32 $0xFFFFC000  }
0x85: {  	[spmem:s2] =	stream.indirect.scatter.add.f32 [tilespmem:s15], [sflag:$0x2], $0x80, s17, s13, $0xb8;
	[tilespmem:$0x1AD00] =	vst v63  }
0x86: {  	_ =	swait.ge [sflag:s18], $0x4000  }
0x87: {  	[sflag:s18] =	ssyncset.done $0x0  }
.LBB2_3:
0x88: {  	s19 =	sadd.s32 $0x1, s19  }
0x89: {  	[sflag:s18] =	ssyncadd.s32 $0xFFFFC000;
	p0 =	sne.s32 s19, s9  }
.Ltmp2:
0x8a: {  	[bflag:$0x0] =	sbarrier.arrive $0xFFFF;
	(pc) =	sbr.rel @p0 .LBB2_1-.Ltmp2, $4  }
0x8b: {  	[hbm:s8], [sflag:s11] =	dma.local [spmem:s12], $0x2780  }
0x8c: {  	_ =	swait.ge [sflag:s10], $0x2780  }
0x8d: {  	[sflag:s10] =	ssyncset.done $0x0  }
0x8e: {  	[sflag:s10] =	ssyncadd.s32 $0xFFFFD880  }
0x8f: {  	_ =	sfence.sel $0x180000  }
0x90: {  	[bflag:$0x0] =	sbarrier.arrive $0xFFFF  }
0x91: {  	p0 =	sne.s32 s0, $0x0;
	_ =	strace $0x90000050  }
0x92: {  	s0 =	sadd.s32 @!p0 $0x100000, s1;
	[bflag:$0x2] =	sbarrier.arrive $0xFFFF  }
0x93: {  	[sflag:s0] =	ssyncadd.tile.s32 @!p0 $0x1;
	_ =	shalt  }
.Lfunc_end2:
_tile_overlayer_lowered:
.L_overlay_start_2:
0x94: {  	(tag) =	ssettag $0x2  }
0x95: {  	s0 =	rddreg [dreg:$0x0];
	s2 =	stileid.u32  }
0x96: {  	s1 =	rddreg [dreg:$0x1];
	p0 =	sne.s32 s2, $0x0  }
0x97: {  	s3 =	rddreg [dreg:$0x2];
	[bflag:$0x3] =	sbarrier.arrive $0xFFFF;
	s2 =	simm.s32 @!p0 $0x1C03  }
0x98: {  	[timem:s3], [sflag:s2] =	dma.local @!p0 [hbm:s0], s1  }
0x99: {  	s0 =	simm.s32 @!p0 $0x3  }
0x9a: {  	_ =	swait.ge @!p0 [sflag:s0], s1  }
0x9b: {  	s1 =	ssub.s32 @!p0 $0x0, s1;
	[sflag:s0] =	ssyncset.done @!p0 $0x0  }
0x9c: {  	[sflag:s0] =	ssyncadd.s32 @!p0 s1  }
0x9d: {  	[bflag:$0x3] =	sbarrier.arrive $0xFFFF  }
0x9e: {  	_ =	shalt  }

// kernel: kernel.25.cloned.1.call-start
scs
__scs_entry_jumppad:
0x0: {  	(pc) =	sbr.rel $0x88, $3  }
0x1: {  	(tag) =	ssettag $0x0;
	lr =	simm.s32 $0x1  }
0x2: {  	[smem:$0x3F93] =	sst lr;
	_ =	strace $0xD0000000  }
0x3: {  	_ = 	snop  }
0x4: {  	_ = 	snop  }
0x5: {  	_ = 	snop  }
0x6: {  	_ = 	snop  }
0x7: {  	_ = 	snop  }
__scs_overlays_trampoline_lowered:
0x8: {  	[smem:$0x3FA2] =	sst s0  }
0x9: {  	[smem:$0x3FA3] =	sst s1  }
0xa: {  	[smem:$0x3FA4] =	sst s2  }
0xb: {  	[smem:$0x3FA5] =	sst s3  }
0xc: {  	[smem:$0x3FA6] =	sst s4  }
0xd: {  	[smem:$0x3FA7] =	sst s5  }
0xe: {  	[smem:$0x3FA8] =	sst s6  }
0xf: {  	[smem:$0x3FA9] =	sst s7  }
0x10: {  	[smem:$0x3FAA] =	sst s8  }
0x11: {  	[smem:$0x3FAB] =	sst s9;
	s0 =	simm.s32 @!p0 $0x0  }
0x12: {  	s1 =	sld [smem:$0x3F91];
	s0 =	simm.s32 @p0 $0x1  }
0x13: {  	[smem:$0x3FAC] =	sst s0;
	s0 =	simm.s32 @!p1 $0x0  }
0x14: {  	s2 =	sld [smem:$0x3F90];
	s0 =	simm.s32 @p1 $0x1  }
0x15: {  	[smem:$0x3FAD] =	sst s0;
	s0 =	simm.s32 @!p2 $0x0  }
0x16: {  	s3 =	sld [smem:$0x3FDB];
	s0 =	simm.s32 @p2 $0x1  }
0x17: {  	s4 =	simm.s32 $0x1BF5;
	[smem:$0x3FAF] =	sst s0  }
0x18: {  	s0 =	sld [smem:$0x3F92];
	_ =	swait.ge [sflag:s4], $0x0  }
0x19: {  	s7 =	sld [smem:$0x3F93]  }
0x1a: {  	s8 =	sadd.s32 $0xFFFFE003, lr  }
0x1b: {  	s9 =	sadd.s32 $0xFFFFFEF7, lr;
	s5 =	simm.s32 $0xFFFFFFFF;
	p2 =	slt.u32 s8, $0xFFFFF086  }
0x1c: {  	p1 =	slt.u32 s9, $0xF7A;
	s5 =	simm.s32 @!p2 $0x0  }
0x1d: {  	s5 =	simm.s32 @p1 $0x1;
	p0 =	seq.s32 s7, s2  }
0x1e: {  	s7 =	smul.u32 @!p0 $0xF7A, s2;
	p2 =	seq.s32 @!p0 s5, $0x0  }
0x1f: {  	s9 =	smul.u32 $0xF7A, s1;
	s8 =	simm.s32 @!p0 $0x1BF5;
	p2 =	por !p2, p0  }
0x20: {  	[sflag:s8] =	ssyncset.s32 @!p0 $0xFFFFF086;
	s6 =	sadd.s32 @!p0 s3, s7;
	s7 =	simm.s32 @!p0 $0x108  }
0x21: {  	s3 =	sadd.s32 s3, s9;
	s6 =	sadd.s32 @!p0 $0x88, s6;
	s7 =	simm.s32 @p2 $0x1082  }
0x22: {  	[simem:s7], [sflag:s8] =	dma.local @!p0 [hbm:s6], $0xF7A  }
0x23: {  	s9 =	sor.u32 $0xD0000000, s2;
	s6 =	simm.s32 $0x108;
	_ =	swait.ge @!p0 [sflag:s8], $0x0  }
0x24: {  	s3 =	sadd.s32 $0x88, s3;
	s6 =	simm.s32 @!p1 $0x1082;
	[sflag:s4] =	ssyncset.s32 $0xFFFFF086  }
0x25: {  	[simem:s6], [sflag:s4] =	dma.local [hbm:s3], $0xF7A  }
0x26: {  	[smem:$0x3F93] =	sst s1;
	(tag) =	ssettag s2;
	_ =	strace s9  }
0x27: {  	s1 =	sld [smem:$0x3FA3]  }
0x28: {  	s2 =	sld [smem:$0x3FA4]  }
0x29: {  	s4 =	sld [smem:$0x3FA6]  }
0x2a: {  	p0 =	seq.s32 s5, $0x0;
	s5 =	sld [smem:$0x3FA7]  }
0x2b: {  	s6 =	sld [smem:$0x3FA8]  }
0x2c: {  	s7 =	sld [smem:$0x3FA9]  }
0x2d: {  	s3 =	simm.s32 $0x108;
	s8 =	sld [smem:$0x3FAA]  }
0x2e: {  	s3 =	simm.s32 @!p0 $0x1082;
	s9 =	sld [smem:$0x3FAB]  }
0x2f: {  	lr =	sadd.s32 s0, s3;
	s0 =	sld [smem:$0x3FA2]  }
0x30: {  	s3 =	sld [smem:$0x3FA5]  }
0x31: {  	[smem:$0x3FAE] =	sst s10  }
0x32: {  	s10 =	sld [smem:$0x3FAC];
	_ =	sdelay $0x3  }
0x33: {  	p0 =	seq.s32 s10, $0x1;
	s10 =	sld [smem:$0x3FAE];
	_ =	sdelay $0x3  }
0x34: {  	[smem:$0x3FAE] =	sst s10  }
0x35: {  	s10 =	sld [smem:$0x3FAD];
	_ =	sdelay $0x3  }
0x36: {  	p1 =	seq.s32 s10, $0x1;
	s10 =	sld [smem:$0x3FAE];
	_ =	sdelay $0x3  }
0x37: {  	[smem:$0x3FAE] =	sst s10  }
0x38: {  	s10 =	sld [smem:$0x3FAF]  }
0x39: {  	_ = 	snop;
	(pc) =	sbr.ind lr, $3  }
0x3a: {  	_ = 	snop  }
0x3b: {  	_ = 	snop  }
0x3c: {  	p2 =	seq.s32 s10, $0x1;
	s10 =	sld [smem:$0x3FAE]  }
0x3d: {  	_ =	shalt  }
0x3e: {  	_ =	shalt  }
0x3f: {  	_ =	shalt  }
0x40: {  	_ =	shalt  }
0x41: {  	_ =	shalt  }
0x42: {  	_ =	shalt  }
0x43: {  	_ =	shalt  }
0x44: {  	_ =	shalt  }
0x45: {  	_ =	shalt  }
0x46: {  	_ =	shalt  }
0x47: {  	_ =	shalt  }
0x48: {  	_ =	shalt  }
0x49: {  	_ =	shalt  }
0x4a: {  	_ =	shalt  }
0x4b: {  	_ =	shalt  }
0x4c: {  	_ =	shalt  }
0x4d: {  	_ =	shalt  }
0x4e: {  	_ =	shalt  }
0x4f: {  	_ =	shalt  }
0x50: {  	_ =	shalt  }
0x51: {  	_ =	shalt  }
0x52: {  	_ =	shalt  }
0x53: {  	_ =	shalt  }
0x54: {  	_ =	shalt  }
0x55: {  	_ =	shalt  }
0x56: {  	_ =	shalt  }
0x57: {  	_ =	shalt  }
0x58: {  	_ =	shalt  }
0x59: {  	_ =	shalt  }
0x5a: {  	_ =	shalt  }
0x5b: {  	_ =	shalt  }
0x5c: {  	_ =	shalt  }
0x5d: {  	_ =	shalt  }
0x5e: {  	_ =	shalt  }
0x5f: {  	_ =	shalt  }
0x60: {  	_ =	shalt  }
0x61: {  	_ =	shalt  }
0x62: {  	_ =	shalt  }
0x63: {  	_ =	shalt  }
0x64: {  	_ =	shalt  }
0x65: {  	_ =	shalt  }
0x66: {  	_ =	shalt  }
0x67: {  	_ =	shalt  }
0x68: {  	_ =	shalt  }
0x69: {  	_ =	shalt  }
0x6a: {  	_ =	shalt  }
0x6b: {  	_ =	shalt  }
0x6c: {  	_ =	shalt  }
0x6d: {  	_ =	shalt  }
0x6e: {  	_ =	shalt  }
0x6f: {  	_ =	shalt  }
0x70: {  	_ =	shalt  }
0x71: {  	_ =	shalt  }
0x72: {  	_ =	shalt  }
0x73: {  	_ =	shalt  }
0x74: {  	_ =	shalt  }
0x75: {  	_ =	shalt  }
0x76: {  	_ =	shalt  }
0x77: {  	_ =	shalt  }
0x78: {  	_ =	shalt  }
0x79: {  	_ =	shalt  }
0x7a: {  	_ =	shalt  }
0x7b: {  	_ =	shalt  }
0x7c: {  	_ =	shalt  }
0x7d: {  	_ =	shalt  }
0x7e: {  	_ =	shalt  }
0x7f: {  	_ =	shalt  }
0x80: {  	_ =	shalt  }
0x81: {  	_ =	shalt  }
0x82: {  	_ =	shalt  }
0x83: {  	_ =	shalt  }
0x84: {  	_ =	shalt  }
0x85: {  	_ =	shalt  }
0x86: {  	_ =	shalt  }
0x87: {  	_ =	shalt  }
.Lfunc_end0:
.L_simem_size_0:
called_computation.4_lowered:
.L_overlay_start_0:
0x88: {  	s2 =	sld [smem:$0x3FD9]  }
0x89: {  	s3 =	sld [smem:$0x3FFE];
	_ =	sdelay $0x1  }
0x8a: {  	s1 =	srdreg.scid  }
0x8b: {  	s0 =	sand.u32 $0x1, s1  }
0x8c: {  	s16 =	sshll.u32 s0, $0xA;
	s2 =	sadd.s32 s3, s2  }
0x8d: {  	s2 =	sadd.s32 s2, s16  }
0x8e: {  	[smem:$0x3FBA] =	sst s2  }
0x8f: {  	_ = 	snop  }
0x90: {  	(tm) =	ssettm $0x1  }
0x91: {  	s17 =	sld [smem:$0x3FFB];
	_ =	sdelay $0x3  }
0x92: {  	_ =	strace s17  }
0x93: {  	s2 =	sld [smem:$0x3FFC];
	_ =	sdelay $0x3  }
0x94: {  	_ =	strace s2  }
0x95: {  	s2 =	sld [smem:$0x3FFD];
	_ =	sdelay $0x3  }
0x96: {  	_ =	strace s2  }
0x97: {  	_ =	strace $0x8FFFFFFF  }
0x98: {  	s18 =	sld [smem:$0x3FDB];
	_ =	sdelay $0x1  }
0x99: {  	s19 =	simm.s32 $_scs_section_size  }
0x9a: {  	s4 =	simm.s32 $_size__tile_overlayer_lowered;
	s5 =	simm.s32 $_tile_overlayer_lowered  }
0x9b: {  	s22 =	simm.s32 $0x1BFF;
	s21 =	sshll.u32 s5, $0x1;
	s2 =	sadd.s32 s19, s18  }
0x9c: {  	s6 =	simm.s32 $0x0;
	s20 =	sshll.u32 s4, $0x1;
	s4 =	sadd.s32 s21, s2  }
0x9d: {  	[timem:s6], [sflag:s22] =	dma.local [hbm:s4], s20  }
0x9e: {  	_ =	swait.ge [sflag:s22], s20  }
0x9f: {  	s3 =	ssub.s32 $0x0, s20;
	[sflag:s22] =	ssyncset.done $0x0  }
0xa0: {  	[sflag:s22] =	ssyncadd.s32 s3;
	_ =	sdelay $0x1  }
0xa1: {  	s23 =	simm.s32 $0x1B8B  }
0xa2: {  	_ =	swait.ge [sflag:s23], $0x1  }
0xa3: {  	[sflag:s23] =	ssyncset.done $0x0  }
0xa4: {  	s25 =	simm.s32 $0x1B8E;
	s24 =	sld [smem:$0x3FFE];
	[sflag:s23] =	ssyncadd.s32 $0xFFFFFFFF  }
0xa5: {  	s26 =	simm.s32 $execute0_lowered;
	[smem:$0x3FD2] =	sst s25  }
0xa6: {  	s4 =	sshll.u32 s26, $0x1;
	_ =	strace $0x80000052;
	[dreg:$0x1] =	wrdreg $0xFFFFFFFF  }
0xa7: {  	s28 =	simm.s32 $_size_execute0_lowered;
	s2 =	sadd.s32 s2, s4;
	[dreg:$0x0] =	wrdreg $0x0  }
0xa8: {  	s4 =	sshll.u32 s28, $0x1;
	[dreg:$0x2] =	wrdreg s2  }
0xa9: {  	[dreg:$0x3] =	wrdreg s4  }
0xaa: {  	[dreg:$0x4] =	wrdreg $0xC0  }
0xab: {  	_ =	task [dreg:s6], $0x5FFFF  }
0xac: {  	[dreg:$0x1] =	wrdreg $0xFFFFFFFF  }
0xad: {  	[dreg:$0x0] =	wrdreg $0x60  }
0xae: {  	[dreg:$0x2] =	wrdreg s24  }
0xaf: {  	[dreg:$0x3] =	wrdreg $0x71000  }
0xb0: {  	[dreg:$0x4] =	wrdreg $0x9  }
0xb1: {  	_ =	task.clear_ibuf [dreg:s6], $0x5FFFF;
	_ =	strace $0x90000052  }
0xb2: {  	s29 =	simm.s32 $0x9;
	_ =	strace $0x80000054  }
0xb3: {  	_ =	swait.ge [sflag:s29], $0x1  }
0xb4: {  	[sflag:s29] =	ssyncadd.s32 $0xFFFFFFFF  }
0xb5: {  	_ =	strace $0x90000054  }
0xb6: {  	_ =	sfence  }
0xb7: {  	s30 =	sld [smem:$0x0];
	_ =	sdelay $0x2  }
0xb8: {  	s31 =	sshll.u32 s1, $0xD;
	s1 =	sshrl.u32 s1, $0x2  }
0xb9: {  	s3 =	sand.u32 $0x4000, s31;
	s1 =	sadd.s32 s1, s30  }
0xba: {  	s0 =	sor.u32 s3, s0;
	s1 =	sshll.u32 s1, $0x11  }
0xbb: {  	s0 =	sor.u32 s1, s0  }
0xbc: {  	s0 =	sadd.s32 $0x8F2B, s0  }
0xbd: {  	[sflag:s0] =	ssyncadd.remote.s32 $0x1  }
0xbe: {  	_ =	sfence.sel $0xFFFF  }
0xbf: {  	[dreg:$0x0] =	wrdreg $0xFFFFFFFF;
	(pc) =	sbr.abs _section_cstart, $3  }
0xc0: {  	[dreg:$0x1] =	wrdreg $0xFFFFFFFF  }
0xc1: {  	_ =	task.clear_ibuf [dreg:s6], $0x2FFFF;
	_ =	strace $0x9FFFFFFF  }
0xc2: {  	(tm) =	ssettm $0x7FFFFFFF  }
0xc3: {  	_ =	shalt  }
tec
execute0_lowered:
.L_overlay_start_1:
0x0: {  	(tag) =	ssettag $0x1  }
0x1: {  	s6 =	rddreg [dreg:$0x0]  }
0x2: {  	s0 =	srdreg.scid;
	s2 =	rddreg [dreg:$0x1];
	s3 =	simm.s32 $0x0  }
0x3: {  	s13 =	simm.s32 $0x80;
	s14 =	simm.s32 $0x3000;
	s15 =	simm.s32 $0x3100  }
0x4: {  	s16 =	simm.s32 $0x1;
	s17 =	simm.s32 $0x3080;
	s18 =	simm.s32 $0x2  }
0x5: {  	s19 =	simm.s32 $0x0;
	s7 =	sand.u32 $0x1, s0;
	s0 =	stileid.u32  }
0x6: {  	[smem:$0x7FF] =	sst s3;
	s4 =	sadd.s32 $0x38400, s6;
	s8 =	smul.u32 $0x13C000, s7  }
0x7: {  	s1 =	sshll.u32 s7, $0x4;
	s9 =	smul.u32 $0x13C00, s0;
	s29 =	ssub.s32 $0x2, s7  }
0x8: {  	s12 =	smul.u32 $0x4F000, s0;
	p0 =	seq.s32 s7, $0x0;
	s7 =	simm.s32 $0x5E  }
0x9: {  	s31 =	sshll.u32 s0, $0x6;
	s1 =	sor.u32 s0, s1;
	s11 =	sshrl.u32 s29, $0x1  }
0xa: {  	s7 =	simm.s32 @!p0 $0x3F;
	s5 =	smul.u32 $0x600, s1;
	s1 =	rddreg [dreg:$0x2]  }
0xb: {  	_ =	strace $0x80000053;
	s8 =	sadd.s32 s9, s8;
	s9 =	ssub.s32 s29, s11  }
0xc: {  	s30 =	sshrl.u32 s12, $0x2;
	s11 =	sor.u32 $0x1C03, s31;
	s8 =	sshrl.u32 s8, $0x3  }
0xd: {  	s12 =	sadd.s32 s30, s2;
	s9 =	smax.u32 s9, $0x1;
	s10 =	sadd.s32 s5, s6  }
0xe: {  	s5 =	sadd.s32 $0x3400, s6;
	s8 =	sadd.s32 s8, s6;
	s12 =	sshrl.u32 s12, $0x3  }
0xf: {  	s6 =	sadd.s32 $0x2C400, s10;
	s8 =	sadd.s32 $0x149C00, s8;
	s10 =	simm.s32 $0x3  }
.LBB2_1:
0x10: {  	[tilespmem:s3], [sflag:$0x3] =	stream.linear.gather [hbm4b:s6+s3], $0x2F00, $0x38;
	[tilespmem:$0x1AD00] =	vst v63  }
0x11: {  	_ =	swait.ge [sflag:s10], $0x2F00  }
0x12: {  	[sflag:s10] =	ssyncset.done $0x0  }
0x13: {  	[sflag:s10] =	ssyncadd.s32 $0xFFFFD100  }
0x14: {  	[spmem:s12], [sflag:s11] =	dma.local [hbm:s5], $0x2780  }
0x15: {  	_ =	swait.ge [sflag:s10], $0x2780  }
0x16: {  	[sflag:s10] =	ssyncset.done $0x0  }
0x17: {  	[sflag:s10] =	ssyncadd.s32 $0xFFFFD880  }
0x18: {  	s20 =	simm.s32 $0x40;
	[bflag:$0x0] =	sbarrier.arrive $0xFFFF  }
0x19: {  	v0 =	vld [tilespmem:s20+$0xFFFFFFC0];
	_ =	sdelay $0x4  }
0x1a: {  	v0 =	vshrl.u32 v0, $0xE  }
0x1b: {  	[tilespmem:$0x3000] =	vst v0  }
0x1c: {  	v0 =	vld [tilespmem:s20+$0xFFFFFFD0];
	_ =	sdelay $0x4  }
0x1d: {  	v0 =	vshrl.u32 v0, $0xE  }
0x1e: {  	[tilespmem:$0x3010] =	vst v0  }
0x1f: {  	v0 =	vld [tilespmem:s20+$0xFFFFFFE0];
	_ =	sdelay $0x4  }
0x20: {  	v0 =	vshrl.u32 v0, $0xE  }
0x21: {  	[tilespmem:$0x3020] =	vst v0  }
0x22: {  	v0 =	vld [tilespmem:s20+$0xFFFFFFF0];
	_ =	sdelay $0x4  }
0x23: {  	v0 =	vshrl.u32 v0, $0xE  }
0x24: {  	[tilespmem:$0x3030] =	vst v0  }
0x25: {  	v0 =	vld [tilespmem:s20+$0x0];
	_ =	sdelay $0x4  }
0x26: {  	v0 =	vshrl.u32 v0, $0xE  }
0x27: {  	[tilespmem:$0x3040] =	vst v0  }
0x28: {  	v0 =	vld [tilespmem:s20+$0x10];
	_ =	sdelay $0x4  }
0x29: {  	v0 =	vshrl.u32 v0, $0xE  }
0x2a: {  	[tilespmem:$0x3050] =	vst v0  }
0x2b: {  	v0 =	vld [tilespmem:s20+$0x20];
	_ =	sdelay $0x4  }
0x2c: {  	v0 =	vshrl.u32 v0, $0xE  }
0x2d: {  	[tilespmem:$0x3060] =	vst v0  }
0x2e: {  	v0 =	vld [tilespmem:s20+$0x30];
	_ =	sdelay $0x4  }
0x2f: {  	v0 =	vshrl.u32 v0, $0xE  }
0x30: {  	[tilespmem:$0x3070] =	vst v0  }
0x31: {  	[tilespmem:s15], [sflag:$0x1] =	stream.indirect.gather [hbm4b:s4+s13], $0x80, s14, s13, $0xb8;
	[tilespmem:$0x1AD00] =	vst v63  }
0x32: {  	v0 =	vld [tilespmem:s20+$0xFFFFFFC0];
	_ =	sdelay $0x4  }
0x33: {  	v0 =	vand.u32 $0x3FFF, v0  }
0x34: {  	[tilespmem:$0x3080] =	vst v0  }
0x35: {  	v0 =	vld [tilespmem:s20+$0xFFFFFFD0];
	_ =	sdelay $0x4  }
0x36: {  	v0 =	vand.u32 $0x3FFF, v0  }
0x37: {  	[tilespmem:$0x3090] =	vst v0  }
0x38: {  	v0 =	vld [tilespmem:s20+$0xFFFFFFE0];
	_ =	sdelay $0x4  }
0x39: {  	v0 =	vand.u32 $0x3FFF, v0  }
0x3a: {  	[tilespmem:$0x30A0] =	vst v0  }
0x3b: {  	v0 =	vld [tilespmem:s20+$0xFFFFFFF0];
	_ =	sdelay $0x4  }
0x3c: {  	v0 =	vand.u32 $0x3FFF, v0  }
0x3d: {  	[tilespmem:$0x30B0] =	vst v0  }
0x3e: {  	v0 =	vld [tilespmem:s20+$0x0];
	_ =	sdelay $0x4  }
0x3f: {  	v0 =	vand.u32 $0x3FFF, v0  }
0x40: {  	[tilespmem:$0x30C0] =	vst v0  }
0x41: {  	v0 =	vld [tilespmem:s20+$0x10];
	_ =	sdelay $0x4  }
0x42: {  	v0 =	vand.u32 $0x3FFF, v0  }
0x43: {  	[tilespmem:$0x30D0] =	vst v0  }
0x44: {  	v0 =	vld [tilespmem:s20+$0x20];
	_ =	sdelay $0x4  }
0x45: {  	v0 =	vand.u32 $0x3FFF, v0  }
0x46: {  	[tilespmem:$0x30E0] =	vst v0  }
0x47: {  	v0 =	vld [tilespmem:s20+$0x30];
	_ =	sdelay $0x4  }
0x48: {  	v0 =	vand.u32 $0x3FFF, v0  }
0x49: {  	[tilespmem:$0x30F0] =	vst v0  }
0x4a: {  	p0 =	sne.s32 s7, $0x1;
	_ =	swait.ge [sflag:s16], $0x4000  }
.Ltmp0:
0x4b: {  	[sflag:s16] =	ssyncset.done $0x0;
	(pc) =	sbr.rel @!p0 .LBB2_3-.Ltmp0, $4  }
0x4c: {  	[sflag:s16] =	ssyncadd.s32 $0xFFFFC000  }
0x4d: {  	[spmem:s2] =	stream.indirect.scatter.add.f32 [tilespmem:s15], [sflag:$0x2], $0x80, s17, s13, $0xb8;
	[tilespmem:$0x1AD00] =	vst v63  }
0x4e: {  	_ =	swait.ge [sflag:s18], $0x4000  }
0x4f: {  	s21 =	sadd.s32 $0xFFFFFFFF, s7;
	[sflag:s18] =	ssyncset.done $0x0  }
.LBB2_2:
0x50: {  	p0 =	sne.s32 s21, $0x1;
	[sflag:s18] =	ssyncadd.s32 $0xFFFFC000;
	s20 =	sadd.s32 $0x80, s20  }
0x51: {  	s21 =	sadd.s32 $0xFFFFFFFF, s21;
	v0 =	vld [tilespmem:s20+$0xFFFFFFC0];
	_ =	sdelay $0x4  }
0x52: {  	v0 =	vshrl.u32 v0, $0xE  }
0x53: {  	[tilespmem:$0x3000] =	vst v0  }
0x54: {  	v0 =	vld [tilespmem:s20+$0xFFFFFFD0];
	_ =	sdelay $0x4  }
0x55: {  	v0 =	vshrl.u32 v0, $0xE  }
0x56: {  	[tilespmem:$0x3010] =	vst v0  }
0x57: {  	v0 =	vld [tilespmem:s20+$0xFFFFFFE0];
	_ =	sdelay $0x4  }
0x58: {  	v0 =	vshrl.u32 v0, $0xE  }
0x59: {  	[tilespmem:$0x3020] =	vst v0  }
0x5a: {  	v0 =	vld [tilespmem:s20+$0xFFFFFFF0];
	_ =	sdelay $0x4  }
0x5b: {  	v0 =	vshrl.u32 v0, $0xE  }
0x5c: {  	[tilespmem:$0x3030] =	vst v0  }
0x5d: {  	v0 =	vld [tilespmem:s20+$0x0];
	_ =	sdelay $0x4  }
0x5e: {  	v0 =	vshrl.u32 v0, $0xE  }
0x5f: {  	[tilespmem:$0x3040] =	vst v0  }
0x60: {  	v0 =	vld [tilespmem:s20+$0x10];
	_ =	sdelay $0x4  }
0x61: {  	v0 =	vshrl.u32 v0, $0xE  }
0x62: {  	[tilespmem:$0x3050] =	vst v0  }
0x63: {  	v0 =	vld [tilespmem:s20+$0x20];
	_ =	sdelay $0x4  }
0x64: {  	v0 =	vshrl.u32 v0, $0xE  }
0x65: {  	[tilespmem:$0x3060] =	vst v0  }
0x66: {  	v0 =	vld [tilespmem:s20+$0x30];
	_ =	sdelay $0x4  }
0x67: {  	v0 =	vshrl.u32 v0, $0xE  }
0x68: {  	[tilespmem:$0x3070] =	vst v0  }
0x69: {  	[tilespmem:s15], [sflag:$0x1] =	stream.indirect.gather [hbm4b:s4+s13], $0x80, s14, s13, $0xb8;
	[tilespmem:$0x1AD00] =	vst v63  }
0x6a: {  	v0 =	vld [tilespmem:s20+$0xFFFFFFC0];
	_ =	sdelay $0x4  }
0x6b: {  	v0 =	vand.u32 $0x3FFF, v0  }
0x6c: {  	[tilespmem:$0x3080] =	vst v0  }
0x6d: {  	v0 =	vld [tilespmem:s20+$0xFFFFFFD0];
	_ =	sdelay $0x4  }
0x6e: {  	v0 =	vand.u32 $0x3FFF, v0  }
0x6f: {  	[tilespmem:$0x3090] =	vst v0  }
0x70: {  	v0 =	vld [tilespmem:s20+$0xFFFFFFE0];
	_ =	sdelay $0x4  }
0x71: {  	v0 =	vand.u32 $0x3FFF, v0  }
0x72: {  	[tilespmem:$0x30A0] =	vst v0  }
0x73: {  	v0 =	vld [tilespmem:s20+$0xFFFFFFF0];
	_ =	sdelay $0x4  }
0x74: {  	v0 =	vand.u32 $0x3FFF, v0  }
0x75: {  	[tilespmem:$0x30B0] =	vst v0  }
0x76: {  	v0 =	vld [tilespmem:s20+$0x0];
	_ =	sdelay $0x4  }
0x77: {  	v0 =	vand.u32 $0x3FFF, v0  }
0x78: {  	[tilespmem:$0x30C0] =	vst v0  }
0x79: {  	v0 =	vld [tilespmem:s20+$0x10];
	_ =	sdelay $0x4  }
0x7a: {  	v0 =	vand.u32 $0x3FFF, v0  }
0x7b: {  	[tilespmem:$0x30D0] =	vst v0  }
0x7c: {  	v0 =	vld [tilespmem:s20+$0x20];
	_ =	sdelay $0x4  }
0x7d: {  	v0 =	vand.u32 $0x3FFF, v0  }
0x7e: {  	[tilespmem:$0x30E0] =	vst v0  }
0x7f: {  	v0 =	vld [tilespmem:s20+$0x30];
	_ =	sdelay $0x4  }
0x80: {  	v0 =	vand.u32 $0x3FFF, v0  }
0x81: {  	[tilespmem:$0x30F0] =	vst v0  }
0x82: {  	_ =	swait.ge [sflag:s16], $0x4000  }
.Ltmp1:
0x83: {  	[sflag:s16] =	ssyncset.done $0x0;
	(pc) =	sbr.rel @p0 .LBB2_2-.Ltmp1, $4  }
0x84: {  	[sflag:s16] =	ssyncadd.s32 $0xFFFFC000  }
0x85: {  	[spmem:s2] =	stream.indirect.scatter.add.f32 [tilespmem:s15], [sflag:$0x2], $0x80, s17, s13, $0xb8;
	[tilespmem:$0x1AD00] =	vst v63  }
0x86: {  	_ =	swait.ge [sflag:s18], $0x4000  }
0x87: {  	[sflag:s18] =	ssyncset.done $0x0  }
.LBB2_3:
0x88: {  	s19 =	sadd.s32 $0x1, s19  }
0x89: {  	[sflag:s18] =	ssyncadd.s32 $0xFFFFC000;
	p0 =	sne.s32 s19, s9  }
.Ltmp2:
0x8a: {  	[bflag:$0x0] =	sbarrier.arrive $0xFFFF;
	(pc) =	sbr.rel @p0 .LBB2_1-.Ltmp2, $4  }
0x8b: {  	[hbm:s8], [sflag:s11] =	dma.local [spmem:s12], $0x2780  }
0x8c: {  	_ =	swait.ge [sflag:s10], $0x2780  }
0x8d: {  	[sflag:s10] =	ssyncset.done $0x0  }
0x8e: {  	[sflag:s10] =	ssyncadd.s32 $0xFFFFD880  }
0x8f: {  	_ =	sfence.sel $0x180000  }
0x90: {  	[bflag:$0x0] =	sbarrier.arrive $0xFFFF  }
0x91: {  	p0 =	sne.s32 s0, $0x0;
	_ =	strace $0x90000053  }
0x92: {  	s0 =	sadd.s32 @!p0 $0x100000, s1;
	[bflag:$0x2] =	sbarrier.arrive $0xFFFF  }
0x93: {  	[sflag:s0] =	ssyncadd.tile.s32 @!p0 $0x1;
	_ =	shalt  }
.Lfunc_end2:
_tile_overlayer_lowered:
.L_overlay_start_2:
0x94: {  	(tag) =	ssettag $0x2  }
0x95: {  	s0 =	rddreg [dreg:$0x0];
	s2 =	stileid.u32  }
0x96: {  	s1 =	rddreg [dreg:$0x1];
	p0 =	sne.s32 s2, $0x0  }
0x97: {  	s3 =	rddreg [dreg:$0x2];
	[bflag:$0x3] =	sbarrier.arrive $0xFFFF;
	s2 =	simm.s32 @!p0 $0x1C03  }
0x98: {  	[timem:s3], [sflag:s2] =	dma.local @!p0 [hbm:s0], s1  }
0x99: {  	s0 =	simm.s32 @!p0 $0x3  }
0x9a: {  	_ =	swait.ge @!p0 [sflag:s0], s1  }
0x9b: {  	s1 =	ssub.s32 @!p0 $0x0, s1;
	[sflag:s0] =	ssyncset.done @!p0 $0x0  }
0x9c: {  	[sflag:s0] =	ssyncadd.s32 @!p0 s1  }
0x9d: {  	[bflag:$0x3] =	sbarrier.arrive $0xFFFF  }
0x9e: {  	_ =	shalt  }

</sc_bundles>
